<compile_context>
chip_gen: v7x
topology: tpu7x:2x2x1
jax: 0.10.2.dev20260603
libtpu: 0.0.44.dev20260713+nightly
codegen_flags: <defaults>
</compile_context>

<pallas_src>
import jax
import jax.numpy as jnp
from jax import lax
from jax.experimental import pallas as pl
from jax.experimental.pallas import tpu as pltpu
from jax.experimental.pallas import tpu_sc as plsc

BATCH = 16384
EMBED = 16
NC = 2
NS = 16
NW = NC * NS
BPW = BATCH // NW
C = 16
NCH = BPW // C
NBUF = 3


def _ncf_body(uidx_hbm, iidx_hbm, utab_t, itab_t, wb_hbm, out_hbm,
              uidx_v, iidx_v, tbuf, out_v, wb_v, sems):
    wid = lax.axis_index("s") * NC + lax.axis_index("c")
    base = wid * BPW

    pltpu.sync_copy(uidx_hbm.at[pl.ds(base, BPW)], uidx_v)
    pltpu.sync_copy(iidx_hbm.at[pl.ds(base, BPW)], iidx_v)
    pltpu.sync_copy(wb_hbm, wb_v)

    wu_vec = wb_v[pl.ds(0, 16)]
    wv_vec = wb_v[pl.ds(16, 16)]
    b_vec = wb_v[pl.ds(32, 16)]
    bias = jnp.zeros((16,), jnp.float32) + b_vec[0]
    iota = lax.iota(jnp.int32, 16)
    row_base = iota * 16

    def fetch(tab, idx_v, ch, buf):
        tvec = lax.shift_right_logical(idx_v[pl.ds(ch * C, C)], 7)
        for j in range(C):
            col0 = pl.multiple_of(tvec[j] * 128, 128)
            pltpu.async_copy(tab.at[:, pl.ds(col0, 128)],
                             tbuf.at[buf, pl.ds(j * 16, 16), :],
                             sems.at[buf])

    def drain(buf):
        for _ in range(C):
            pltpu.make_async_copy(utab_t.at[:, pl.ds(0, 128)],
                                  tbuf.at[buf, pl.ds(0, 16), :],
                                  sems.at[buf]).wait()

    def fetch_slot(s, buf):
        ch = lax.shift_right_logical(s, 1)

        @pl.when(lax.rem(s, 2) == 0)
        def _():
            fetch(utab_t, uidx_v, ch, buf)

        @pl.when(lax.rem(s, 2) == 1)
        def _():
            fetch(itab_t, iidx_v, ch, buf)

    fetch_slot(0, 0)
    fetch_slot(1, 1)

    def slot_body(s, carry):
        buf = lax.rem(s, NBUF)

        @pl.when(s + 2 < 2 * NCH)
        def _():
            fetch_slot(s + 2, lax.rem(s + 2, NBUF))

        drain(buf)

        ch = lax.shift_right_logical(s, 1)
        is_user = lax.rem(s, 2) == 0
        buf_splat = jnp.zeros((16,), jnp.int32) + buf

        @pl.when(is_user)
        def _():
            lvec = lax.bitwise_and(uidx_v[pl.ds(ch * C, C)], 127)
            acc = bias
            for e in range(EMBED):
                vals = plsc.load_gather(tbuf, [buf_splat, row_base + e, lvec])
                acc = acc + vals * wu_vec[e]
            out_v[pl.ds(ch * C, C)] = acc

        @pl.when(jnp.logical_not(is_user))
        def _():
            lvec = lax.bitwise_and(iidx_v[pl.ds(ch * C, C)], 127)
            acc = out_v[pl.ds(ch * C, C)]
            for e in range(EMBED):
                vals = plsc.load_gather(tbuf, [buf_splat, row_base + e, lvec])
                acc = acc + vals * wv_vec[e]
            out_v[pl.ds(ch * C, C)] = acc

        return carry

    lax.fori_loop(0, 2 * NCH, slot_body, 0)

    pltpu.sync_copy(out_v, out_hbm.at[pl.ds(base, BPW)])


@jax.jit
def _ncf(uidx, iidx, utab_t, itab_t, wb):
    mesh = plsc.VectorSubcoreMesh(core_axis_name="c", subcore_axis_name="s")
    kern = pl.kernel(
        _ncf_body,
        mesh=mesh,
        compiler_params=pltpu.CompilerParams(
            needs_layout_passes=False, use_tc_tiling_on_sc=True),
        out_type=jax.ShapeDtypeStruct((BATCH,), jnp.float32),
        scratch_types=[
            pltpu.VMEM((BPW,), jnp.int32),
            pltpu.VMEM((BPW,), jnp.int32),
            pltpu.VMEM((NBUF, C * 16, 128), jnp.float32),
            pltpu.VMEM((BPW,), jnp.float32),
            pltpu.VMEM((48,), jnp.float32),
            pltpu.SemaphoreType.DMA((NBUF,)),
        ],
    )
    return kern(uidx, iidx, utab_t, itab_t, wb)


def kernel(user_indices, item_indices, user_table, item_table, W, b):
    uidx = user_indices.astype(jnp.int32)
    iidx = item_indices.astype(jnp.int32)
    utab_t = user_table.T
    itab_t = item_table.T
    wb = jnp.concatenate([W[:, 0], b, jnp.zeros((15,), jnp.float32)])
    return _ncf(uidx, iidx, utab_t, itab_t, wb)

# --- scband reference (transcript-rebuilt; emitter-appended) ---
"""Pipeline reference for scband-neural-collaborative-filtering-57930518888560 (READ-ONLY COPY).

The authoritative reference and input builder live on the scoring server;
editing this copy changes nothing except your own understanding.
"""

import jax, jax.numpy as jnp
import numpy as np

NUM_USERS = 1000000
NUM_ITEMS = 1000000
EMBED = 16
BATCH = 16384

def setup_inputs(seed: int = 0) -> dict:
    key = jax.random.key(seed)
    k1, k2, k3, k4, k5, k6 = jax.random.split(key, 6)
    user_indices = jax.random.randint(k1, (BATCH,), 0, NUM_USERS, dtype=jnp.int64 if jax.config.jax_enable_x64 else jnp.int32)
    item_indices = jax.random.randint(k2, (BATCH,), 0, NUM_ITEMS, dtype=jnp.int64 if jax.config.jax_enable_x64 else jnp.int32)
    user_table = jax.random.normal(k3, (NUM_USERS, EMBED), dtype=jnp.float32)
    item_table = jax.random.normal(k4, (NUM_ITEMS, EMBED), dtype=jnp.float32)
    # fc: Linear(embedding_size*2 -> 1)
    bound = 1.0 / np.sqrt(EMBED * 2)
    W = jax.random.uniform(k5, (EMBED * 2, 1), minval=-bound, maxval=bound, dtype=jnp.float32)
    b = jax.random.uniform(k6, (1,), minval=-bound, maxval=bound, dtype=jnp.float32)
    return {"user_indices": user_indices, "item_indices": item_indices,
            "user_table": user_table, "item_table": item_table, "W": W, "b": b}

def reference(user_indices, item_indices, user_table, item_table, W, b):
    user_embed = jnp.take(user_table, user_indices, axis=0)   # [B, E]
    item_embed = jnp.take(item_table, item_indices, axis=0)   # [B, E]
    concat_embed = jnp.concatenate((user_embed, item_embed), axis=1)  # [B, 2E]
    output = concat_embed @ W + b                              # [B, 1]
    return jnp.squeeze(output)

if __name__ == "__main__":
    import jax
    _d = setup_inputs()
    print(jax.jit(kernel)(*tuple(_d.values())))

</pallas_src>

<mosaic_0001>
#map = affine_map<(d0, d1) -> (0)>
#map1 = affine_map<(d0, d1) -> (0, 0)>
module attributes {stable_mosaic.version = 14 : i64} {
  func.func @_ncf_body(%arg0: i32, %arg1: i32, %arg2: memref<16384xi32, #tpu.memory_space<hbm>>, %arg3: memref<16384xi32, #tpu.memory_space<hbm>>, %arg4: memref<16x1000000xf32, #tpu.memory_space<hbm>>, %arg5: memref<16x1000000xf32, #tpu.memory_space<hbm>>, %arg6: memref<48xf32, #tpu.memory_space<hbm>>, %arg7: memref<16384xf32, #tpu.memory_space<hbm>>, %arg8: memref<512xi32, #tpu.memory_space<vmem>>, %arg9: memref<512xi32, #tpu.memory_space<vmem>>, %arg10: memref<3x256x128xf32, #tpu.memory_space<vmem>>, %arg11: memref<512xf32, #tpu.memory_space<vmem>>, %arg12: memref<48xf32, #tpu.memory_space<vmem>>, %arg13: memref<3x!tpu.dma_semaphore, #tpu.memory_space<semaphore_mem>>) attributes {dimension_semantics = [#tpu.dimension_semantics<core_parallel>, #tpu.dimension_semantics<subcore_parallel>], iteration_bounds = array<i64: 2, 16>, scalar_prefetch = 0 : i64, scratch_operands = 6 : i64, tpu.core_type = #tpu.core_type<sc_vector_subcore>, window_params = [{transform_indices = #map}, {transform_indices = #map}, {transform_indices = #map1}, {transform_indices = #map1}, {transform_indices = #map}, {transform_indices = #map}]} {
    %mul3A = arith.constant 2 : i32
    %mul3A_0 = arith.muli %arg1, %mul3A : i32
    %add3A = arith.addi %mul3A_0, %arg0 : i32
    %mul3A_1 = arith.constant 512 : i32
    %mul3A_2 = arith.muli %add3A, %mul3A_1 : i32
    "tpu.region"() ({
      %run_scoped3A = tpu.sem_alloc : memref<!tpu.dma_semaphore, #tpu.memory_space<semaphore_mem>>
      %dma_start3A = tpu.memref_slice %arg2[%mul3A_2] : memref<16384xi32, #tpu.memory_space<hbm>> -> memref<512xi32, #tpu.memory_space<hbm>>
      %dma_start3A_52 = tpu.memref_slice %arg2[%mul3A_2] : memref<16384xi32, #tpu.memory_space<hbm>> -> memref<512xi32, #tpu.memory_space<hbm>>
      tpu.enqueue_dma source(%dma_start3A_52 : memref<512xi32, #tpu.memory_space<hbm>>) target(%arg8 : memref<512xi32, #tpu.memory_space<vmem>>) target_semaphore(%run_scoped3A : memref<!tpu.dma_semaphore, #tpu.memory_space<semaphore_mem>>)
      %dma_wait3A = tpu.memref_slice %arg2[%mul3A_2] : memref<16384xi32, #tpu.memory_space<hbm>> -> memref<512xi32, #tpu.memory_space<hbm>>
      %dma_wait3A_53 = tpu.memref_slice %arg2[%mul3A_2] : memref<16384xi32, #tpu.memory_space<hbm>> -> memref<512xi32, #tpu.memory_space<hbm>>
      tpu.wait_dma2 semaphore(%run_scoped3A : memref<!tpu.dma_semaphore, #tpu.memory_space<semaphore_mem>>) src(%dma_wait3A_53 : memref<512xi32, #tpu.memory_space<hbm>>) dst(%arg8 : memref<512xi32, #tpu.memory_space<vmem>>)
      tpu.yield
    }) : () -> ()
    "tpu.region"() ({
      %run_scoped3A = tpu.sem_alloc : memref<!tpu.dma_semaphore, #tpu.memory_space<semaphore_mem>>
      %dma_start3A = tpu.memref_slice %arg3[%mul3A_2] : memref<16384xi32, #tpu.memory_space<hbm>> -> memref<512xi32, #tpu.memory_space<hbm>>
      %dma_start3A_52 = tpu.memref_slice %arg3[%mul3A_2] : memref<16384xi32, #tpu.memory_space<hbm>> -> memref<512xi32, #tpu.memory_space<hbm>>
      tpu.enqueue_dma source(%dma_start3A_52 : memref<512xi32, #tpu.memory_space<hbm>>) target(%arg9 : memref<512xi32, #tpu.memory_space<vmem>>) target_semaphore(%run_scoped3A : memref<!tpu.dma_semaphore, #tpu.memory_space<semaphore_mem>>)
      %dma_wait3A = tpu.memref_slice %arg3[%mul3A_2] : memref<16384xi32, #tpu.memory_space<hbm>> -> memref<512xi32, #tpu.memory_space<hbm>>
      %dma_wait3A_53 = tpu.memref_slice %arg3[%mul3A_2] : memref<16384xi32, #tpu.memory_space<hbm>> -> memref<512xi32, #tpu.memory_space<hbm>>
      tpu.wait_dma2 semaphore(%run_scoped3A : memref<!tpu.dma_semaphore, #tpu.memory_space<semaphore_mem>>) src(%dma_wait3A_53 : memref<512xi32, #tpu.memory_space<hbm>>) dst(%arg9 : memref<512xi32, #tpu.memory_space<vmem>>)
      tpu.yield
    }) : () -> ()
    "tpu.region"() ({
      %run_scoped3A = tpu.sem_alloc : memref<!tpu.dma_semaphore, #tpu.memory_space<semaphore_mem>>
      tpu.enqueue_dma source(%arg6 : memref<48xf32, #tpu.memory_space<hbm>>) target(%arg12 : memref<48xf32, #tpu.memory_space<vmem>>) target_semaphore(%run_scoped3A : memref<!tpu.dma_semaphore, #tpu.memory_space<semaphore_mem>>)
      tpu.wait_dma2 semaphore(%run_scoped3A : memref<!tpu.dma_semaphore, #tpu.memory_space<semaphore_mem>>) src(%arg6 : memref<48xf32, #tpu.memory_space<hbm>>) dst(%arg12 : memref<48xf32, #tpu.memory_space<vmem>>)
      tpu.yield
    }) : () -> ()
    %get3A = arith.constant 0 : index
    %get3A_3 = tpu.vector_load %arg12[%get3A] {strides = array<i32>} : memref<48xf32, #tpu.memory_space<vmem>>, vector<16xf32>,
    %get3A_4 = arith.constant 16 : index
    %get3A_5 = tpu.vector_load %arg12[%get3A_4] {strides = array<i32>} : memref<48xf32, #tpu.memory_space<vmem>>, vector<16xf32>,
    %get3A_6 = arith.constant 32 : index
    %get3A_7 = tpu.vector_load %arg12[%get3A_6] {strides = array<i32>} : memref<48xf32, #tpu.memory_space<vmem>>, vector<16xf32>,
    %broadcast_in_dim3A = arith.constant 0.000000e+00 : f32
    %broadcast_in_dim3A_8 = vector.broadcast %broadcast_in_dim3A : f32 to vector<16xf32>
    %slice3A = vector.extract_strided_slice %get3A_7 {offsets = [0], sizes = [1], strides = [1]} : vector<16xf32> to vector<1xf32>
    %squeeze3A = vector.extract %slice3A[0] : f32 from vector<1xf32>
    %add3A_9 = vector.broadcast %squeeze3A : f32 to vector<16xf32>
    %add3A_10 = arith.addf %broadcast_in_dim3A_8, %add3A_9 : vector<16xf32>
    %iota3A = tpu.iota {dimensions = array<i32: 0>} : vector<16xi32>
    %mul3A_11 = arith.constant 16 : i32
    %mul3A_12 = vector.broadcast %mul3A_11 : i32 to vector<16xi32>
    %mul3A_13 = arith.muli %iota3A, %mul3A_12 : vector<16xi32>
    %shift_right_logical3A = arith.constant 0 : i32
    %shift_right_logical3A_14 = arith.constant 1 : i32
    %shift_right_logical3A_15 = arith.shrui %shift_right_logical3A, %shift_right_logical3A_14 : i32
    %rem3A = arith.constant 0 : i32
    %rem3A_16 = arith.constant 2 : i32
    %rem3A_17 = arith.remsi %rem3A, %rem3A_16 : i32
    %eq3A = arith.constant 0 : i32
    %eq3A_18 = arith.cmpi eq, %rem3A_17, %eq3A : i32
    %convert_element_type3A = arith.extui %eq3A_18 : i1 to i32
    %cond3A = arith.constant 0 : i32
    %cond3A_19 = arith.cmpi ne, %convert_element_type3A, %cond3A : i32
    scf.if %cond3A_19 {
      %mul3A_52 = arith.constant 16 : i32
      %mul3A_53 = arith.muli %shift_right_logical3A_15, %mul3A_52 : i32
      %get3A_54 = arith.index_cast %mul3A_53 : i32 to index
      %get3A_55 = tpu.vector_load %arg8[%get3A_54] {strides = array<i32>} : memref<512xi32, #tpu.memory_space<vmem>>, vector<16xi32>,
      %shift_right_logical3A_56 = arith.constant 7 : i32
      %shift_right_logical3A_57 = vector.broadcast %shift_right_logical3A_56 : i32 to vector<16xi32>
      %shift_right_logical3A_58 = arith.shrui %get3A_55, %shift_right_logical3A_57 : vector<16xi32>
      %slice3A_59 = vector.extract_strided_slice %shift_right_logical3A_58 {offsets = [0], sizes = [1], strides = [1]} : vector<16xi32> to vector<1xi32>
      %squeeze3A_60 = vector.extract %slice3A_59[0] : i32 from vector<1xi32>
      %mul3A_61 = arith.constant 128 : i32
      %mul3A_62 = arith.muli %squeeze3A_60, %mul3A_61 : i32
      %multiple_of3A = tpu.assume_multiple %mul3A_62, 128 : i32
      %dma_start3A = arith.constant 0 : i32
      %dma_start3A_63 = arith.constant 0 : i32
      %dma_start3A_64 = arith.constant 0 : i32
      %dma_start3A_65 = arith.constant 0 : i32
      %dma_start3A_66 = tpu.memref_slice %arg10[%dma_start3A, %dma_start3A_64, %dma_start3A_65] : memref<3x256x128xf32, #tpu.memory_space<vmem>> -> memref<1x16x128xf32, #tpu.memory_space<vmem>>
      %dma_start3A_67 = tpu.memref_squeeze %dma_start3A_66 : memref<1x16x128xf32, #tpu.memory_space<vmem>> -> memref<16x128xf32, #tpu.memory_space<vmem>>
      %dma_start3A_68 = arith.constant 0 : i32
      %dma_start3A_69 = tpu.memref_slice %arg4[%dma_start3A_68, %multiple_of3A] : memref<16x1000000xf32, #tpu.memory_space<hbm>> -> memref<16x128xf32, #tpu.memory_space<hbm>>
      %dma_start3A_70 = tpu.memref_slice %arg13[%dma_start3A_63] : memref<3x!tpu.dma_semaphore, #tpu.memory_space<semaphore_mem>> -> memref<1x!tpu.dma_semaphore, #tpu.memory_space<semaphore_mem>>
      %dma_start3A_71 = tpu.memref_squeeze %dma_start3A_70 : memref<1x!tpu.dma_semaphore, #tpu.memory_space<semaphore_mem>> -> memref<!tpu.dma_semaphore, #tpu.memory_space<semaphore_mem>>
      %dma_start3A_72 = arith.constant 0 : i32
      %dma_start3A_73 = arith.constant 0 : i32
      %dma_start3A_74 = tpu.memref_slice %arg10[%dma_start3A, %dma_start3A_72, %dma_start3A_73] : memref<3x256x128xf32, #tpu.memory_space<vmem>> -> memref<1x16x128xf32, #tpu.memory_space<vmem>>
      %dma_start3A_75 = tpu.memref_squeeze %dma_start3A_74 : memref<1x16x128xf32, #tpu.memory_space<vmem>> -> memref<16x128xf32, #tpu.memory_space<vmem>>
      %dma_start3A_76 = arith.constant 0 : i32
      %dma_start3A_77 = tpu.memref_slice %arg4[%dma_start3A_76, %multiple_of3A] : memref<16x1000000xf32, #tpu.memory_space<hbm>> -> memref<16x128xf32, #tpu.memory_space<hbm>>
      tpu.enqueue_dma source(%dma_start3A_77 : memref<16x128xf32, #tpu.memory_space<hbm>>) target(%dma_start3A_75 : memref<16x128xf32, #tpu.memory_space<vmem>>) target_semaphore(%dma_start3A_71 : memref<!tpu.dma_semaphore, #tpu.memory_space<semaphore_mem>>)
      %slice3A_78 = vector.extract_strided_slice %shift_right_logical3A_58 {offsets = [1], sizes = [1], strides = [1]} : vector<16xi32> to vector<1xi32>
      %squeeze3A_79 = vector.extract %slice3A_78[0] : i32 from vector<1xi32>
      %mul3A_80 = arith.constant 128 : i32
      %mul3A_81 = arith.muli %squeeze3A_79, %mul3A_80 : i32
      %multiple_of3A_82 = tpu.assume_multiple %mul3A_81, 128 : i32
      %dma_start3A_83 = arith.constant 0 : i32
      %dma_start3A_84 = arith.constant 0 : i32
      %dma_start3A_85 = arith.constant 16 : i32
      %dma_start3A_86 = arith.constant 0 : i32
      %dma_start3A_87 = tpu.memref_slice %arg10[%dma_start3A_83, %dma_start3A_85, %dma_start3A_86] : memref<3x256x128xf32, #tpu.memory_space<vmem>> -> memref<1x16x128xf32, #tpu.memory_space<vmem>>
      %dma_start3A_88 = tpu.memref_squeeze %dma_start3A_87 : memref<1x16x128xf32, #tpu.memory_space<vmem>> -> memref<16x128xf32, #tpu.memory_space<vmem>>
      %dma_start3A_89 = arith.constant 0 : i32
      %dma_start3A_90 = tpu.memref_slice %arg4[%dma_start3A_89, %multiple_of3A_82] : memref<16x1000000xf32, #tpu.memory_space<hbm>> -> memref<16x128xf32, #tpu.memory_space<hbm>>
      %dma_start3A_91 = tpu.memref_slice %arg13[%dma_start3A_84] : memref<3x!tpu.dma_semaphore, #tpu.memory_space<semaphore_mem>> -> memref<1x!tpu.dma_semaphore, #tpu.memory_space<semaphore_mem>>
      %dma_start3A_92 = tpu.memref_squeeze %dma_start3A_91 : memref<1x!tpu.dma_semaphore, #tpu.memory_space<semaphore_mem>> -> memref<!tpu.dma_semaphore, #tpu.memory_space<semaphore_mem>>
      %dma_start3A_93 = arith.constant 16 : i32
      %dma_start3A_94 = arith.constant 0 : i32
      %dma_start3A_95 = tpu.memref_slice %arg10[%dma_start3A_83, %dma_start3A_93, %dma_start3A_94] : memref<3x256x128xf32, #tpu.memory_space<vmem>> -> memref<1x16x128xf32, #tpu.memory_space<vmem>>
      %dma_start3A_96 = tpu.memref_squeeze %dma_start3A_95 : memref<1x16x128xf32, #tpu.memory_space<vmem>> -> memref<16x128xf32, #tpu.memory_space<vmem>>
      %dma_start3A_97 = arith.constant 0 : i32
      %dma_start3A_98 = tpu.memref_slice %arg4[%dma_start3A_97, %multiple_of3A_82] : memref<16x1000000xf32, #tpu.memory_space<hbm>> -> memref<16x128xf32, #tpu.memory_space<hbm>>
      tpu.enqueue_dma source(%dma_start3A_98 : memref<16x128xf32, #tpu.memory_space<hbm>>) target(%dma_start3A_96 : memref<16x128xf32, #tpu.memory_space<vmem>>) target_semaphore(%dma_start3A_92 : memref<!tpu.dma_semaphore, #tpu.memory_space<semaphore_mem>>)
      %slice3A_99 = vector.extract_strided_slice %shift_right_logical3A_58 {offsets = [2], sizes = [1], strides = [1]} : vector<16xi32> to vector<1xi32>
      %squeeze3A_100 = vector.extract %slice3A_99[0] : i32 from vector<1xi32>
      %mul3A_101 = arith.constant 128 : i32
      %mul3A_102 = arith.muli %squeeze3A_100, %mul3A_101 : i32
      %multiple_of3A_103 = tpu.assume_multiple %mul3A_102, 128 : i32
      %dma_start3A_104 = arith.constant 0 : i32
      %dma_start3A_105 = arith.constant 0 : i32
      %dma_start3A_106 = arith.constant 32 : i32
      %dma_start3A_107 = arith.constant 0 : i32
      %dma_start3A_108 = tpu.memref_slice %arg10[%dma_start3A_104, %dma_start3A_106, %dma_start3A_107] : memref<3x256x128xf32, #tpu.memory_space<vmem>> -> memref<1x16x128xf32, #tpu.memory_space<vmem>>
      %dma_start3A_109 = tpu.memref_squeeze %dma_start3A_108 : memref<1x16x128xf32, #tpu.memory_space<vmem>> -> memref<16x128xf32, #tpu.memory_space<vmem>>
      %dma_start3A_110 = arith.constant 0 : i32
      %dma_start3A_111 = tpu.memref_slice %arg4[%dma_start3A_110, %multiple_of3A_103] : memref<16x1000000xf32, #tpu.memory_space<hbm>> -> memref<16x128xf32, #tpu.memory_space<hbm>>
      %dma_start3A_112 = tpu.memref_slice %arg13[%dma_start3A_105] : memref<3x!tpu.dma_semaphore, #tpu.memory_space<semaphore_mem>> -> memref<1x!tpu.dma_semaphore, #tpu.memory_space<semaphore_mem>>
      %dma_start3A_113 = tpu.memref_squeeze %dma_start3A_112 : memref<1x!tpu.dma_semaphore, #tpu.memory_space<semaphore_mem>> -> memref<!tpu.dma_semaphore, #tpu.memory_space<semaphore_mem>>
      %dma_start3A_114 = arith.constant 32 : i32
      %dma_start3A_115 = arith.constant 0 : i32
      %dma_start3A_116 = tpu.memref_slice %arg10[%dma_start3A_104, %dma_start3A_114, %dma_start3A_115] : memref<3x256x128xf32, #tpu.memory_space<vmem>> -> memref<1x16x128xf32, #tpu.memory_space<vmem>>
      %dma_start3A_117 = tpu.memref_squeeze %dma_start3A_116 : memref<1x16x128xf32, #tpu.memory_space<vmem>> -> memref<16x128xf32, #tpu.memory_space<vmem>>
      %dma_start3A_118 = arith.constant 0 : i32
      %dma_start3A_119 = tpu.memref_slice %arg4[%dma_start3A_118, %multiple_of3A_103] : memref<16x1000000xf32, #tpu.memory_space<hbm>> -> memref<16x128xf32, #tpu.memory_space<hbm>>
      tpu.enqueue_dma source(%dma_start3A_119 : memref<16x128xf32, #tpu.memory_space<hbm>>) target(%dma_start3A_117 : memref<16x128xf32, #tpu.memory_space<vmem>>) target_semaphore(%dma_start3A_113 : memref<!tpu.dma_semaphore, #tpu.memory_space<semaphore_mem>>)
      %slice3A_120 = vector.extract_strided_slice %shift_right_logical3A_58 {offsets = [3], sizes = [1], strides = [1]} : vector<16xi32> to vector<1xi32>
      %squeeze3A_121 = vector.extract %slice3A_120[0] : i32 from vector<1xi32>
      %mul3A_122 = arith.constant 128 : i32
      %mul3A_123 = arith.muli %squeeze3A_121, %mul3A_122 : i32
      %multiple_of3A_124 = tpu.assume_multiple %mul3A_123, 128 : i32
      %dma_start3A_125 = arith.constant 0 : i32
      %dma_start3A_126 = arith.constant 0 : i32
      %dma_start3A_127 = arith.constant 48 : i32
      %dma_start3A_128 = arith.constant 0 : i32
      %dma_start3A_129 = tpu.memref_slice %arg10[%dma_start3A_125, %dma_start3A_127, %dma_start3A_128] : memref<3x256x128xf32, #tpu.memory_space<vmem>> -> memref<1x16x128xf32, #tpu.memory_space<vmem>>
      %dma_start3A_130 = tpu.memref_squeeze %dma_start3A_129 : memref<1x16x128xf32, #tpu.memory_space<vmem>> -> memref<16x128xf32, #tpu.memory_space<vmem>>
      %dma_start3A_131 = arith.constant 0 : i32
      %dma_start3A_132 = tpu.memref_slice %arg4[%dma_start3A_131, %multiple_of3A_124] : memref<16x1000000xf32, #tpu.memory_space<hbm>> -> memref<16x128xf32, #tpu.memory_space<hbm>>
      %dma_start3A_133 = tpu.memref_slice %arg13[%dma_start3A_126] : memref<3x!tpu.dma_semaphore, #tpu.memory_space<semaphore_mem>> -> memref<1x!tpu.dma_semaphore, #tpu.memory_space<semaphore_mem>>
      %dma_start3A_134 = tpu.memref_squeeze %dma_start3A_133 : memref<1x!tpu.dma_semaphore, #tpu.memory_space<semaphore_mem>> -> memref<!tpu.dma_semaphore, #tpu.memory_space<semaphore_mem>>
      %dma_start3A_135 = arith.constant 48 : i32
      %dma_start3A_136 = arith.constant 0 : i32
      %dma_start3A_137 = tpu.memref_slice %arg10[%dma_start3A_125, %dma_start3A_135, %dma_start3A_136] : memref<3x256x128xf32, #tpu.memory_space<vmem>> -> memref<1x16x128xf32, #tpu.memory_space<vmem>>
      %dma_start3A_138 = tpu.memref_squeeze %dma_start3A_137 : memref<1x16x128xf32, #tpu.memory_space<vmem>> -> memref<16x128xf32, #tpu.memory_space<vmem>>
      %dma_start3A_139 = arith.constant 0 : i32
      %dma_start3A_140 = tpu.memref_slice %arg4[%dma_start3A_139, %multiple_of3A_124] : memref<16x1000000xf32, #tpu.memory_space<hbm>> -> memref<16x128xf32, #tpu.memory_space<hbm>>
      tpu.enqueue_dma source(%dma_start3A_140 : memref<16x128xf32, #tpu.memory_space<hbm>>) target(%dma_start3A_138 : memref<16x128xf32, #tpu.memory_space<vmem>>) target_semaphore(%dma_start3A_134 : memref<!tpu.dma_semaphore, #tpu.memory_space<semaphore_mem>>)
      %slice3A_141 = vector.extract_strided_slice %shift_right_logical3A_58 {offsets = [4], sizes = [1], strides = [1]} : vector<16xi32> to vector<1xi32>
      %squeeze3A_142 = vector.extract %slice3A_141[0] : i32 from vector<1xi32>
      %mul3A_143 = arith.constant 128 : i32
      %mul3A_144 = arith.muli %squeeze3A_142, %mul3A_143 : i32
      %multiple_of3A_145 = tpu.assume_multiple %mul3A_144, 128 : i32
      %dma_start3A_146 = arith.constant 0 : i32
      %dma_start3A_147 = arith.constant 0 : i32
      %dma_start3A_148 = arith.constant 64 : i32
      %dma_start3A_149 = arith.constant 0 : i32
      %dma_start3A_150 = tpu.memref_slice %arg10[%dma_start3A_146, %dma_start3A_148, %dma_start3A_149] : memref<3x256x128xf32, #tpu.memory_space<vmem>> -> memref<1x16x128xf32, #tpu.memory_space<vmem>>
      %dma_start3A_151 = tpu.memref_squeeze %dma_start3A_150 : memref<1x16x128xf32, #tpu.memory_space<vmem>> -> memref<16x128xf32, #tpu.memory_space<vmem>>
      %dma_start3A_152 = arith.constant 0 : i32
      %dma_start3A_153 = tpu.memref_slice %arg4[%dma_start3A_152, %multiple_of3A_145] : memref<16x1000000xf32, #tpu.memory_space<hbm>> -> memref<16x128xf32, #tpu.memory_space<hbm>>
      %dma_start3A_154 = tpu.memref_slice %arg13[%dma_start3A_147] : memref<3x!tpu.dma_semaphore, #tpu.memory_space<semaphore_mem>> -> memref<1x!tpu.dma_semaphore, #tpu.memory_space<semaphore_mem>>
      %dma_start3A_155 = tpu.memref_squeeze %dma_start3A_154 : memref<1x!tpu.dma_semaphore, #tpu.memory_space<semaphore_mem>> -> memref<!tpu.dma_semaphore, #tpu.memory_space<semaphore_mem>>
      %dma_start3A_156 = arith.constant 64 : i32
      %dma_start3A_157 = arith.constant 0 : i32
      %dma_start3A_158 = tpu.memref_slice %arg10[%dma_start3A_146, %dma_start3A_156, %dma_start3A_157] : memref<3x256x128xf32, #tpu.memory_space<vmem>> -> memref<1x16x128xf32, #tpu.memory_space<vmem>>
      %dma_start3A_159 = tpu.memref_squeeze %dma_start3A_158 : memref<1x16x128xf32, #tpu.memory_space<vmem>> -> memref<16x128xf32, #tpu.memory_space<vmem>>
      %dma_start3A_160 = arith.constant 0 : i32
      %dma_start3A_161 = tpu.memref_slice %arg4[%dma_start3A_160, %multiple_of3A_145] : memref<16x1000000xf32, #tpu.memory_space<hbm>> -> memref<16x128xf32, #tpu.memory_space<hbm>>
      tpu.enqueue_dma source(%dma_start3A_161 : memref<16x128xf32, #tpu.memory_space<hbm>>) target(%dma_start3A_159 : memref<16x128xf32, #tpu.memory_space<vmem>>) target_semaphore(%dma_start3A_155 : memref<!tpu.dma_semaphore, #tpu.memory_space<semaphore_mem>>)
      %slice3A_162 = vector.extract_strided_slice %shift_right_logical3A_58 {offsets = [5], sizes = [1], strides = [1]} : vector<16xi32> to vector<1xi32>
      %squeeze3A_163 = vector.extract %slice3A_162[0] : i32 from vector<1xi32>
      %mul3A_164 = arith.constant 128 : i32
      %mul3A_165 = arith.muli %squeeze3A_163, %mul3A_164 : i32
      %multiple_of3A_166 = tpu.assume_multiple %mul3A_165, 128 : i32
      %dma_start3A_167 = arith.constant 0 : i32
      %dma_start3A_168 = arith.constant 0 : i32
      %dma_start3A_169 = arith.constant 80 : i32
      %dma_start3A_170 = arith.constant 0 : i32
      %dma_start3A_171 = tpu.memref_slice %arg10[%dma_start3A_167, %dma_start3A_169, %dma_start3A_170] : memref<3x256x128xf32, #tpu.memory_space<vmem>> -> memref<1x16x128xf32, #tpu.memory_space<vmem>>
      %dma_start3A_172 = tpu.memref_squeeze %dma_start3A_171 : memref<1x16x128xf32, #tpu.memory_space<vmem>> -> memref<16x128xf32, #tpu.memory_space<vmem>>
      %dma_start3A_173 = arith.constant 0 : i32
      %dma_start3A_174 = tpu.memref_slice %arg4[%dma_start3A_173, %multiple_of3A_166] : memref<16x1000000xf32, #tpu.memory_space<hbm>> -> memref<16x128xf32, #tpu.memory_space<hbm>>
      %dma_start3A_175 = tpu.memref_slice %arg13[%dma_start3A_168] : memref<3x!tpu.dma_semaphore, #tpu.memory_space<semaphore_mem>> -> memref<1x!tpu.dma_semaphore, #tpu.memory_space<semaphore_mem>>
      %dma_start3A_176 = tpu.memref_squeeze %dma_start3A_175 : memref<1x!tpu.dma_semaphore, #tpu.memory_space<semaphore_mem>> -> memref<!tpu.dma_semaphore, #tpu.memory_space<semaphore_mem>>
      %dma_start3A_177 = arith.constant 80 : i32
      %dma_start3A_178 = arith.constant 0 : i32
      %dma_start3A_179 = tpu.memref_slice %arg10[%dma_start3A_167, %dma_start3A_177, %dma_start3A_178] : memref<3x256x128xf32, #tpu.memory_space<vmem>> -> memref<1x16x128xf32, #tpu.memory_space<vmem>>
      %dma_start3A_180 = tpu.memref_squeeze %dma_start3A_179 : memref<1x16x128xf32, #tpu.memory_space<vmem>> -> memref<16x128xf32, #tpu.memory_space<vmem>>
      %dma_start3A_181 = arith.constant 0 : i32
      %dma_start3A_182 = tpu.memref_slice %arg4[%dma_start3A_181, %multiple_of3A_166] : memref<16x1000000xf32, #tpu.memory_space<hbm>> -> memref<16x128xf32, #tpu.memory_space<hbm>>
      tpu.enqueue_dma source(%dma_start3A_182 : memref<16x128xf32, #tpu.memory_space<hbm>>) target(%dma_start3A_180 : memref<16x128xf32, #tpu.memory_space<vmem>>) target_semaphore(%dma_start3A_176 : memref<!tpu.dma_semaphore, #tpu.memory_space<semaphore_mem>>)
      %slice3A_183 = vector.extract_strided_slice %shift_right_logical3A_58 {offsets = [6], sizes = [1], strides = [1]} : vector<16xi32> to vector<1xi32>
      %squeeze3A_184 = vector.extract %slice3A_183[0] : i32 from vector<1xi32>
      %mul3A_185 = arith.constant 128 : i32
      %mul3A_186 = arith.muli %squeeze3A_184, %mul3A_185 : i32
      %multiple_of3A_187 = tpu.assume_multiple %mul3A_186, 128 : i32
      %dma_start3A_188 = arith.constant 0 : i32
      %dma_start3A_189 = arith.constant 0 : i32
      %dma_start3A_190 = arith.constant 96 : i32
      %dma_start3A_191 = arith.constant 0 : i32
      %dma_start3A_192 = tpu.memref_slice %arg10[%dma_start3A_188, %dma_start3A_190, %dma_start3A_191] : memref<3x256x128xf32, #tpu.memory_space<vmem>> -> memref<1x16x128xf32, #tpu.memory_space<vmem>>
      %dma_start3A_193 = tpu.memref_squeeze %dma_start3A_192 : memref<1x16x128xf32, #tpu.memory_space<vmem>> -> memref<16x128xf32, #tpu.memory_space<vmem>>
      %dma_start3A_194 = arith.constant 0 : i32
      %dma_start3A_195 = tpu.memref_slice %arg4[%dma_start3A_194, %multiple_of3A_187] : memref<16x1000000xf32, #tpu.memory_space<hbm>> -> memref<16x128xf32, #tpu.memory_space<hbm>>
      %dma_start3A_196 = tpu.memref_slice %arg13[%dma_start3A_189] : memref<3x!tpu.dma_semaphore, #tpu.memory_space<semaphore_mem>> -> memref<1x!tpu.dma_semaphore, #tpu.memory_space<semaphore_mem>>
      %dma_start3A_197 = tpu.memref_squeeze %dma_start3A_196 : memref<1x!tpu.dma_semaphore, #tpu.memory_space<semaphore_mem>> -> memref<!tpu.dma_semaphore, #tpu.memory_space<semaphore_mem>>
      %dma_start3A_198 = arith.constant 96 : i32
      %dma_start3A_199 = arith.constant 0 : i32
      %dma_start3A_200 = tpu.memref_slice %arg10[%dma_start3A_188, %dma_start3A_198, %dma_start3A_199] : memref<3x256x128xf32, #tpu.memory_space<vmem>> -> memref<1x16x128xf32, #tpu.memory_space<vmem>>
      %dma_start3A_201 = tpu.memref_squeeze %dma_start3A_200 : memref<1x16x128xf32, #tpu.memory_space<vmem>> -> memref<16x128xf32, #tpu.memory_space<vmem>>
      %dma_start3A_202 = arith.constant 0 : i32
      %dma_start3A_203 = tpu.memref_slice %arg4[%dma_start3A_202, %multiple_of3A_187] : memref<16x1000000xf32, #tpu.memory_space<hbm>> -> memref<16x128xf32, #tpu.memory_space<hbm>>
      tpu.enqueue_dma source(%dma_start3A_203 : memref<16x128xf32, #tpu.memory_space<hbm>>) target(%dma_start3A_201 : memref<16x128xf32, #tpu.memory_space<vmem>>) target_semaphore(%dma_start3A_197 : memref<!tpu.dma_semaphore, #tpu.memory_space<semaphore_mem>>)
      %slice3A_204 = vector.extract_strided_slice %shift_right_logical3A_58 {offsets = [7], sizes = [1], strides = [1]} : vector<16xi32> to vector<1xi32>
      %squeeze3A_205 = vector.extract %slice3A_204[0] : i32 from vector<1xi32>
      %mul3A_206 = arith.constant 128 : i32
      %mul3A_207 = arith.muli %squeeze3A_205, %mul3A_206 : i32
      %multiple_of3A_208 = tpu.assume_multiple %mul3A_207, 128 : i32
      %dma_start3A_209 = arith.constant 0 : i32
      %dma_start3A_210 = arith.constant 0 : i32
      %dma_start3A_211 = arith.constant 112 : i32
      %dma_start3A_212 = arith.constant 0 : i32
      %dma_start3A_213 = tpu.memref_slice %arg10[%dma_start3A_209, %dma_start3A_211, %dma_start3A_212] : memref<3x256x128xf32, #tpu.memory_space<vmem>> -> memref<1x16x128xf32, #tpu.memory_space<vmem>>
      %dma_start3A_214 = tpu.memref_squeeze %dma_start3A_213 : memref<1x16x128xf32, #tpu.memory_space<vmem>> -> memref<16x128xf32, #tpu.memory_space<vmem>>
      %dma_start3A_215 = arith.constant 0 : i32
      %dma_start3A_216 = tpu.memref_slice %arg4[%dma_start3A_215, %multiple_of3A_208] : memref<16x1000000xf32, #tpu.memory_space<hbm>> -> memref<16x128xf32, #tpu.memory_space<hbm>>
      %dma_start3A_217 = tpu.memref_slice %arg13[%dma_start3A_210] : memref<3x!tpu.dma_semaphore, #tpu.memory_space<semaphore_mem>> -> memref<1x!tpu.dma_semaphore, #tpu.memory_space<semaphore_mem>>
      %dma_start3A_218 = tpu.memref_squeeze %dma_start3A_217 : memref<1x!tpu.dma_semaphore, #tpu.memory_space<semaphore_mem>> -> memref<!tpu.dma_semaphore, #tpu.memory_space<semaphore_mem>>
      %dma_start3A_219 = arith.constant 112 : i32
      %dma_start3A_220 = arith.constant 0 : i32
      %dma_start3A_221 = tpu.memref_slice %arg10[%dma_start3A_209, %dma_start3A_219, %dma_start3A_220] : memref<3x256x128xf32, #tpu.memory_space<vmem>> -> memref<1x16x128xf32, #tpu.memory_space<vmem>>
      %dma_start3A_222 = tpu.memref_squeeze %dma_start3A_221 : memref<1x16x128xf32, #tpu.memory_space<vmem>> -> memref<16x128xf32, #tpu.memory_space<vmem>>
      %dma_start3A_223 = arith.constant 0 : i32
      %dma_start3A_224 = tpu.memref_slice %arg4[%dma_start3A_223, %multiple_of3A_208] : memref<16x1000000xf32, #tpu.memory_space<hbm>> -> memref<16x128xf32, #tpu.memory_space<hbm>>
      tpu.enqueue_dma source(%dma_start3A_224 : memref<16x128xf32, #tpu.memory_space<hbm>>) target(%dma_start3A_222 : memref<16x128xf32, #tpu.memory_space<vmem>>) target_semaphore(%dma_start3A_218 : memref<!tpu.dma_semaphore, #tpu.memory_space<semaphore_mem>>)
      %slice3A_225 = vector.extract_strided_slice %shift_right_logical3A_58 {offsets = [8], sizes = [1], strides = [1]} : vector<16xi32> to vector<1xi32>
      %squeeze3A_226 = vector.extract %slice3A_225[0] : i32 from vector<1xi32>
      %mul3A_227 = arith.constant 128 : i32
      %mul3A_228 = arith.muli %squeeze3A_226, %mul3A_227 : i32
      %multiple_of3A_229 = tpu.assume_multiple %mul3A_228, 128 : i32
      %dma_start3A_230 = arith.constant 0 : i32
      %dma_start3A_231 = arith.constant 0 : i32
      %dma_start3A_232 = arith.constant 128 : i32
      %dma_start3A_233 = arith.constant 0 : i32
      %dma_start3A_234 = tpu.memref_slice %arg10[%dma_start3A_230, %dma_start3A_232, %dma_start3A_233] : memref<3x256x128xf32, #tpu.memory_space<vmem>> -> memref<1x16x128xf32, #tpu.memory_space<vmem>>
      %dma_start3A_235 = tpu.memref_squeeze %dma_start3A_234 : memref<1x16x128xf32, #tpu.memory_space<vmem>> -> memref<16x128xf32, #tpu.memory_space<vmem>>
      %dma_start3A_236 = arith.constant 0 : i32
      %dma_start3A_237 = tpu.memref_slice %arg4[%dma_start3A_236, %multiple_of3A_229] : memref<16x1000000xf32, #tpu.memory_space<hbm>> -> memref<16x128xf32, #tpu.memory_space<hbm>>
      %dma_start3A_238 = tpu.memref_slice %arg13[%dma_start3A_231] : memref<3x!tpu.dma_semaphore, #tpu.memory_space<semaphore_mem>> -> memref<1x!tpu.dma_semaphore, #tpu.memory_space<semaphore_mem>>
      %dma_start3A_239 = tpu.memref_squeeze %dma_start3A_238 : memref<1x!tpu.dma_semaphore, #tpu.memory_space<semaphore_mem>> -> memref<!tpu.dma_semaphore, #tpu.memory_space<semaphore_mem>>
      %dma_start3A_240 = arith.constant 128 : i32
      %dma_start3A_241 = arith.constant 0 : i32
      %dma_start3A_242 = tpu.memref_slice %arg10[%dma_start3A_230, %dma_start3A_240, %dma_start3A_241] : memref<3x256x128xf32, #tpu.memory_space<vmem>> -> memref<1x16x128xf32, #tpu.memory_space<vmem>>
      %dma_start3A_243 = tpu.memref_squeeze %dma_start3A_242 : memref<1x16x128xf32, #tpu.memory_space<vmem>> -> memref<16x128xf32, #tpu.memory_space<vmem>>
      %dma_start3A_244 = arith.constant 0 : i32
      %dma_start3A_245 = tpu.memref_slice %arg4[%dma_start3A_244, %multiple_of3A_229] : memref<16x1000000xf32, #tpu.memory_space<hbm>> -> memref<16x128xf32, #tpu.memory_space<hbm>>
      tpu.enqueue_dma source(%dma_start3A_245 : memref<16x128xf32, #tpu.memory_space<hbm>>) target(%dma_start3A_243 : memref<16x128xf32, #tpu.memory_space<vmem>>) target_semaphore(%dma_start3A_239 : memref<!tpu.dma_semaphore, #tpu.memory_space<semaphore_mem>>)
      %slice3A_246 = vector.extract_strided_slice %shift_right_logical3A_58 {offsets = [9], sizes = [1], strides = [1]} : vector<16xi32> to vector<1xi32>
      %squeeze3A_247 = vector.extract %slice3A_246[0] : i32 from vector<1xi32>
      %mul3A_248 = arith.constant 128 : i32
      %mul3A_249 = arith.muli %squeeze3A_247, %mul3A_248 : i32
      %multiple_of3A_250 = tpu.assume_multiple %mul3A_249, 128 : i32
      %dma_start3A_251 = arith.constant 0 : i32
      %dma_start3A_252 = arith.constant 0 : i32
      %dma_start3A_253 = arith.constant 144 : i32
      %dma_start3A_254 = arith.constant 0 : i32
      %dma_start3A_255 = tpu.memref_slice %arg10[%dma_start3A_251, %dma_start3A_253, %dma_start3A_254] : memref<3x256x128xf32, #tpu.memory_space<vmem>> -> memref<1x16x128xf32, #tpu.memory_space<vmem>>
      %dma_start3A_256 = tpu.memref_squeeze %dma_start3A_255 : memref<1x16x128xf32, #tpu.memory_space<vmem>> -> memref<16x128xf32, #tpu.memory_space<vmem>>
      %dma_start3A_257 = arith.constant 0 : i32
      %dma_start3A_258 = tpu.memref_slice %arg4[%dma_start3A_257, %multiple_of3A_250] : memref<16x1000000xf32, #tpu.memory_space<hbm>> -> memref<16x128xf32, #tpu.memory_space<hbm>>
      %dma_start3A_259 = tpu.memref_slice %arg13[%dma_start3A_252] : memref<3x!tpu.dma_semaphore, #tpu.memory_space<semaphore_mem>> -> memref<1x!tpu.dma_semaphore, #tpu.memory_space<semaphore_mem>>
      %dma_start3A_260 = tpu.memref_squeeze %dma_start3A_259 : memref<1x!tpu.dma_semaphore, #tpu.memory_space<semaphore_mem>> -> memref<!tpu.dma_semaphore, #tpu.memory_space<semaphore_mem>>
      %dma_start3A_261 = arith.constant 144 : i32
      %dma_start3A_262 = arith.constant 0 : i32
      %dma_start3A_263 = tpu.memref_slice %arg10[%dma_start3A_251, %dma_start3A_261, %dma_start3A_262] : memref<3x256x128xf32, #tpu.memory_space<vmem>> -> memref<1x16x128xf32, #tpu.memory_space<vmem>>
      %dma_start3A_264 = tpu.memref_squeeze %dma_start3A_263 : memref<1x16x128xf32, #tpu.memory_space<vmem>> -> memref<16x128xf32, #tpu.memory_space<vmem>>
      %dma_start3A_265 = arith.constant 0 : i32
      %dma_start3A_266 = tpu.memref_slice %arg4[%dma_start3A_265, %multiple_of3A_250] : memref<16x1000000xf32, #tpu.memory_space<hbm>> -> memref<16x128xf32, #tpu.memory_space<hbm>>
      tpu.enqueue_dma source(%dma_start3A_266 : memref<16x128xf32, #tpu.memory_space<hbm>>) target(%dma_start3A_264 : memref<16x128xf32, #tpu.memory_space<vmem>>) target_semaphore(%dma_start3A_260 : memref<!tpu.dma_semaphore, #tpu.memory_space<semaphore_mem>>)
      %slice3A_267 = vector.extract_strided_slice %shift_right_logical3A_58 {offsets = [10], sizes = [1], strides = [1]} : vector<16xi32> to vector<1xi32>
      %squeeze3A_268 = vector.extract %slice3A_267[0] : i32 from vector<1xi32>
      %mul3A_269 = arith.constant 128 : i32
      %mul3A_270 = arith.muli %squeeze3A_268, %mul3A_269 : i32
      %multiple_of3A_271 = tpu.assume_multiple %mul3A_270, 128 : i32
      %dma_start3A_272 = arith.constant 0 : i32
      %dma_start3A_273 = arith.constant 0 : i32
      %dma_start3A_274 = arith.constant 160 : i32
      %dma_start3A_275 = arith.constant 0 : i32
      %dma_start3A_276 = tpu.memref_slice %arg10[%dma_start3A_272, %dma_start3A_274, %dma_start3A_275] : memref<3x256x128xf32, #tpu.memory_space<vmem>> -> memref<1x16x128xf32, #tpu.memory_space<vmem>>
      %dma_start3A_277 = tpu.memref_squeeze %dma_start3A_276 : memref<1x16x128xf32, #tpu.memory_space<vmem>> -> memref<16x128xf32, #tpu.memory_space<vmem>>
      %dma_start3A_278 = arith.constant 0 : i32
      %dma_start3A_279 = tpu.memref_slice %arg4[%dma_start3A_278, %multiple_of3A_271] : memref<16x1000000xf32, #tpu.memory_space<hbm>> -> memref<16x128xf32, #tpu.memory_space<hbm>>
      %dma_start3A_280 = tpu.memref_slice %arg13[%dma_start3A_273] : memref<3x!tpu.dma_semaphore, #tpu.memory_space<semaphore_mem>> -> memref<1x!tpu.dma_semaphore, #tpu.memory_space<semaphore_mem>>
      %dma_start3A_281 = tpu.memref_squeeze %dma_start3A_280 : memref<1x!tpu.dma_semaphore, #tpu.memory_space<semaphore_mem>> -> memref<!tpu.dma_semaphore, #tpu.memory_space<semaphore_mem>>
      %dma_start3A_282 = arith.constant 160 : i32
      %dma_start3A_283 = arith.constant 0 : i32
      %dma_start3A_284 = tpu.memref_slice %arg10[%dma_start3A_272, %dma_start3A_282, %dma_start3A_283] : memref<3x256x128xf32, #tpu.memory_space<vmem>> -> memref<1x16x128xf32, #tpu.memory_space<vmem>>
      %dma_start3A_285 = tpu.memref_squeeze %dma_start3A_284 : memref<1x16x128xf32, #tpu.memory_space<vmem>> -> memref<16x128xf32, #tpu.memory_space<vmem>>
      %dma_start3A_286 = arith.constant 0 : i32
      %dma_start3A_287 = tpu.memref_slice %arg4[%dma_start3A_286, %multiple_of3A_271] : memref<16x1000000xf32, #tpu.memory_space<hbm>> -> memref<16x128xf32, #tpu.memory_space<hbm>>
      tpu.enqueue_dma source(%dma_start3A_287 : memref<16x128xf32, #tpu.memory_space<hbm>>) target(%dma_start3A_285 : memref<16x128xf32, #tpu.memory_space<vmem>>) target_semaphore(%dma_start3A_281 : memref<!tpu.dma_semaphore, #tpu.memory_space<semaphore_mem>>)
      %slice3A_288 = vector.extract_strided_slice %shift_right_logical3A_58 {offsets = [11], sizes = [1], strides = [1]} : vector<16xi32> to vector<1xi32>
      %squeeze3A_289 = vector.extract %slice3A_288[0] : i32 from vector<1xi32>
      %mul3A_290 = arith.constant 128 : i32
      %mul3A_291 = arith.muli %squeeze3A_289, %mul3A_290 : i32
      %multiple_of3A_292 = tpu.assume_multiple %mul3A_291, 128 : i32
      %dma_start3A_293 = arith.constant 0 : i32
      %dma_start3A_294 = arith.constant 0 : i32
      %dma_start3A_295 = arith.constant 176 : i32
      %dma_start3A_296 = arith.constant 0 : i32
      %dma_start3A_297 = tpu.memref_slice %arg10[%dma_start3A_293, %dma_start3A_295, %dma_start3A_296] : memref<3x256x128xf32, #tpu.memory_space<vmem>> -> memref<1x16x128xf32, #tpu.memory_space<vmem>>
      %dma_start3A_298 = tpu.memref_squeeze %dma_start3A_297 : memref<1x16x128xf32, #tpu.memory_space<vmem>> -> memref<16x128xf32, #tpu.memory_space<vmem>>
      %dma_start3A_299 = arith.constant 0 : i32
      %dma_start3A_300 = tpu.memref_slice %arg4[%dma_start3A_299, %multiple_of3A_292] : memref<16x1000000xf32, #tpu.memory_space<hbm>> -> memref<16x128xf32, #tpu.memory_space<hbm>>
      %dma_start3A_301 = tpu.memref_slice %arg13[%dma_start3A_294] : memref<3x!tpu.dma_semaphore, #tpu.memory_space<semaphore_mem>> -> memref<1x!tpu.dma_semaphore, #tpu.memory_space<semaphore_mem>>
      %dma_start3A_302 = tpu.memref_squeeze %dma_start3A_301 : memref<1x!tpu.dma_semaphore, #tpu.memory_space<semaphore_mem>> -> memref<!tpu.dma_semaphore, #tpu.memory_space<semaphore_mem>>
      %dma_start3A_303 = arith.constant 176 : i32
      %dma_start3A_304 = arith.constant 0 : i32
      %dma_start3A_305 = tpu.memref_slice %arg10[%dma_start3A_293, %dma_start3A_303, %dma_start3A_304] : memref<3x256x128xf32, #tpu.memory_space<vmem>> -> memref<1x16x128xf32, #tpu.memory_space<vmem>>
      %dma_start3A_306 = tpu.memref_squeeze %dma_start3A_305 : memref<1x16x128xf32, #tpu.memory_space<vmem>> -> memref<16x128xf32, #tpu.memory_space<vmem>>
      %dma_start3A_307 = arith.constant 0 : i32
      %dma_start3A_308 = tpu.memref_slice %arg4[%dma_start3A_307, %multiple_of3A_292] : memref<16x1000000xf32, #tpu.memory_space<hbm>> -> memref<16x128xf32, #tpu.memory_space<hbm>>
      tpu.enqueue_dma source(%dma_start3A_308 : memref<16x128xf32, #tpu.memory_space<hbm>>) target(%dma_start3A_306 : memref<16x128xf32, #tpu.memory_space<vmem>>) target_semaphore(%dma_start3A_302 : memref<!tpu.dma_semaphore, #tpu.memory_space<semaphore_mem>>)
      %slice3A_309 = vector.extract_strided_slice %shift_right_logical3A_58 {offsets = [12], sizes = [1], strides = [1]} : vector<16xi32> to vector<1xi32>
      %squeeze3A_310 = vector.extract %slice3A_309[0] : i32 from vector<1xi32>
      %mul3A_311 = arith.constant 128 : i32
      %mul3A_312 = arith.muli %squeeze3A_310, %mul3A_311 : i32
      %multiple_of3A_313 = tpu.assume_multiple %mul3A_312, 128 : i32
      %dma_start3A_314 = arith.constant 0 : i32
      %dma_start3A_315 = arith.constant 0 : i32
      %dma_start3A_316 = arith.constant 192 : i32
      %dma_start3A_317 = arith.constant 0 : i32
      %dma_start3A_318 = tpu.memref_slice %arg10[%dma_start3A_314, %dma_start3A_316, %dma_start3A_317] : memref<3x256x128xf32, #tpu.memory_space<vmem>> -> memref<1x16x128xf32, #tpu.memory_space<vmem>>
      %dma_start3A_319 = tpu.memref_squeeze %dma_start3A_318 : memref<1x16x128xf32, #tpu.memory_space<vmem>> -> memref<16x128xf32, #tpu.memory_space<vmem>>
      %dma_start3A_320 = arith.constant 0 : i32
      %dma_start3A_321 = tpu.memref_slice %arg4[%dma_start3A_320, %multiple_of3A_313] : memref<16x1000000xf32, #tpu.memory_space<hbm>> -> memref<16x128xf32, #tpu.memory_space<hbm>>
      %dma_start3A_322 = tpu.memref_slice %arg13[%dma_start3A_315] : memref<3x!tpu.dma_semaphore, #tpu.memory_space<semaphore_mem>> -> memref<1x!tpu.dma_semaphore, #tpu.memory_space<semaphore_mem>>
      %dma_start3A_323 = tpu.memref_squeeze %dma_start3A_322 : memref<1x!tpu.dma_semaphore, #tpu.memory_space<semaphore_mem>> -> memref<!tpu.dma_semaphore, #tpu.memory_space<semaphore_mem>>
      %dma_start3A_324 = arith.constant 192 : i32
      %dma_start3A_325 = arith.constant 0 : i32
      %dma_start3A_326 = tpu.memref_slice %arg10[%dma_start3A_314, %dma_start3A_324, %dma_start3A_325] : memref<3x256x128xf32, #tpu.memory_space<vmem>> -> memref<1x16x128xf32, #tpu.memory_space<vmem>>
      %dma_start3A_327 = tpu.memref_squeeze %dma_start3A_326 : memref<1x16x128xf32, #tpu.memory_space<vmem>> -> memref<16x128xf32, #tpu.memory_space<vmem>>
      %dma_start3A_328 = arith.constant 0 : i32
      %dma_start3A_329 = tpu.memref_slice %arg4[%dma_start3A_328, %multiple_of3A_313] : memref<16x1000000xf32, #tpu.memory_space<hbm>> -> memref<16x128xf32, #tpu.memory_space<hbm>>
      tpu.enqueue_dma source(%dma_start3A_329 : memref<16x128xf32, #tpu.memory_space<hbm>>) target(%dma_start3A_327 : memref<16x128xf32, #tpu.memory_space<vmem>>) target_semaphore(%dma_start3A_323 : memref<!tpu.dma_semaphore, #tpu.memory_space<semaphore_mem>>)
      %slice3A_330 = vector.extract_strided_slice %shift_right_logical3A_58 {offsets = [13], sizes = [1], strides = [1]} : vector<16xi32> to vector<1xi32>
      %squeeze3A_331 = vector.extract %slice3A_330[0] : i32 from vector<1xi32>
      %mul3A_332 = arith.constant 128 : i32
      %mul3A_333 = arith.muli %squeeze3A_331, %mul3A_332 : i32
      %multiple_of3A_334 = tpu.assume_multiple %mul3A_333, 128 : i32
      %dma_start3A_335 = arith.constant 0 : i32
      %dma_start3A_336 = arith.constant 0 : i32
      %dma_start3A_337 = arith.constant 208 : i32
      %dma_start3A_338 = arith.constant 0 : i32
      %dma_start3A_339 = tpu.memref_slice %arg10[%dma_start3A_335, %dma_start3A_337, %dma_start3A_338] : memref<3x256x128xf32, #tpu.memory_space<vmem>> -> memref<1x16x128xf32, #tpu.memory_space<vmem>>
      %dma_start3A_340 = tpu.memref_squeeze %dma_start3A_339 : memref<1x16x128xf32, #tpu.memory_space<vmem>> -> memref<16x128xf32, #tpu.memory_space<vmem>>
      %dma_start3A_341 = arith.constant 0 : i32
      %dma_start3A_342 = tpu.memref_slice %arg4[%dma_start3A_341, %multiple_of3A_334] : memref<16x1000000xf32, #tpu.memory_space<hbm>> -> memref<16x128xf32, #tpu.memory_space<hbm>>
      %dma_start3A_343 = tpu.memref_slice %arg13[%dma_start3A_336] : memref<3x!tpu.dma_semaphore, #tpu.memory_space<semaphore_mem>> -> memref<1x!tpu.dma_semaphore, #tpu.memory_space<semaphore_mem>>
      %dma_start3A_344 = tpu.memref_squeeze %dma_start3A_343 : memref<1x!tpu.dma_semaphore, #tpu.memory_space<semaphore_mem>> -> memref<!tpu.dma_semaphore, #tpu.memory_space<semaphore_mem>>
      %dma_start3A_345 = arith.constant 208 : i32
      %dma_start3A_346 = arith.constant 0 : i32
      %dma_start3A_347 = tpu.memref_slice %arg10[%dma_start3A_335, %dma_start3A_345, %dma_start3A_346] : memref<3x256x128xf32, #tpu.memory_space<vmem>> -> memref<1x16x128xf32, #tpu.memory_space<vmem>>
      %dma_start3A_348 = tpu.memref_squeeze %dma_start3A_347 : memref<1x16x128xf32, #tpu.memory_space<vmem>> -> memref<16x128xf32, #tpu.memory_space<vmem>>
      %dma_start3A_349 = arith.constant 0 : i32
      %dma_start3A_350 = tpu.memref_slice %arg4[%dma_start3A_349, %multiple_of3A_334] : memref<16x1000000xf32, #tpu.memory_space<hbm>> -> memref<16x128xf32, #tpu.memory_space<hbm>>
      tpu.enqueue_dma source(%dma_start3A_350 : memref<16x128xf32, #tpu.memory_space<hbm>>) target(%dma_start3A_348 : memref<16x128xf32, #tpu.memory_space<vmem>>) target_semaphore(%dma_start3A_344 : memref<!tpu.dma_semaphore, #tpu.memory_space<semaphore_mem>>)
      %slice3A_351 = vector.extract_strided_slice %shift_right_logical3A_58 {offsets = [14], sizes = [1], strides = [1]} : vector<16xi32> to vector<1xi32>
      %squeeze3A_352 = vector.extract %slice3A_351[0] : i32 from vector<1xi32>
      %mul3A_353 = arith.constant 128 : i32
      %mul3A_354 = arith.muli %squeeze3A_352, %mul3A_353 : i32
      %multiple_of3A_355 = tpu.assume_multiple %mul3A_354, 128 : i32
      %dma_start3A_356 = arith.constant 0 : i32
      %dma_start3A_357 = arith.constant 0 : i32
      %dma_start3A_358 = arith.constant 224 : i32
      %dma_start3A_359 = arith.constant 0 : i32
      %dma_start3A_360 = tpu.memref_slice %arg10[%dma_start3A_356, %dma_start3A_358, %dma_start3A_359] : memref<3x256x128xf32, #tpu.memory_space<vmem>> -> memref<1x16x128xf32, #tpu.memory_space<vmem>>
      %dma_start3A_361 = tpu.memref_squeeze %dma_start3A_360 : memref<1x16x128xf32, #tpu.memory_space<vmem>> -> memref<16x128xf32, #tpu.memory_space<vmem>>
      %dma_start3A_362 = arith.constant 0 : i32
      %dma_start3A_363 = tpu.memref_slice %arg4[%dma_start3A_362, %multiple_of3A_355] : memref<16x1000000xf32, #tpu.memory_space<hbm>> -> memref<16x128xf32, #tpu.memory_space<hbm>>
      %dma_start3A_364 = tpu.memref_slice %arg13[%dma_start3A_357] : memref<3x!tpu.dma_semaphore, #tpu.memory_space<semaphore_mem>> -> memref<1x!tpu.dma_semaphore, #tpu.memory_space<semaphore_mem>>
      %dma_start3A_365 = tpu.memref_squeeze %dma_start3A_364 : memref<1x!tpu.dma_semaphore, #tpu.memory_space<semaphore_mem>> -> memref<!tpu.dma_semaphore, #tpu.memory_space<semaphore_mem>>
      %dma_start3A_366 = arith.constant 224 : i32
      %dma_start3A_367 = arith.constant 0 : i32
      %dma_start3A_368 = tpu.memref_slice %arg10[%dma_start3A_356, %dma_start3A_366, %dma_start3A_367] : memref<3x256x128xf32, #tpu.memory_space<vmem>> -> memref<1x16x128xf32, #tpu.memory_space<vmem>>
      %dma_start3A_369 = tpu.memref_squeeze %dma_start3A_368 : memref<1x16x128xf32, #tpu.memory_space<vmem>> -> memref<16x128xf32, #tpu.memory_space<vmem>>
      %dma_start3A_370 = arith.constant 0 : i32
      %dma_start3A_371 = tpu.memref_slice %arg4[%dma_start3A_370, %multiple_of3A_355] : memref<16x1000000xf32, #tpu.memory_space<hbm>> -> memref<16x128xf32, #tpu.memory_space<hbm>>
      tpu.enqueue_dma source(%dma_start3A_371 : memref<16x128xf32, #tpu.memory_space<hbm>>) target(%dma_start3A_369 : memref<16x128xf32, #tpu.memory_space<vmem>>) target_semaphore(%dma_start3A_365 : memref<!tpu.dma_semaphore, #tpu.memory_space<semaphore_mem>>)
      %slice3A_372 = vector.extract_strided_slice %shift_right_logical3A_58 {offsets = [15], sizes = [1], strides = [1]} : vector<16xi32> to vector<1xi32>
      %squeeze3A_373 = vector.extract %slice3A_372[0] : i32 from vector<1xi32>
      %mul3A_374 = arith.constant 128 : i32
      %mul3A_375 = arith.muli %squeeze3A_373, %mul3A_374 : i32
      %multiple_of3A_376 = tpu.assume_multiple %mul3A_375, 128 : i32
      %dma_start3A_377 = arith.constant 0 : i32
      %dma_start3A_378 = arith.constant 0 : i32
      %dma_start3A_379 = arith.constant 240 : i32
      %dma_start3A_380 = arith.constant 0 : i32
      %dma_start3A_381 = tpu.memref_slice %arg10[%dma_start3A_377, %dma_start3A_379, %dma_start3A_380] : memref<3x256x128xf32, #tpu.memory_space<vmem>> -> memref<1x16x128xf32, #tpu.memory_space<vmem>>
      %dma_start3A_382 = tpu.memref_squeeze %dma_start3A_381 : memref<1x16x128xf32, #tpu.memory_space<vmem>> -> memref<16x128xf32, #tpu.memory_space<vmem>>
      %dma_start3A_383 = arith.constant 0 : i32
      %dma_start3A_384 = tpu.memref_slice %arg4[%dma_start3A_383, %multiple_of3A_376] : memref<16x1000000xf32, #tpu.memory_space<hbm>> -> memref<16x128xf32, #tpu.memory_space<hbm>>
      %dma_start3A_385 = tpu.memref_slice %arg13[%dma_start3A_378] : memref<3x!tpu.dma_semaphore, #tpu.memory_space<semaphore_mem>> -> memref<1x!tpu.dma_semaphore, #tpu.memory_space<semaphore_mem>>
      %dma_start3A_386 = tpu.memref_squeeze %dma_start3A_385 : memref<1x!tpu.dma_semaphore, #tpu.memory_space<semaphore_mem>> -> memref<!tpu.dma_semaphore, #tpu.memory_space<semaphore_mem>>
      %dma_start3A_387 = arith.constant 240 : i32
      %dma_start3A_388 = arith.constant 0 : i32
      %dma_start3A_389 = tpu.memref_slice %arg10[%dma_start3A_377, %dma_start3A_387, %dma_start3A_388] : memref<3x256x128xf32, #tpu.memory_space<vmem>> -> memref<1x16x128xf32, #tpu.memory_space<vmem>>
      %dma_start3A_390 = tpu.memref_squeeze %dma_start3A_389 : memref<1x16x128xf32, #tpu.memory_space<vmem>> -> memref<16x128xf32, #tpu.memory_space<vmem>>
      %dma_start3A_391 = arith.constant 0 : i32
      %dma_start3A_392 = tpu.memref_slice %arg4[%dma_start3A_391, %multiple_of3A_376] : memref<16x1000000xf32, #tpu.memory_space<hbm>> -> memref<16x128xf32, #tpu.memory_space<hbm>>
      tpu.enqueue_dma source(%dma_start3A_392 : memref<16x128xf32, #tpu.memory_space<hbm>>) target(%dma_start3A_390 : memref<16x128xf32, #tpu.memory_space<vmem>>) target_semaphore(%dma_start3A_386 : memref<!tpu.dma_semaphore, #tpu.memory_space<semaphore_mem>>)
    } else {
    }
    %rem3A_20 = arith.constant 0 : i32
    %rem3A_21 = arith.constant 2 : i32
    %rem3A_22 = arith.remsi %rem3A_20, %rem3A_21 : i32
    %eq3A_23 = arith.constant 1 : i32
    %eq3A_24 = arith.cmpi eq, %rem3A_22, %eq3A_23 : i32
    %convert_element_type3A_25 = arith.extui %eq3A_24 : i1 to i32
    %cond3A_26 = arith.constant 0 : i32
    %cond3A_27 = arith.cmpi ne, %convert_element_type3A_25, %cond3A_26 : i32
    scf.if %cond3A_27 {
      %mul3A_52 = arith.constant 16 : i32
      %mul3A_53 = arith.muli %shift_right_logical3A_15, %mul3A_52 : i32
      %get3A_54 = arith.index_cast %mul3A_53 : i32 to index
      %get3A_55 = tpu.vector_load %arg9[%get3A_54] {strides = array<i32>} : memref<512xi32, #tpu.memory_space<vmem>>, vector<16xi32>,
      %shift_right_logical3A_56 = arith.constant 7 : i32
      %shift_right_logical3A_57 = vector.broadcast %shift_right_logical3A_56 : i32 to vector<16xi32>
      %shift_right_logical3A_58 = arith.shrui %get3A_55, %shift_right_logical3A_57 : vector<16xi32>
      %slice3A_59 = vector.extract_strided_slice %shift_right_logical3A_58 {offsets = [0], sizes = [1], strides = [1]} : vector<16xi32> to vector<1xi32>
      %squeeze3A_60 = vector.extract %slice3A_59[0] : i32 from vector<1xi32>
      %mul3A_61 = arith.constant 128 : i32
      %mul3A_62 = arith.muli %squeeze3A_60, %mul3A_61 : i32
      %multiple_of3A = tpu.assume_multiple %mul3A_62, 128 : i32
      %dma_start3A = arith.constant 0 : i32
      %dma_start3A_63 = arith.constant 0 : i32
      %dma_start3A_64 = arith.constant 0 : i32
      %dma_start3A_65 = arith.constant 0 : i32
      %dma_start3A_66 = tpu.memref_slice %arg10[%dma_start3A, %dma_start3A_64, %dma_start3A_65] : memref<3x256x128xf32, #tpu.memory_space<vmem>> -> memref<1x16x128xf32, #tpu.memory_space<vmem>>
      %dma_start3A_67 = tpu.memref_squeeze %dma_start3A_66 : memref<1x16x128xf32, #tpu.memory_space<vmem>> -> memref<16x128xf32, #tpu.memory_space<vmem>>
      %dma_start3A_68 = arith.constant 0 : i32
      %dma_start3A_69 = tpu.memref_slice %arg5[%dma_start3A_68, %multiple_of3A] : memref<16x1000000xf32, #tpu.memory_space<hbm>> -> memref<16x128xf32, #tpu.memory_space<hbm>>
      %dma_start3A_70 = tpu.memref_slice %arg13[%dma_start3A_63] : memref<3x!tpu.dma_semaphore, #tpu.memory_space<semaphore_mem>> -> memref<1x!tpu.dma_semaphore, #tpu.memory_space<semaphore_mem>>
      %dma_start3A_71 = tpu.memref_squeeze %dma_start3A_70 : memref<1x!tpu.dma_semaphore, #tpu.memory_space<semaphore_mem>> -> memref<!tpu.dma_semaphore, #tpu.memory_space<semaphore_mem>>
      %dma_start3A_72 = arith.constant 0 : i32
      %dma_start3A_73 = arith.constant 0 : i32
      %dma_start3A_74 = tpu.memref_slice %arg10[%dma_start3A, %dma_start3A_72, %dma_start3A_73] : memref<3x256x128xf32, #tpu.memory_space<vmem>> -> memref<1x16x128xf32, #tpu.memory_space<vmem>>
      %dma_start3A_75 = tpu.memref_squeeze %dma_start3A_74 : memref<1x16x128xf32, #tpu.memory_space<vmem>> -> memref<16x128xf32, #tpu.memory_space<vmem>>
      %dma_start3A_76 = arith.constant 0 : i32
      %dma_start3A_77 = tpu.memref_slice %arg5[%dma_start3A_76, %multiple_of3A] : memref<16x1000000xf32, #tpu.memory_space<hbm>> -> memref<16x128xf32, #tpu.memory_space<hbm>>
      tpu.enqueue_dma source(%dma_start3A_77 : memref<16x128xf32, #tpu.memory_space<hbm>>) target(%dma_start3A_75 : memref<16x128xf32, #tpu.memory_space<vmem>>) target_semaphore(%dma_start3A_71 : memref<!tpu.dma_semaphore, #tpu.memory_space<semaphore_mem>>)
      %slice3A_78 = vector.extract_strided_slice %shift_right_logical3A_58 {offsets = [1], sizes = [1], strides = [1]} : vector<16xi32> to vector<1xi32>
      %squeeze3A_79 = vector.extract %slice3A_78[0] : i32 from vector<1xi32>
      %mul3A_80 = arith.constant 128 : i32
      %mul3A_81 = arith.muli %squeeze3A_79, %mul3A_80 : i32
      %multiple_of3A_82 = tpu.assume_multiple %mul3A_81, 128 : i32
      %dma_start3A_83 = arith.constant 0 : i32
      %dma_start3A_84 = arith.constant 0 : i32
      %dma_start3A_85 = arith.constant 16 : i32
      %dma_start3A_86 = arith.constant 0 : i32
      %dma_start3A_87 = tpu.memref_slice %arg10[%dma_start3A_83, %dma_start3A_85, %dma_start3A_86] : memref<3x256x128xf32, #tpu.memory_space<vmem>> -> memref<1x16x128xf32, #tpu.memory_space<vmem>>
      %dma_start3A_88 = tpu.memref_squeeze %dma_start3A_87 : memref<1x16x128xf32, #tpu.memory_space<vmem>> -> memref<16x128xf32, #tpu.memory_space<vmem>>
      %dma_start3A_89 = arith.constant 0 : i32
      %dma_start3A_90 = tpu.memref_slice %arg5[%dma_start3A_89, %multiple_of3A_82] : memref<16x1000000xf32, #tpu.memory_space<hbm>> -> memref<16x128xf32, #tpu.memory_space<hbm>>
      %dma_start3A_91 = tpu.memref_slice %arg13[%dma_start3A_84] : memref<3x!tpu.dma_semaphore, #tpu.memory_space<semaphore_mem>> -> memref<1x!tpu.dma_semaphore, #tpu.memory_space<semaphore_mem>>
      %dma_start3A_92 = tpu.memref_squeeze %dma_start3A_91 : memref<1x!tpu.dma_semaphore, #tpu.memory_space<semaphore_mem>> -> memref<!tpu.dma_semaphore, #tpu.memory_space<semaphore_mem>>
      %dma_start3A_93 = arith.constant 16 : i32
      %dma_start3A_94 = arith.constant 0 : i32
      %dma_start3A_95 = tpu.memref_slice %arg10[%dma_start3A_83, %dma_start3A_93, %dma_start3A_94] : memref<3x256x128xf32, #tpu.memory_space<vmem>> -> memref<1x16x128xf32, #tpu.memory_space<vmem>>
      %dma_start3A_96 = tpu.memref_squeeze %dma_start3A_95 : memref<1x16x128xf32, #tpu.memory_space<vmem>> -> memref<16x128xf32, #tpu.memory_space<vmem>>
      %dma_start3A_97 = arith.constant 0 : i32
      %dma_start3A_98 = tpu.memref_slice %arg5[%dma_start3A_97, %multiple_of3A_82] : memref<16x1000000xf32, #tpu.memory_space<hbm>> -> memref<16x128xf32, #tpu.memory_space<hbm>>
      tpu.enqueue_dma source(%dma_start3A_98 : memref<16x128xf32, #tpu.memory_space<hbm>>) target(%dma_start3A_96 : memref<16x128xf32, #tpu.memory_space<vmem>>) target_semaphore(%dma_start3A_92 : memref<!tpu.dma_semaphore, #tpu.memory_space<semaphore_mem>>)
      %slice3A_99 = vector.extract_strided_slice %shift_right_logical3A_58 {offsets = [2], sizes = [1], strides = [1]} : vector<16xi32> to vector<1xi32>
      %squeeze3A_100 = vector.extract %slice3A_99[0] : i32 from vector<1xi32>
      %mul3A_101 = arith.constant 128 : i32
      %mul3A_102 = arith.muli %squeeze3A_100, %mul3A_101 : i32
      %multiple_of3A_103 = tpu.assume_multiple %mul3A_102, 128 : i32
      %dma_start3A_104 = arith.constant 0 : i32
      %dma_start3A_105 = arith.constant 0 : i32
      %dma_start3A_106 = arith.constant 32 : i32
      %dma_start3A_107 = arith.constant 0 : i32
      %dma_start3A_108 = tpu.memref_slice %arg10[%dma_start3A_104, %dma_start3A_106, %dma_start3A_107] : memref<3x256x128xf32, #tpu.memory_space<vmem>> -> memref<1x16x128xf32, #tpu.memory_space<vmem>>
      %dma_start3A_109 = tpu.memref_squeeze %dma_start3A_108 : memref<1x16x128xf32, #tpu.memory_space<vmem>> -> memref<16x128xf32, #tpu.memory_space<vmem>>
      %dma_start3A_110 = arith.constant 0 : i32
      %dma_start3A_111 = tpu.memref_slice %arg5[%dma_start3A_110, %multiple_of3A_103] : memref<16x1000000xf32, #tpu.memory_space<hbm>> -> memref<16x128xf32, #tpu.memory_space<hbm>>
      %dma_start3A_112 = tpu.memref_slice %arg13[%dma_start3A_105] : memref<3x!tpu.dma_semaphore, #tpu.memory_space<semaphore_mem>> -> memref<1x!tpu.dma_semaphore, #tpu.memory_space<semaphore_mem>>
      %dma_start3A_113 = tpu.memref_squeeze %dma_start3A_112 : memref<1x!tpu.dma_semaphore, #tpu.memory_space<semaphore_mem>> -> memref<!tpu.dma_semaphore, #tpu.memory_space<semaphore_mem>>
      %dma_start3A_114 = arith.constant 32 : i32
      %dma_start3A_115 = arith.constant 0 : i32
      %dma_start3A_116 = tpu.memref_slice %arg10[%dma_start3A_104, %dma_start3A_114, %dma_start3A_115] : memref<3x256x128xf32, #tpu.memory_space<vmem>> -> memref<1x16x128xf32, #tpu.memory_space<vmem>>
      %dma_start3A_117 = tpu.memref_squeeze %dma_start3A_116 : memref<1x16x128xf32, #tpu.memory_space<vmem>> -> memref<16x128xf32, #tpu.memory_space<vmem>>
      %dma_start3A_118 = arith.constant 0 : i32
      %dma_start3A_119 = tpu.memref_slice %arg5[%dma_start3A_118, %multiple_of3A_103] : memref<16x1000000xf32, #tpu.memory_space<hbm>> -> memref<16x128xf32, #tpu.memory_space<hbm>>
      tpu.enqueue_dma source(%dma_start3A_119 : memref<16x128xf32, #tpu.memory_space<hbm>>) target(%dma_start3A_117 : memref<16x128xf32, #tpu.memory_space<vmem>>) target_semaphore(%dma_start3A_113 : memref<!tpu.dma_semaphore, #tpu.memory_space<semaphore_mem>>)
      %slice3A_120 = vector.extract_strided_slice %shift_right_logical3A_58 {offsets = [3], sizes = [1], strides = [1]} : vector<16xi32> to vector<1xi32>
      %squeeze3A_121 = vector.extract %slice3A_120[0] : i32 from vector<1xi32>
      %mul3A_122 = arith.constant 128 : i32
      %mul3A_123 = arith.muli %squeeze3A_121, %mul3A_122 : i32
      %multiple_of3A_124 = tpu.assume_multiple %mul3A_123, 128 : i32
      %dma_start3A_125 = arith.constant 0 : i32
      %dma_start3A_126 = arith.constant 0 : i32
      %dma_start3A_127 = arith.constant 48 : i32
      %dma_start3A_128 = arith.constant 0 : i32
      %dma_start3A_129 = tpu.memref_slice %arg10[%dma_start3A_125, %dma_start3A_127, %dma_start3A_128] : memref<3x256x128xf32, #tpu.memory_space<vmem>> -> memref<1x16x128xf32, #tpu.memory_space<vmem>>
      %dma_start3A_130 = tpu.memref_squeeze %dma_start3A_129 : memref<1x16x128xf32, #tpu.memory_space<vmem>> -> memref<16x128xf32, #tpu.memory_space<vmem>>
      %dma_start3A_131 = arith.constant 0 : i32
      %dma_start3A_132 = tpu.memref_slice %arg5[%dma_start3A_131, %multiple_of3A_124] : memref<16x1000000xf32, #tpu.memory_space<hbm>> -> memref<16x128xf32, #tpu.memory_space<hbm>>
      %dma_start3A_133 = tpu.memref_slice %arg13[%dma_start3A_126] : memref<3x!tpu.dma_semaphore, #tpu.memory_space<semaphore_mem>> -> memref<1x!tpu.dma_semaphore, #tpu.memory_space<semaphore_mem>>
      %dma_start3A_134 = tpu.memref_squeeze %dma_start3A_133 : memref<1x!tpu.dma_semaphore, #tpu.memory_space<semaphore_mem>> -> memref<!tpu.dma_semaphore, #tpu.memory_space<semaphore_mem>>
      %dma_start3A_135 = arith.constant 48 : i32
      %dma_start3A_136 = arith.constant 0 : i32
      %dma_start3A_137 = tpu.memref_slice %arg10[%dma_start3A_125, %dma_start3A_135, %dma_start3A_136] : memref<3x256x128xf32, #tpu.memory_space<vmem>> -> memref<1x16x128xf32, #tpu.memory_space<vmem>>
      %dma_start3A_138 = tpu.memref_squeeze %dma_start3A_137 : memref<1x16x128xf32, #tpu.memory_space<vmem>> -> memref<16x128xf32, #tpu.memory_space<vmem>>
      %dma_start3A_139 = arith.constant 0 : i32
      %dma_start3A_140 = tpu.memref_slice %arg5[%dma_start3A_139, %multiple_of3A_124] : memref<16x1000000xf32, #tpu.memory_space<hbm>> -> memref<16x128xf32, #tpu.memory_space<hbm>>
      tpu.enqueue_dma source(%dma_start3A_140 : memref<16x128xf32, #tpu.memory_space<hbm>>) target(%dma_start3A_138 : memref<16x128xf32, #tpu.memory_space<vmem>>) target_semaphore(%dma_start3A_134 : memref<!tpu.dma_semaphore, #tpu.memory_space<semaphore_mem>>)
      %slice3A_141 = vector.extract_strided_slice %shift_right_logical3A_58 {offsets = [4], sizes = [1], strides = [1]} : vector<16xi32> to vector<1xi32>
      %squeeze3A_142 = vector.extract %slice3A_141[0] : i32 from vector<1xi32>
      %mul3A_143 = arith.constant 128 : i32
      %mul3A_144 = arith.muli %squeeze3A_142, %mul3A_143 : i32
      %multiple_of3A_145 = tpu.assume_multiple %mul3A_144, 128 : i32
      %dma_start3A_146 = arith.constant 0 : i32
      %dma_start3A_147 = arith.constant 0 : i32
      %dma_start3A_148 = arith.constant 64 : i32
      %dma_start3A_149 = arith.constant 0 : i32
      %dma_start3A_150 = tpu.memref_slice %arg10[%dma_start3A_146, %dma_start3A_148, %dma_start3A_149] : memref<3x256x128xf32, #tpu.memory_space<vmem>> -> memref<1x16x128xf32, #tpu.memory_space<vmem>>
      %dma_start3A_151 = tpu.memref_squeeze %dma_start3A_150 : memref<1x16x128xf32, #tpu.memory_space<vmem>> -> memref<16x128xf32, #tpu.memory_space<vmem>>
      %dma_start3A_152 = arith.constant 0 : i32
      %dma_start3A_153 = tpu.memref_slice %arg5[%dma_start3A_152, %multiple_of3A_145] : memref<16x1000000xf32, #tpu.memory_space<hbm>> -> memref<16x128xf32, #tpu.memory_space<hbm>>
      %dma_start3A_154 = tpu.memref_slice %arg13[%dma_start3A_147] : memref<3x!tpu.dma_semaphore, #tpu.memory_space<semaphore_mem>> -> memref<1x!tpu.dma_semaphore, #tpu.memory_space<semaphore_mem>>
      %dma_start3A_155 = tpu.memref_squeeze %dma_start3A_154 : memref<1x!tpu.dma_semaphore, #tpu.memory_space<semaphore_mem>> -> memref<!tpu.dma_semaphore, #tpu.memory_space<semaphore_mem>>
      %dma_start3A_156 = arith.constant 64 : i32
      %dma_start3A_157 = arith.constant 0 : i32
      %dma_start3A_158 = tpu.memref_slice %arg10[%dma_start3A_146, %dma_start3A_156, %dma_start3A_157] : memref<3x256x128xf32, #tpu.memory_space<vmem>> -> memref<1x16x128xf32, #tpu.memory_space<vmem>>
      %dma_start3A_159 = tpu.memref_squeeze %dma_start3A_158 : memref<1x16x128xf32, #tpu.memory_space<vmem>> -> memref<16x128xf32, #tpu.memory_space<vmem>>
      %dma_start3A_160 = arith.constant 0 : i32
      %dma_start3A_161 = tpu.memref_slice %arg5[%dma_start3A_160, %multiple_of3A_145] : memref<16x1000000xf32, #tpu.memory_space<hbm>> -> memref<16x128xf32, #tpu.memory_space<hbm>>
      tpu.enqueue_dma source(%dma_start3A_161 : memref<16x128xf32, #tpu.memory_space<hbm>>) target(%dma_start3A_159 : memref<16x128xf32, #tpu.memory_space<vmem>>) target_semaphore(%dma_start3A_155 : memref<!tpu.dma_semaphore, #tpu.memory_space<semaphore_mem>>)
      %slice3A_162 = vector.extract_strided_slice %shift_right_logical3A_58 {offsets = [5], sizes = [1], strides = [1]} : vector<16xi32> to vector<1xi32>
      %squeeze3A_163 = vector.extract %slice3A_162[0] : i32 from vector<1xi32>
      %mul3A_164 = arith.constant 128 : i32
      %mul3A_165 = arith.muli %squeeze3A_163, %mul3A_164 : i32
      %multiple_of3A_166 = tpu.assume_multiple %mul3A_165, 128 : i32
      %dma_start3A_167 = arith.constant 0 : i32
      %dma_start3A_168 = arith.constant 0 : i32
      %dma_start3A_169 = arith.constant 80 : i32
      %dma_start3A_170 = arith.constant 0 : i32
      %dma_start3A_171 = tpu.memref_slice %arg10[%dma_start3A_167, %dma_start3A_169, %dma_start3A_170] : memref<3x256x128xf32, #tpu.memory_space<vmem>> -> memref<1x16x128xf32, #tpu.memory_space<vmem>>
      %dma_start3A_172 = tpu.memref_squeeze %dma_start3A_171 : memref<1x16x128xf32, #tpu.memory_space<vmem>> -> memref<16x128xf32, #tpu.memory_space<vmem>>
      %dma_start3A_173 = arith.constant 0 : i32
      %dma_start3A_174 = tpu.memref_slice %arg5[%dma_start3A_173, %multiple_of3A_166] : memref<16x1000000xf32, #tpu.memory_space<hbm>> -> memref<16x128xf32, #tpu.memory_space<hbm>>
      %dma_start3A_175 = tpu.memref_slice %arg13[%dma_start3A_168] : memref<3x!tpu.dma_semaphore, #tpu.memory_space<semaphore_mem>> -> memref<1x!tpu.dma_semaphore, #tpu.memory_space<semaphore_mem>>
      %dma_start3A_176 = tpu.memref_squeeze %dma_start3A_175 : memref<1x!tpu.dma_semaphore, #tpu.memory_space<semaphore_mem>> -> memref<!tpu.dma_semaphore, #tpu.memory_space<semaphore_mem>>
      %dma_start3A_177 = arith.constant 80 : i32
      %dma_start3A_178 = arith.constant 0 : i32
      %dma_start3A_179 = tpu.memref_slice %arg10[%dma_start3A_167, %dma_start3A_177, %dma_start3A_178] : memref<3x256x128xf32, #tpu.memory_space<vmem>> -> memref<1x16x128xf32, #tpu.memory_space<vmem>>
      %dma_start3A_180 = tpu.memref_squeeze %dma_start3A_179 : memref<1x16x128xf32, #tpu.memory_space<vmem>> -> memref<16x128xf32, #tpu.memory_space<vmem>>
      %dma_start3A_181 = arith.constant 0 : i32
      %dma_start3A_182 = tpu.memref_slice %arg5[%dma_start3A_181, %multiple_of3A_166] : memref<16x1000000xf32, #tpu.memory_space<hbm>> -> memref<16x128xf32, #tpu.memory_space<hbm>>
      tpu.enqueue_dma source(%dma_start3A_182 : memref<16x128xf32, #tpu.memory_space<hbm>>) target(%dma_start3A_180 : memref<16x128xf32, #tpu.memory_space<vmem>>) target_semaphore(%dma_start3A_176 : memref<!tpu.dma_semaphore, #tpu.memory_space<semaphore_mem>>)
      %slice3A_183 = vector.extract_strided_slice %shift_right_logical3A_58 {offsets = [6], sizes = [1], strides = [1]} : vector<16xi32> to vector<1xi32>
      %squeeze3A_184 = vector.extract %slice3A_183[0] : i32 from vector<1xi32>
      %mul3A_185 = arith.constant 128 : i32
      %mul3A_186 = arith.muli %squeeze3A_184, %mul3A_185 : i32
      %multiple_of3A_187 = tpu.assume_multiple %mul3A_186, 128 : i32
      %dma_start3A_188 = arith.constant 0 : i32
      %dma_start3A_189 = arith.constant 0 : i32
      %dma_start3A_190 = arith.constant 96 : i32
      %dma_start3A_191 = arith.constant 0 : i32
      %dma_start3A_192 = tpu.memref_slice %arg10[%dma_start3A_188, %dma_start3A_190, %dma_start3A_191] : memref<3x256x128xf32, #tpu.memory_space<vmem>> -> memref<1x16x128xf32, #tpu.memory_space<vmem>>
      %dma_start3A_193 = tpu.memref_squeeze %dma_start3A_192 : memref<1x16x128xf32, #tpu.memory_space<vmem>> -> memref<16x128xf32, #tpu.memory_space<vmem>>
      %dma_start3A_194 = arith.constant 0 : i32
      %dma_start3A_195 = tpu.memref_slice %arg5[%dma_start3A_194, %multiple_of3A_187] : memref<16x1000000xf32, #tpu.memory_space<hbm>> -> memref<16x128xf32, #tpu.memory_space<hbm>>
      %dma_start3A_196 = tpu.memref_slice %arg13[%dma_start3A_189] : memref<3x!tpu.dma_semaphore, #tpu.memory_space<semaphore_mem>> -> memref<1x!tpu.dma_semaphore, #tpu.memory_space<semaphore_mem>>
      %dma_start3A_197 = tpu.memref_squeeze %dma_start3A_196 : memref<1x!tpu.dma_semaphore, #tpu.memory_space<semaphore_mem>> -> memref<!tpu.dma_semaphore, #tpu.memory_space<semaphore_mem>>
      %dma_start3A_198 = arith.constant 96 : i32
      %dma_start3A_199 = arith.constant 0 : i32
      %dma_start3A_200 = tpu.memref_slice %arg10[%dma_start3A_188, %dma_start3A_198, %dma_start3A_199] : memref<3x256x128xf32, #tpu.memory_space<vmem>> -> memref<1x16x128xf32, #tpu.memory_space<vmem>>
      %dma_start3A_201 = tpu.memref_squeeze %dma_start3A_200 : memref<1x16x128xf32, #tpu.memory_space<vmem>> -> memref<16x128xf32, #tpu.memory_space<vmem>>
      %dma_start3A_202 = arith.constant 0 : i32
      %dma_start3A_203 = tpu.memref_slice %arg5[%dma_start3A_202, %multiple_of3A_187] : memref<16x1000000xf32, #tpu.memory_space<hbm>> -> memref<16x128xf32, #tpu.memory_space<hbm>>
      tpu.enqueue_dma source(%dma_start3A_203 : memref<16x128xf32, #tpu.memory_space<hbm>>) target(%dma_start3A_201 : memref<16x128xf32, #tpu.memory_space<vmem>>) target_semaphore(%dma_start3A_197 : memref<!tpu.dma_semaphore, #tpu.memory_space<semaphore_mem>>)
      %slice3A_204 = vector.extract_strided_slice %shift_right_logical3A_58 {offsets = [7], sizes = [1], strides = [1]} : vector<16xi32> to vector<1xi32>
      %squeeze3A_205 = vector.extract %slice3A_204[0] : i32 from vector<1xi32>
      %mul3A_206 = arith.constant 128 : i32
      %mul3A_207 = arith.muli %squeeze3A_205, %mul3A_206 : i32
      %multiple_of3A_208 = tpu.assume_multiple %mul3A_207, 128 : i32
      %dma_start3A_209 = arith.constant 0 : i32
      %dma_start3A_210 = arith.constant 0 : i32
      %dma_start3A_211 = arith.constant 112 : i32
      %dma_start3A_212 = arith.constant 0 : i32
      %dma_start3A_213 = tpu.memref_slice %arg10[%dma_start3A_209, %dma_start3A_211, %dma_start3A_212] : memref<3x256x128xf32, #tpu.memory_space<vmem>> -> memref<1x16x128xf32, #tpu.memory_space<vmem>>
      %dma_start3A_214 = tpu.memref_squeeze %dma_start3A_213 : memref<1x16x128xf32, #tpu.memory_space<vmem>> -> memref<16x128xf32, #tpu.memory_space<vmem>>
      %dma_start3A_215 = arith.constant 0 : i32
      %dma_start3A_216 = tpu.memref_slice %arg5[%dma_start3A_215, %multiple_of3A_208] : memref<16x1000000xf32, #tpu.memory_space<hbm>> -> memref<16x128xf32, #tpu.memory_space<hbm>>
      %dma_start3A_217 = tpu.memref_slice %arg13[%dma_start3A_210] : memref<3x!tpu.dma_semaphore, #tpu.memory_space<semaphore_mem>> -> memref<1x!tpu.dma_semaphore, #tpu.memory_space<semaphore_mem>>
      %dma_start3A_218 = tpu.memref_squeeze %dma_start3A_217 : memref<1x!tpu.dma_semaphore, #tpu.memory_space<semaphore_mem>> -> memref<!tpu.dma_semaphore, #tpu.memory_space<semaphore_mem>>
      %dma_start3A_219 = arith.constant 112 : i32
      %dma_start3A_220 = arith.constant 0 : i32
      %dma_start3A_221 = tpu.memref_slice %arg10[%dma_start3A_209, %dma_start3A_219, %dma_start3A_220] : memref<3x256x128xf32, #tpu.memory_space<vmem>> -> memref<1x16x128xf32, #tpu.memory_space<vmem>>
      %dma_start3A_222 = tpu.memref_squeeze %dma_start3A_221 : memref<1x16x128xf32, #tpu.memory_space<vmem>> -> memref<16x128xf32, #tpu.memory_space<vmem>>
      %dma_start3A_223 = arith.constant 0 : i32
      %dma_start3A_224 = tpu.memref_slice %arg5[%dma_start3A_223, %multiple_of3A_208] : memref<16x1000000xf32, #tpu.memory_space<hbm>> -> memref<16x128xf32, #tpu.memory_space<hbm>>
      tpu.enqueue_dma source(%dma_start3A_224 : memref<16x128xf32, #tpu.memory_space<hbm>>) target(%dma_start3A_222 : memref<16x128xf32, #tpu.memory_space<vmem>>) target_semaphore(%dma_start3A_218 : memref<!tpu.dma_semaphore, #tpu.memory_space<semaphore_mem>>)
      %slice3A_225 = vector.extract_strided_slice %shift_right_logical3A_58 {offsets = [8], sizes = [1], strides = [1]} : vector<16xi32> to vector<1xi32>
      %squeeze3A_226 = vector.extract %slice3A_225[0] : i32 from vector<1xi32>
      %mul3A_227 = arith.constant 128 : i32
      %mul3A_228 = arith.muli %squeeze3A_226, %mul3A_227 : i32
      %multiple_of3A_229 = tpu.assume_multiple %mul3A_228, 128 : i32
      %dma_start3A_230 = arith.constant 0 : i32
      %dma_start3A_231 = arith.constant 0 : i32
      %dma_start3A_232 = arith.constant 128 : i32
      %dma_start3A_233 = arith.constant 0 : i32
      %dma_start3A_234 = tpu.memref_slice %arg10[%dma_start3A_230, %dma_start3A_232, %dma_start3A_233] : memref<3x256x128xf32, #tpu.memory_space<vmem>> -> memref<1x16x128xf32, #tpu.memory_space<vmem>>
      %dma_start3A_235 = tpu.memref_squeeze %dma_start3A_234 : memref<1x16x128xf32, #tpu.memory_space<vmem>> -> memref<16x128xf32, #tpu.memory_space<vmem>>
      %dma_start3A_236 = arith.constant 0 : i32
      %dma_start3A_237 = tpu.memref_slice %arg5[%dma_start3A_236, %multiple_of3A_229] : memref<16x1000000xf32, #tpu.memory_space<hbm>> -> memref<16x128xf32, #tpu.memory_space<hbm>>
      %dma_start3A_238 = tpu.memref_slice %arg13[%dma_start3A_231] : memref<3x!tpu.dma_semaphore, #tpu.memory_space<semaphore_mem>> -> memref<1x!tpu.dma_semaphore, #tpu.memory_space<semaphore_mem>>
      %dma_start3A_239 = tpu.memref_squeeze %dma_start3A_238 : memref<1x!tpu.dma_semaphore, #tpu.memory_space<semaphore_mem>> -> memref<!tpu.dma_semaphore, #tpu.memory_space<semaphore_mem>>
      %dma_start3A_240 = arith.constant 128 : i32
      %dma_start3A_241 = arith.constant 0 : i32
      %dma_start3A_242 = tpu.memref_slice %arg10[%dma_start3A_230, %dma_start3A_240, %dma_start3A_241] : memref<3x256x128xf32, #tpu.memory_space<vmem>> -> memref<1x16x128xf32, #tpu.memory_space<vmem>>
      %dma_start3A_243 = tpu.memref_squeeze %dma_start3A_242 : memref<1x16x128xf32, #tpu.memory_space<vmem>> -> memref<16x128xf32, #tpu.memory_space<vmem>>
      %dma_start3A_244 = arith.constant 0 : i32
      %dma_start3A_245 = tpu.memref_slice %arg5[%dma_start3A_244, %multiple_of3A_229] : memref<16x1000000xf32, #tpu.memory_space<hbm>> -> memref<16x128xf32, #tpu.memory_space<hbm>>
      tpu.enqueue_dma source(%dma_start3A_245 : memref<16x128xf32, #tpu.memory_space<hbm>>) target(%dma_start3A_243 : memref<16x128xf32, #tpu.memory_space<vmem>>) target_semaphore(%dma_start3A_239 : memref<!tpu.dma_semaphore, #tpu.memory_space<semaphore_mem>>)
      %slice3A_246 = vector.extract_strided_slice %shift_right_logical3A_58 {offsets = [9], sizes = [1], strides = [1]} : vector<16xi32> to vector<1xi32>
      %squeeze3A_247 = vector.extract %slice3A_246[0] : i32 from vector<1xi32>
      %mul3A_248 = arith.constant 128 : i32
      %mul3A_249 = arith.muli %squeeze3A_247, %mul3A_248 : i32
      %multiple_of3A_250 = tpu.assume_multiple %mul3A_249, 128 : i32
      %dma_start3A_251 = arith.constant 0 : i32
      %dma_start3A_252 = arith.constant 0 : i32
      %dma_start3A_253 = arith.constant 144 : i32
      %dma_start3A_254 = arith.constant 0 : i32
      %dma_start3A_255 = tpu.memref_slice %arg10[%dma_start3A_251, %dma_start3A_253, %dma_start3A_254] : memref<3x256x128xf32, #tpu.memory_space<vmem>> -> memref<1x16x128xf32, #tpu.memory_space<vmem>>
      %dma_start3A_256 = tpu.memref_squeeze %dma_start3A_255 : memref<1x16x128xf32, #tpu.memory_space<vmem>> -> memref<16x128xf32, #tpu.memory_space<vmem>>
      %dma_start3A_257 = arith.constant 0 : i32
      %dma_start3A_258 = tpu.memref_slice %arg5[%dma_start3A_257, %multiple_of3A_250] : memref<16x1000000xf32, #tpu.memory_space<hbm>> -> memref<16x128xf32, #tpu.memory_space<hbm>>
      %dma_start3A_259 = tpu.memref_slice %arg13[%dma_start3A_252] : memref<3x!tpu.dma_semaphore, #tpu.memory_space<semaphore_mem>> -> memref<1x!tpu.dma_semaphore, #tpu.memory_space<semaphore_mem>>
      %dma_start3A_260 = tpu.memref_squeeze %dma_start3A_259 : memref<1x!tpu.dma_semaphore, #tpu.memory_space<semaphore_mem>> -> memref<!tpu.dma_semaphore, #tpu.memory_space<semaphore_mem>>
      %dma_start3A_261 = arith.constant 144 : i32
      %dma_start3A_262 = arith.constant 0 : i32
      %dma_start3A_263 = tpu.memref_slice %arg10[%dma_start3A_251, %dma_start3A_261, %dma_start3A_262] : memref<3x256x128xf32, #tpu.memory_space<vmem>> -> memref<1x16x128xf32, #tpu.memory_space<vmem>>
      %dma_start3A_264 = tpu.memref_squeeze %dma_start3A_263 : memref<1x16x128xf32, #tpu.memory_space<vmem>> -> memref<16x128xf32, #tpu.memory_space<vmem>>
      %dma_start3A_265 = arith.constant 0 : i32
      %dma_start3A_266 = tpu.memref_slice %arg5[%dma_start3A_265, %multiple_of3A_250] : memref<16x1000000xf32, #tpu.memory_space<hbm>> -> memref<16x128xf32, #tpu.memory_space<hbm>>
      tpu.enqueue_dma source(%dma_start3A_266 : memref<16x128xf32, #tpu.memory_space<hbm>>) target(%dma_start3A_264 : memref<16x128xf32, #tpu.memory_space<vmem>>) target_semaphore(%dma_start3A_260 : memref<!tpu.dma_semaphore, #tpu.memory_space<semaphore_mem>>)
      %slice3A_267 = vector.extract_strided_slice %shift_right_logical3A_58 {offsets = [10], sizes = [1], strides = [1]} : vector<16xi32> to vector<1xi32>
      %squeeze3A_268 = vector.extract %slice3A_267[0] : i32 from vector<1xi32>
      %mul3A_269 = arith.constant 128 : i32
      %mul3A_270 = arith.muli %squeeze3A_268, %mul3A_269 : i32
      %multiple_of3A_271 = tpu.assume_multiple %mul3A_270, 128 : i32
      %dma_start3A_272 = arith.constant 0 : i32
      %dma_start3A_273 = arith.constant 0 : i32
      %dma_start3A_274 = arith.constant 160 : i32
      %dma_start3A_275 = arith.constant 0 : i32
      %dma_start3A_276 = tpu.memref_slice %arg10[%dma_start3A_272, %dma_start3A_274, %dma_start3A_275] : memref<3x256x128xf32, #tpu.memory_space<vmem>> -> memref<1x16x128xf32, #tpu.memory_space<vmem>>
      %dma_start3A_277 = tpu.memref_squeeze %dma_start3A_276 : memref<1x16x128xf32, #tpu.memory_space<vmem>> -> memref<16x128xf32, #tpu.memory_space<vmem>>
      %dma_start3A_278 = arith.constant 0 : i32
      %dma_start3A_279 = tpu.memref_slice %arg5[%dma_start3A_278, %multiple_of3A_271] : memref<16x1000000xf32, #tpu.memory_space<hbm>> -> memref<16x128xf32, #tpu.memory_space<hbm>>
      %dma_start3A_280 = tpu.memref_slice %arg13[%dma_start3A_273] : memref<3x!tpu.dma_semaphore, #tpu.memory_space<semaphore_mem>> -> memref<1x!tpu.dma_semaphore, #tpu.memory_space<semaphore_mem>>
      %dma_start3A_281 = tpu.memref_squeeze %dma_start3A_280 : memref<1x!tpu.dma_semaphore, #tpu.memory_space<semaphore_mem>> -> memref<!tpu.dma_semaphore, #tpu.memory_space<semaphore_mem>>
      %dma_start3A_282 = arith.constant 160 : i32
      %dma_start3A_283 = arith.constant 0 : i32
      %dma_start3A_284 = tpu.memref_slice %arg10[%dma_start3A_272, %dma_start3A_282, %dma_start3A_283] : memref<3x256x128xf32, #tpu.memory_space<vmem>> -> memref<1x16x128xf32, #tpu.memory_space<vmem>>
      %dma_start3A_285 = tpu.memref_squeeze %dma_start3A_284 : memref<1x16x128xf32, #tpu.memory_space<vmem>> -> memref<16x128xf32, #tpu.memory_space<vmem>>
      %dma_start3A_286 = arith.constant 0 : i32
      %dma_start3A_287 = tpu.memref_slice %arg5[%dma_start3A_286, %multiple_of3A_271] : memref<16x1000000xf32, #tpu.memory_space<hbm>> -> memref<16x128xf32, #tpu.memory_space<hbm>>
      tpu.enqueue_dma source(%dma_start3A_287 : memref<16x128xf32, #tpu.memory_space<hbm>>) target(%dma_start3A_285 : memref<16x128xf32, #tpu.memory_space<vmem>>) target_semaphore(%dma_start3A_281 : memref<!tpu.dma_semaphore, #tpu.memory_space<semaphore_mem>>)
      %slice3A_288 = vector.extract_strided_slice %shift_right_logical3A_58 {offsets = [11], sizes = [1], strides = [1]} : vector<16xi32> to vector<1xi32>
      %squeeze3A_289 = vector.extract %slice3A_288[0] : i32 from vector<1xi32>
      %mul3A_290 = arith.constant 128 : i32
      %mul3A_291 = arith.muli %squeeze3A_289, %mul3A_290 : i32
      %multiple_of3A_292 = tpu.assume_multiple %mul3A_291, 128 : i32
      %dma_start3A_293 = arith.constant 0 : i32
      %dma_start3A_294 = arith.constant 0 : i32
      %dma_start3A_295 = arith.constant 176 : i32
      %dma_start3A_296 = arith.constant 0 : i32
      %dma_start3A_297 = tpu.memref_slice %arg10[%dma_start3A_293, %dma_start3A_295, %dma_start3A_296] : memref<3x256x128xf32, #tpu.memory_space<vmem>> -> memref<1x16x128xf32, #tpu.memory_space<vmem>>
      %dma_start3A_298 = tpu.memref_squeeze %dma_start3A_297 : memref<1x16x128xf32, #tpu.memory_space<vmem>> -> memref<16x128xf32, #tpu.memory_space<vmem>>
      %dma_start3A_299 = arith.constant 0 : i32
      %dma_start3A_300 = tpu.memref_slice %arg5[%dma_start3A_299, %multiple_of3A_292] : memref<16x1000000xf32, #tpu.memory_space<hbm>> -> memref<16x128xf32, #tpu.memory_space<hbm>>
      %dma_start3A_301 = tpu.memref_slice %arg13[%dma_start3A_294] : memref<3x!tpu.dma_semaphore, #tpu.memory_space<semaphore_mem>> -> memref<1x!tpu.dma_semaphore, #tpu.memory_space<semaphore_mem>>
      %dma_start3A_302 = tpu.memref_squeeze %dma_start3A_301 : memref<1x!tpu.dma_semaphore, #tpu.memory_space<semaphore_mem>> -> memref<!tpu.dma_semaphore, #tpu.memory_space<semaphore_mem>>
      %dma_start3A_303 = arith.constant 176 : i32
      %dma_start3A_304 = arith.constant 0 : i32
      %dma_start3A_305 = tpu.memref_slice %arg10[%dma_start3A_293, %dma_start3A_303, %dma_start3A_304] : memref<3x256x128xf32, #tpu.memory_space<vmem>> -> memref<1x16x128xf32, #tpu.memory_space<vmem>>
      %dma_start3A_306 = tpu.memref_squeeze %dma_start3A_305 : memref<1x16x128xf32, #tpu.memory_space<vmem>> -> memref<16x128xf32, #tpu.memory_space<vmem>>
      %dma_start3A_307 = arith.constant 0 : i32
      %dma_start3A_308 = tpu.memref_slice %arg5[%dma_start3A_307, %multiple_of3A_292] : memref<16x1000000xf32, #tpu.memory_space<hbm>> -> memref<16x128xf32, #tpu.memory_space<hbm>>
      tpu.enqueue_dma source(%dma_start3A_308 : memref<16x128xf32, #tpu.memory_space<hbm>>) target(%dma_start3A_306 : memref<16x128xf32, #tpu.memory_space<vmem>>) target_semaphore(%dma_start3A_302 : memref<!tpu.dma_semaphore, #tpu.memory_space<semaphore_mem>>)
      %slice3A_309 = vector.extract_strided_slice %shift_right_logical3A_58 {offsets = [12], sizes = [1], strides = [1]} : vector<16xi32> to vector<1xi32>
      %squeeze3A_310 = vector.extract %slice3A_309[0] : i32 from vector<1xi32>
      %mul3A_311 = arith.constant 128 : i32
      %mul3A_312 = arith.muli %squeeze3A_310, %mul3A_311 : i32
      %multiple_of3A_313 = tpu.assume_multiple %mul3A_312, 128 : i32
      %dma_start3A_314 = arith.constant 0 : i32
      %dma_start3A_315 = arith.constant 0 : i32
      %dma_start3A_316 = arith.constant 192 : i32
      %dma_start3A_317 = arith.constant 0 : i32
      %dma_start3A_318 = tpu.memref_slice %arg10[%dma_start3A_314, %dma_start3A_316, %dma_start3A_317] : memref<3x256x128xf32, #tpu.memory_space<vmem>> -> memref<1x16x128xf32, #tpu.memory_space<vmem>>
      %dma_start3A_319 = tpu.memref_squeeze %dma_start3A_318 : memref<1x16x128xf32, #tpu.memory_space<vmem>> -> memref<16x128xf32, #tpu.memory_space<vmem>>
      %dma_start3A_320 = arith.constant 0 : i32
      %dma_start3A_321 = tpu.memref_slice %arg5[%dma_start3A_320, %multiple_of3A_313] : memref<16x1000000xf32, #tpu.memory_space<hbm>> -> memref<16x128xf32, #tpu.memory_space<hbm>>
      %dma_start3A_322 = tpu.memref_slice %arg13[%dma_start3A_315] : memref<3x!tpu.dma_semaphore, #tpu.memory_space<semaphore_mem>> -> memref<1x!tpu.dma_semaphore, #tpu.memory_space<semaphore_mem>>
      %dma_start3A_323 = tpu.memref_squeeze %dma_start3A_322 : memref<1x!tpu.dma_semaphore, #tpu.memory_space<semaphore_mem>> -> memref<!tpu.dma_semaphore, #tpu.memory_space<semaphore_mem>>
      %dma_start3A_324 = arith.constant 192 : i32
      %dma_start3A_325 = arith.constant 0 : i32
      %dma_start3A_326 = tpu.memref_slice %arg10[%dma_start3A_314, %dma_start3A_324, %dma_start3A_325] : memref<3x256x128xf32, #tpu.memory_space<vmem>> -> memref<1x16x128xf32, #tpu.memory_space<vmem>>
      %dma_start3A_327 = tpu.memref_squeeze %dma_start3A_326 : memref<1x16x128xf32, #tpu.memory_space<vmem>> -> memref<16x128xf32, #tpu.memory_space<vmem>>
      %dma_start3A_328 = arith.constant 0 : i32
      %dma_start3A_329 = tpu.memref_slice %arg5[%dma_start3A_328, %multiple_of3A_313] : memref<16x1000000xf32, #tpu.memory_space<hbm>> -> memref<16x128xf32, #tpu.memory_space<hbm>>
      tpu.enqueue_dma source(%dma_start3A_329 : memref<16x128xf32, #tpu.memory_space<hbm>>) target(%dma_start3A_327 : memref<16x128xf32, #tpu.memory_space<vmem>>) target_semaphore(%dma_start3A_323 : memref<!tpu.dma_semaphore, #tpu.memory_space<semaphore_mem>>)
      %slice3A_330 = vector.extract_strided_slice %shift_right_logical3A_58 {offsets = [13], sizes = [1], strides = [1]} : vector<16xi32> to vector<1xi32>
      %squeeze3A_331 = vector.extract %slice3A_330[0] : i32 from vector<1xi32>
      %mul3A_332 = arith.constant 128 : i32
      %mul3A_333 = arith.muli %squeeze3A_331, %mul3A_332 : i32
      %multiple_of3A_334 = tpu.assume_multiple %mul3A_333, 128 : i32
      %dma_start3A_335 = arith.constant 0 : i32
      %dma_start3A_336 = arith.constant 0 : i32
      %dma_start3A_337 = arith.constant 208 : i32
      %dma_start3A_338 = arith.constant 0 : i32
      %dma_start3A_339 = tpu.memref_slice %arg10[%dma_start3A_335, %dma_start3A_337, %dma_start3A_338] : memref<3x256x128xf32, #tpu.memory_space<vmem>> -> memref<1x16x128xf32, #tpu.memory_space<vmem>>
      %dma_start3A_340 = tpu.memref_squeeze %dma_start3A_339 : memref<1x16x128xf32, #tpu.memory_space<vmem>> -> memref<16x128xf32, #tpu.memory_space<vmem>>
      %dma_start3A_341 = arith.constant 0 : i32
      %dma_start3A_342 = tpu.memref_slice %arg5[%dma_start3A_341, %multiple_of3A_334] : memref<16x1000000xf32, #tpu.memory_space<hbm>> -> memref<16x128xf32, #tpu.memory_space<hbm>>
      %dma_start3A_343 = tpu.memref_slice %arg13[%dma_start3A_336] : memref<3x!tpu.dma_semaphore, #tpu.memory_space<semaphore_mem>> -> memref<1x!tpu.dma_semaphore, #tpu.memory_space<semaphore_mem>>
      %dma_start3A_344 = tpu.memref_squeeze %dma_start3A_343 : memref<1x!tpu.dma_semaphore, #tpu.memory_space<semaphore_mem>> -> memref<!tpu.dma_semaphore, #tpu.memory_space<semaphore_mem>>
      %dma_start3A_345 = arith.constant 208 : i32
      %dma_start3A_346 = arith.constant 0 : i32
      %dma_start3A_347 = tpu.memref_slice %arg10[%dma_start3A_335, %dma_start3A_345, %dma_start3A_346] : memref<3x256x128xf32, #tpu.memory_space<vmem>> -> memref<1x16x128xf32, #tpu.memory_space<vmem>>
      %dma_start3A_348 = tpu.memref_squeeze %dma_start3A_347 : memref<1x16x128xf32, #tpu.memory_space<vmem>> -> memref<16x128xf32, #tpu.memory_space<vmem>>
      %dma_start3A_349 = arith.constant 0 : i32
      %dma_start3A_350 = tpu.memref_slice %arg5[%dma_start3A_349, %multiple_of3A_334] : memref<16x1000000xf32, #tpu.memory_space<hbm>> -> memref<16x128xf32, #tpu.memory_space<hbm>>
      tpu.enqueue_dma source(%dma_start3A_350 : memref<16x128xf32, #tpu.memory_space<hbm>>) target(%dma_start3A_348 : memref<16x128xf32, #tpu.memory_space<vmem>>) target_semaphore(%dma_start3A_344 : memref<!tpu.dma_semaphore, #tpu.memory_space<semaphore_mem>>)
      %slice3A_351 = vector.extract_strided_slice %shift_right_logical3A_58 {offsets = [14], sizes = [1], strides = [1]} : vector<16xi32> to vector<1xi32>
      %squeeze3A_352 = vector.extract %slice3A_351[0] : i32 from vector<1xi32>
      %mul3A_353 = arith.constant 128 : i32
      %mul3A_354 = arith.muli %squeeze3A_352, %mul3A_353 : i32
      %multiple_of3A_355 = tpu.assume_multiple %mul3A_354, 128 : i32
      %dma_start3A_356 = arith.constant 0 : i32
      %dma_start3A_357 = arith.constant 0 : i32
      %dma_start3A_358 = arith.constant 224 : i32
      %dma_start3A_359 = arith.constant 0 : i32
      %dma_start3A_360 = tpu.memref_slice %arg10[%dma_start3A_356, %dma_start3A_358, %dma_start3A_359] : memref<3x256x128xf32, #tpu.memory_space<vmem>> -> memref<1x16x128xf32, #tpu.memory_space<vmem>>
      %dma_start3A_361 = tpu.memref_squeeze %dma_start3A_360 : memref<1x16x128xf32, #tpu.memory_space<vmem>> -> memref<16x128xf32, #tpu.memory_space<vmem>>
      %dma_start3A_362 = arith.constant 0 : i32
      %dma_start3A_363 = tpu.memref_slice %arg5[%dma_start3A_362, %multiple_of3A_355] : memref<16x1000000xf32, #tpu.memory_space<hbm>> -> memref<16x128xf32, #tpu.memory_space<hbm>>
      %dma_start3A_364 = tpu.memref_slice %arg13[%dma_start3A_357] : memref<3x!tpu.dma_semaphore, #tpu.memory_space<semaphore_mem>> -> memref<1x!tpu.dma_semaphore, #tpu.memory_space<semaphore_mem>>
      %dma_start3A_365 = tpu.memref_squeeze %dma_start3A_364 : memref<1x!tpu.dma_semaphore, #tpu.memory_space<semaphore_mem>> -> memref<!tpu.dma_semaphore, #tpu.memory_space<semaphore_mem>>
      %dma_start3A_366 = arith.constant 224 : i32
      %dma_start3A_367 = arith.constant 0 : i32
      %dma_start3A_368 = tpu.memref_slice %arg10[%dma_start3A_356, %dma_start3A_366, %dma_start3A_367] : memref<3x256x128xf32, #tpu.memory_space<vmem>> -> memref<1x16x128xf32, #tpu.memory_space<vmem>>
      %dma_start3A_369 = tpu.memref_squeeze %dma_start3A_368 : memref<1x16x128xf32, #tpu.memory_space<vmem>> -> memref<16x128xf32, #tpu.memory_space<vmem>>
      %dma_start3A_370 = arith.constant 0 : i32
      %dma_start3A_371 = tpu.memref_slice %arg5[%dma_start3A_370, %multiple_of3A_355] : memref<16x1000000xf32, #tpu.memory_space<hbm>> -> memref<16x128xf32, #tpu.memory_space<hbm>>
      tpu.enqueue_dma source(%dma_start3A_371 : memref<16x128xf32, #tpu.memory_space<hbm>>) target(%dma_start3A_369 : memref<16x128xf32, #tpu.memory_space<vmem>>) target_semaphore(%dma_start3A_365 : memref<!tpu.dma_semaphore, #tpu.memory_space<semaphore_mem>>)
      %slice3A_372 = vector.extract_strided_slice %shift_right_logical3A_58 {offsets = [15], sizes = [1], strides = [1]} : vector<16xi32> to vector<1xi32>
      %squeeze3A_373 = vector.extract %slice3A_372[0] : i32 from vector<1xi32>
      %mul3A_374 = arith.constant 128 : i32
      %mul3A_375 = arith.muli %squeeze3A_373, %mul3A_374 : i32
      %multiple_of3A_376 = tpu.assume_multiple %mul3A_375, 128 : i32
      %dma_start3A_377 = arith.constant 0 : i32
      %dma_start3A_378 = arith.constant 0 : i32
      %dma_start3A_379 = arith.constant 240 : i32
      %dma_start3A_380 = arith.constant 0 : i32
      %dma_start3A_381 = tpu.memref_slice %arg10[%dma_start3A_377, %dma_start3A_379, %dma_start3A_380] : memref<3x256x128xf32, #tpu.memory_space<vmem>> -> memref<1x16x128xf32, #tpu.memory_space<vmem>>
      %dma_start3A_382 = tpu.memref_squeeze %dma_start3A_381 : memref<1x16x128xf32, #tpu.memory_space<vmem>> -> memref<16x128xf32, #tpu.memory_space<vmem>>
      %dma_start3A_383 = arith.constant 0 : i32
      %dma_start3A_384 = tpu.memref_slice %arg5[%dma_start3A_383, %multiple_of3A_376] : memref<16x1000000xf32, #tpu.memory_space<hbm>> -> memref<16x128xf32, #tpu.memory_space<hbm>>
      %dma_start3A_385 = tpu.memref_slice %arg13[%dma_start3A_378] : memref<3x!tpu.dma_semaphore, #tpu.memory_space<semaphore_mem>> -> memref<1x!tpu.dma_semaphore, #tpu.memory_space<semaphore_mem>>
      %dma_start3A_386 = tpu.memref_squeeze %dma_start3A_385 : memref<1x!tpu.dma_semaphore, #tpu.memory_space<semaphore_mem>> -> memref<!tpu.dma_semaphore, #tpu.memory_space<semaphore_mem>>
      %dma_start3A_387 = arith.constant 240 : i32
      %dma_start3A_388 = arith.constant 0 : i32
      %dma_start3A_389 = tpu.memref_slice %arg10[%dma_start3A_377, %dma_start3A_387, %dma_start3A_388] : memref<3x256x128xf32, #tpu.memory_space<vmem>> -> memref<1x16x128xf32, #tpu.memory_space<vmem>>
      %dma_start3A_390 = tpu.memref_squeeze %dma_start3A_389 : memref<1x16x128xf32, #tpu.memory_space<vmem>> -> memref<16x128xf32, #tpu.memory_space<vmem>>
      %dma_start3A_391 = arith.constant 0 : i32
      %dma_start3A_392 = tpu.memref_slice %arg5[%dma_start3A_391, %multiple_of3A_376] : memref<16x1000000xf32, #tpu.memory_space<hbm>> -> memref<16x128xf32, #tpu.memory_space<hbm>>
      tpu.enqueue_dma source(%dma_start3A_392 : memref<16x128xf32, #tpu.memory_space<hbm>>) target(%dma_start3A_390 : memref<16x128xf32, #tpu.memory_space<vmem>>) target_semaphore(%dma_start3A_386 : memref<!tpu.dma_semaphore, #tpu.memory_space<semaphore_mem>>)
    } else {
    }
    %shift_right_logical3A_28 = arith.constant 1 : i32
    %shift_right_logical3A_29 = arith.constant 1 : i32
    %shift_right_logical3A_30 = arith.shrui %shift_right_logical3A_28, %shift_right_logical3A_29 : i32
    %rem3A_31 = arith.constant 1 : i32
    %rem3A_32 = arith.constant 2 : i32
    %rem3A_33 = arith.remsi %rem3A_31, %rem3A_32 : i32
    %eq3A_34 = arith.constant 0 : i32
    %eq3A_35 = arith.cmpi eq, %rem3A_33, %eq3A_34 : i32
    %convert_element_type3A_36 = arith.extui %eq3A_35 : i1 to i32
    %cond3A_37 = arith.constant 0 : i32
    %cond3A_38 = arith.cmpi ne, %convert_element_type3A_36, %cond3A_37 : i32
    scf.if %cond3A_38 {
      %mul3A_52 = arith.constant 16 : i32
      %mul3A_53 = arith.muli %shift_right_logical3A_30, %mul3A_52 : i32
      %get3A_54 = arith.index_cast %mul3A_53 : i32 to index
      %get3A_55 = tpu.vector_load %arg8[%get3A_54] {strides = array<i32>} : memref<512xi32, #tpu.memory_space<vmem>>, vector<16xi32>,
      %shift_right_logical3A_56 = arith.constant 7 : i32
      %shift_right_logical3A_57 = vector.broadcast %shift_right_logical3A_56 : i32 to vector<16xi32>
      %shift_right_logical3A_58 = arith.shrui %get3A_55, %shift_right_logical3A_57 : vector<16xi32>
      %slice3A_59 = vector.extract_strided_slice %shift_right_logical3A_58 {offsets = [0], sizes = [1], strides = [1]} : vector<16xi32> to vector<1xi32>
      %squeeze3A_60 = vector.extract %slice3A_59[0] : i32 from vector<1xi32>
      %mul3A_61 = arith.constant 128 : i32
      %mul3A_62 = arith.muli %squeeze3A_60, %mul3A_61 : i32
      %multiple_of3A = tpu.assume_multiple %mul3A_62, 128 : i32
      %dma_start3A = arith.constant 1 : i32
      %dma_start3A_63 = arith.constant 1 : i32
      %dma_start3A_64 = arith.constant 0 : i32
      %dma_start3A_65 = arith.constant 0 : i32
      %dma_start3A_66 = tpu.memref_slice %arg10[%dma_start3A, %dma_start3A_64, %dma_start3A_65] : memref<3x256x128xf32, #tpu.memory_space<vmem>> -> memref<1x16x128xf32, #tpu.memory_space<vmem>>
      %dma_start3A_67 = tpu.memref_squeeze %dma_start3A_66 : memref<1x16x128xf32, #tpu.memory_space<vmem>> -> memref<16x128xf32, #tpu.memory_space<vmem>>
      %dma_start3A_68 = arith.constant 0 : i32
      %dma_start3A_69 = tpu.memref_slice %arg4[%dma_start3A_68, %multiple_of3A] : memref<16x1000000xf32, #tpu.memory_space<hbm>> -> memref<16x128xf32, #tpu.memory_space<hbm>>
      %dma_start3A_70 = tpu.memref_slice %arg13[%dma_start3A_63] : memref<3x!tpu.dma_semaphore, #tpu.memory_space<semaphore_mem>> -> memref<1x!tpu.dma_semaphore, #tpu.memory_space<semaphore_mem>>
      %dma_start3A_71 = tpu.memref_squeeze %dma_start3A_70 : memref<1x!tpu.dma_semaphore, #tpu.memory_space<semaphore_mem>> -> memref<!tpu.dma_semaphore, #tpu.memory_space<semaphore_mem>>
      %dma_start3A_72 = arith.constant 0 : i32
      %dma_start3A_73 = arith.constant 0 : i32
      %dma_start3A_74 = tpu.memref_slice %arg10[%dma_start3A, %dma_start3A_72, %dma_start3A_73] : memref<3x256x128xf32, #tpu.memory_space<vmem>> -> memref<1x16x128xf32, #tpu.memory_space<vmem>>
      %dma_start3A_75 = tpu.memref_squeeze %dma_start3A_74 : memref<1x16x128xf32, #tpu.memory_space<vmem>> -> memref<16x128xf32, #tpu.memory_space<vmem>>
      %dma_start3A_76 = arith.constant 0 : i32
      %dma_start3A_77 = tpu.memref_slice %arg4[%dma_start3A_76, %multiple_of3A] : memref<16x1000000xf32, #tpu.memory_space<hbm>> -> memref<16x128xf32, #tpu.memory_space<hbm>>
      tpu.enqueue_dma source(%dma_start3A_77 : memref<16x128xf32, #tpu.memory_space<hbm>>) target(%dma_start3A_75 : memref<16x128xf32, #tpu.memory_space<vmem>>) target_semaphore(%dma_start3A_71 : memref<!tpu.dma_semaphore, #tpu.memory_space<semaphore_mem>>)
      %slice3A_78 = vector.extract_strided_slice %shift_right_logical3A_58 {offsets = [1], sizes = [1], strides = [1]} : vector<16xi32> to vector<1xi32>
      %squeeze3A_79 = vector.extract %slice3A_78[0] : i32 from vector<1xi32>
      %mul3A_80 = arith.constant 128 : i32
      %mul3A_81 = arith.muli %squeeze3A_79, %mul3A_80 : i32
      %multiple_of3A_82 = tpu.assume_multiple %mul3A_81, 128 : i32
      %dma_start3A_83 = arith.constant 1 : i32
      %dma_start3A_84 = arith.constant 1 : i32
      %dma_start3A_85 = arith.constant 16 : i32
      %dma_start3A_86 = arith.constant 0 : i32
      %dma_start3A_87 = tpu.memref_slice %arg10[%dma_start3A_83, %dma_start3A_85, %dma_start3A_86] : memref<3x256x128xf32, #tpu.memory_space<vmem>> -> memref<1x16x128xf32, #tpu.memory_space<vmem>>
      %dma_start3A_88 = tpu.memref_squeeze %dma_start3A_87 : memref<1x16x128xf32, #tpu.memory_space<vmem>> -> memref<16x128xf32, #tpu.memory_space<vmem>>
      %dma_start3A_89 = arith.constant 0 : i32
      %dma_start3A_90 = tpu.memref_slice %arg4[%dma_start3A_89, %multiple_of3A_82] : memref<16x1000000xf32, #tpu.memory_space<hbm>> -> memref<16x128xf32, #tpu.memory_space<hbm>>
      %dma_start3A_91 = tpu.memref_slice %arg13[%dma_start3A_84] : memref<3x!tpu.dma_semaphore, #tpu.memory_space<semaphore_mem>> -> memref<1x!tpu.dma_semaphore, #tpu.memory_space<semaphore_mem>>
      %dma_start3A_92 = tpu.memref_squeeze %dma_start3A_91 : memref<1x!tpu.dma_semaphore, #tpu.memory_space<semaphore_mem>> -> memref<!tpu.dma_semaphore, #tpu.memory_space<semaphore_mem>>
      %dma_start3A_93 = arith.constant 16 : i32
      %dma_start3A_94 = arith.constant 0 : i32
      %dma_start3A_95 = tpu.memref_slice %arg10[%dma_start3A_83, %dma_start3A_93, %dma_start3A_94] : memref<3x256x128xf32, #tpu.memory_space<vmem>> -> memref<1x16x128xf32, #tpu.memory_space<vmem>>
      %dma_start3A_96 = tpu.memref_squeeze %dma_start3A_95 : memref<1x16x128xf32, #tpu.memory_space<vmem>> -> memref<16x128xf32, #tpu.memory_space<vmem>>
      %dma_start3A_97 = arith.constant 0 : i32
      %dma_start3A_98 = tpu.memref_slice %arg4[%dma_start3A_97, %multiple_of3A_82] : memref<16x1000000xf32, #tpu.memory_space<hbm>> -> memref<16x128xf32, #tpu.memory_space<hbm>>
      tpu.enqueue_dma source(%dma_start3A_98 : memref<16x128xf32, #tpu.memory_space<hbm>>) target(%dma_start3A_96 : memref<16x128xf32, #tpu.memory_space<vmem>>) target_semaphore(%dma_start3A_92 : memref<!tpu.dma_semaphore, #tpu.memory_space<semaphore_mem>>)
      %slice3A_99 = vector.extract_strided_slice %shift_right_logical3A_58 {offsets = [2], sizes = [1], strides = [1]} : vector<16xi32> to vector<1xi32>
      %squeeze3A_100 = vector.extract %slice3A_99[0] : i32 from vector<1xi32>
      %mul3A_101 = arith.constant 128 : i32
      %mul3A_102 = arith.muli %squeeze3A_100, %mul3A_101 : i32
      %multiple_of3A_103 = tpu.assume_multiple %mul3A_102, 128 : i32
      %dma_start3A_104 = arith.constant 1 : i32
      %dma_start3A_105 = arith.constant 1 : i32
      %dma_start3A_106 = arith.constant 32 : i32
      %dma_start3A_107 = arith.constant 0 : i32
      %dma_start3A_108 = tpu.memref_slice %arg10[%dma_start3A_104, %dma_start3A_106, %dma_start3A_107] : memref<3x256x128xf32, #tpu.memory_space<vmem>> -> memref<1x16x128xf32, #tpu.memory_space<vmem>>
      %dma_start3A_109 = tpu.memref_squeeze %dma_start3A_108 : memref<1x16x128xf32, #tpu.memory_space<vmem>> -> memref<16x128xf32, #tpu.memory_space<vmem>>
      %dma_start3A_110 = arith.constant 0 : i32
      %dma_start3A_111 = tpu.memref_slice %arg4[%dma_start3A_110, %multiple_of3A_103] : memref<16x1000000xf32, #tpu.memory_space<hbm>> -> memref<16x128xf32, #tpu.memory_space<hbm>>
      %dma_start3A_112 = tpu.memref_slice %arg13[%dma_start3A_105] : memref<3x!tpu.dma_semaphore, #tpu.memory_space<semaphore_mem>> -> memref<1x!tpu.dma_semaphore, #tpu.memory_space<semaphore_mem>>
      %dma_start3A_113 = tpu.memref_squeeze %dma_start3A_112 : memref<1x!tpu.dma_semaphore, #tpu.memory_space<semaphore_mem>> -> memref<!tpu.dma_semaphore, #tpu.memory_space<semaphore_mem>>
      %dma_start3A_114 = arith.constant 32 : i32
      %dma_start3A_115 = arith.constant 0 : i32
      %dma_start3A_116 = tpu.memref_slice %arg10[%dma_start3A_104, %dma_start3A_114, %dma_start3A_115] : memref<3x256x128xf32, #tpu.memory_space<vmem>> -> memref<1x16x128xf32, #tpu.memory_space<vmem>>
      %dma_start3A_117 = tpu.memref_squeeze %dma_start3A_116 : memref<1x16x128xf32, #tpu.memory_space<vmem>> -> memref<16x128xf32, #tpu.memory_space<vmem>>
      %dma_start3A_118 = arith.constant 0 : i32
      %dma_start3A_119 = tpu.memref_slice %arg4[%dma_start3A_118, %multiple_of3A_103] : memref<16x1000000xf32, #tpu.memory_space<hbm>> -> memref<16x128xf32, #tpu.memory_space<hbm>>
      tpu.enqueue_dma source(%dma_start3A_119 : memref<16x128xf32, #tpu.memory_space<hbm>>) target(%dma_start3A_117 : memref<16x128xf32, #tpu.memory_space<vmem>>) target_semaphore(%dma_start3A_113 : memref<!tpu.dma_semaphore, #tpu.memory_space<semaphore_mem>>)
      %slice3A_120 = vector.extract_strided_slice %shift_right_logical3A_58 {offsets = [3], sizes = [1], strides = [1]} : vector<16xi32> to vector<1xi32>
      %squeeze3A_121 = vector.extract %slice3A_120[0] : i32 from vector<1xi32>
      %mul3A_122 = arith.constant 128 : i32
      %mul3A_123 = arith.muli %squeeze3A_121, %mul3A_122 : i32
      %multiple_of3A_124 = tpu.assume_multiple %mul3A_123, 128 : i32
      %dma_start3A_125 = arith.constant 1 : i32
      %dma_start3A_126 = arith.constant 1 : i32
      %dma_start3A_127 = arith.constant 48 : i32
      %dma_start3A_128 = arith.constant 0 : i32
      %dma_start3A_129 = tpu.memref_slice %arg10[%dma_start3A_125, %dma_start3A_127, %dma_start3A_128] : memref<3x256x128xf32, #tpu.memory_space<vmem>> -> memref<1x16x128xf32, #tpu.memory_space<vmem>>
      %dma_start3A_130 = tpu.memref_squeeze %dma_start3A_129 : memref<1x16x128xf32, #tpu.memory_space<vmem>> -> memref<16x128xf32, #tpu.memory_space<vmem>>
      %dma_start3A_131 = arith.constant 0 : i32
      %dma_start3A_132 = tpu.memref_slice %arg4[%dma_start3A_131, %multiple_of3A_124] : memref<16x1000000xf32, #tpu.memory_space<hbm>> -> memref<16x128xf32, #tpu.memory_space<hbm>>
      %dma_start3A_133 = tpu.memref_slice %arg13[%dma_start3A_126] : memref<3x!tpu.dma_semaphore, #tpu.memory_space<semaphore_mem>> -> memref<1x!tpu.dma_semaphore, #tpu.memory_space<semaphore_mem>>
      %dma_start3A_134 = tpu.memref_squeeze %dma_start3A_133 : memref<1x!tpu.dma_semaphore, #tpu.memory_space<semaphore_mem>> -> memref<!tpu.dma_semaphore, #tpu.memory_space<semaphore_mem>>
      %dma_start3A_135 = arith.constant 48 : i32
      %dma_start3A_136 = arith.constant 0 : i32
      %dma_start3A_137 = tpu.memref_slice %arg10[%dma_start3A_125, %dma_start3A_135, %dma_start3A_136] : memref<3x256x128xf32, #tpu.memory_space<vmem>> -> memref<1x16x128xf32, #tpu.memory_space<vmem>>
      %dma_start3A_138 = tpu.memref_squeeze %dma_start3A_137 : memref<1x16x128xf32, #tpu.memory_space<vmem>> -> memref<16x128xf32, #tpu.memory_space<vmem>>
      %dma_start3A_139 = arith.constant 0 : i32
      %dma_start3A_140 = tpu.memref_slice %arg4[%dma_start3A_139, %multiple_of3A_124] : memref<16x1000000xf32, #tpu.memory_space<hbm>> -> memref<16x128xf32, #tpu.memory_space<hbm>>
      tpu.enqueue_dma source(%dma_start3A_140 : memref<16x128xf32, #tpu.memory_space<hbm>>) target(%dma_start3A_138 : memref<16x128xf32, #tpu.memory_space<vmem>>) target_semaphore(%dma_start3A_134 : memref<!tpu.dma_semaphore, #tpu.memory_space<semaphore_mem>>)
      %slice3A_141 = vector.extract_strided_slice %shift_right_logical3A_58 {offsets = [4], sizes = [1], strides = [1]} : vector<16xi32> to vector<1xi32>
      %squeeze3A_142 = vector.extract %slice3A_141[0] : i32 from vector<1xi32>
      %mul3A_143 = arith.constant 128 : i32
      %mul3A_144 = arith.muli %squeeze3A_142, %mul3A_143 : i32
      %multiple_of3A_145 = tpu.assume_multiple %mul3A_144, 128 : i32
      %dma_start3A_146 = arith.constant 1 : i32
      %dma_start3A_147 = arith.constant 1 : i32
      %dma_start3A_148 = arith.constant 64 : i32
      %dma_start3A_149 = arith.constant 0 : i32
      %dma_start3A_150 = tpu.memref_slice %arg10[%dma_start3A_146, %dma_start3A_148, %dma_start3A_149] : memref<3x256x128xf32, #tpu.memory_space<vmem>> -> memref<1x16x128xf32, #tpu.memory_space<vmem>>
      %dma_start3A_151 = tpu.memref_squeeze %dma_start3A_150 : memref<1x16x128xf32, #tpu.memory_space<vmem>> -> memref<16x128xf32, #tpu.memory_space<vmem>>
      %dma_start3A_152 = arith.constant 0 : i32
      %dma_start3A_153 = tpu.memref_slice %arg4[%dma_start3A_152, %multiple_of3A_145] : memref<16x1000000xf32, #tpu.memory_space<hbm>> -> memref<16x128xf32, #tpu.memory_space<hbm>>
      %dma_start3A_154 = tpu.memref_slice %arg13[%dma_start3A_147] : memref<3x!tpu.dma_semaphore, #tpu.memory_space<semaphore_mem>> -> memref<1x!tpu.dma_semaphore, #tpu.memory_space<semaphore_mem>>
      %dma_start3A_155 = tpu.memref_squeeze %dma_start3A_154 : memref<1x!tpu.dma_semaphore, #tpu.memory_space<semaphore_mem>> -> memref<!tpu.dma_semaphore, #tpu.memory_space<semaphore_mem>>
      %dma_start3A_156 = arith.constant 64 : i32
      %dma_start3A_157 = arith.constant 0 : i32
      %dma_start3A_158 = tpu.memref_slice %arg10[%dma_start3A_146, %dma_start3A_156, %dma_start3A_157] : memref<3x256x128xf32, #tpu.memory_space<vmem>> -> memref<1x16x128xf32, #tpu.memory_space<vmem>>
      %dma_start3A_159 = tpu.memref_squeeze %dma_start3A_158 : memref<1x16x128xf32, #tpu.memory_space<vmem>> -> memref<16x128xf32, #tpu.memory_space<vmem>>
      %dma_start3A_160 = arith.constant 0 : i32
      %dma_start3A_161 = tpu.memref_slice %arg4[%dma_start3A_160, %multiple_of3A_145] : memref<16x1000000xf32, #tpu.memory_space<hbm>> -> memref<16x128xf32, #tpu.memory_space<hbm>>
      tpu.enqueue_dma source(%dma_start3A_161 : memref<16x128xf32, #tpu.memory_space<hbm>>) target(%dma_start3A_159 : memref<16x128xf32, #tpu.memory_space<vmem>>) target_semaphore(%dma_start3A_155 : memref<!tpu.dma_semaphore, #tpu.memory_space<semaphore_mem>>)
      %slice3A_162 = vector.extract_strided_slice %shift_right_logical3A_58 {offsets = [5], sizes = [1], strides = [1]} : vector<16xi32> to vector<1xi32>
      %squeeze3A_163 = vector.extract %slice3A_162[0] : i32 from vector<1xi32>
      %mul3A_164 = arith.constant 128 : i32
      %mul3A_165 = arith.muli %squeeze3A_163, %mul3A_164 : i32
      %multiple_of3A_166 = tpu.assume_multiple %mul3A_165, 128 : i32
      %dma_start3A_167 = arith.constant 1 : i32
      %dma_start3A_168 = arith.constant 1 : i32
      %dma_start3A_169 = arith.constant 80 : i32
      %dma_start3A_170 = arith.constant 0 : i32
      %dma_start3A_171 = tpu.memref_slice %arg10[%dma_start3A_167, %dma_start3A_169, %dma_start3A_170] : memref<3x256x128xf32, #tpu.memory_space<vmem>> -> memref<1x16x128xf32, #tpu.memory_space<vmem>>
      %dma_start3A_172 = tpu.memref_squeeze %dma_start3A_171 : memref<1x16x128xf32, #tpu.memory_space<vmem>> -> memref<16x128xf32, #tpu.memory_space<vmem>>
      %dma_start3A_173 = arith.constant 0 : i32
      %dma_start3A_174 = tpu.memref_slice %arg4[%dma_start3A_173, %multiple_of3A_166] : memref<16x1000000xf32, #tpu.memory_space<hbm>> -> memref<16x128xf32, #tpu.memory_space<hbm>>
      %dma_start3A_175 = tpu.memref_slice %arg13[%dma_start3A_168] : memref<3x!tpu.dma_semaphore, #tpu.memory_space<semaphore_mem>> -> memref<1x!tpu.dma_semaphore, #tpu.memory_space<semaphore_mem>>
      %dma_start3A_176 = tpu.memref_squeeze %dma_start3A_175 : memref<1x!tpu.dma_semaphore, #tpu.memory_space<semaphore_mem>> -> memref<!tpu.dma_semaphore, #tpu.memory_space<semaphore_mem>>
      %dma_start3A_177 = arith.constant 80 : i32
      %dma_start3A_178 = arith.constant 0 : i32
      %dma_start3A_179 = tpu.memref_slice %arg10[%dma_start3A_167, %dma_start3A_177, %dma_start3A_178] : memref<3x256x128xf32, #tpu.memory_space<vmem>> -> memref<1x16x128xf32, #tpu.memory_space<vmem>>
      %dma_start3A_180 = tpu.memref_squeeze %dma_start3A_179 : memref<1x16x128xf32, #tpu.memory_space<vmem>> -> memref<16x128xf32, #tpu.memory_space<vmem>>
      %dma_start3A_181 = arith.constant 0 : i32
      %dma_start3A_182 = tpu.memref_slice %arg4[%dma_start3A_181, %multiple_of3A_166] : memref<16x1000000xf32, #tpu.memory_space<hbm>> -> memref<16x128xf32, #tpu.memory_space<hbm>>
      tpu.enqueue_dma source(%dma_start3A_182 : memref<16x128xf32, #tpu.memory_space<hbm>>) target(%dma_start3A_180 : memref<16x128xf32, #tpu.memory_space<vmem>>) target_semaphore(%dma_start3A_176 : memref<!tpu.dma_semaphore, #tpu.memory_space<semaphore_mem>>)
      %slice3A_183 = vector.extract_strided_slice %shift_right_logical3A_58 {offsets = [6], sizes = [1], strides = [1]} : vector<16xi32> to vector<1xi32>
      %squeeze3A_184 = vector.extract %slice3A_183[0] : i32 from vector<1xi32>
      %mul3A_185 = arith.constant 128 : i32
      %mul3A_186 = arith.muli %squeeze3A_184, %mul3A_185 : i32
      %multiple_of3A_187 = tpu.assume_multiple %mul3A_186, 128 : i32
      %dma_start3A_188 = arith.constant 1 : i32
      %dma_start3A_189 = arith.constant 1 : i32
      %dma_start3A_190 = arith.constant 96 : i32
      %dma_start3A_191 = arith.constant 0 : i32
      %dma_start3A_192 = tpu.memref_slice %arg10[%dma_start3A_188, %dma_start3A_190, %dma_start3A_191] : memref<3x256x128xf32, #tpu.memory_space<vmem>> -> memref<1x16x128xf32, #tpu.memory_space<vmem>>
      %dma_start3A_193 = tpu.memref_squeeze %dma_start3A_192 : memref<1x16x128xf32, #tpu.memory_space<vmem>> -> memref<16x128xf32, #tpu.memory_space<vmem>>
      %dma_start3A_194 = arith.constant 0 : i32
      %dma_start3A_195 = tpu.memref_slice %arg4[%dma_start3A_194, %multiple_of3A_187] : memref<16x1000000xf32, #tpu.memory_space<hbm>> -> memref<16x128xf32, #tpu.memory_space<hbm>>
      %dma_start3A_196 = tpu.memref_slice %arg13[%dma_start3A_189] : memref<3x!tpu.dma_semaphore, #tpu.memory_space<semaphore_mem>> -> memref<1x!tpu.dma_semaphore, #tpu.memory_space<semaphore_mem>>
      %dma_start3A_197 = tpu.memref_squeeze %dma_start3A_196 : memref<1x!tpu.dma_semaphore, #tpu.memory_space<semaphore_mem>> -> memref<!tpu.dma_semaphore, #tpu.memory_space<semaphore_mem>>
      %dma_start3A_198 = arith.constant 96 : i32
      %dma_start3A_199 = arith.constant 0 : i32
      %dma_start3A_200 = tpu.memref_slice %arg10[%dma_start3A_188, %dma_start3A_198, %dma_start3A_199] : memref<3x256x128xf32, #tpu.memory_space<vmem>> -> memref<1x16x128xf32, #tpu.memory_space<vmem>>
      %dma_start3A_201 = tpu.memref_squeeze %dma_start3A_200 : memref<1x16x128xf32, #tpu.memory_space<vmem>> -> memref<16x128xf32, #tpu.memory_space<vmem>>
      %dma_start3A_202 = arith.constant 0 : i32
      %dma_start3A_203 = tpu.memref_slice %arg4[%dma_start3A_202, %multiple_of3A_187] : memref<16x1000000xf32, #tpu.memory_space<hbm>> -> memref<16x128xf32, #tpu.memory_space<hbm>>
      tpu.enqueue_dma source(%dma_start3A_203 : memref<16x128xf32, #tpu.memory_space<hbm>>) target(%dma_start3A_201 : memref<16x128xf32, #tpu.memory_space<vmem>>) target_semaphore(%dma_start3A_197 : memref<!tpu.dma_semaphore, #tpu.memory_space<semaphore_mem>>)
      %slice3A_204 = vector.extract_strided_slice %shift_right_logical3A_58 {offsets = [7], sizes = [1], strides = [1]} : vector<16xi32> to vector<1xi32>
      %squeeze3A_205 = vector.extract %slice3A_204[0] : i32 from vector<1xi32>
      %mul3A_206 = arith.constant 128 : i32
      %mul3A_207 = arith.muli %squeeze3A_205, %mul3A_206 : i32
      %multiple_of3A_208 = tpu.assume_multiple %mul3A_207, 128 : i32
      %dma_start3A_209 = arith.constant 1 : i32
      %dma_start3A_210 = arith.constant 1 : i32
      %dma_start3A_211 = arith.constant 112 : i32
      %dma_start3A_212 = arith.constant 0 : i32
      %dma_start3A_213 = tpu.memref_slice %arg10[%dma_start3A_209, %dma_start3A_211, %dma_start3A_212] : memref<3x256x128xf32, #tpu.memory_space<vmem>> -> memref<1x16x128xf32, #tpu.memory_space<vmem>>
      %dma_start3A_214 = tpu.memref_squeeze %dma_start3A_213 : memref<1x16x128xf32, #tpu.memory_space<vmem>> -> memref<16x128xf32, #tpu.memory_space<vmem>>
      %dma_start3A_215 = arith.constant 0 : i32
      %dma_start3A_216 = tpu.memref_slice %arg4[%dma_start3A_215, %multiple_of3A_208] : memref<16x1000000xf32, #tpu.memory_space<hbm>> -> memref<16x128xf32, #tpu.memory_space<hbm>>
      %dma_start3A_217 = tpu.memref_slice %arg13[%dma_start3A_210] : memref<3x!tpu.dma_semaphore, #tpu.memory_space<semaphore_mem>> -> memref<1x!tpu.dma_semaphore, #tpu.memory_space<semaphore_mem>>
      %dma_start3A_218 = tpu.memref_squeeze %dma_start3A_217 : memref<1x!tpu.dma_semaphore, #tpu.memory_space<semaphore_mem>> -> memref<!tpu.dma_semaphore, #tpu.memory_space<semaphore_mem>>
      %dma_start3A_219 = arith.constant 112 : i32
      %dma_start3A_220 = arith.constant 0 : i32
      %dma_start3A_221 = tpu.memref_slice %arg10[%dma_start3A_209, %dma_start3A_219, %dma_start3A_220] : memref<3x256x128xf32, #tpu.memory_space<vmem>> -> memref<1x16x128xf32, #tpu.memory_space<vmem>>
      %dma_start3A_222 = tpu.memref_squeeze %dma_start3A_221 : memref<1x16x128xf32, #tpu.memory_space<vmem>> -> memref<16x128xf32, #tpu.memory_space<vmem>>
      %dma_start3A_223 = arith.constant 0 : i32
      %dma_start3A_224 = tpu.memref_slice %arg4[%dma_start3A_223, %multiple_of3A_208] : memref<16x1000000xf32, #tpu.memory_space<hbm>> -> memref<16x128xf32, #tpu.memory_space<hbm>>
      tpu.enqueue_dma source(%dma_start3A_224 : memref<16x128xf32, #tpu.memory_space<hbm>>) target(%dma_start3A_222 : memref<16x128xf32, #tpu.memory_space<vmem>>) target_semaphore(%dma_start3A_218 : memref<!tpu.dma_semaphore, #tpu.memory_space<semaphore_mem>>)
      %slice3A_225 = vector.extract_strided_slice %shift_right_logical3A_58 {offsets = [8], sizes = [1], strides = [1]} : vector<16xi32> to vector<1xi32>
      %squeeze3A_226 = vector.extract %slice3A_225[0] : i32 from vector<1xi32>
      %mul3A_227 = arith.constant 128 : i32
      %mul3A_228 = arith.muli %squeeze3A_226, %mul3A_227 : i32
      %multiple_of3A_229 = tpu.assume_multiple %mul3A_228, 128 : i32
      %dma_start3A_230 = arith.constant 1 : i32
      %dma_start3A_231 = arith.constant 1 : i32
      %dma_start3A_232 = arith.constant 128 : i32
      %dma_start3A_233 = arith.constant 0 : i32
      %dma_start3A_234 = tpu.memref_slice %arg10[%dma_start3A_230, %dma_start3A_232, %dma_start3A_233] : memref<3x256x128xf32, #tpu.memory_space<vmem>> -> memref<1x16x128xf32, #tpu.memory_space<vmem>>
      %dma_start3A_235 = tpu.memref_squeeze %dma_start3A_234 : memref<1x16x128xf32, #tpu.memory_space<vmem>> -> memref<16x128xf32, #tpu.memory_space<vmem>>
      %dma_start3A_236 = arith.constant 0 : i32
      %dma_start3A_237 = tpu.memref_slice %arg4[%dma_start3A_236, %multiple_of3A_229] : memref<16x1000000xf32, #tpu.memory_space<hbm>> -> memref<16x128xf32, #tpu.memory_space<hbm>>
      %dma_start3A_238 = tpu.memref_slice %arg13[%dma_start3A_231] : memref<3x!tpu.dma_semaphore, #tpu.memory_space<semaphore_mem>> -> memref<1x!tpu.dma_semaphore, #tpu.memory_space<semaphore_mem>>
      %dma_start3A_239 = tpu.memref_squeeze %dma_start3A_238 : memref<1x!tpu.dma_semaphore, #tpu.memory_space<semaphore_mem>> -> memref<!tpu.dma_semaphore, #tpu.memory_space<semaphore_mem>>
      %dma_start3A_240 = arith.constant 128 : i32
      %dma_start3A_241 = arith.constant 0 : i32
      %dma_start3A_242 = tpu.memref_slice %arg10[%dma_start3A_230, %dma_start3A_240, %dma_start3A_241] : memref<3x256x128xf32, #tpu.memory_space<vmem>> -> memref<1x16x128xf32, #tpu.memory_space<vmem>>
      %dma_start3A_243 = tpu.memref_squeeze %dma_start3A_242 : memref<1x16x128xf32, #tpu.memory_space<vmem>> -> memref<16x128xf32, #tpu.memory_space<vmem>>
      %dma_start3A_244 = arith.constant 0 : i32
      %dma_start3A_245 = tpu.memref_slice %arg4[%dma_start3A_244, %multiple_of3A_229] : memref<16x1000000xf32, #tpu.memory_space<hbm>> -> memref<16x128xf32, #tpu.memory_space<hbm>>
      tpu.enqueue_dma source(%dma_start3A_245 : memref<16x128xf32, #tpu.memory_space<hbm>>) target(%dma_start3A_243 : memref<16x128xf32, #tpu.memory_space<vmem>>) target_semaphore(%dma_start3A_239 : memref<!tpu.dma_semaphore, #tpu.memory_space<semaphore_mem>>)
      %slice3A_246 = vector.extract_strided_slice %shift_right_logical3A_58 {offsets = [9], sizes = [1], strides = [1]} : vector<16xi32> to vector<1xi32>
      %squeeze3A_247 = vector.extract %slice3A_246[0] : i32 from vector<1xi32>
      %mul3A_248 = arith.constant 128 : i32
      %mul3A_249 = arith.muli %squeeze3A_247, %mul3A_248 : i32
      %multiple_of3A_250 = tpu.assume_multiple %mul3A_249, 128 : i32
      %dma_start3A_251 = arith.constant 1 : i32
      %dma_start3A_252 = arith.constant 1 : i32
      %dma_start3A_253 = arith.constant 144 : i32
      %dma_start3A_254 = arith.constant 0 : i32
      %dma_start3A_255 = tpu.memref_slice %arg10[%dma_start3A_251, %dma_start3A_253, %dma_start3A_254] : memref<3x256x128xf32, #tpu.memory_space<vmem>> -> memref<1x16x128xf32, #tpu.memory_space<vmem>>
      %dma_start3A_256 = tpu.memref_squeeze %dma_start3A_255 : memref<1x16x128xf32, #tpu.memory_space<vmem>> -> memref<16x128xf32, #tpu.memory_space<vmem>>
      %dma_start3A_257 = arith.constant 0 : i32
      %dma_start3A_258 = tpu.memref_slice %arg4[%dma_start3A_257, %multiple_of3A_250] : memref<16x1000000xf32, #tpu.memory_space<hbm>> -> memref<16x128xf32, #tpu.memory_space<hbm>>
      %dma_start3A_259 = tpu.memref_slice %arg13[%dma_start3A_252] : memref<3x!tpu.dma_semaphore, #tpu.memory_space<semaphore_mem>> -> memref<1x!tpu.dma_semaphore, #tpu.memory_space<semaphore_mem>>
      %dma_start3A_260 = tpu.memref_squeeze %dma_start3A_259 : memref<1x!tpu.dma_semaphore, #tpu.memory_space<semaphore_mem>> -> memref<!tpu.dma_semaphore, #tpu.memory_space<semaphore_mem>>
      %dma_start3A_261 = arith.constant 144 : i32
      %dma_start3A_262 = arith.constant 0 : i32
      %dma_start3A_263 = tpu.memref_slice %arg10[%dma_start3A_251, %dma_start3A_261, %dma_start3A_262] : memref<3x256x128xf32, #tpu.memory_space<vmem>> -> memref<1x16x128xf32, #tpu.memory_space<vmem>>
      %dma_start3A_264 = tpu.memref_squeeze %dma_start3A_263 : memref<1x16x128xf32, #tpu.memory_space<vmem>> -> memref<16x128xf32, #tpu.memory_space<vmem>>
      %dma_start3A_265 = arith.constant 0 : i32
      %dma_start3A_266 = tpu.memref_slice %arg4[%dma_start3A_265, %multiple_of3A_250] : memref<16x1000000xf32, #tpu.memory_space<hbm>> -> memref<16x128xf32, #tpu.memory_space<hbm>>
      tpu.enqueue_dma source(%dma_start3A_266 : memref<16x128xf32, #tpu.memory_space<hbm>>) target(%dma_start3A_264 : memref<16x128xf32, #tpu.memory_space<vmem>>) target_semaphore(%dma_start3A_260 : memref<!tpu.dma_semaphore, #tpu.memory_space<semaphore_mem>>)
      %slice3A_267 = vector.extract_strided_slice %shift_right_logical3A_58 {offsets = [10], sizes = [1], strides = [1]} : vector<16xi32> to vector<1xi32>
      %squeeze3A_268 = vector.extract %slice3A_267[0] : i32 from vector<1xi32>
      %mul3A_269 = arith.constant 128 : i32
      %mul3A_270 = arith.muli %squeeze3A_268, %mul3A_269 : i32
      %multiple_of3A_271 = tpu.assume_multiple %mul3A_270, 128 : i32
      %dma_start3A_272 = arith.constant 1 : i32
      %dma_start3A_273 = arith.constant 1 : i32
      %dma_start3A_274 = arith.constant 160 : i32
      %dma_start3A_275 = arith.constant 0 : i32
      %dma_start3A_276 = tpu.memref_slice %arg10[%dma_start3A_272, %dma_start3A_274, %dma_start3A_275] : memref<3x256x128xf32, #tpu.memory_space<vmem>> -> memref<1x16x128xf32, #tpu.memory_space<vmem>>
      %dma_start3A_277 = tpu.memref_squeeze %dma_start3A_276 : memref<1x16x128xf32, #tpu.memory_space<vmem>> -> memref<16x128xf32, #tpu.memory_space<vmem>>
      %dma_start3A_278 = arith.constant 0 : i32
      %dma_start3A_279 = tpu.memref_slice %arg4[%dma_start3A_278, %multiple_of3A_271] : memref<16x1000000xf32, #tpu.memory_space<hbm>> -> memref<16x128xf32, #tpu.memory_space<hbm>>
      %dma_start3A_280 = tpu.memref_slice %arg13[%dma_start3A_273] : memref<3x!tpu.dma_semaphore, #tpu.memory_space<semaphore_mem>> -> memref<1x!tpu.dma_semaphore, #tpu.memory_space<semaphore_mem>>
      %dma_start3A_281 = tpu.memref_squeeze %dma_start3A_280 : memref<1x!tpu.dma_semaphore, #tpu.memory_space<semaphore_mem>> -> memref<!tpu.dma_semaphore, #tpu.memory_space<semaphore_mem>>
      %dma_start3A_282 = arith.constant 160 : i32
      %dma_start3A_283 = arith.constant 0 : i32
      %dma_start3A_284 = tpu.memref_slice %arg10[%dma_start3A_272, %dma_start3A_282, %dma_start3A_283] : memref<3x256x128xf32, #tpu.memory_space<vmem>> -> memref<1x16x128xf32, #tpu.memory_space<vmem>>
      %dma_start3A_285 = tpu.memref_squeeze %dma_start3A_284 : memref<1x16x128xf32, #tpu.memory_space<vmem>> -> memref<16x128xf32, #tpu.memory_space<vmem>>
      %dma_start3A_286 = arith.constant 0 : i32
      %dma_start3A_287 = tpu.memref_slice %arg4[%dma_start3A_286, %multiple_of3A_271] : memref<16x1000000xf32, #tpu.memory_space<hbm>> -> memref<16x128xf32, #tpu.memory_space<hbm>>
      tpu.enqueue_dma source(%dma_start3A_287 : memref<16x128xf32, #tpu.memory_space<hbm>>) target(%dma_start3A_285 : memref<16x128xf32, #tpu.memory_space<vmem>>) target_semaphore(%dma_start3A_281 : memref<!tpu.dma_semaphore, #tpu.memory_space<semaphore_mem>>)
      %slice3A_288 = vector.extract_strided_slice %shift_right_logical3A_58 {offsets = [11], sizes = [1], strides = [1]} : vector<16xi32> to vector<1xi32>
      %squeeze3A_289 = vector.extract %slice3A_288[0] : i32 from vector<1xi32>
      %mul3A_290 = arith.constant 128 : i32
      %mul3A_291 = arith.muli %squeeze3A_289, %mul3A_290 : i32
      %multiple_of3A_292 = tpu.assume_multiple %mul3A_291, 128 : i32
      %dma_start3A_293 = arith.constant 1 : i32
      %dma_start3A_294 = arith.constant 1 : i32
      %dma_start3A_295 = arith.constant 176 : i32
      %dma_start3A_296 = arith.constant 0 : i32
      %dma_start3A_297 = tpu.memref_slice %arg10[%dma_start3A_293, %dma_start3A_295, %dma_start3A_296] : memref<3x256x128xf32, #tpu.memory_space<vmem>> -> memref<1x16x128xf32, #tpu.memory_space<vmem>>
      %dma_start3A_298 = tpu.memref_squeeze %dma_start3A_297 : memref<1x16x128xf32, #tpu.memory_space<vmem>> -> memref<16x128xf32, #tpu.memory_space<vmem>>
      %dma_start3A_299 = arith.constant 0 : i32
      %dma_start3A_300 = tpu.memref_slice %arg4[%dma_start3A_299, %multiple_of3A_292] : memref<16x1000000xf32, #tpu.memory_space<hbm>> -> memref<16x128xf32, #tpu.memory_space<hbm>>
      %dma_start3A_301 = tpu.memref_slice %arg13[%dma_start3A_294] : memref<3x!tpu.dma_semaphore, #tpu.memory_space<semaphore_mem>> -> memref<1x!tpu.dma_semaphore, #tpu.memory_space<semaphore_mem>>
      %dma_start3A_302 = tpu.memref_squeeze %dma_start3A_301 : memref<1x!tpu.dma_semaphore, #tpu.memory_space<semaphore_mem>> -> memref<!tpu.dma_semaphore, #tpu.memory_space<semaphore_mem>>
      %dma_start3A_303 = arith.constant 176 : i32
      %dma_start3A_304 = arith.constant 0 : i32
      %dma_start3A_305 = tpu.memref_slice %arg10[%dma_start3A_293, %dma_start3A_303, %dma_start3A_304] : memref<3x256x128xf32, #tpu.memory_space<vmem>> -> memref<1x16x128xf32, #tpu.memory_space<vmem>>
      %dma_start3A_306 = tpu.memref_squeeze %dma_start3A_305 : memref<1x16x128xf32, #tpu.memory_space<vmem>> -> memref<16x128xf32, #tpu.memory_space<vmem>>
      %dma_start3A_307 = arith.constant 0 : i32
      %dma_start3A_308 = tpu.memref_slice %arg4[%dma_start3A_307, %multiple_of3A_292] : memref<16x1000000xf32, #tpu.memory_space<hbm>> -> memref<16x128xf32, #tpu.memory_space<hbm>>
      tpu.enqueue_dma source(%dma_start3A_308 : memref<16x128xf32, #tpu.memory_space<hbm>>) target(%dma_start3A_306 : memref<16x128xf32, #tpu.memory_space<vmem>>) target_semaphore(%dma_start3A_302 : memref<!tpu.dma_semaphore, #tpu.memory_space<semaphore_mem>>)
      %slice3A_309 = vector.extract_strided_slice %shift_right_logical3A_58 {offsets = [12], sizes = [1], strides = [1]} : vector<16xi32> to vector<1xi32>
      %squeeze3A_310 = vector.extract %slice3A_309[0] : i32 from vector<1xi32>
      %mul3A_311 = arith.constant 128 : i32
      %mul3A_312 = arith.muli %squeeze3A_310, %mul3A_311 : i32
      %multiple_of3A_313 = tpu.assume_multiple %mul3A_312, 128 : i32
      %dma_start3A_314 = arith.constant 1 : i32
      %dma_start3A_315 = arith.constant 1 : i32
      %dma_start3A_316 = arith.constant 192 : i32
      %dma_start3A_317 = arith.constant 0 : i32
      %dma_start3A_318 = tpu.memref_slice %arg10[%dma_start3A_314, %dma_start3A_316, %dma_start3A_317] : memref<3x256x128xf32, #tpu.memory_space<vmem>> -> memref<1x16x128xf32, #tpu.memory_space<vmem>>
      %dma_start3A_319 = tpu.memref_squeeze %dma_start3A_318 : memref<1x16x128xf32, #tpu.memory_space<vmem>> -> memref<16x128xf32, #tpu.memory_space<vmem>>
      %dma_start3A_320 = arith.constant 0 : i32
      %dma_start3A_321 = tpu.memref_slice %arg4[%dma_start3A_320, %multiple_of3A_313] : memref<16x1000000xf32, #tpu.memory_space<hbm>> -> memref<16x128xf32, #tpu.memory_space<hbm>>
      %dma_start3A_322 = tpu.memref_slice %arg13[%dma_start3A_315] : memref<3x!tpu.dma_semaphore, #tpu.memory_space<semaphore_mem>> -> memref<1x!tpu.dma_semaphore, #tpu.memory_space<semaphore_mem>>
      %dma_start3A_323 = tpu.memref_squeeze %dma_start3A_322 : memref<1x!tpu.dma_semaphore, #tpu.memory_space<semaphore_mem>> -> memref<!tpu.dma_semaphore, #tpu.memory_space<semaphore_mem>>
      %dma_start3A_324 = arith.constant 192 : i32
      %dma_start3A_325 = arith.constant 0 : i32
      %dma_start3A_326 = tpu.memref_slice %arg10[%dma_start3A_314, %dma_start3A_324, %dma_start3A_325] : memref<3x256x128xf32, #tpu.memory_space<vmem>> -> memref<1x16x128xf32, #tpu.memory_space<vmem>>
      %dma_start3A_327 = tpu.memref_squeeze %dma_start3A_326 : memref<1x16x128xf32, #tpu.memory_space<vmem>> -> memref<16x128xf32, #tpu.memory_space<vmem>>
      %dma_start3A_328 = arith.constant 0 : i32
      %dma_start3A_329 = tpu.memref_slice %arg4[%dma_start3A_328, %multiple_of3A_313] : memref<16x1000000xf32, #tpu.memory_space<hbm>> -> memref<16x128xf32, #tpu.memory_space<hbm>>
      tpu.enqueue_dma source(%dma_start3A_329 : memref<16x128xf32, #tpu.memory_space<hbm>>) target(%dma_start3A_327 : memref<16x128xf32, #tpu.memory_space<vmem>>) target_semaphore(%dma_start3A_323 : memref<!tpu.dma_semaphore, #tpu.memory_space<semaphore_mem>>)
      %slice3A_330 = vector.extract_strided_slice %shift_right_logical3A_58 {offsets = [13], sizes = [1], strides = [1]} : vector<16xi32> to vector<1xi32>
      %squeeze3A_331 = vector.extract %slice3A_330[0] : i32 from vector<1xi32>
      %mul3A_332 = arith.constant 128 : i32
      %mul3A_333 = arith.muli %squeeze3A_331, %mul3A_332 : i32
      %multiple_of3A_334 = tpu.assume_multiple %mul3A_333, 128 : i32
      %dma_start3A_335 = arith.constant 1 : i32
      %dma_start3A_336 = arith.constant 1 : i32
      %dma_start3A_337 = arith.constant 208 : i32
      %dma_start3A_338 = arith.constant 0 : i32
      %dma_start3A_339 = tpu.memref_slice %arg10[%dma_start3A_335, %dma_start3A_337, %dma_start3A_338] : memref<3x256x128xf32, #tpu.memory_space<vmem>> -> memref<1x16x128xf32, #tpu.memory_space<vmem>>
      %dma_start3A_340 = tpu.memref_squeeze %dma_start3A_339 : memref<1x16x128xf32, #tpu.memory_space<vmem>> -> memref<16x128xf32, #tpu.memory_space<vmem>>
      %dma_start3A_341 = arith.constant 0 : i32
      %dma_start3A_342 = tpu.memref_slice %arg4[%dma_start3A_341, %multiple_of3A_334] : memref<16x1000000xf32, #tpu.memory_space<hbm>> -> memref<16x128xf32, #tpu.memory_space<hbm>>
      %dma_start3A_343 = tpu.memref_slice %arg13[%dma_start3A_336] : memref<3x!tpu.dma_semaphore, #tpu.memory_space<semaphore_mem>> -> memref<1x!tpu.dma_semaphore, #tpu.memory_space<semaphore_mem>>
      %dma_start3A_344 = tpu.memref_squeeze %dma_start3A_343 : memref<1x!tpu.dma_semaphore, #tpu.memory_space<semaphore_mem>> -> memref<!tpu.dma_semaphore, #tpu.memory_space<semaphore_mem>>
      %dma_start3A_345 = arith.constant 208 : i32
      %dma_start3A_346 = arith.constant 0 : i32
      %dma_start3A_347 = tpu.memref_slice %arg10[%dma_start3A_335, %dma_start3A_345, %dma_start3A_346] : memref<3x256x128xf32, #tpu.memory_space<vmem>> -> memref<1x16x128xf32, #tpu.memory_space<vmem>>
      %dma_start3A_348 = tpu.memref_squeeze %dma_start3A_347 : memref<1x16x128xf32, #tpu.memory_space<vmem>> -> memref<16x128xf32, #tpu.memory_space<vmem>>
      %dma_start3A_349 = arith.constant 0 : i32
      %dma_start3A_350 = tpu.memref_slice %arg4[%dma_start3A_349, %multiple_of3A_334] : memref<16x1000000xf32, #tpu.memory_space<hbm>> -> memref<16x128xf32, #tpu.memory_space<hbm>>
      tpu.enqueue_dma source(%dma_start3A_350 : memref<16x128xf32, #tpu.memory_space<hbm>>) target(%dma_start3A_348 : memref<16x128xf32, #tpu.memory_space<vmem>>) target_semaphore(%dma_start3A_344 : memref<!tpu.dma_semaphore, #tpu.memory_space<semaphore_mem>>)
      %slice3A_351 = vector.extract_strided_slice %shift_right_logical3A_58 {offsets = [14], sizes = [1], strides = [1]} : vector<16xi32> to vector<1xi32>
      %squeeze3A_352 = vector.extract %slice3A_351[0] : i32 from vector<1xi32>
      %mul3A_353 = arith.constant 128 : i32
      %mul3A_354 = arith.muli %squeeze3A_352, %mul3A_353 : i32
      %multiple_of3A_355 = tpu.assume_multiple %mul3A_354, 128 : i32
      %dma_start3A_356 = arith.constant 1 : i32
      %dma_start3A_357 = arith.constant 1 : i32
      %dma_start3A_358 = arith.constant 224 : i32
      %dma_start3A_359 = arith.constant 0 : i32
      %dma_start3A_360 = tpu.memref_slice %arg10[%dma_start3A_356, %dma_start3A_358, %dma_start3A_359] : memref<3x256x128xf32, #tpu.memory_space<vmem>> -> memref<1x16x128xf32, #tpu.memory_space<vmem>>
      %dma_start3A_361 = tpu.memref_squeeze %dma_start3A_360 : memref<1x16x128xf32, #tpu.memory_space<vmem>> -> memref<16x128xf32, #tpu.memory_space<vmem>>
      %dma_start3A_362 = arith.constant 0 : i32
      %dma_start3A_363 = tpu.memref_slice %arg4[%dma_start3A_362, %multiple_of3A_355] : memref<16x1000000xf32, #tpu.memory_space<hbm>> -> memref<16x128xf32, #tpu.memory_space<hbm>>
      %dma_start3A_364 = tpu.memref_slice %arg13[%dma_start3A_357] : memref<3x!tpu.dma_semaphore, #tpu.memory_space<semaphore_mem>> -> memref<1x!tpu.dma_semaphore, #tpu.memory_space<semaphore_mem>>
      %dma_start3A_365 = tpu.memref_squeeze %dma_start3A_364 : memref<1x!tpu.dma_semaphore, #tpu.memory_space<semaphore_mem>> -> memref<!tpu.dma_semaphore, #tpu.memory_space<semaphore_mem>>
      %dma_start3A_366 = arith.constant 224 : i32
      %dma_start3A_367 = arith.constant 0 : i32
      %dma_start3A_368 = tpu.memref_slice %arg10[%dma_start3A_356, %dma_start3A_366, %dma_start3A_367] : memref<3x256x128xf32, #tpu.memory_space<vmem>> -> memref<1x16x128xf32, #tpu.memory_space<vmem>>
      %dma_start3A_369 = tpu.memref_squeeze %dma_start3A_368 : memref<1x16x128xf32, #tpu.memory_space<vmem>> -> memref<16x128xf32, #tpu.memory_space<vmem>>
      %dma_start3A_370 = arith.constant 0 : i32
      %dma_start3A_371 = tpu.memref_slice %arg4[%dma_start3A_370, %multiple_of3A_355] : memref<16x1000000xf32, #tpu.memory_space<hbm>> -> memref<16x128xf32, #tpu.memory_space<hbm>>
      tpu.enqueue_dma source(%dma_start3A_371 : memref<16x128xf32, #tpu.memory_space<hbm>>) target(%dma_start3A_369 : memref<16x128xf32, #tpu.memory_space<vmem>>) target_semaphore(%dma_start3A_365 : memref<!tpu.dma_semaphore, #tpu.memory_space<semaphore_mem>>)
      %slice3A_372 = vector.extract_strided_slice %shift_right_logical3A_58 {offsets = [15], sizes = [1], strides = [1]} : vector<16xi32> to vector<1xi32>
      %squeeze3A_373 = vector.extract %slice3A_372[0] : i32 from vector<1xi32>
      %mul3A_374 = arith.constant 128 : i32
      %mul3A_375 = arith.muli %squeeze3A_373, %mul3A_374 : i32
      %multiple_of3A_376 = tpu.assume_multiple %mul3A_375, 128 : i32
      %dma_start3A_377 = arith.constant 1 : i32
      %dma_start3A_378 = arith.constant 1 : i32
      %dma_start3A_379 = arith.constant 240 : i32
      %dma_start3A_380 = arith.constant 0 : i32
      %dma_start3A_381 = tpu.memref_slice %arg10[%dma_start3A_377, %dma_start3A_379, %dma_start3A_380] : memref<3x256x128xf32, #tpu.memory_space<vmem>> -> memref<1x16x128xf32, #tpu.memory_space<vmem>>
      %dma_start3A_382 = tpu.memref_squeeze %dma_start3A_381 : memref<1x16x128xf32, #tpu.memory_space<vmem>> -> memref<16x128xf32, #tpu.memory_space<vmem>>
      %dma_start3A_383 = arith.constant 0 : i32
      %dma_start3A_384 = tpu.memref_slice %arg4[%dma_start3A_383, %multiple_of3A_376] : memref<16x1000000xf32, #tpu.memory_space<hbm>> -> memref<16x128xf32, #tpu.memory_space<hbm>>
      %dma_start3A_385 = tpu.memref_slice %arg13[%dma_start3A_378] : memref<3x!tpu.dma_semaphore, #tpu.memory_space<semaphore_mem>> -> memref<1x!tpu.dma_semaphore, #tpu.memory_space<semaphore_mem>>
      %dma_start3A_386 = tpu.memref_squeeze %dma_start3A_385 : memref<1x!tpu.dma_semaphore, #tpu.memory_space<semaphore_mem>> -> memref<!tpu.dma_semaphore, #tpu.memory_space<semaphore_mem>>
      %dma_start3A_387 = arith.constant 240 : i32
      %dma_start3A_388 = arith.constant 0 : i32
      %dma_start3A_389 = tpu.memref_slice %arg10[%dma_start3A_377, %dma_start3A_387, %dma_start3A_388] : memref<3x256x128xf32, #tpu.memory_space<vmem>> -> memref<1x16x128xf32, #tpu.memory_space<vmem>>
      %dma_start3A_390 = tpu.memref_squeeze %dma_start3A_389 : memref<1x16x128xf32, #tpu.memory_space<vmem>> -> memref<16x128xf32, #tpu.memory_space<vmem>>
      %dma_start3A_391 = arith.constant 0 : i32
      %dma_start3A_392 = tpu.memref_slice %arg4[%dma_start3A_391, %multiple_of3A_376] : memref<16x1000000xf32, #tpu.memory_space<hbm>> -> memref<16x128xf32, #tpu.memory_space<hbm>>
      tpu.enqueue_dma source(%dma_start3A_392 : memref<16x128xf32, #tpu.memory_space<hbm>>) target(%dma_start3A_390 : memref<16x128xf32, #tpu.memory_space<vmem>>) target_semaphore(%dma_start3A_386 : memref<!tpu.dma_semaphore, #tpu.memory_space<semaphore_mem>>)
    } else {
    }
    %rem3A_39 = arith.constant 1 : i32
    %rem3A_40 = arith.constant 2 : i32
    %rem3A_41 = arith.remsi %rem3A_39, %rem3A_40 : i32
    %eq3A_42 = arith.constant 1 : i32
    %eq3A_43 = arith.cmpi eq, %rem3A_41, %eq3A_42 : i32
    %convert_element_type3A_44 = arith.extui %eq3A_43 : i1 to i32
    %cond3A_45 = arith.constant 0 : i32
    %cond3A_46 = arith.cmpi ne, %convert_element_type3A_44, %cond3A_45 : i32
    scf.if %cond3A_46 {
      %mul3A_52 = arith.constant 16 : i32
      %mul3A_53 = arith.muli %shift_right_logical3A_30, %mul3A_52 : i32
      %get3A_54 = arith.index_cast %mul3A_53 : i32 to index
      %get3A_55 = tpu.vector_load %arg9[%get3A_54] {strides = array<i32>} : memref<512xi32, #tpu.memory_space<vmem>>, vector<16xi32>,
      %shift_right_logical3A_56 = arith.constant 7 : i32
      %shift_right_logical3A_57 = vector.broadcast %shift_right_logical3A_56 : i32 to vector<16xi32>
      %shift_right_logical3A_58 = arith.shrui %get3A_55, %shift_right_logical3A_57 : vector<16xi32>
      %slice3A_59 = vector.extract_strided_slice %shift_right_logical3A_58 {offsets = [0], sizes = [1], strides = [1]} : vector<16xi32> to vector<1xi32>
      %squeeze3A_60 = vector.extract %slice3A_59[0] : i32 from vector<1xi32>
      %mul3A_61 = arith.constant 128 : i32
      %mul3A_62 = arith.muli %squeeze3A_60, %mul3A_61 : i32
      %multiple_of3A = tpu.assume_multiple %mul3A_62, 128 : i32
      %dma_start3A = arith.constant 1 : i32
      %dma_start3A_63 = arith.constant 1 : i32
      %dma_start3A_64 = arith.constant 0 : i32
      %dma_start3A_65 = arith.constant 0 : i32
      %dma_start3A_66 = tpu.memref_slice %arg10[%dma_start3A, %dma_start3A_64, %dma_start3A_65] : memref<3x256x128xf32, #tpu.memory_space<vmem>> -> memref<1x16x128xf32, #tpu.memory_space<vmem>>
      %dma_start3A_67 = tpu.memref_squeeze %dma_start3A_66 : memref<1x16x128xf32, #tpu.memory_space<vmem>> -> memref<16x128xf32, #tpu.memory_space<vmem>>
      %dma_start3A_68 = arith.constant 0 : i32
      %dma_start3A_69 = tpu.memref_slice %arg5[%dma_start3A_68, %multiple_of3A] : memref<16x1000000xf32, #tpu.memory_space<hbm>> -> memref<16x128xf32, #tpu.memory_space<hbm>>
      %dma_start3A_70 = tpu.memref_slice %arg13[%dma_start3A_63] : memref<3x!tpu.dma_semaphore, #tpu.memory_space<semaphore_mem>> -> memref<1x!tpu.dma_semaphore, #tpu.memory_space<semaphore_mem>>
      %dma_start3A_71 = tpu.memref_squeeze %dma_start3A_70 : memref<1x!tpu.dma_semaphore, #tpu.memory_space<semaphore_mem>> -> memref<!tpu.dma_semaphore, #tpu.memory_space<semaphore_mem>>
      %dma_start3A_72 = arith.constant 0 : i32
      %dma_start3A_73 = arith.constant 0 : i32
      %dma_start3A_74 = tpu.memref_slice %arg10[%dma_start3A, %dma_start3A_72, %dma_start3A_73] : memref<3x256x128xf32, #tpu.memory_space<vmem>> -> memref<1x16x128xf32, #tpu.memory_space<vmem>>
      %dma_start3A_75 = tpu.memref_squeeze %dma_start3A_74 : memref<1x16x128xf32, #tpu.memory_space<vmem>> -> memref<16x128xf32, #tpu.memory_space<vmem>>
      %dma_start3A_76 = arith.constant 0 : i32
      %dma_start3A_77 = tpu.memref_slice %arg5[%dma_start3A_76, %multiple_of3A] : memref<16x1000000xf32, #tpu.memory_space<hbm>> -> memref<16x128xf32, #tpu.memory_space<hbm>>
      tpu.enqueue_dma source(%dma_start3A_77 : memref<16x128xf32, #tpu.memory_space<hbm>>) target(%dma_start3A_75 : memref<16x128xf32, #tpu.memory_space<vmem>>) target_semaphore(%dma_start3A_71 : memref<!tpu.dma_semaphore, #tpu.memory_space<semaphore_mem>>)
      %slice3A_78 = vector.extract_strided_slice %shift_right_logical3A_58 {offsets = [1], sizes = [1], strides = [1]} : vector<16xi32> to vector<1xi32>
      %squeeze3A_79 = vector.extract %slice3A_78[0] : i32 from vector<1xi32>
      %mul3A_80 = arith.constant 128 : i32
      %mul3A_81 = arith.muli %squeeze3A_79, %mul3A_80 : i32
      %multiple_of3A_82 = tpu.assume_multiple %mul3A_81, 128 : i32
      %dma_start3A_83 = arith.constant 1 : i32
      %dma_start3A_84 = arith.constant 1 : i32
      %dma_start3A_85 = arith.constant 16 : i32
      %dma_start3A_86 = arith.constant 0 : i32
      %dma_start3A_87 = tpu.memref_slice %arg10[%dma_start3A_83, %dma_start3A_85, %dma_start3A_86] : memref<3x256x128xf32, #tpu.memory_space<vmem>> -> memref<1x16x128xf32, #tpu.memory_space<vmem>>
      %dma_start3A_88 = tpu.memref_squeeze %dma_start3A_87 : memref<1x16x128xf32, #tpu.memory_space<vmem>> -> memref<16x128xf32, #tpu.memory_space<vmem>>
      %dma_start3A_89 = arith.constant 0 : i32
      %dma_start3A_90 = tpu.memref_slice %arg5[%dma_start3A_89, %multiple_of3A_82] : memref<16x1000000xf32, #tpu.memory_space<hbm>> -> memref<16x128xf32, #tpu.memory_space<hbm>>
      %dma_start3A_91 = tpu.memref_slice %arg13[%dma_start3A_84] : memref<3x!tpu.dma_semaphore, #tpu.memory_space<semaphore_mem>> -> memref<1x!tpu.dma_semaphore, #tpu.memory_space<semaphore_mem>>
      %dma_start3A_92 = tpu.memref_squeeze %dma_start3A_91 : memref<1x!tpu.dma_semaphore, #tpu.memory_space<semaphore_mem>> -> memref<!tpu.dma_semaphore, #tpu.memory_space<semaphore_mem>>
      %dma_start3A_93 = arith.constant 16 : i32
      %dma_start3A_94 = arith.constant 0 : i32
      %dma_start3A_95 = tpu.memref_slice %arg10[%dma_start3A_83, %dma_start3A_93, %dma_start3A_94] : memref<3x256x128xf32, #tpu.memory_space<vmem>> -> memref<1x16x128xf32, #tpu.memory_space<vmem>>
      %dma_start3A_96 = tpu.memref_squeeze %dma_start3A_95 : memref<1x16x128xf32, #tpu.memory_space<vmem>> -> memref<16x128xf32, #tpu.memory_space<vmem>>
      %dma_start3A_97 = arith.constant 0 : i32
      %dma_start3A_98 = tpu.memref_slice %arg5[%dma_start3A_97, %multiple_of3A_82] : memref<16x1000000xf32, #tpu.memory_space<hbm>> -> memref<16x128xf32, #tpu.memory_space<hbm>>
      tpu.enqueue_dma source(%dma_start3A_98 : memref<16x128xf32, #tpu.memory_space<hbm>>) target(%dma_start3A_96 : memref<16x128xf32, #tpu.memory_space<vmem>>) target_semaphore(%dma_start3A_92 : memref<!tpu.dma_semaphore, #tpu.memory_space<semaphore_mem>>)
      %slice3A_99 = vector.extract_strided_slice %shift_right_logical3A_58 {offsets = [2], sizes = [1], strides = [1]} : vector<16xi32> to vector<1xi32>
      %squeeze3A_100 = vector.extract %slice3A_99[0] : i32 from vector<1xi32>
      %mul3A_101 = arith.constant 128 : i32
      %mul3A_102 = arith.muli %squeeze3A_100, %mul3A_101 : i32
      %multiple_of3A_103 = tpu.assume_multiple %mul3A_102, 128 : i32
      %dma_start3A_104 = arith.constant 1 : i32
      %dma_start3A_105 = arith.constant 1 : i32
      %dma_start3A_106 = arith.constant 32 : i32
      %dma_start3A_107 = arith.constant 0 : i32
      %dma_start3A_108 = tpu.memref_slice %arg10[%dma_start3A_104, %dma_start3A_106, %dma_start3A_107] : memref<3x256x128xf32, #tpu.memory_space<vmem>> -> memref<1x16x128xf32, #tpu.memory_space<vmem>>
      %dma_start3A_109 = tpu.memref_squeeze %dma_start3A_108 : memref<1x16x128xf32, #tpu.memory_space<vmem>> -> memref<16x128xf32, #tpu.memory_space<vmem>>
      %dma_start3A_110 = arith.constant 0 : i32
      %dma_start3A_111 = tpu.memref_slice %arg5[%dma_start3A_110, %multiple_of3A_103] : memref<16x1000000xf32, #tpu.memory_space<hbm>> -> memref<16x128xf32, #tpu.memory_space<hbm>>
      %dma_start3A_112 = tpu.memref_slice %arg13[%dma_start3A_105] : memref<3x!tpu.dma_semaphore, #tpu.memory_space<semaphore_mem>> -> memref<1x!tpu.dma_semaphore, #tpu.memory_space<semaphore_mem>>
      %dma_start3A_113 = tpu.memref_squeeze %dma_start3A_112 : memref<1x!tpu.dma_semaphore, #tpu.memory_space<semaphore_mem>> -> memref<!tpu.dma_semaphore, #tpu.memory_space<semaphore_mem>>
      %dma_start3A_114 = arith.constant 32 : i32
      %dma_start3A_115 = arith.constant 0 : i32
      %dma_start3A_116 = tpu.memref_slice %arg10[%dma_start3A_104, %dma_start3A_114, %dma_start3A_115] : memref<3x256x128xf32, #tpu.memory_space<vmem>> -> memref<1x16x128xf32, #tpu.memory_space<vmem>>
      %dma_start3A_117 = tpu.memref_squeeze %dma_start3A_116 : memref<1x16x128xf32, #tpu.memory_space<vmem>> -> memref<16x128xf32, #tpu.memory_space<vmem>>
      %dma_start3A_118 = arith.constant 0 : i32
      %dma_start3A_119 = tpu.memref_slice %arg5[%dma_start3A_118, %multiple_of3A_103] : memref<16x1000000xf32, #tpu.memory_space<hbm>> -> memref<16x128xf32, #tpu.memory_space<hbm>>
      tpu.enqueue_dma source(%dma_start3A_119 : memref<16x128xf32, #tpu.memory_space<hbm>>) target(%dma_start3A_117 : memref<16x128xf32, #tpu.memory_space<vmem>>) target_semaphore(%dma_start3A_113 : memref<!tpu.dma_semaphore, #tpu.memory_space<semaphore_mem>>)
      %slice3A_120 = vector.extract_strided_slice %shift_right_logical3A_58 {offsets = [3], sizes = [1], strides = [1]} : vector<16xi32> to vector<1xi32>
      %squeeze3A_121 = vector.extract %slice3A_120[0] : i32 from vector<1xi32>
      %mul3A_122 = arith.constant 128 : i32
      %mul3A_123 = arith.muli %squeeze3A_121, %mul3A_122 : i32
      %multiple_of3A_124 = tpu.assume_multiple %mul3A_123, 128 : i32
      %dma_start3A_125 = arith.constant 1 : i32
      %dma_start3A_126 = arith.constant 1 : i32
      %dma_start3A_127 = arith.constant 48 : i32
      %dma_start3A_128 = arith.constant 0 : i32
      %dma_start3A_129 = tpu.memref_slice %arg10[%dma_start3A_125, %dma_start3A_127, %dma_start3A_128] : memref<3x256x128xf32, #tpu.memory_space<vmem>> -> memref<1x16x128xf32, #tpu.memory_space<vmem>>
      %dma_start3A_130 = tpu.memref_squeeze %dma_start3A_129 : memref<1x16x128xf32, #tpu.memory_space<vmem>> -> memref<16x128xf32, #tpu.memory_space<vmem>>
      %dma_start3A_131 = arith.constant 0 : i32
      %dma_start3A_132 = tpu.memref_slice %arg5[%dma_start3A_131, %multiple_of3A_124] : memref<16x1000000xf32, #tpu.memory_space<hbm>> -> memref<16x128xf32, #tpu.memory_space<hbm>>
      %dma_start3A_133 = tpu.memref_slice %arg13[%dma_start3A_126] : memref<3x!tpu.dma_semaphore, #tpu.memory_space<semaphore_mem>> -> memref<1x!tpu.dma_semaphore, #tpu.memory_space<semaphore_mem>>
      %dma_start3A_134 = tpu.memref_squeeze %dma_start3A_133 : memref<1x!tpu.dma_semaphore, #tpu.memory_space<semaphore_mem>> -> memref<!tpu.dma_semaphore, #tpu.memory_space<semaphore_mem>>
      %dma_start3A_135 = arith.constant 48 : i32
      %dma_start3A_136 = arith.constant 0 : i32
      %dma_start3A_137 = tpu.memref_slice %arg10[%dma_start3A_125, %dma_start3A_135, %dma_start3A_136] : memref<3x256x128xf32, #tpu.memory_space<vmem>> -> memref<1x16x128xf32, #tpu.memory_space<vmem>>
      %dma_start3A_138 = tpu.memref_squeeze %dma_start3A_137 : memref<1x16x128xf32, #tpu.memory_space<vmem>> -> memref<16x128xf32, #tpu.memory_space<vmem>>
      %dma_start3A_139 = arith.constant 0 : i32
      %dma_start3A_140 = tpu.memref_slice %arg5[%dma_start3A_139, %multiple_of3A_124] : memref<16x1000000xf32, #tpu.memory_space<hbm>> -> memref<16x128xf32, #tpu.memory_space<hbm>>
      tpu.enqueue_dma source(%dma_start3A_140 : memref<16x128xf32, #tpu.memory_space<hbm>>) target(%dma_start3A_138 : memref<16x128xf32, #tpu.memory_space<vmem>>) target_semaphore(%dma_start3A_134 : memref<!tpu.dma_semaphore, #tpu.memory_space<semaphore_mem>>)
      %slice3A_141 = vector.extract_strided_slice %shift_right_logical3A_58 {offsets = [4], sizes = [1], strides = [1]} : vector<16xi32> to vector<1xi32>
      %squeeze3A_142 = vector.extract %slice3A_141[0] : i32 from vector<1xi32>
      %mul3A_143 = arith.constant 128 : i32
      %mul3A_144 = arith.muli %squeeze3A_142, %mul3A_143 : i32
      %multiple_of3A_145 = tpu.assume_multiple %mul3A_144, 128 : i32
      %dma_start3A_146 = arith.constant 1 : i32
      %dma_start3A_147 = arith.constant 1 : i32
      %dma_start3A_148 = arith.constant 64 : i32
      %dma_start3A_149 = arith.constant 0 : i32
      %dma_start3A_150 = tpu.memref_slice %arg10[%dma_start3A_146, %dma_start3A_148, %dma_start3A_149] : memref<3x256x128xf32, #tpu.memory_space<vmem>> -> memref<1x16x128xf32, #tpu.memory_space<vmem>>
      %dma_start3A_151 = tpu.memref_squeeze %dma_start3A_150 : memref<1x16x128xf32, #tpu.memory_space<vmem>> -> memref<16x128xf32, #tpu.memory_space<vmem>>
      %dma_start3A_152 = arith.constant 0 : i32
      %dma_start3A_153 = tpu.memref_slice %arg5[%dma_start3A_152, %multiple_of3A_145] : memref<16x1000000xf32, #tpu.memory_space<hbm>> -> memref<16x128xf32, #tpu.memory_space<hbm>>
      %dma_start3A_154 = tpu.memref_slice %arg13[%dma_start3A_147] : memref<3x!tpu.dma_semaphore, #tpu.memory_space<semaphore_mem>> -> memref<1x!tpu.dma_semaphore, #tpu.memory_space<semaphore_mem>>
      %dma_start3A_155 = tpu.memref_squeeze %dma_start3A_154 : memref<1x!tpu.dma_semaphore, #tpu.memory_space<semaphore_mem>> -> memref<!tpu.dma_semaphore, #tpu.memory_space<semaphore_mem>>
      %dma_start3A_156 = arith.constant 64 : i32
      %dma_start3A_157 = arith.constant 0 : i32
      %dma_start3A_158 = tpu.memref_slice %arg10[%dma_start3A_146, %dma_start3A_156, %dma_start3A_157] : memref<3x256x128xf32, #tpu.memory_space<vmem>> -> memref<1x16x128xf32, #tpu.memory_space<vmem>>
      %dma_start3A_159 = tpu.memref_squeeze %dma_start3A_158 : memref<1x16x128xf32, #tpu.memory_space<vmem>> -> memref<16x128xf32, #tpu.memory_space<vmem>>
      %dma_start3A_160 = arith.constant 0 : i32
      %dma_start3A_161 = tpu.memref_slice %arg5[%dma_start3A_160, %multiple_of3A_145] : memref<16x1000000xf32, #tpu.memory_space<hbm>> -> memref<16x128xf32, #tpu.memory_space<hbm>>
      tpu.enqueue_dma source(%dma_start3A_161 : memref<16x128xf32, #tpu.memory_space<hbm>>) target(%dma_start3A_159 : memref<16x128xf32, #tpu.memory_space<vmem>>) target_semaphore(%dma_start3A_155 : memref<!tpu.dma_semaphore, #tpu.memory_space<semaphore_mem>>)
      %slice3A_162 = vector.extract_strided_slice %shift_right_logical3A_58 {offsets = [5], sizes = [1], strides = [1]} : vector<16xi32> to vector<1xi32>
      %squeeze3A_163 = vector.extract %slice3A_162[0] : i32 from vector<1xi32>
      %mul3A_164 = arith.constant 128 : i32
      %mul3A_165 = arith.muli %squeeze3A_163, %mul3A_164 : i32
      %multiple_of3A_166 = tpu.assume_multiple %mul3A_165, 128 : i32
      %dma_start3A_167 = arith.constant 1 : i32
      %dma_start3A_168 = arith.constant 1 : i32
      %dma_start3A_169 = arith.constant 80 : i32
      %dma_start3A_170 = arith.constant 0 : i32
      %dma_start3A_171 = tpu.memref_slice %arg10[%dma_start3A_167, %dma_start3A_169, %dma_start3A_170] : memref<3x256x128xf32, #tpu.memory_space<vmem>> -> memref<1x16x128xf32, #tpu.memory_space<vmem>>
      %dma_start3A_172 = tpu.memref_squeeze %dma_start3A_171 : memref<1x16x128xf32, #tpu.memory_space<vmem>> -> memref<16x128xf32, #tpu.memory_space<vmem>>
      %dma_start3A_173 = arith.constant 0 : i32
      %dma_start3A_174 = tpu.memref_slice %arg5[%dma_start3A_173, %multiple_of3A_166] : memref<16x1000000xf32, #tpu.memory_space<hbm>> -> memref<16x128xf32, #tpu.memory_space<hbm>>
      %dma_start3A_175 = tpu.memref_slice %arg13[%dma_start3A_168] : memref<3x!tpu.dma_semaphore, #tpu.memory_space<semaphore_mem>> -> memref<1x!tpu.dma_semaphore, #tpu.memory_space<semaphore_mem>>
      %dma_start3A_176 = tpu.memref_squeeze %dma_start3A_175 : memref<1x!tpu.dma_semaphore, #tpu.memory_space<semaphore_mem>> -> memref<!tpu.dma_semaphore, #tpu.memory_space<semaphore_mem>>
      %dma_start3A_177 = arith.constant 80 : i32
      %dma_start3A_178 = arith.constant 0 : i32
      %dma_start3A_179 = tpu.memref_slice %arg10[%dma_start3A_167, %dma_start3A_177, %dma_start3A_178] : memref<3x256x128xf32, #tpu.memory_space<vmem>> -> memref<1x16x128xf32, #tpu.memory_space<vmem>>
      %dma_start3A_180 = tpu.memref_squeeze %dma_start3A_179 : memref<1x16x128xf32, #tpu.memory_space<vmem>> -> memref<16x128xf32, #tpu.memory_space<vmem>>
      %dma_start3A_181 = arith.constant 0 : i32
      %dma_start3A_182 = tpu.memref_slice %arg5[%dma_start3A_181, %multiple_of3A_166] : memref<16x1000000xf32, #tpu.memory_space<hbm>> -> memref<16x128xf32, #tpu.memory_space<hbm>>
      tpu.enqueue_dma source(%dma_start3A_182 : memref<16x128xf32, #tpu.memory_space<hbm>>) target(%dma_start3A_180 : memref<16x128xf32, #tpu.memory_space<vmem>>) target_semaphore(%dma_start3A_176 : memref<!tpu.dma_semaphore, #tpu.memory_space<semaphore_mem>>)
      %slice3A_183 = vector.extract_strided_slice %shift_right_logical3A_58 {offsets = [6], sizes = [1], strides = [1]} : vector<16xi32> to vector<1xi32>
      %squeeze3A_184 = vector.extract %slice3A_183[0] : i32 from vector<1xi32>
      %mul3A_185 = arith.constant 128 : i32
      %mul3A_186 = arith.muli %squeeze3A_184, %mul3A_185 : i32
      %multiple_of3A_187 = tpu.assume_multiple %mul3A_186, 128 : i32
      %dma_start3A_188 = arith.constant 1 : i32
      %dma_start3A_189 = arith.constant 1 : i32
      %dma_start3A_190 = arith.constant 96 : i32
      %dma_start3A_191 = arith.constant 0 : i32
      %dma_start3A_192 = tpu.memref_slice %arg10[%dma_start3A_188, %dma_start3A_190, %dma_start3A_191] : memref<3x256x128xf32, #tpu.memory_space<vmem>> -> memref<1x16x128xf32, #tpu.memory_space<vmem>>
      %dma_start3A_193 = tpu.memref_squeeze %dma_start3A_192 : memref<1x16x128xf32, #tpu.memory_space<vmem>> -> memref<16x128xf32, #tpu.memory_space<vmem>>
      %dma_start3A_194 = arith.constant 0 : i32
      %dma_start3A_195 = tpu.memref_slice %arg5[%dma_start3A_194, %multiple_of3A_187] : memref<16x1000000xf32, #tpu.memory_space<hbm>> -> memref<16x128xf32, #tpu.memory_space<hbm>>
      %dma_start3A_196 = tpu.memref_slice %arg13[%dma_start3A_189] : memref<3x!tpu.dma_semaphore, #tpu.memory_space<semaphore_mem>> -> memref<1x!tpu.dma_semaphore, #tpu.memory_space<semaphore_mem>>
      %dma_start3A_197 = tpu.memref_squeeze %dma_start3A_196 : memref<1x!tpu.dma_semaphore, #tpu.memory_space<semaphore_mem>> -> memref<!tpu.dma_semaphore, #tpu.memory_space<semaphore_mem>>
      %dma_start3A_198 = arith.constant 96 : i32
      %dma_start3A_199 = arith.constant 0 : i32
      %dma_start3A_200 = tpu.memref_slice %arg10[%dma_start3A_188, %dma_start3A_198, %dma_start3A_199] : memref<3x256x128xf32, #tpu.memory_space<vmem>> -> memref<1x16x128xf32, #tpu.memory_space<vmem>>
      %dma_start3A_201 = tpu.memref_squeeze %dma_start3A_200 : memref<1x16x128xf32, #tpu.memory_space<vmem>> -> memref<16x128xf32, #tpu.memory_space<vmem>>
      %dma_start3A_202 = arith.constant 0 : i32
      %dma_start3A_203 = tpu.memref_slice %arg5[%dma_start3A_202, %multiple_of3A_187] : memref<16x1000000xf32, #tpu.memory_space<hbm>> -> memref<16x128xf32, #tpu.memory_space<hbm>>
      tpu.enqueue_dma source(%dma_start3A_203 : memref<16x128xf32, #tpu.memory_space<hbm>>) target(%dma_start3A_201 : memref<16x128xf32, #tpu.memory_space<vmem>>) target_semaphore(%dma_start3A_197 : memref<!tpu.dma_semaphore, #tpu.memory_space<semaphore_mem>>)
      %slice3A_204 = vector.extract_strided_slice %shift_right_logical3A_58 {offsets = [7], sizes = [1], strides = [1]} : vector<16xi32> to vector<1xi32>
      %squeeze3A_205 = vector.extract %slice3A_204[0] : i32 from vector<1xi32>
      %mul3A_206 = arith.constant 128 : i32
      %mul3A_207 = arith.muli %squeeze3A_205, %mul3A_206 : i32
      %multiple_of3A_208 = tpu.assume_multiple %mul3A_207, 128 : i32
      %dma_start3A_209 = arith.constant 1 : i32
      %dma_start3A_210 = arith.constant 1 : i32
      %dma_start3A_211 = arith.constant 112 : i32
      %dma_start3A_212 = arith.constant 0 : i32
      %dma_start3A_213 = tpu.memref_slice %arg10[%dma_start3A_209, %dma_start3A_211, %dma_start3A_212] : memref<3x256x128xf32, #tpu.memory_space<vmem>> -> memref<1x16x128xf32, #tpu.memory_space<vmem>>
      %dma_start3A_214 = tpu.memref_squeeze %dma_start3A_213 : memref<1x16x128xf32, #tpu.memory_space<vmem>> -> memref<16x128xf32, #tpu.memory_space<vmem>>
      %dma_start3A_215 = arith.constant 0 : i32
      %dma_start3A_216 = tpu.memref_slice %arg5[%dma_start3A_215, %multiple_of3A_208] : memref<16x1000000xf32, #tpu.memory_space<hbm>> -> memref<16x128xf32, #tpu.memory_space<hbm>>
      %dma_start3A_217 = tpu.memref_slice %arg13[%dma_start3A_210] : memref<3x!tpu.dma_semaphore, #tpu.memory_space<semaphore_mem>> -> memref<1x!tpu.dma_semaphore, #tpu.memory_space<semaphore_mem>>
      %dma_start3A_218 = tpu.memref_squeeze %dma_start3A_217 : memref<1x!tpu.dma_semaphore, #tpu.memory_space<semaphore_mem>> -> memref<!tpu.dma_semaphore, #tpu.memory_space<semaphore_mem>>
      %dma_start3A_219 = arith.constant 112 : i32
      %dma_start3A_220 = arith.constant 0 : i32
      %dma_start3A_221 = tpu.memref_slice %arg10[%dma_start3A_209, %dma_start3A_219, %dma_start3A_220] : memref<3x256x128xf32, #tpu.memory_space<vmem>> -> memref<1x16x128xf32, #tpu.memory_space<vmem>>
      %dma_start3A_222 = tpu.memref_squeeze %dma_start3A_221 : memref<1x16x128xf32, #tpu.memory_space<vmem>> -> memref<16x128xf32, #tpu.memory_space<vmem>>
      %dma_start3A_223 = arith.constant 0 : i32
      %dma_start3A_224 = tpu.memref_slice %arg5[%dma_start3A_223, %multiple_of3A_208] : memref<16x1000000xf32, #tpu.memory_space<hbm>> -> memref<16x128xf32, #tpu.memory_space<hbm>>
      tpu.enqueue_dma source(%dma_start3A_224 : memref<16x128xf32, #tpu.memory_space<hbm>>) target(%dma_start3A_222 : memref<16x128xf32, #tpu.memory_space<vmem>>) target_semaphore(%dma_start3A_218 : memref<!tpu.dma_semaphore, #tpu.memory_space<semaphore_mem>>)
      %slice3A_225 = vector.extract_strided_slice %shift_right_logical3A_58 {offsets = [8], sizes = [1], strides = [1]} : vector<16xi32> to vector<1xi32>
      %squeeze3A_226 = vector.extract %slice3A_225[0] : i32 from vector<1xi32>
      %mul3A_227 = arith.constant 128 : i32
      %mul3A_228 = arith.muli %squeeze3A_226, %mul3A_227 : i32
      %multiple_of3A_229 = tpu.assume_multiple %mul3A_228, 128 : i32
      %dma_start3A_230 = arith.constant 1 : i32
      %dma_start3A_231 = arith.constant 1 : i32
      %dma_start3A_232 = arith.constant 128 : i32
      %dma_start3A_233 = arith.constant 0 : i32
      %dma_start3A_234 = tpu.memref_slice %arg10[%dma_start3A_230, %dma_start3A_232, %dma_start3A_233] : memref<3x256x128xf32, #tpu.memory_space<vmem>> -> memref<1x16x128xf32, #tpu.memory_space<vmem>>
      %dma_start3A_235 = tpu.memref_squeeze %dma_start3A_234 : memref<1x16x128xf32, #tpu.memory_space<vmem>> -> memref<16x128xf32, #tpu.memory_space<vmem>>
      %dma_start3A_236 = arith.constant 0 : i32
      %dma_start3A_237 = tpu.memref_slice %arg5[%dma_start3A_236, %multiple_of3A_229] : memref<16x1000000xf32, #tpu.memory_space<hbm>> -> memref<16x128xf32, #tpu.memory_space<hbm>>
      %dma_start3A_238 = tpu.memref_slice %arg13[%dma_start3A_231] : memref<3x!tpu.dma_semaphore, #tpu.memory_space<semaphore_mem>> -> memref<1x!tpu.dma_semaphore, #tpu.memory_space<semaphore_mem>>
      %dma_start3A_239 = tpu.memref_squeeze %dma_start3A_238 : memref<1x!tpu.dma_semaphore, #tpu.memory_space<semaphore_mem>> -> memref<!tpu.dma_semaphore, #tpu.memory_space<semaphore_mem>>
      %dma_start3A_240 = arith.constant 128 : i32
      %dma_start3A_241 = arith.constant 0 : i32
      %dma_start3A_242 = tpu.memref_slice %arg10[%dma_start3A_230, %dma_start3A_240, %dma_start3A_241] : memref<3x256x128xf32, #tpu.memory_space<vmem>> -> memref<1x16x128xf32, #tpu.memory_space<vmem>>
      %dma_start3A_243 = tpu.memref_squeeze %dma_start3A_242 : memref<1x16x128xf32, #tpu.memory_space<vmem>> -> memref<16x128xf32, #tpu.memory_space<vmem>>
      %dma_start3A_244 = arith.constant 0 : i32
      %dma_start3A_245 = tpu.memref_slice %arg5[%dma_start3A_244, %multiple_of3A_229] : memref<16x1000000xf32, #tpu.memory_space<hbm>> -> memref<16x128xf32, #tpu.memory_space<hbm>>
      tpu.enqueue_dma source(%dma_start3A_245 : memref<16x128xf32, #tpu.memory_space<hbm>>) target(%dma_start3A_243 : memref<16x128xf32, #tpu.memory_space<vmem>>) target_semaphore(%dma_start3A_239 : memref<!tpu.dma_semaphore, #tpu.memory_space<semaphore_mem>>)
      %slice3A_246 = vector.extract_strided_slice %shift_right_logical3A_58 {offsets = [9], sizes = [1], strides = [1]} : vector<16xi32> to vector<1xi32>
      %squeeze3A_247 = vector.extract %slice3A_246[0] : i32 from vector<1xi32>
      %mul3A_248 = arith.constant 128 : i32
      %mul3A_249 = arith.muli %squeeze3A_247, %mul3A_248 : i32
      %multiple_of3A_250 = tpu.assume_multiple %mul3A_249, 128 : i32
      %dma_start3A_251 = arith.constant 1 : i32
      %dma_start3A_252 = arith.constant 1 : i32
      %dma_start3A_253 = arith.constant 144 : i32
      %dma_start3A_254 = arith.constant 0 : i32
      %dma_start3A_255 = tpu.memref_slice %arg10[%dma_start3A_251, %dma_start3A_253, %dma_start3A_254] : memref<3x256x128xf32, #tpu.memory_space<vmem>> -> memref<1x16x128xf32, #tpu.memory_space<vmem>>
      %dma_start3A_256 = tpu.memref_squeeze %dma_start3A_255 : memref<1x16x128xf32, #tpu.memory_space<vmem>> -> memref<16x128xf32, #tpu.memory_space<vmem>>
      %dma_start3A_257 = arith.constant 0 : i32
      %dma_start3A_258 = tpu.memref_slice %arg5[%dma_start3A_257, %multiple_of3A_250] : memref<16x1000000xf32, #tpu.memory_space<hbm>> -> memref<16x128xf32, #tpu.memory_space<hbm>>
      %dma_start3A_259 = tpu.memref_slice %arg13[%dma_start3A_252] : memref<3x!tpu.dma_semaphore, #tpu.memory_space<semaphore_mem>> -> memref<1x!tpu.dma_semaphore, #tpu.memory_space<semaphore_mem>>
      %dma_start3A_260 = tpu.memref_squeeze %dma_start3A_259 : memref<1x!tpu.dma_semaphore, #tpu.memory_space<semaphore_mem>> -> memref<!tpu.dma_semaphore, #tpu.memory_space<semaphore_mem>>
      %dma_start3A_261 = arith.constant 144 : i32
      %dma_start3A_262 = arith.constant 0 : i32
      %dma_start3A_263 = tpu.memref_slice %arg10[%dma_start3A_251, %dma_start3A_261, %dma_start3A_262] : memref<3x256x128xf32, #tpu.memory_space<vmem>> -> memref<1x16x128xf32, #tpu.memory_space<vmem>>
      %dma_start3A_264 = tpu.memref_squeeze %dma_start3A_263 : memref<1x16x128xf32, #tpu.memory_space<vmem>> -> memref<16x128xf32, #tpu.memory_space<vmem>>
      %dma_start3A_265 = arith.constant 0 : i32
      %dma_start3A_266 = tpu.memref_slice %arg5[%dma_start3A_265, %multiple_of3A_250] : memref<16x1000000xf32, #tpu.memory_space<hbm>> -> memref<16x128xf32, #tpu.memory_space<hbm>>
      tpu.enqueue_dma source(%dma_start3A_266 : memref<16x128xf32, #tpu.memory_space<hbm>>) target(%dma_start3A_264 : memref<16x128xf32, #tpu.memory_space<vmem>>) target_semaphore(%dma_start3A_260 : memref<!tpu.dma_semaphore, #tpu.memory_space<semaphore_mem>>)
      %slice3A_267 = vector.extract_strided_slice %shift_right_logical3A_58 {offsets = [10], sizes = [1], strides = [1]} : vector<16xi32> to vector<1xi32>
      %squeeze3A_268 = vector.extract %slice3A_267[0] : i32 from vector<1xi32>
      %mul3A_269 = arith.constant 128 : i32
      %mul3A_270 = arith.muli %squeeze3A_268, %mul3A_269 : i32
      %multiple_of3A_271 = tpu.assume_multiple %mul3A_270, 128 : i32
      %dma_start3A_272 = arith.constant 1 : i32
      %dma_start3A_273 = arith.constant 1 : i32
      %dma_start3A_274 = arith.constant 160 : i32
      %dma_start3A_275 = arith.constant 0 : i32
      %dma_start3A_276 = tpu.memref_slice %arg10[%dma_start3A_272, %dma_start3A_274, %dma_start3A_275] : memref<3x256x128xf32, #tpu.memory_space<vmem>> -> memref<1x16x128xf32, #tpu.memory_space<vmem>>
      %dma_start3A_277 = tpu.memref_squeeze %dma_start3A_276 : memref<1x16x128xf32, #tpu.memory_space<vmem>> -> memref<16x128xf32, #tpu.memory_space<vmem>>
      %dma_start3A_278 = arith.constant 0 : i32
      %dma_start3A_279 = tpu.memref_slice %arg5[%dma_start3A_278, %multiple_of3A_271] : memref<16x1000000xf32, #tpu.memory_space<hbm>> -> memref<16x128xf32, #tpu.memory_space<hbm>>
      %dma_start3A_280 = tpu.memref_slice %arg13[%dma_start3A_273] : memref<3x!tpu.dma_semaphore, #tpu.memory_space<semaphore_mem>> -> memref<1x!tpu.dma_semaphore, #tpu.memory_space<semaphore_mem>>
      %dma_start3A_281 = tpu.memref_squeeze %dma_start3A_280 : memref<1x!tpu.dma_semaphore, #tpu.memory_space<semaphore_mem>> -> memref<!tpu.dma_semaphore, #tpu.memory_space<semaphore_mem>>
      %dma_start3A_282 = arith.constant 160 : i32
      %dma_start3A_283 = arith.constant 0 : i32
      %dma_start3A_284 = tpu.memref_slice %arg10[%dma_start3A_272, %dma_start3A_282, %dma_start3A_283] : memref<3x256x128xf32, #tpu.memory_space<vmem>> -> memref<1x16x128xf32, #tpu.memory_space<vmem>>
      %dma_start3A_285 = tpu.memref_squeeze %dma_start3A_284 : memref<1x16x128xf32, #tpu.memory_space<vmem>> -> memref<16x128xf32, #tpu.memory_space<vmem>>
      %dma_start3A_286 = arith.constant 0 : i32
      %dma_start3A_287 = tpu.memref_slice %arg5[%dma_start3A_286, %multiple_of3A_271] : memref<16x1000000xf32, #tpu.memory_space<hbm>> -> memref<16x128xf32, #tpu.memory_space<hbm>>
      tpu.enqueue_dma source(%dma_start3A_287 : memref<16x128xf32, #tpu.memory_space<hbm>>) target(%dma_start3A_285 : memref<16x128xf32, #tpu.memory_space<vmem>>) target_semaphore(%dma_start3A_281 : memref<!tpu.dma_semaphore, #tpu.memory_space<semaphore_mem>>)
      %slice3A_288 = vector.extract_strided_slice %shift_right_logical3A_58 {offsets = [11], sizes = [1], strides = [1]} : vector<16xi32> to vector<1xi32>
      %squeeze3A_289 = vector.extract %slice3A_288[0] : i32 from vector<1xi32>
      %mul3A_290 = arith.constant 128 : i32
      %mul3A_291 = arith.muli %squeeze3A_289, %mul3A_290 : i32
      %multiple_of3A_292 = tpu.assume_multiple %mul3A_291, 128 : i32
      %dma_start3A_293 = arith.constant 1 : i32
      %dma_start3A_294 = arith.constant 1 : i32
      %dma_start3A_295 = arith.constant 176 : i32
      %dma_start3A_296 = arith.constant 0 : i32
      %dma_start3A_297 = tpu.memref_slice %arg10[%dma_start3A_293, %dma_start3A_295, %dma_start3A_296] : memref<3x256x128xf32, #tpu.memory_space<vmem>> -> memref<1x16x128xf32, #tpu.memory_space<vmem>>
      %dma_start3A_298 = tpu.memref_squeeze %dma_start3A_297 : memref<1x16x128xf32, #tpu.memory_space<vmem>> -> memref<16x128xf32, #tpu.memory_space<vmem>>
      %dma_start3A_299 = arith.constant 0 : i32
      %dma_start3A_300 = tpu.memref_slice %arg5[%dma_start3A_299, %multiple_of3A_292] : memref<16x1000000xf32, #tpu.memory_space<hbm>> -> memref<16x128xf32, #tpu.memory_space<hbm>>
      %dma_start3A_301 = tpu.memref_slice %arg13[%dma_start3A_294] : memref<3x!tpu.dma_semaphore, #tpu.memory_space<semaphore_mem>> -> memref<1x!tpu.dma_semaphore, #tpu.memory_space<semaphore_mem>>
      %dma_start3A_302 = tpu.memref_squeeze %dma_start3A_301 : memref<1x!tpu.dma_semaphore, #tpu.memory_space<semaphore_mem>> -> memref<!tpu.dma_semaphore, #tpu.memory_space<semaphore_mem>>
      %dma_start3A_303 = arith.constant 176 : i32
      %dma_start3A_304 = arith.constant 0 : i32
      %dma_start3A_305 = tpu.memref_slice %arg10[%dma_start3A_293, %dma_start3A_303, %dma_start3A_304] : memref<3x256x128xf32, #tpu.memory_space<vmem>> -> memref<1x16x128xf32, #tpu.memory_space<vmem>>
      %dma_start3A_306 = tpu.memref_squeeze %dma_start3A_305 : memref<1x16x128xf32, #tpu.memory_space<vmem>> -> memref<16x128xf32, #tpu.memory_space<vmem>>
      %dma_start3A_307 = arith.constant 0 : i32
      %dma_start3A_308 = tpu.memref_slice %arg5[%dma_start3A_307, %multiple_of3A_292] : memref<16x1000000xf32, #tpu.memory_space<hbm>> -> memref<16x128xf32, #tpu.memory_space<hbm>>
      tpu.enqueue_dma source(%dma_start3A_308 : memref<16x128xf32, #tpu.memory_space<hbm>>) target(%dma_start3A_306 : memref<16x128xf32, #tpu.memory_space<vmem>>) target_semaphore(%dma_start3A_302 : memref<!tpu.dma_semaphore, #tpu.memory_space<semaphore_mem>>)
      %slice3A_309 = vector.extract_strided_slice %shift_right_logical3A_58 {offsets = [12], sizes = [1], strides = [1]} : vector<16xi32> to vector<1xi32>
      %squeeze3A_310 = vector.extract %slice3A_309[0] : i32 from vector<1xi32>
      %mul3A_311 = arith.constant 128 : i32
      %mul3A_312 = arith.muli %squeeze3A_310, %mul3A_311 : i32
      %multiple_of3A_313 = tpu.assume_multiple %mul3A_312, 128 : i32
      %dma_start3A_314 = arith.constant 1 : i32
      %dma_start3A_315 = arith.constant 1 : i32
      %dma_start3A_316 = arith.constant 192 : i32
      %dma_start3A_317 = arith.constant 0 : i32
      %dma_start3A_318 = tpu.memref_slice %arg10[%dma_start3A_314, %dma_start3A_316, %dma_start3A_317] : memref<3x256x128xf32, #tpu.memory_space<vmem>> -> memref<1x16x128xf32, #tpu.memory_space<vmem>>
      %dma_start3A_319 = tpu.memref_squeeze %dma_start3A_318 : memref<1x16x128xf32, #tpu.memory_space<vmem>> -> memref<16x128xf32, #tpu.memory_space<vmem>>
      %dma_start3A_320 = arith.constant 0 : i32
      %dma_start3A_321 = tpu.memref_slice %arg5[%dma_start3A_320, %multiple_of3A_313] : memref<16x1000000xf32, #tpu.memory_space<hbm>> -> memref<16x128xf32, #tpu.memory_space<hbm>>
      %dma_start3A_322 = tpu.memref_slice %arg13[%dma_start3A_315] : memref<3x!tpu.dma_semaphore, #tpu.memory_space<semaphore_mem>> -> memref<1x!tpu.dma_semaphore, #tpu.memory_space<semaphore_mem>>
      %dma_start3A_323 = tpu.memref_squeeze %dma_start3A_322 : memref<1x!tpu.dma_semaphore, #tpu.memory_space<semaphore_mem>> -> memref<!tpu.dma_semaphore, #tpu.memory_space<semaphore_mem>>
      %dma_start3A_324 = arith.constant 192 : i32
      %dma_start3A_325 = arith.constant 0 : i32
      %dma_start3A_326 = tpu.memref_slice %arg10[%dma_start3A_314, %dma_start3A_324, %dma_start3A_325] : memref<3x256x128xf32, #tpu.memory_space<vmem>> -> memref<1x16x128xf32, #tpu.memory_space<vmem>>
      %dma_start3A_327 = tpu.memref_squeeze %dma_start3A_326 : memref<1x16x128xf32, #tpu.memory_space<vmem>> -> memref<16x128xf32, #tpu.memory_space<vmem>>
      %dma_start3A_328 = arith.constant 0 : i32
      %dma_start3A_329 = tpu.memref_slice %arg5[%dma_start3A_328, %multiple_of3A_313] : memref<16x1000000xf32, #tpu.memory_space<hbm>> -> memref<16x128xf32, #tpu.memory_space<hbm>>
      tpu.enqueue_dma source(%dma_start3A_329 : memref<16x128xf32, #tpu.memory_space<hbm>>) target(%dma_start3A_327 : memref<16x128xf32, #tpu.memory_space<vmem>>) target_semaphore(%dma_start3A_323 : memref<!tpu.dma_semaphore, #tpu.memory_space<semaphore_mem>>)
      %slice3A_330 = vector.extract_strided_slice %shift_right_logical3A_58 {offsets = [13], sizes = [1], strides = [1]} : vector<16xi32> to vector<1xi32>
      %squeeze3A_331 = vector.extract %slice3A_330[0] : i32 from vector<1xi32>
      %mul3A_332 = arith.constant 128 : i32
      %mul3A_333 = arith.muli %squeeze3A_331, %mul3A_332 : i32
      %multiple_of3A_334 = tpu.assume_multiple %mul3A_333, 128 : i32
      %dma_start3A_335 = arith.constant 1 : i32
      %dma_start3A_336 = arith.constant 1 : i32
      %dma_start3A_337 = arith.constant 208 : i32
      %dma_start3A_338 = arith.constant 0 : i32
      %dma_start3A_339 = tpu.memref_slice %arg10[%dma_start3A_335, %dma_start3A_337, %dma_start3A_338] : memref<3x256x128xf32, #tpu.memory_space<vmem>> -> memref<1x16x128xf32, #tpu.memory_space<vmem>>
      %dma_start3A_340 = tpu.memref_squeeze %dma_start3A_339 : memref<1x16x128xf32, #tpu.memory_space<vmem>> -> memref<16x128xf32, #tpu.memory_space<vmem>>
      %dma_start3A_341 = arith.constant 0 : i32
      %dma_start3A_342 = tpu.memref_slice %arg5[%dma_start3A_341, %multiple_of3A_334] : memref<16x1000000xf32, #tpu.memory_space<hbm>> -> memref<16x128xf32, #tpu.memory_space<hbm>>
      %dma_start3A_343 = tpu.memref_slice %arg13[%dma_start3A_336] : memref<3x!tpu.dma_semaphore, #tpu.memory_space<semaphore_mem>> -> memref<1x!tpu.dma_semaphore, #tpu.memory_space<semaphore_mem>>
      %dma_start3A_344 = tpu.memref_squeeze %dma_start3A_343 : memref<1x!tpu.dma_semaphore, #tpu.memory_space<semaphore_mem>> -> memref<!tpu.dma_semaphore, #tpu.memory_space<semaphore_mem>>
      %dma_start3A_345 = arith.constant 208 : i32
      %dma_start3A_346 = arith.constant 0 : i32
      %dma_start3A_347 = tpu.memref_slice %arg10[%dma_start3A_335, %dma_start3A_345, %dma_start3A_346] : memref<3x256x128xf32, #tpu.memory_space<vmem>> -> memref<1x16x128xf32, #tpu.memory_space<vmem>>
      %dma_start3A_348 = tpu.memref_squeeze %dma_start3A_347 : memref<1x16x128xf32, #tpu.memory_space<vmem>> -> memref<16x128xf32, #tpu.memory_space<vmem>>
      %dma_start3A_349 = arith.constant 0 : i32
      %dma_start3A_350 = tpu.memref_slice %arg5[%dma_start3A_349, %multiple_of3A_334] : memref<16x1000000xf32, #tpu.memory_space<hbm>> -> memref<16x128xf32, #tpu.memory_space<hbm>>
      tpu.enqueue_dma source(%dma_start3A_350 : memref<16x128xf32, #tpu.memory_space<hbm>>) target(%dma_start3A_348 : memref<16x128xf32, #tpu.memory_space<vmem>>) target_semaphore(%dma_start3A_344 : memref<!tpu.dma_semaphore, #tpu.memory_space<semaphore_mem>>)
      %slice3A_351 = vector.extract_strided_slice %shift_right_logical3A_58 {offsets = [14], sizes = [1], strides = [1]} : vector<16xi32> to vector<1xi32>
      %squeeze3A_352 = vector.extract %slice3A_351[0] : i32 from vector<1xi32>
      %mul3A_353 = arith.constant 128 : i32
      %mul3A_354 = arith.muli %squeeze3A_352, %mul3A_353 : i32
      %multiple_of3A_355 = tpu.assume_multiple %mul3A_354, 128 : i32
      %dma_start3A_356 = arith.constant 1 : i32
      %dma_start3A_357 = arith.constant 1 : i32
      %dma_start3A_358 = arith.constant 224 : i32
      %dma_start3A_359 = arith.constant 0 : i32
      %dma_start3A_360 = tpu.memref_slice %arg10[%dma_start3A_356, %dma_start3A_358, %dma_start3A_359] : memref<3x256x128xf32, #tpu.memory_space<vmem>> -> memref<1x16x128xf32, #tpu.memory_space<vmem>>
      %dma_start3A_361 = tpu.memref_squeeze %dma_start3A_360 : memref<1x16x128xf32, #tpu.memory_space<vmem>> -> memref<16x128xf32, #tpu.memory_space<vmem>>
      %dma_start3A_362 = arith.constant 0 : i32
      %dma_start3A_363 = tpu.memref_slice %arg5[%dma_start3A_362, %multiple_of3A_355] : memref<16x1000000xf32, #tpu.memory_space<hbm>> -> memref<16x128xf32, #tpu.memory_space<hbm>>
      %dma_start3A_364 = tpu.memref_slice %arg13[%dma_start3A_357] : memref<3x!tpu.dma_semaphore, #tpu.memory_space<semaphore_mem>> -> memref<1x!tpu.dma_semaphore, #tpu.memory_space<semaphore_mem>>
      %dma_start3A_365 = tpu.memref_squeeze %dma_start3A_364 : memref<1x!tpu.dma_semaphore, #tpu.memory_space<semaphore_mem>> -> memref<!tpu.dma_semaphore, #tpu.memory_space<semaphore_mem>>
      %dma_start3A_366 = arith.constant 224 : i32
      %dma_start3A_367 = arith.constant 0 : i32
      %dma_start3A_368 = tpu.memref_slice %arg10[%dma_start3A_356, %dma_start3A_366, %dma_start3A_367] : memref<3x256x128xf32, #tpu.memory_space<vmem>> -> memref<1x16x128xf32, #tpu.memory_space<vmem>>
      %dma_start3A_369 = tpu.memref_squeeze %dma_start3A_368 : memref<1x16x128xf32, #tpu.memory_space<vmem>> -> memref<16x128xf32, #tpu.memory_space<vmem>>
      %dma_start3A_370 = arith.constant 0 : i32
      %dma_start3A_371 = tpu.memref_slice %arg5[%dma_start3A_370, %multiple_of3A_355] : memref<16x1000000xf32, #tpu.memory_space<hbm>> -> memref<16x128xf32, #tpu.memory_space<hbm>>
      tpu.enqueue_dma source(%dma_start3A_371 : memref<16x128xf32, #tpu.memory_space<hbm>>) target(%dma_start3A_369 : memref<16x128xf32, #tpu.memory_space<vmem>>) target_semaphore(%dma_start3A_365 : memref<!tpu.dma_semaphore, #tpu.memory_space<semaphore_mem>>)
      %slice3A_372 = vector.extract_strided_slice %shift_right_logical3A_58 {offsets = [15], sizes = [1], strides = [1]} : vector<16xi32> to vector<1xi32>
      %squeeze3A_373 = vector.extract %slice3A_372[0] : i32 from vector<1xi32>
      %mul3A_374 = arith.constant 128 : i32
      %mul3A_375 = arith.muli %squeeze3A_373, %mul3A_374 : i32
      %multiple_of3A_376 = tpu.assume_multiple %mul3A_375, 128 : i32
      %dma_start3A_377 = arith.constant 1 : i32
      %dma_start3A_378 = arith.constant 1 : i32
      %dma_start3A_379 = arith.constant 240 : i32
      %dma_start3A_380 = arith.constant 0 : i32
      %dma_start3A_381 = tpu.memref_slice %arg10[%dma_start3A_377, %dma_start3A_379, %dma_start3A_380] : memref<3x256x128xf32, #tpu.memory_space<vmem>> -> memref<1x16x128xf32, #tpu.memory_space<vmem>>
      %dma_start3A_382 = tpu.memref_squeeze %dma_start3A_381 : memref<1x16x128xf32, #tpu.memory_space<vmem>> -> memref<16x128xf32, #tpu.memory_space<vmem>>
      %dma_start3A_383 = arith.constant 0 : i32
      %dma_start3A_384 = tpu.memref_slice %arg5[%dma_start3A_383, %multiple_of3A_376] : memref<16x1000000xf32, #tpu.memory_space<hbm>> -> memref<16x128xf32, #tpu.memory_space<hbm>>
      %dma_start3A_385 = tpu.memref_slice %arg13[%dma_start3A_378] : memref<3x!tpu.dma_semaphore, #tpu.memory_space<semaphore_mem>> -> memref<1x!tpu.dma_semaphore, #tpu.memory_space<semaphore_mem>>
      %dma_start3A_386 = tpu.memref_squeeze %dma_start3A_385 : memref<1x!tpu.dma_semaphore, #tpu.memory_space<semaphore_mem>> -> memref<!tpu.dma_semaphore, #tpu.memory_space<semaphore_mem>>
      %dma_start3A_387 = arith.constant 240 : i32
      %dma_start3A_388 = arith.constant 0 : i32
      %dma_start3A_389 = tpu.memref_slice %arg10[%dma_start3A_377, %dma_start3A_387, %dma_start3A_388] : memref<3x256x128xf32, #tpu.memory_space<vmem>> -> memref<1x16x128xf32, #tpu.memory_space<vmem>>
      %dma_start3A_390 = tpu.memref_squeeze %dma_start3A_389 : memref<1x16x128xf32, #tpu.memory_space<vmem>> -> memref<16x128xf32, #tpu.memory_space<vmem>>
      %dma_start3A_391 = arith.constant 0 : i32
      %dma_start3A_392 = tpu.memref_slice %arg5[%dma_start3A_391, %multiple_of3A_376] : memref<16x1000000xf32, #tpu.memory_space<hbm>> -> memref<16x128xf32, #tpu.memory_space<hbm>>
      tpu.enqueue_dma source(%dma_start3A_392 : memref<16x128xf32, #tpu.memory_space<hbm>>) target(%dma_start3A_390 : memref<16x128xf32, #tpu.memory_space<vmem>>) target_semaphore(%dma_start3A_386 : memref<!tpu.dma_semaphore, #tpu.memory_space<semaphore_mem>>)
    } else {
    }
    %scan3A = arith.constant 0 : i32
    %scan3A_47 = arith.constant 0 : i32
    %scan3A_48 = arith.constant 64 : i32
    %scan3A_49 = arith.addi %scan3A_47, %scan3A_48 : i32
    %scan3A_50 = arith.constant 1 : i32
    scf.for %scan3A_52 = %scan3A_47 to %scan3A_49 step %scan3A_50  : i32 {
      %rem3A_53 = arith.constant 3 : i32
      %rem3A_54 = arith.remsi %scan3A_52, %rem3A_53 : i32
      %add3A_55 = arith.constant 2 : i32
      %add3A_56 = arith.addi %scan3A_52, %add3A_55 : i32
      %lt3A = arith.constant 64 : i32
      %lt3A_57 = arith.cmpi slt, %add3A_56, %lt3A : i32
      %convert_element_type3A_58 = arith.extui %lt3A_57 : i1 to i32
      %cond3A_59 = arith.constant 0 : i32
      %cond3A_60 = arith.cmpi ne, %convert_element_type3A_58, %cond3A_59 : i32
      scf.if %cond3A_60 {
        %add3A_333 = arith.constant 2 : i32
        %add3A_334 = arith.addi %scan3A_52, %add3A_333 : i32
        %add3A_335 = arith.constant 2 : i32
        %add3A_336 = arith.addi %scan3A_52, %add3A_335 : i32
        %rem3A_337 = arith.constant 3 : i32
        %rem3A_338 = arith.remsi %add3A_336, %rem3A_337 : i32
        %shift_right_logical3A_339 = arith.constant 1 : i32
        %shift_right_logical3A_340 = arith.shrui %add3A_334, %shift_right_logical3A_339 : i32
        %rem3A_341 = arith.constant 2 : i32
        %rem3A_342 = arith.remsi %add3A_334, %rem3A_341 : i32
        %eq3A_343 = arith.constant 0 : i32
        %eq3A_344 = arith.cmpi eq, %rem3A_342, %eq3A_343 : i32
        %convert_element_type3A_345 = arith.extui %eq3A_344 : i1 to i32
        %cond3A_346 = arith.constant 0 : i32
        %cond3A_347 = arith.cmpi ne, %convert_element_type3A_345, %cond3A_346 : i32
        scf.if %cond3A_347 {
          %mul3A_355 = arith.constant 16 : i32
          %mul3A_356 = arith.muli %shift_right_logical3A_340, %mul3A_355 : i32
          %get3A_357 = arith.index_cast %mul3A_356 : i32 to index
          %get3A_358 = tpu.vector_load %arg8[%get3A_357] {strides = array<i32>} : memref<512xi32, #tpu.memory_space<vmem>>, vector<16xi32>,
          %shift_right_logical3A_359 = arith.constant 7 : i32
          %shift_right_logical3A_360 = vector.broadcast %shift_right_logical3A_359 : i32 to vector<16xi32>
          %shift_right_logical3A_361 = arith.shrui %get3A_358, %shift_right_logical3A_360 : vector<16xi32>
          %slice3A_362 = vector.extract_strided_slice %shift_right_logical3A_361 {offsets = [0], sizes = [1], strides = [1]} : vector<16xi32> to vector<1xi32>
          %squeeze3A_363 = vector.extract %slice3A_362[0] : i32 from vector<1xi32>
          %mul3A_364 = arith.constant 128 : i32
          %mul3A_365 = arith.muli %squeeze3A_363, %mul3A_364 : i32
          %multiple_of3A = tpu.assume_multiple %mul3A_365, 128 : i32
          %dma_start3A = arith.constant 0 : i32
          %dma_start3A_366 = arith.constant 0 : i32
          %dma_start3A_367 = tpu.memref_slice %arg10[%rem3A_338, %dma_start3A, %dma_start3A_366] : memref<3x256x128xf32, #tpu.memory_space<vmem>> -> memref<1x16x128xf32, #tpu.memory_space<vmem>>
          %dma_start3A_368 = tpu.memref_squeeze %dma_start3A_367 : memref<1x16x128xf32, #tpu.memory_space<vmem>> -> memref<16x128xf32, #tpu.memory_space<vmem>>
          %dma_start3A_369 = arith.constant 0 : i32
          %dma_start3A_370 = tpu.memref_slice %arg4[%dma_start3A_369, %multiple_of3A] : memref<16x1000000xf32, #tpu.memory_space<hbm>> -> memref<16x128xf32, #tpu.memory_space<hbm>>
          %dma_start3A_371 = tpu.memref_slice %arg13[%rem3A_338] : memref<3x!tpu.dma_semaphore, #tpu.memory_space<semaphore_mem>> -> memref<1x!tpu.dma_semaphore, #tpu.memory_space<semaphore_mem>>
          %dma_start3A_372 = tpu.memref_squeeze %dma_start3A_371 : memref<1x!tpu.dma_semaphore, #tpu.memory_space<semaphore_mem>> -> memref<!tpu.dma_semaphore, #tpu.memory_space<semaphore_mem>>
          %dma_start3A_373 = arith.constant 0 : i32
          %dma_start3A_374 = arith.constant 0 : i32
          %dma_start3A_375 = tpu.memref_slice %arg10[%rem3A_338, %dma_start3A_373, %dma_start3A_374] : memref<3x256x128xf32, #tpu.memory_space<vmem>> -> memref<1x16x128xf32, #tpu.memory_space<vmem>>
          %dma_start3A_376 = tpu.memref_squeeze %dma_start3A_375 : memref<1x16x128xf32, #tpu.memory_space<vmem>> -> memref<16x128xf32, #tpu.memory_space<vmem>>
          %dma_start3A_377 = arith.constant 0 : i32
          %dma_start3A_378 = tpu.memref_slice %arg4[%dma_start3A_377, %multiple_of3A] : memref<16x1000000xf32, #tpu.memory_space<hbm>> -> memref<16x128xf32, #tpu.memory_space<hbm>>
          tpu.enqueue_dma source(%dma_start3A_378 : memref<16x128xf32, #tpu.memory_space<hbm>>) target(%dma_start3A_376 : memref<16x128xf32, #tpu.memory_space<vmem>>) target_semaphore(%dma_start3A_372 : memref<!tpu.dma_semaphore, #tpu.memory_space<semaphore_mem>>)
          %slice3A_379 = vector.extract_strided_slice %shift_right_logical3A_361 {offsets = [1], sizes = [1], strides = [1]} : vector<16xi32> to vector<1xi32>
          %squeeze3A_380 = vector.extract %slice3A_379[0] : i32 from vector<1xi32>
          %mul3A_381 = arith.constant 128 : i32
          %mul3A_382 = arith.muli %squeeze3A_380, %mul3A_381 : i32
          %multiple_of3A_383 = tpu.assume_multiple %mul3A_382, 128 : i32
          %dma_start3A_384 = arith.constant 16 : i32
          %dma_start3A_385 = arith.constant 0 : i32
          %dma_start3A_386 = tpu.memref_slice %arg10[%rem3A_338, %dma_start3A_384, %dma_start3A_385] : memref<3x256x128xf32, #tpu.memory_space<vmem>> -> memref<1x16x128xf32, #tpu.memory_space<vmem>>
          %dma_start3A_387 = tpu.memref_squeeze %dma_start3A_386 : memref<1x16x128xf32, #tpu.memory_space<vmem>> -> memref<16x128xf32, #tpu.memory_space<vmem>>
          %dma_start3A_388 = arith.constant 0 : i32
          %dma_start3A_389 = tpu.memref_slice %arg4[%dma_start3A_388, %multiple_of3A_383] : memref<16x1000000xf32, #tpu.memory_space<hbm>> -> memref<16x128xf32, #tpu.memory_space<hbm>>
          %dma_start3A_390 = tpu.memref_slice %arg13[%rem3A_338] : memref<3x!tpu.dma_semaphore, #tpu.memory_space<semaphore_mem>> -> memref<1x!tpu.dma_semaphore, #tpu.memory_space<semaphore_mem>>
          %dma_start3A_391 = tpu.memref_squeeze %dma_start3A_390 : memref<1x!tpu.dma_semaphore, #tpu.memory_space<semaphore_mem>> -> memref<!tpu.dma_semaphore, #tpu.memory_space<semaphore_mem>>
          %dma_start3A_392 = arith.constant 16 : i32
          %dma_start3A_393 = arith.constant 0 : i32
          %dma_start3A_394 = tpu.memref_slice %arg10[%rem3A_338, %dma_start3A_392, %dma_start3A_393] : memref<3x256x128xf32, #tpu.memory_space<vmem>> -> memref<1x16x128xf32, #tpu.memory_space<vmem>>
          %dma_start3A_395 = tpu.memref_squeeze %dma_start3A_394 : memref<1x16x128xf32, #tpu.memory_space<vmem>> -> memref<16x128xf32, #tpu.memory_space<vmem>>
          %dma_start3A_396 = arith.constant 0 : i32
          %dma_start3A_397 = tpu.memref_slice %arg4[%dma_start3A_396, %multiple_of3A_383] : memref<16x1000000xf32, #tpu.memory_space<hbm>> -> memref<16x128xf32, #tpu.memory_space<hbm>>
          tpu.enqueue_dma source(%dma_start3A_397 : memref<16x128xf32, #tpu.memory_space<hbm>>) target(%dma_start3A_395 : memref<16x128xf32, #tpu.memory_space<vmem>>) target_semaphore(%dma_start3A_391 : memref<!tpu.dma_semaphore, #tpu.memory_space<semaphore_mem>>)
          %slice3A_398 = vector.extract_strided_slice %shift_right_logical3A_361 {offsets = [2], sizes = [1], strides = [1]} : vector<16xi32> to vector<1xi32>
          %squeeze3A_399 = vector.extract %slice3A_398[0] : i32 from vector<1xi32>
          %mul3A_400 = arith.constant 128 : i32
          %mul3A_401 = arith.muli %squeeze3A_399, %mul3A_400 : i32
          %multiple_of3A_402 = tpu.assume_multiple %mul3A_401, 128 : i32
          %dma_start3A_403 = arith.constant 32 : i32
          %dma_start3A_404 = arith.constant 0 : i32
          %dma_start3A_405 = tpu.memref_slice %arg10[%rem3A_338, %dma_start3A_403, %dma_start3A_404] : memref<3x256x128xf32, #tpu.memory_space<vmem>> -> memref<1x16x128xf32, #tpu.memory_space<vmem>>
          %dma_start3A_406 = tpu.memref_squeeze %dma_start3A_405 : memref<1x16x128xf32, #tpu.memory_space<vmem>> -> memref<16x128xf32, #tpu.memory_space<vmem>>
          %dma_start3A_407 = arith.constant 0 : i32
          %dma_start3A_408 = tpu.memref_slice %arg4[%dma_start3A_407, %multiple_of3A_402] : memref<16x1000000xf32, #tpu.memory_space<hbm>> -> memref<16x128xf32, #tpu.memory_space<hbm>>
          %dma_start3A_409 = tpu.memref_slice %arg13[%rem3A_338] : memref<3x!tpu.dma_semaphore, #tpu.memory_space<semaphore_mem>> -> memref<1x!tpu.dma_semaphore, #tpu.memory_space<semaphore_mem>>
          %dma_start3A_410 = tpu.memref_squeeze %dma_start3A_409 : memref<1x!tpu.dma_semaphore, #tpu.memory_space<semaphore_mem>> -> memref<!tpu.dma_semaphore, #tpu.memory_space<semaphore_mem>>
          %dma_start3A_411 = arith.constant 32 : i32
          %dma_start3A_412 = arith.constant 0 : i32
          %dma_start3A_413 = tpu.memref_slice %arg10[%rem3A_338, %dma_start3A_411, %dma_start3A_412] : memref<3x256x128xf32, #tpu.memory_space<vmem>> -> memref<1x16x128xf32, #tpu.memory_space<vmem>>
          %dma_start3A_414 = tpu.memref_squeeze %dma_start3A_413 : memref<1x16x128xf32, #tpu.memory_space<vmem>> -> memref<16x128xf32, #tpu.memory_space<vmem>>
          %dma_start3A_415 = arith.constant 0 : i32
          %dma_start3A_416 = tpu.memref_slice %arg4[%dma_start3A_415, %multiple_of3A_402] : memref<16x1000000xf32, #tpu.memory_space<hbm>> -> memref<16x128xf32, #tpu.memory_space<hbm>>
          tpu.enqueue_dma source(%dma_start3A_416 : memref<16x128xf32, #tpu.memory_space<hbm>>) target(%dma_start3A_414 : memref<16x128xf32, #tpu.memory_space<vmem>>) target_semaphore(%dma_start3A_410 : memref<!tpu.dma_semaphore, #tpu.memory_space<semaphore_mem>>)
          %slice3A_417 = vector.extract_strided_slice %shift_right_logical3A_361 {offsets = [3], sizes = [1], strides = [1]} : vector<16xi32> to vector<1xi32>
          %squeeze3A_418 = vector.extract %slice3A_417[0] : i32 from vector<1xi32>
          %mul3A_419 = arith.constant 128 : i32
          %mul3A_420 = arith.muli %squeeze3A_418, %mul3A_419 : i32
          %multiple_of3A_421 = tpu.assume_multiple %mul3A_420, 128 : i32
          %dma_start3A_422 = arith.constant 48 : i32
          %dma_start3A_423 = arith.constant 0 : i32
          %dma_start3A_424 = tpu.memref_slice %arg10[%rem3A_338, %dma_start3A_422, %dma_start3A_423] : memref<3x256x128xf32, #tpu.memory_space<vmem>> -> memref<1x16x128xf32, #tpu.memory_space<vmem>>
          %dma_start3A_425 = tpu.memref_squeeze %dma_start3A_424 : memref<1x16x128xf32, #tpu.memory_space<vmem>> -> memref<16x128xf32, #tpu.memory_space<vmem>>
          %dma_start3A_426 = arith.constant 0 : i32
          %dma_start3A_427 = tpu.memref_slice %arg4[%dma_start3A_426, %multiple_of3A_421] : memref<16x1000000xf32, #tpu.memory_space<hbm>> -> memref<16x128xf32, #tpu.memory_space<hbm>>
          %dma_start3A_428 = tpu.memref_slice %arg13[%rem3A_338] : memref<3x!tpu.dma_semaphore, #tpu.memory_space<semaphore_mem>> -> memref<1x!tpu.dma_semaphore, #tpu.memory_space<semaphore_mem>>
          %dma_start3A_429 = tpu.memref_squeeze %dma_start3A_428 : memref<1x!tpu.dma_semaphore, #tpu.memory_space<semaphore_mem>> -> memref<!tpu.dma_semaphore, #tpu.memory_space<semaphore_mem>>
          %dma_start3A_430 = arith.constant 48 : i32
          %dma_start3A_431 = arith.constant 0 : i32
          %dma_start3A_432 = tpu.memref_slice %arg10[%rem3A_338, %dma_start3A_430, %dma_start3A_431] : memref<3x256x128xf32, #tpu.memory_space<vmem>> -> memref<1x16x128xf32, #tpu.memory_space<vmem>>
          %dma_start3A_433 = tpu.memref_squeeze %dma_start3A_432 : memref<1x16x128xf32, #tpu.memory_space<vmem>> -> memref<16x128xf32, #tpu.memory_space<vmem>>
          %dma_start3A_434 = arith.constant 0 : i32
          %dma_start3A_435 = tpu.memref_slice %arg4[%dma_start3A_434, %multiple_of3A_421] : memref<16x1000000xf32, #tpu.memory_space<hbm>> -> memref<16x128xf32, #tpu.memory_space<hbm>>
          tpu.enqueue_dma source(%dma_start3A_435 : memref<16x128xf32, #tpu.memory_space<hbm>>) target(%dma_start3A_433 : memref<16x128xf32, #tpu.memory_space<vmem>>) target_semaphore(%dma_start3A_429 : memref<!tpu.dma_semaphore, #tpu.memory_space<semaphore_mem>>)
          %slice3A_436 = vector.extract_strided_slice %shift_right_logical3A_361 {offsets = [4], sizes = [1], strides = [1]} : vector<16xi32> to vector<1xi32>
          %squeeze3A_437 = vector.extract %slice3A_436[0] : i32 from vector<1xi32>
          %mul3A_438 = arith.constant 128 : i32
          %mul3A_439 = arith.muli %squeeze3A_437, %mul3A_438 : i32
          %multiple_of3A_440 = tpu.assume_multiple %mul3A_439, 128 : i32
          %dma_start3A_441 = arith.constant 64 : i32
          %dma_start3A_442 = arith.constant 0 : i32
          %dma_start3A_443 = tpu.memref_slice %arg10[%rem3A_338, %dma_start3A_441, %dma_start3A_442] : memref<3x256x128xf32, #tpu.memory_space<vmem>> -> memref<1x16x128xf32, #tpu.memory_space<vmem>>
          %dma_start3A_444 = tpu.memref_squeeze %dma_start3A_443 : memref<1x16x128xf32, #tpu.memory_space<vmem>> -> memref<16x128xf32, #tpu.memory_space<vmem>>
          %dma_start3A_445 = arith.constant 0 : i32
          %dma_start3A_446 = tpu.memref_slice %arg4[%dma_start3A_445, %multiple_of3A_440] : memref<16x1000000xf32, #tpu.memory_space<hbm>> -> memref<16x128xf32, #tpu.memory_space<hbm>>
          %dma_start3A_447 = tpu.memref_slice %arg13[%rem3A_338] : memref<3x!tpu.dma_semaphore, #tpu.memory_space<semaphore_mem>> -> memref<1x!tpu.dma_semaphore, #tpu.memory_space<semaphore_mem>>
          %dma_start3A_448 = tpu.memref_squeeze %dma_start3A_447 : memref<1x!tpu.dma_semaphore, #tpu.memory_space<semaphore_mem>> -> memref<!tpu.dma_semaphore, #tpu.memory_space<semaphore_mem>>
          %dma_start3A_449 = arith.constant 64 : i32
          %dma_start3A_450 = arith.constant 0 : i32
          %dma_start3A_451 = tpu.memref_slice %arg10[%rem3A_338, %dma_start3A_449, %dma_start3A_450] : memref<3x256x128xf32, #tpu.memory_space<vmem>> -> memref<1x16x128xf32, #tpu.memory_space<vmem>>
          %dma_start3A_452 = tpu.memref_squeeze %dma_start3A_451 : memref<1x16x128xf32, #tpu.memory_space<vmem>> -> memref<16x128xf32, #tpu.memory_space<vmem>>
          %dma_start3A_453 = arith.constant 0 : i32
          %dma_start3A_454 = tpu.memref_slice %arg4[%dma_start3A_453, %multiple_of3A_440] : memref<16x1000000xf32, #tpu.memory_space<hbm>> -> memref<16x128xf32, #tpu.memory_space<hbm>>
          tpu.enqueue_dma source(%dma_start3A_454 : memref<16x128xf32, #tpu.memory_space<hbm>>) target(%dma_start3A_452 : memref<16x128xf32, #tpu.memory_space<vmem>>) target_semaphore(%dma_start3A_448 : memref<!tpu.dma_semaphore, #tpu.memory_space<semaphore_mem>>)
          %slice3A_455 = vector.extract_strided_slice %shift_right_logical3A_361 {offsets = [5], sizes = [1], strides = [1]} : vector<16xi32> to vector<1xi32>
          %squeeze3A_456 = vector.extract %slice3A_455[0] : i32 from vector<1xi32>
          %mul3A_457 = arith.constant 128 : i32
          %mul3A_458 = arith.muli %squeeze3A_456, %mul3A_457 : i32
          %multiple_of3A_459 = tpu.assume_multiple %mul3A_458, 128 : i32
          %dma_start3A_460 = arith.constant 80 : i32
          %dma_start3A_461 = arith.constant 0 : i32
          %dma_start3A_462 = tpu.memref_slice %arg10[%rem3A_338, %dma_start3A_460, %dma_start3A_461] : memref<3x256x128xf32, #tpu.memory_space<vmem>> -> memref<1x16x128xf32, #tpu.memory_space<vmem>>
          %dma_start3A_463 = tpu.memref_squeeze %dma_start3A_462 : memref<1x16x128xf32, #tpu.memory_space<vmem>> -> memref<16x128xf32, #tpu.memory_space<vmem>>
          %dma_start3A_464 = arith.constant 0 : i32
          %dma_start3A_465 = tpu.memref_slice %arg4[%dma_start3A_464, %multiple_of3A_459] : memref<16x1000000xf32, #tpu.memory_space<hbm>> -> memref<16x128xf32, #tpu.memory_space<hbm>>
          %dma_start3A_466 = tpu.memref_slice %arg13[%rem3A_338] : memref<3x!tpu.dma_semaphore, #tpu.memory_space<semaphore_mem>> -> memref<1x!tpu.dma_semaphore, #tpu.memory_space<semaphore_mem>>
          %dma_start3A_467 = tpu.memref_squeeze %dma_start3A_466 : memref<1x!tpu.dma_semaphore, #tpu.memory_space<semaphore_mem>> -> memref<!tpu.dma_semaphore, #tpu.memory_space<semaphore_mem>>
          %dma_start3A_468 = arith.constant 80 : i32
          %dma_start3A_469 = arith.constant 0 : i32
          %dma_start3A_470 = tpu.memref_slice %arg10[%rem3A_338, %dma_start3A_468, %dma_start3A_469] : memref<3x256x128xf32, #tpu.memory_space<vmem>> -> memref<1x16x128xf32, #tpu.memory_space<vmem>>
          %dma_start3A_471 = tpu.memref_squeeze %dma_start3A_470 : memref<1x16x128xf32, #tpu.memory_space<vmem>> -> memref<16x128xf32, #tpu.memory_space<vmem>>
          %dma_start3A_472 = arith.constant 0 : i32
          %dma_start3A_473 = tpu.memref_slice %arg4[%dma_start3A_472, %multiple_of3A_459] : memref<16x1000000xf32, #tpu.memory_space<hbm>> -> memref<16x128xf32, #tpu.memory_space<hbm>>
          tpu.enqueue_dma source(%dma_start3A_473 : memref<16x128xf32, #tpu.memory_space<hbm>>) target(%dma_start3A_471 : memref<16x128xf32, #tpu.memory_space<vmem>>) target_semaphore(%dma_start3A_467 : memref<!tpu.dma_semaphore, #tpu.memory_space<semaphore_mem>>)
          %slice3A_474 = vector.extract_strided_slice %shift_right_logical3A_361 {offsets = [6], sizes = [1], strides = [1]} : vector<16xi32> to vector<1xi32>
          %squeeze3A_475 = vector.extract %slice3A_474[0] : i32 from vector<1xi32>
          %mul3A_476 = arith.constant 128 : i32
          %mul3A_477 = arith.muli %squeeze3A_475, %mul3A_476 : i32
          %multiple_of3A_478 = tpu.assume_multiple %mul3A_477, 128 : i32
          %dma_start3A_479 = arith.constant 96 : i32
          %dma_start3A_480 = arith.constant 0 : i32
          %dma_start3A_481 = tpu.memref_slice %arg10[%rem3A_338, %dma_start3A_479, %dma_start3A_480] : memref<3x256x128xf32, #tpu.memory_space<vmem>> -> memref<1x16x128xf32, #tpu.memory_space<vmem>>
          %dma_start3A_482 = tpu.memref_squeeze %dma_start3A_481 : memref<1x16x128xf32, #tpu.memory_space<vmem>> -> memref<16x128xf32, #tpu.memory_space<vmem>>
          %dma_start3A_483 = arith.constant 0 : i32
          %dma_start3A_484 = tpu.memref_slice %arg4[%dma_start3A_483, %multiple_of3A_478] : memref<16x1000000xf32, #tpu.memory_space<hbm>> -> memref<16x128xf32, #tpu.memory_space<hbm>>
          %dma_start3A_485 = tpu.memref_slice %arg13[%rem3A_338] : memref<3x!tpu.dma_semaphore, #tpu.memory_space<semaphore_mem>> -> memref<1x!tpu.dma_semaphore, #tpu.memory_space<semaphore_mem>>
          %dma_start3A_486 = tpu.memref_squeeze %dma_start3A_485 : memref<1x!tpu.dma_semaphore, #tpu.memory_space<semaphore_mem>> -> memref<!tpu.dma_semaphore, #tpu.memory_space<semaphore_mem>>
          %dma_start3A_487 = arith.constant 96 : i32
          %dma_start3A_488 = arith.constant 0 : i32
          %dma_start3A_489 = tpu.memref_slice %arg10[%rem3A_338, %dma_start3A_487, %dma_start3A_488] : memref<3x256x128xf32, #tpu.memory_space<vmem>> -> memref<1x16x128xf32, #tpu.memory_space<vmem>>
          %dma_start3A_490 = tpu.memref_squeeze %dma_start3A_489 : memref<1x16x128xf32, #tpu.memory_space<vmem>> -> memref<16x128xf32, #tpu.memory_space<vmem>>
          %dma_start3A_491 = arith.constant 0 : i32
          %dma_start3A_492 = tpu.memref_slice %arg4[%dma_start3A_491, %multiple_of3A_478] : memref<16x1000000xf32, #tpu.memory_space<hbm>> -> memref<16x128xf32, #tpu.memory_space<hbm>>
          tpu.enqueue_dma source(%dma_start3A_492 : memref<16x128xf32, #tpu.memory_space<hbm>>) target(%dma_start3A_490 : memref<16x128xf32, #tpu.memory_space<vmem>>) target_semaphore(%dma_start3A_486 : memref<!tpu.dma_semaphore, #tpu.memory_space<semaphore_mem>>)
          %slice3A_493 = vector.extract_strided_slice %shift_right_logical3A_361 {offsets = [7], sizes = [1], strides = [1]} : vector<16xi32> to vector<1xi32>
          %squeeze3A_494 = vector.extract %slice3A_493[0] : i32 from vector<1xi32>
          %mul3A_495 = arith.constant 128 : i32
          %mul3A_496 = arith.muli %squeeze3A_494, %mul3A_495 : i32
          %multiple_of3A_497 = tpu.assume_multiple %mul3A_496, 128 : i32
          %dma_start3A_498 = arith.constant 112 : i32
          %dma_start3A_499 = arith.constant 0 : i32
          %dma_start3A_500 = tpu.memref_slice %arg10[%rem3A_338, %dma_start3A_498, %dma_start3A_499] : memref<3x256x128xf32, #tpu.memory_space<vmem>> -> memref<1x16x128xf32, #tpu.memory_space<vmem>>
          %dma_start3A_501 = tpu.memref_squeeze %dma_start3A_500 : memref<1x16x128xf32, #tpu.memory_space<vmem>> -> memref<16x128xf32, #tpu.memory_space<vmem>>
          %dma_start3A_502 = arith.constant 0 : i32
          %dma_start3A_503 = tpu.memref_slice %arg4[%dma_start3A_502, %multiple_of3A_497] : memref<16x1000000xf32, #tpu.memory_space<hbm>> -> memref<16x128xf32, #tpu.memory_space<hbm>>
          %dma_start3A_504 = tpu.memref_slice %arg13[%rem3A_338] : memref<3x!tpu.dma_semaphore, #tpu.memory_space<semaphore_mem>> -> memref<1x!tpu.dma_semaphore, #tpu.memory_space<semaphore_mem>>
          %dma_start3A_505 = tpu.memref_squeeze %dma_start3A_504 : memref<1x!tpu.dma_semaphore, #tpu.memory_space<semaphore_mem>> -> memref<!tpu.dma_semaphore, #tpu.memory_space<semaphore_mem>>
          %dma_start3A_506 = arith.constant 112 : i32
          %dma_start3A_507 = arith.constant 0 : i32
          %dma_start3A_508 = tpu.memref_slice %arg10[%rem3A_338, %dma_start3A_506, %dma_start3A_507] : memref<3x256x128xf32, #tpu.memory_space<vmem>> -> memref<1x16x128xf32, #tpu.memory_space<vmem>>
          %dma_start3A_509 = tpu.memref_squeeze %dma_start3A_508 : memref<1x16x128xf32, #tpu.memory_space<vmem>> -> memref<16x128xf32, #tpu.memory_space<vmem>>
          %dma_start3A_510 = arith.constant 0 : i32
          %dma_start3A_511 = tpu.memref_slice %arg4[%dma_start3A_510, %multiple_of3A_497] : memref<16x1000000xf32, #tpu.memory_space<hbm>> -> memref<16x128xf32, #tpu.memory_space<hbm>>
          tpu.enqueue_dma source(%dma_start3A_511 : memref<16x128xf32, #tpu.memory_space<hbm>>) target(%dma_start3A_509 : memref<16x128xf32, #tpu.memory_space<vmem>>) target_semaphore(%dma_start3A_505 : memref<!tpu.dma_semaphore, #tpu.memory_space<semaphore_mem>>)
          %slice3A_512 = vector.extract_strided_slice %shift_right_logical3A_361 {offsets = [8], sizes = [1], strides = [1]} : vector<16xi32> to vector<1xi32>
          %squeeze3A_513 = vector.extract %slice3A_512[0] : i32 from vector<1xi32>
          %mul3A_514 = arith.constant 128 : i32
          %mul3A_515 = arith.muli %squeeze3A_513, %mul3A_514 : i32
          %multiple_of3A_516 = tpu.assume_multiple %mul3A_515, 128 : i32
          %dma_start3A_517 = arith.constant 128 : i32
          %dma_start3A_518 = arith.constant 0 : i32
          %dma_start3A_519 = tpu.memref_slice %arg10[%rem3A_338, %dma_start3A_517, %dma_start3A_518] : memref<3x256x128xf32, #tpu.memory_space<vmem>> -> memref<1x16x128xf32, #tpu.memory_space<vmem>>
          %dma_start3A_520 = tpu.memref_squeeze %dma_start3A_519 : memref<1x16x128xf32, #tpu.memory_space<vmem>> -> memref<16x128xf32, #tpu.memory_space<vmem>>
          %dma_start3A_521 = arith.constant 0 : i32
          %dma_start3A_522 = tpu.memref_slice %arg4[%dma_start3A_521, %multiple_of3A_516] : memref<16x1000000xf32, #tpu.memory_space<hbm>> -> memref<16x128xf32, #tpu.memory_space<hbm>>
          %dma_start3A_523 = tpu.memref_slice %arg13[%rem3A_338] : memref<3x!tpu.dma_semaphore, #tpu.memory_space<semaphore_mem>> -> memref<1x!tpu.dma_semaphore, #tpu.memory_space<semaphore_mem>>
          %dma_start3A_524 = tpu.memref_squeeze %dma_start3A_523 : memref<1x!tpu.dma_semaphore, #tpu.memory_space<semaphore_mem>> -> memref<!tpu.dma_semaphore, #tpu.memory_space<semaphore_mem>>
          %dma_start3A_525 = arith.constant 128 : i32
          %dma_start3A_526 = arith.constant 0 : i32
          %dma_start3A_527 = tpu.memref_slice %arg10[%rem3A_338, %dma_start3A_525, %dma_start3A_526] : memref<3x256x128xf32, #tpu.memory_space<vmem>> -> memref<1x16x128xf32, #tpu.memory_space<vmem>>
          %dma_start3A_528 = tpu.memref_squeeze %dma_start3A_527 : memref<1x16x128xf32, #tpu.memory_space<vmem>> -> memref<16x128xf32, #tpu.memory_space<vmem>>
          %dma_start3A_529 = arith.constant 0 : i32
          %dma_start3A_530 = tpu.memref_slice %arg4[%dma_start3A_529, %multiple_of3A_516] : memref<16x1000000xf32, #tpu.memory_space<hbm>> -> memref<16x128xf32, #tpu.memory_space<hbm>>
          tpu.enqueue_dma source(%dma_start3A_530 : memref<16x128xf32, #tpu.memory_space<hbm>>) target(%dma_start3A_528 : memref<16x128xf32, #tpu.memory_space<vmem>>) target_semaphore(%dma_start3A_524 : memref<!tpu.dma_semaphore, #tpu.memory_space<semaphore_mem>>)
          %slice3A_531 = vector.extract_strided_slice %shift_right_logical3A_361 {offsets = [9], sizes = [1], strides = [1]} : vector<16xi32> to vector<1xi32>
          %squeeze3A_532 = vector.extract %slice3A_531[0] : i32 from vector<1xi32>
          %mul3A_533 = arith.constant 128 : i32
          %mul3A_534 = arith.muli %squeeze3A_532, %mul3A_533 : i32
          %multiple_of3A_535 = tpu.assume_multiple %mul3A_534, 128 : i32
          %dma_start3A_536 = arith.constant 144 : i32
          %dma_start3A_537 = arith.constant 0 : i32
          %dma_start3A_538 = tpu.memref_slice %arg10[%rem3A_338, %dma_start3A_536, %dma_start3A_537] : memref<3x256x128xf32, #tpu.memory_space<vmem>> -> memref<1x16x128xf32, #tpu.memory_space<vmem>>
          %dma_start3A_539 = tpu.memref_squeeze %dma_start3A_538 : memref<1x16x128xf32, #tpu.memory_space<vmem>> -> memref<16x128xf32, #tpu.memory_space<vmem>>
          %dma_start3A_540 = arith.constant 0 : i32
          %dma_start3A_541 = tpu.memref_slice %arg4[%dma_start3A_540, %multiple_of3A_535] : memref<16x1000000xf32, #tpu.memory_space<hbm>> -> memref<16x128xf32, #tpu.memory_space<hbm>>
          %dma_start3A_542 = tpu.memref_slice %arg13[%rem3A_338] : memref<3x!tpu.dma_semaphore, #tpu.memory_space<semaphore_mem>> -> memref<1x!tpu.dma_semaphore, #tpu.memory_space<semaphore_mem>>
          %dma_start3A_543 = tpu.memref_squeeze %dma_start3A_542 : memref<1x!tpu.dma_semaphore, #tpu.memory_space<semaphore_mem>> -> memref<!tpu.dma_semaphore, #tpu.memory_space<semaphore_mem>>
          %dma_start3A_544 = arith.constant 144 : i32
          %dma_start3A_545 = arith.constant 0 : i32
          %dma_start3A_546 = tpu.memref_slice %arg10[%rem3A_338, %dma_start3A_544, %dma_start3A_545] : memref<3x256x128xf32, #tpu.memory_space<vmem>> -> memref<1x16x128xf32, #tpu.memory_space<vmem>>
          %dma_start3A_547 = tpu.memref_squeeze %dma_start3A_546 : memref<1x16x128xf32, #tpu.memory_space<vmem>> -> memref<16x128xf32, #tpu.memory_space<vmem>>
          %dma_start3A_548 = arith.constant 0 : i32
          %dma_start3A_549 = tpu.memref_slice %arg4[%dma_start3A_548, %multiple_of3A_535] : memref<16x1000000xf32, #tpu.memory_space<hbm>> -> memref<16x128xf32, #tpu.memory_space<hbm>>
          tpu.enqueue_dma source(%dma_start3A_549 : memref<16x128xf32, #tpu.memory_space<hbm>>) target(%dma_start3A_547 : memref<16x128xf32, #tpu.memory_space<vmem>>) target_semaphore(%dma_start3A_543 : memref<!tpu.dma_semaphore, #tpu.memory_space<semaphore_mem>>)
          %slice3A_550 = vector.extract_strided_slice %shift_right_logical3A_361 {offsets = [10], sizes = [1], strides = [1]} : vector<16xi32> to vector<1xi32>
          %squeeze3A_551 = vector.extract %slice3A_550[0] : i32 from vector<1xi32>
          %mul3A_552 = arith.constant 128 : i32
          %mul3A_553 = arith.muli %squeeze3A_551, %mul3A_552 : i32
          %multiple_of3A_554 = tpu.assume_multiple %mul3A_553, 128 : i32
          %dma_start3A_555 = arith.constant 160 : i32
          %dma_start3A_556 = arith.constant 0 : i32
          %dma_start3A_557 = tpu.memref_slice %arg10[%rem3A_338, %dma_start3A_555, %dma_start3A_556] : memref<3x256x128xf32, #tpu.memory_space<vmem>> -> memref<1x16x128xf32, #tpu.memory_space<vmem>>
          %dma_start3A_558 = tpu.memref_squeeze %dma_start3A_557 : memref<1x16x128xf32, #tpu.memory_space<vmem>> -> memref<16x128xf32, #tpu.memory_space<vmem>>
          %dma_start3A_559 = arith.constant 0 : i32
          %dma_start3A_560 = tpu.memref_slice %arg4[%dma_start3A_559, %multiple_of3A_554] : memref<16x1000000xf32, #tpu.memory_space<hbm>> -> memref<16x128xf32, #tpu.memory_space<hbm>>
          %dma_start3A_561 = tpu.memref_slice %arg13[%rem3A_338] : memref<3x!tpu.dma_semaphore, #tpu.memory_space<semaphore_mem>> -> memref<1x!tpu.dma_semaphore, #tpu.memory_space<semaphore_mem>>
          %dma_start3A_562 = tpu.memref_squeeze %dma_start3A_561 : memref<1x!tpu.dma_semaphore, #tpu.memory_space<semaphore_mem>> -> memref<!tpu.dma_semaphore, #tpu.memory_space<semaphore_mem>>
          %dma_start3A_563 = arith.constant 160 : i32
          %dma_start3A_564 = arith.constant 0 : i32
          %dma_start3A_565 = tpu.memref_slice %arg10[%rem3A_338, %dma_start3A_563, %dma_start3A_564] : memref<3x256x128xf32, #tpu.memory_space<vmem>> -> memref<1x16x128xf32, #tpu.memory_space<vmem>>
          %dma_start3A_566 = tpu.memref_squeeze %dma_start3A_565 : memref<1x16x128xf32, #tpu.memory_space<vmem>> -> memref<16x128xf32, #tpu.memory_space<vmem>>
          %dma_start3A_567 = arith.constant 0 : i32
          %dma_start3A_568 = tpu.memref_slice %arg4[%dma_start3A_567, %multiple_of3A_554] : memref<16x1000000xf32, #tpu.memory_space<hbm>> -> memref<16x128xf32, #tpu.memory_space<hbm>>
          tpu.enqueue_dma source(%dma_start3A_568 : memref<16x128xf32, #tpu.memory_space<hbm>>) target(%dma_start3A_566 : memref<16x128xf32, #tpu.memory_space<vmem>>) target_semaphore(%dma_start3A_562 : memref<!tpu.dma_semaphore, #tpu.memory_space<semaphore_mem>>)
          %slice3A_569 = vector.extract_strided_slice %shift_right_logical3A_361 {offsets = [11], sizes = [1], strides = [1]} : vector<16xi32> to vector<1xi32>
          %squeeze3A_570 = vector.extract %slice3A_569[0] : i32 from vector<1xi32>
          %mul3A_571 = arith.constant 128 : i32
          %mul3A_572 = arith.muli %squeeze3A_570, %mul3A_571 : i32
          %multiple_of3A_573 = tpu.assume_multiple %mul3A_572, 128 : i32
          %dma_start3A_574 = arith.constant 176 : i32
          %dma_start3A_575 = arith.constant 0 : i32
          %dma_start3A_576 = tpu.memref_slice %arg10[%rem3A_338, %dma_start3A_574, %dma_start3A_575] : memref<3x256x128xf32, #tpu.memory_space<vmem>> -> memref<1x16x128xf32, #tpu.memory_space<vmem>>
          %dma_start3A_577 = tpu.memref_squeeze %dma_start3A_576 : memref<1x16x128xf32, #tpu.memory_space<vmem>> -> memref<16x128xf32, #tpu.memory_space<vmem>>
          %dma_start3A_578 = arith.constant 0 : i32
          %dma_start3A_579 = tpu.memref_slice %arg4[%dma_start3A_578, %multiple_of3A_573] : memref<16x1000000xf32, #tpu.memory_space<hbm>> -> memref<16x128xf32, #tpu.memory_space<hbm>>
          %dma_start3A_580 = tpu.memref_slice %arg13[%rem3A_338] : memref<3x!tpu.dma_semaphore, #tpu.memory_space<semaphore_mem>> -> memref<1x!tpu.dma_semaphore, #tpu.memory_space<semaphore_mem>>
          %dma_start3A_581 = tpu.memref_squeeze %dma_start3A_580 : memref<1x!tpu.dma_semaphore, #tpu.memory_space<semaphore_mem>> -> memref<!tpu.dma_semaphore, #tpu.memory_space<semaphore_mem>>
          %dma_start3A_582 = arith.constant 176 : i32
          %dma_start3A_583 = arith.constant 0 : i32
          %dma_start3A_584 = tpu.memref_slice %arg10[%rem3A_338, %dma_start3A_582, %dma_start3A_583] : memref<3x256x128xf32, #tpu.memory_space<vmem>> -> memref<1x16x128xf32, #tpu.memory_space<vmem>>
          %dma_start3A_585 = tpu.memref_squeeze %dma_start3A_584 : memref<1x16x128xf32, #tpu.memory_space<vmem>> -> memref<16x128xf32, #tpu.memory_space<vmem>>
          %dma_start3A_586 = arith.constant 0 : i32
          %dma_start3A_587 = tpu.memref_slice %arg4[%dma_start3A_586, %multiple_of3A_573] : memref<16x1000000xf32, #tpu.memory_space<hbm>> -> memref<16x128xf32, #tpu.memory_space<hbm>>
          tpu.enqueue_dma source(%dma_start3A_587 : memref<16x128xf32, #tpu.memory_space<hbm>>) target(%dma_start3A_585 : memref<16x128xf32, #tpu.memory_space<vmem>>) target_semaphore(%dma_start3A_581 : memref<!tpu.dma_semaphore, #tpu.memory_space<semaphore_mem>>)
          %slice3A_588 = vector.extract_strided_slice %shift_right_logical3A_361 {offsets = [12], sizes = [1], strides = [1]} : vector<16xi32> to vector<1xi32>
          %squeeze3A_589 = vector.extract %slice3A_588[0] : i32 from vector<1xi32>
          %mul3A_590 = arith.constant 128 : i32
          %mul3A_591 = arith.muli %squeeze3A_589, %mul3A_590 : i32
          %multiple_of3A_592 = tpu.assume_multiple %mul3A_591, 128 : i32
          %dma_start3A_593 = arith.constant 192 : i32
          %dma_start3A_594 = arith.constant 0 : i32
          %dma_start3A_595 = tpu.memref_slice %arg10[%rem3A_338, %dma_start3A_593, %dma_start3A_594] : memref<3x256x128xf32, #tpu.memory_space<vmem>> -> memref<1x16x128xf32, #tpu.memory_space<vmem>>
          %dma_start3A_596 = tpu.memref_squeeze %dma_start3A_595 : memref<1x16x128xf32, #tpu.memory_space<vmem>> -> memref<16x128xf32, #tpu.memory_space<vmem>>
          %dma_start3A_597 = arith.constant 0 : i32
          %dma_start3A_598 = tpu.memref_slice %arg4[%dma_start3A_597, %multiple_of3A_592] : memref<16x1000000xf32, #tpu.memory_space<hbm>> -> memref<16x128xf32, #tpu.memory_space<hbm>>
          %dma_start3A_599 = tpu.memref_slice %arg13[%rem3A_338] : memref<3x!tpu.dma_semaphore, #tpu.memory_space<semaphore_mem>> -> memref<1x!tpu.dma_semaphore, #tpu.memory_space<semaphore_mem>>
          %dma_start3A_600 = tpu.memref_squeeze %dma_start3A_599 : memref<1x!tpu.dma_semaphore, #tpu.memory_space<semaphore_mem>> -> memref<!tpu.dma_semaphore, #tpu.memory_space<semaphore_mem>>
          %dma_start3A_601 = arith.constant 192 : i32
          %dma_start3A_602 = arith.constant 0 : i32
          %dma_start3A_603 = tpu.memref_slice %arg10[%rem3A_338, %dma_start3A_601, %dma_start3A_602] : memref<3x256x128xf32, #tpu.memory_space<vmem>> -> memref<1x16x128xf32, #tpu.memory_space<vmem>>
          %dma_start3A_604 = tpu.memref_squeeze %dma_start3A_603 : memref<1x16x128xf32, #tpu.memory_space<vmem>> -> memref<16x128xf32, #tpu.memory_space<vmem>>
          %dma_start3A_605 = arith.constant 0 : i32
          %dma_start3A_606 = tpu.memref_slice %arg4[%dma_start3A_605, %multiple_of3A_592] : memref<16x1000000xf32, #tpu.memory_space<hbm>> -> memref<16x128xf32, #tpu.memory_space<hbm>>
          tpu.enqueue_dma source(%dma_start3A_606 : memref<16x128xf32, #tpu.memory_space<hbm>>) target(%dma_start3A_604 : memref<16x128xf32, #tpu.memory_space<vmem>>) target_semaphore(%dma_start3A_600 : memref<!tpu.dma_semaphore, #tpu.memory_space<semaphore_mem>>)
          %slice3A_607 = vector.extract_strided_slice %shift_right_logical3A_361 {offsets = [13], sizes = [1], strides = [1]} : vector<16xi32> to vector<1xi32>
          %squeeze3A_608 = vector.extract %slice3A_607[0] : i32 from vector<1xi32>
          %mul3A_609 = arith.constant 128 : i32
          %mul3A_610 = arith.muli %squeeze3A_608, %mul3A_609 : i32
          %multiple_of3A_611 = tpu.assume_multiple %mul3A_610, 128 : i32
          %dma_start3A_612 = arith.constant 208 : i32
          %dma_start3A_613 = arith.constant 0 : i32
          %dma_start3A_614 = tpu.memref_slice %arg10[%rem3A_338, %dma_start3A_612, %dma_start3A_613] : memref<3x256x128xf32, #tpu.memory_space<vmem>> -> memref<1x16x128xf32, #tpu.memory_space<vmem>>
          %dma_start3A_615 = tpu.memref_squeeze %dma_start3A_614 : memref<1x16x128xf32, #tpu.memory_space<vmem>> -> memref<16x128xf32, #tpu.memory_space<vmem>>
          %dma_start3A_616 = arith.constant 0 : i32
          %dma_start3A_617 = tpu.memref_slice %arg4[%dma_start3A_616, %multiple_of3A_611] : memref<16x1000000xf32, #tpu.memory_space<hbm>> -> memref<16x128xf32, #tpu.memory_space<hbm>>
          %dma_start3A_618 = tpu.memref_slice %arg13[%rem3A_338] : memref<3x!tpu.dma_semaphore, #tpu.memory_space<semaphore_mem>> -> memref<1x!tpu.dma_semaphore, #tpu.memory_space<semaphore_mem>>
          %dma_start3A_619 = tpu.memref_squeeze %dma_start3A_618 : memref<1x!tpu.dma_semaphore, #tpu.memory_space<semaphore_mem>> -> memref<!tpu.dma_semaphore, #tpu.memory_space<semaphore_mem>>
          %dma_start3A_620 = arith.constant 208 : i32
          %dma_start3A_621 = arith.constant 0 : i32
          %dma_start3A_622 = tpu.memref_slice %arg10[%rem3A_338, %dma_start3A_620, %dma_start3A_621] : memref<3x256x128xf32, #tpu.memory_space<vmem>> -> memref<1x16x128xf32, #tpu.memory_space<vmem>>
          %dma_start3A_623 = tpu.memref_squeeze %dma_start3A_622 : memref<1x16x128xf32, #tpu.memory_space<vmem>> -> memref<16x128xf32, #tpu.memory_space<vmem>>
          %dma_start3A_624 = arith.constant 0 : i32
          %dma_start3A_625 = tpu.memref_slice %arg4[%dma_start3A_624, %multiple_of3A_611] : memref<16x1000000xf32, #tpu.memory_space<hbm>> -> memref<16x128xf32, #tpu.memory_space<hbm>>
          tpu.enqueue_dma source(%dma_start3A_625 : memref<16x128xf32, #tpu.memory_space<hbm>>) target(%dma_start3A_623 : memref<16x128xf32, #tpu.memory_space<vmem>>) target_semaphore(%dma_start3A_619 : memref<!tpu.dma_semaphore, #tpu.memory_space<semaphore_mem>>)
          %slice3A_626 = vector.extract_strided_slice %shift_right_logical3A_361 {offsets = [14], sizes = [1], strides = [1]} : vector<16xi32> to vector<1xi32>
          %squeeze3A_627 = vector.extract %slice3A_626[0] : i32 from vector<1xi32>
          %mul3A_628 = arith.constant 128 : i32
          %mul3A_629 = arith.muli %squeeze3A_627, %mul3A_628 : i32
          %multiple_of3A_630 = tpu.assume_multiple %mul3A_629, 128 : i32
          %dma_start3A_631 = arith.constant 224 : i32
          %dma_start3A_632 = arith.constant 0 : i32
          %dma_start3A_633 = tpu.memref_slice %arg10[%rem3A_338, %dma_start3A_631, %dma_start3A_632] : memref<3x256x128xf32, #tpu.memory_space<vmem>> -> memref<1x16x128xf32, #tpu.memory_space<vmem>>
          %dma_start3A_634 = tpu.memref_squeeze %dma_start3A_633 : memref<1x16x128xf32, #tpu.memory_space<vmem>> -> memref<16x128xf32, #tpu.memory_space<vmem>>
          %dma_start3A_635 = arith.constant 0 : i32
          %dma_start3A_636 = tpu.memref_slice %arg4[%dma_start3A_635, %multiple_of3A_630] : memref<16x1000000xf32, #tpu.memory_space<hbm>> -> memref<16x128xf32, #tpu.memory_space<hbm>>
          %dma_start3A_637 = tpu.memref_slice %arg13[%rem3A_338] : memref<3x!tpu.dma_semaphore, #tpu.memory_space<semaphore_mem>> -> memref<1x!tpu.dma_semaphore, #tpu.memory_space<semaphore_mem>>
          %dma_start3A_638 = tpu.memref_squeeze %dma_start3A_637 : memref<1x!tpu.dma_semaphore, #tpu.memory_space<semaphore_mem>> -> memref<!tpu.dma_semaphore, #tpu.memory_space<semaphore_mem>>
          %dma_start3A_639 = arith.constant 224 : i32
          %dma_start3A_640 = arith.constant 0 : i32
          %dma_start3A_641 = tpu.memref_slice %arg10[%rem3A_338, %dma_start3A_639, %dma_start3A_640] : memref<3x256x128xf32, #tpu.memory_space<vmem>> -> memref<1x16x128xf32, #tpu.memory_space<vmem>>
          %dma_start3A_642 = tpu.memref_squeeze %dma_start3A_641 : memref<1x16x128xf32, #tpu.memory_space<vmem>> -> memref<16x128xf32, #tpu.memory_space<vmem>>
          %dma_start3A_643 = arith.constant 0 : i32
          %dma_start3A_644 = tpu.memref_slice %arg4[%dma_start3A_643, %multiple_of3A_630] : memref<16x1000000xf32, #tpu.memory_space<hbm>> -> memref<16x128xf32, #tpu.memory_space<hbm>>
          tpu.enqueue_dma source(%dma_start3A_644 : memref<16x128xf32, #tpu.memory_space<hbm>>) target(%dma_start3A_642 : memref<16x128xf32, #tpu.memory_space<vmem>>) target_semaphore(%dma_start3A_638 : memref<!tpu.dma_semaphore, #tpu.memory_space<semaphore_mem>>)
          %slice3A_645 = vector.extract_strided_slice %shift_right_logical3A_361 {offsets = [15], sizes = [1], strides = [1]} : vector<16xi32> to vector<1xi32>
          %squeeze3A_646 = vector.extract %slice3A_645[0] : i32 from vector<1xi32>
          %mul3A_647 = arith.constant 128 : i32
          %mul3A_648 = arith.muli %squeeze3A_646, %mul3A_647 : i32
          %multiple_of3A_649 = tpu.assume_multiple %mul3A_648, 128 : i32
          %dma_start3A_650 = arith.constant 240 : i32
          %dma_start3A_651 = arith.constant 0 : i32
          %dma_start3A_652 = tpu.memref_slice %arg10[%rem3A_338, %dma_start3A_650, %dma_start3A_651] : memref<3x256x128xf32, #tpu.memory_space<vmem>> -> memref<1x16x128xf32, #tpu.memory_space<vmem>>
          %dma_start3A_653 = tpu.memref_squeeze %dma_start3A_652 : memref<1x16x128xf32, #tpu.memory_space<vmem>> -> memref<16x128xf32, #tpu.memory_space<vmem>>
          %dma_start3A_654 = arith.constant 0 : i32
          %dma_start3A_655 = tpu.memref_slice %arg4[%dma_start3A_654, %multiple_of3A_649] : memref<16x1000000xf32, #tpu.memory_space<hbm>> -> memref<16x128xf32, #tpu.memory_space<hbm>>
          %dma_start3A_656 = tpu.memref_slice %arg13[%rem3A_338] : memref<3x!tpu.dma_semaphore, #tpu.memory_space<semaphore_mem>> -> memref<1x!tpu.dma_semaphore, #tpu.memory_space<semaphore_mem>>
          %dma_start3A_657 = tpu.memref_squeeze %dma_start3A_656 : memref<1x!tpu.dma_semaphore, #tpu.memory_space<semaphore_mem>> -> memref<!tpu.dma_semaphore, #tpu.memory_space<semaphore_mem>>
          %dma_start3A_658 = arith.constant 240 : i32
          %dma_start3A_659 = arith.constant 0 : i32
          %dma_start3A_660 = tpu.memref_slice %arg10[%rem3A_338, %dma_start3A_658, %dma_start3A_659] : memref<3x256x128xf32, #tpu.memory_space<vmem>> -> memref<1x16x128xf32, #tpu.memory_space<vmem>>
          %dma_start3A_661 = tpu.memref_squeeze %dma_start3A_660 : memref<1x16x128xf32, #tpu.memory_space<vmem>> -> memref<16x128xf32, #tpu.memory_space<vmem>>
          %dma_start3A_662 = arith.constant 0 : i32
          %dma_start3A_663 = tpu.memref_slice %arg4[%dma_start3A_662, %multiple_of3A_649] : memref<16x1000000xf32, #tpu.memory_space<hbm>> -> memref<16x128xf32, #tpu.memory_space<hbm>>
          tpu.enqueue_dma source(%dma_start3A_663 : memref<16x128xf32, #tpu.memory_space<hbm>>) target(%dma_start3A_661 : memref<16x128xf32, #tpu.memory_space<vmem>>) target_semaphore(%dma_start3A_657 : memref<!tpu.dma_semaphore, #tpu.memory_space<semaphore_mem>>)
        } else {
        }
        %rem3A_348 = arith.constant 2 : i32
        %rem3A_349 = arith.remsi %add3A_334, %rem3A_348 : i32
        %eq3A_350 = arith.constant 1 : i32
        %eq3A_351 = arith.cmpi eq, %rem3A_349, %eq3A_350 : i32
        %convert_element_type3A_352 = arith.extui %eq3A_351 : i1 to i32
        %cond3A_353 = arith.constant 0 : i32
        %cond3A_354 = arith.cmpi ne, %convert_element_type3A_352, %cond3A_353 : i32
        scf.if %cond3A_354 {
          %mul3A_355 = arith.constant 16 : i32
          %mul3A_356 = arith.muli %shift_right_logical3A_340, %mul3A_355 : i32
          %get3A_357 = arith.index_cast %mul3A_356 : i32 to index
          %get3A_358 = tpu.vector_load %arg9[%get3A_357] {strides = array<i32>} : memref<512xi32, #tpu.memory_space<vmem>>, vector<16xi32>,
          %shift_right_logical3A_359 = arith.constant 7 : i32
          %shift_right_logical3A_360 = vector.broadcast %shift_right_logical3A_359 : i32 to vector<16xi32>
          %shift_right_logical3A_361 = arith.shrui %get3A_358, %shift_right_logical3A_360 : vector<16xi32>
          %slice3A_362 = vector.extract_strided_slice %shift_right_logical3A_361 {offsets = [0], sizes = [1], strides = [1]} : vector<16xi32> to vector<1xi32>
          %squeeze3A_363 = vector.extract %slice3A_362[0] : i32 from vector<1xi32>
          %mul3A_364 = arith.constant 128 : i32
          %mul3A_365 = arith.muli %squeeze3A_363, %mul3A_364 : i32
          %multiple_of3A = tpu.assume_multiple %mul3A_365, 128 : i32
          %dma_start3A = arith.constant 0 : i32
          %dma_start3A_366 = arith.constant 0 : i32
          %dma_start3A_367 = tpu.memref_slice %arg10[%rem3A_338, %dma_start3A, %dma_start3A_366] : memref<3x256x128xf32, #tpu.memory_space<vmem>> -> memref<1x16x128xf32, #tpu.memory_space<vmem>>
          %dma_start3A_368 = tpu.memref_squeeze %dma_start3A_367 : memref<1x16x128xf32, #tpu.memory_space<vmem>> -> memref<16x128xf32, #tpu.memory_space<vmem>>
          %dma_start3A_369 = arith.constant 0 : i32
          %dma_start3A_370 = tpu.memref_slice %arg5[%dma_start3A_369, %multiple_of3A] : memref<16x1000000xf32, #tpu.memory_space<hbm>> -> memref<16x128xf32, #tpu.memory_space<hbm>>
          %dma_start3A_371 = tpu.memref_slice %arg13[%rem3A_338] : memref<3x!tpu.dma_semaphore, #tpu.memory_space<semaphore_mem>> -> memref<1x!tpu.dma_semaphore, #tpu.memory_space<semaphore_mem>>
          %dma_start3A_372 = tpu.memref_squeeze %dma_start3A_371 : memref<1x!tpu.dma_semaphore, #tpu.memory_space<semaphore_mem>> -> memref<!tpu.dma_semaphore, #tpu.memory_space<semaphore_mem>>
          %dma_start3A_373 = arith.constant 0 : i32
          %dma_start3A_374 = arith.constant 0 : i32
          %dma_start3A_375 = tpu.memref_slice %arg10[%rem3A_338, %dma_start3A_373, %dma_start3A_374] : memref<3x256x128xf32, #tpu.memory_space<vmem>> -> memref<1x16x128xf32, #tpu.memory_space<vmem>>
          %dma_start3A_376 = tpu.memref_squeeze %dma_start3A_375 : memref<1x16x128xf32, #tpu.memory_space<vmem>> -> memref<16x128xf32, #tpu.memory_space<vmem>>
          %dma_start3A_377 = arith.constant 0 : i32
          %dma_start3A_378 = tpu.memref_slice %arg5[%dma_start3A_377, %multiple_of3A] : memref<16x1000000xf32, #tpu.memory_space<hbm>> -> memref<16x128xf32, #tpu.memory_space<hbm>>
          tpu.enqueue_dma source(%dma_start3A_378 : memref<16x128xf32, #tpu.memory_space<hbm>>) target(%dma_start3A_376 : memref<16x128xf32, #tpu.memory_space<vmem>>) target_semaphore(%dma_start3A_372 : memref<!tpu.dma_semaphore, #tpu.memory_space<semaphore_mem>>)
          %slice3A_379 = vector.extract_strided_slice %shift_right_logical3A_361 {offsets = [1], sizes = [1], strides = [1]} : vector<16xi32> to vector<1xi32>
          %squeeze3A_380 = vector.extract %slice3A_379[0] : i32 from vector<1xi32>
          %mul3A_381 = arith.constant 128 : i32
          %mul3A_382 = arith.muli %squeeze3A_380, %mul3A_381 : i32
          %multiple_of3A_383 = tpu.assume_multiple %mul3A_382, 128 : i32
          %dma_start3A_384 = arith.constant 16 : i32
          %dma_start3A_385 = arith.constant 0 : i32
          %dma_start3A_386 = tpu.memref_slice %arg10[%rem3A_338, %dma_start3A_384, %dma_start3A_385] : memref<3x256x128xf32, #tpu.memory_space<vmem>> -> memref<1x16x128xf32, #tpu.memory_space<vmem>>
          %dma_start3A_387 = tpu.memref_squeeze %dma_start3A_386 : memref<1x16x128xf32, #tpu.memory_space<vmem>> -> memref<16x128xf32, #tpu.memory_space<vmem>>
          %dma_start3A_388 = arith.constant 0 : i32
          %dma_start3A_389 = tpu.memref_slice %arg5[%dma_start3A_388, %multiple_of3A_383] : memref<16x1000000xf32, #tpu.memory_space<hbm>> -> memref<16x128xf32, #tpu.memory_space<hbm>>
          %dma_start3A_390 = tpu.memref_slice %arg13[%rem3A_338] : memref<3x!tpu.dma_semaphore, #tpu.memory_space<semaphore_mem>> -> memref<1x!tpu.dma_semaphore, #tpu.memory_space<semaphore_mem>>
          %dma_start3A_391 = tpu.memref_squeeze %dma_start3A_390 : memref<1x!tpu.dma_semaphore, #tpu.memory_space<semaphore_mem>> -> memref<!tpu.dma_semaphore, #tpu.memory_space<semaphore_mem>>
          %dma_start3A_392 = arith.constant 16 : i32
          %dma_start3A_393 = arith.constant 0 : i32
          %dma_start3A_394 = tpu.memref_slice %arg10[%rem3A_338, %dma_start3A_392, %dma_start3A_393] : memref<3x256x128xf32, #tpu.memory_space<vmem>> -> memref<1x16x128xf32, #tpu.memory_space<vmem>>
          %dma_start3A_395 = tpu.memref_squeeze %dma_start3A_394 : memref<1x16x128xf32, #tpu.memory_space<vmem>> -> memref<16x128xf32, #tpu.memory_space<vmem>>
          %dma_start3A_396 = arith.constant 0 : i32
          %dma_start3A_397 = tpu.memref_slice %arg5[%dma_start3A_396, %multiple_of3A_383] : memref<16x1000000xf32, #tpu.memory_space<hbm>> -> memref<16x128xf32, #tpu.memory_space<hbm>>
          tpu.enqueue_dma source(%dma_start3A_397 : memref<16x128xf32, #tpu.memory_space<hbm>>) target(%dma_start3A_395 : memref<16x128xf32, #tpu.memory_space<vmem>>) target_semaphore(%dma_start3A_391 : memref<!tpu.dma_semaphore, #tpu.memory_space<semaphore_mem>>)
          %slice3A_398 = vector.extract_strided_slice %shift_right_logical3A_361 {offsets = [2], sizes = [1], strides = [1]} : vector<16xi32> to vector<1xi32>
          %squeeze3A_399 = vector.extract %slice3A_398[0] : i32 from vector<1xi32>
          %mul3A_400 = arith.constant 128 : i32
          %mul3A_401 = arith.muli %squeeze3A_399, %mul3A_400 : i32
          %multiple_of3A_402 = tpu.assume_multiple %mul3A_401, 128 : i32
          %dma_start3A_403 = arith.constant 32 : i32
          %dma_start3A_404 = arith.constant 0 : i32
          %dma_start3A_405 = tpu.memref_slice %arg10[%rem3A_338, %dma_start3A_403, %dma_start3A_404] : memref<3x256x128xf32, #tpu.memory_space<vmem>> -> memref<1x16x128xf32, #tpu.memory_space<vmem>>
          %dma_start3A_406 = tpu.memref_squeeze %dma_start3A_405 : memref<1x16x128xf32, #tpu.memory_space<vmem>> -> memref<16x128xf32, #tpu.memory_space<vmem>>
          %dma_start3A_407 = arith.constant 0 : i32
          %dma_start3A_408 = tpu.memref_slice %arg5[%dma_start3A_407, %multiple_of3A_402] : memref<16x1000000xf32, #tpu.memory_space<hbm>> -> memref<16x128xf32, #tpu.memory_space<hbm>>
          %dma_start3A_409 = tpu.memref_slice %arg13[%rem3A_338] : memref<3x!tpu.dma_semaphore, #tpu.memory_space<semaphore_mem>> -> memref<1x!tpu.dma_semaphore, #tpu.memory_space<semaphore_mem>>
          %dma_start3A_410 = tpu.memref_squeeze %dma_start3A_409 : memref<1x!tpu.dma_semaphore, #tpu.memory_space<semaphore_mem>> -> memref<!tpu.dma_semaphore, #tpu.memory_space<semaphore_mem>>
          %dma_start3A_411 = arith.constant 32 : i32
          %dma_start3A_412 = arith.constant 0 : i32
          %dma_start3A_413 = tpu.memref_slice %arg10[%rem3A_338, %dma_start3A_411, %dma_start3A_412] : memref<3x256x128xf32, #tpu.memory_space<vmem>> -> memref<1x16x128xf32, #tpu.memory_space<vmem>>
          %dma_start3A_414 = tpu.memref_squeeze %dma_start3A_413 : memref<1x16x128xf32, #tpu.memory_space<vmem>> -> memref<16x128xf32, #tpu.memory_space<vmem>>
          %dma_start3A_415 = arith.constant 0 : i32
          %dma_start3A_416 = tpu.memref_slice %arg5[%dma_start3A_415, %multiple_of3A_402] : memref<16x1000000xf32, #tpu.memory_space<hbm>> -> memref<16x128xf32, #tpu.memory_space<hbm>>
          tpu.enqueue_dma source(%dma_start3A_416 : memref<16x128xf32, #tpu.memory_space<hbm>>) target(%dma_start3A_414 : memref<16x128xf32, #tpu.memory_space<vmem>>) target_semaphore(%dma_start3A_410 : memref<!tpu.dma_semaphore, #tpu.memory_space<semaphore_mem>>)
          %slice3A_417 = vector.extract_strided_slice %shift_right_logical3A_361 {offsets = [3], sizes = [1], strides = [1]} : vector<16xi32> to vector<1xi32>
          %squeeze3A_418 = vector.extract %slice3A_417[0] : i32 from vector<1xi32>
          %mul3A_419 = arith.constant 128 : i32
          %mul3A_420 = arith.muli %squeeze3A_418, %mul3A_419 : i32
          %multiple_of3A_421 = tpu.assume_multiple %mul3A_420, 128 : i32
          %dma_start3A_422 = arith.constant 48 : i32
          %dma_start3A_423 = arith.constant 0 : i32
          %dma_start3A_424 = tpu.memref_slice %arg10[%rem3A_338, %dma_start3A_422, %dma_start3A_423] : memref<3x256x128xf32, #tpu.memory_space<vmem>> -> memref<1x16x128xf32, #tpu.memory_space<vmem>>
          %dma_start3A_425 = tpu.memref_squeeze %dma_start3A_424 : memref<1x16x128xf32, #tpu.memory_space<vmem>> -> memref<16x128xf32, #tpu.memory_space<vmem>>
          %dma_start3A_426 = arith.constant 0 : i32
          %dma_start3A_427 = tpu.memref_slice %arg5[%dma_start3A_426, %multiple_of3A_421] : memref<16x1000000xf32, #tpu.memory_space<hbm>> -> memref<16x128xf32, #tpu.memory_space<hbm>>
          %dma_start3A_428 = tpu.memref_slice %arg13[%rem3A_338] : memref<3x!tpu.dma_semaphore, #tpu.memory_space<semaphore_mem>> -> memref<1x!tpu.dma_semaphore, #tpu.memory_space<semaphore_mem>>
          %dma_start3A_429 = tpu.memref_squeeze %dma_start3A_428 : memref<1x!tpu.dma_semaphore, #tpu.memory_space<semaphore_mem>> -> memref<!tpu.dma_semaphore, #tpu.memory_space<semaphore_mem>>
          %dma_start3A_430 = arith.constant 48 : i32
          %dma_start3A_431 = arith.constant 0 : i32
          %dma_start3A_432 = tpu.memref_slice %arg10[%rem3A_338, %dma_start3A_430, %dma_start3A_431] : memref<3x256x128xf32, #tpu.memory_space<vmem>> -> memref<1x16x128xf32, #tpu.memory_space<vmem>>
          %dma_start3A_433 = tpu.memref_squeeze %dma_start3A_432 : memref<1x16x128xf32, #tpu.memory_space<vmem>> -> memref<16x128xf32, #tpu.memory_space<vmem>>
          %dma_start3A_434 = arith.constant 0 : i32
          %dma_start3A_435 = tpu.memref_slice %arg5[%dma_start3A_434, %multiple_of3A_421] : memref<16x1000000xf32, #tpu.memory_space<hbm>> -> memref<16x128xf32, #tpu.memory_space<hbm>>
          tpu.enqueue_dma source(%dma_start3A_435 : memref<16x128xf32, #tpu.memory_space<hbm>>) target(%dma_start3A_433 : memref<16x128xf32, #tpu.memory_space<vmem>>) target_semaphore(%dma_start3A_429 : memref<!tpu.dma_semaphore, #tpu.memory_space<semaphore_mem>>)
          %slice3A_436 = vector.extract_strided_slice %shift_right_logical3A_361 {offsets = [4], sizes = [1], strides = [1]} : vector<16xi32> to vector<1xi32>
          %squeeze3A_437 = vector.extract %slice3A_436[0] : i32 from vector<1xi32>
          %mul3A_438 = arith.constant 128 : i32
          %mul3A_439 = arith.muli %squeeze3A_437, %mul3A_438 : i32
          %multiple_of3A_440 = tpu.assume_multiple %mul3A_439, 128 : i32
          %dma_start3A_441 = arith.constant 64 : i32
          %dma_start3A_442 = arith.constant 0 : i32
          %dma_start3A_443 = tpu.memref_slice %arg10[%rem3A_338, %dma_start3A_441, %dma_start3A_442] : memref<3x256x128xf32, #tpu.memory_space<vmem>> -> memref<1x16x128xf32, #tpu.memory_space<vmem>>
          %dma_start3A_444 = tpu.memref_squeeze %dma_start3A_443 : memref<1x16x128xf32, #tpu.memory_space<vmem>> -> memref<16x128xf32, #tpu.memory_space<vmem>>
          %dma_start3A_445 = arith.constant 0 : i32
          %dma_start3A_446 = tpu.memref_slice %arg5[%dma_start3A_445, %multiple_of3A_440] : memref<16x1000000xf32, #tpu.memory_space<hbm>> -> memref<16x128xf32, #tpu.memory_space<hbm>>
          %dma_start3A_447 = tpu.memref_slice %arg13[%rem3A_338] : memref<3x!tpu.dma_semaphore, #tpu.memory_space<semaphore_mem>> -> memref<1x!tpu.dma_semaphore, #tpu.memory_space<semaphore_mem>>
          %dma_start3A_448 = tpu.memref_squeeze %dma_start3A_447 : memref<1x!tpu.dma_semaphore, #tpu.memory_space<semaphore_mem>> -> memref<!tpu.dma_semaphore, #tpu.memory_space<semaphore_mem>>
          %dma_start3A_449 = arith.constant 64 : i32
          %dma_start3A_450 = arith.constant 0 : i32
          %dma_start3A_451 = tpu.memref_slice %arg10[%rem3A_338, %dma_start3A_449, %dma_start3A_450] : memref<3x256x128xf32, #tpu.memory_space<vmem>> -> memref<1x16x128xf32, #tpu.memory_space<vmem>>
          %dma_start3A_452 = tpu.memref_squeeze %dma_start3A_451 : memref<1x16x128xf32, #tpu.memory_space<vmem>> -> memref<16x128xf32, #tpu.memory_space<vmem>>
          %dma_start3A_453 = arith.constant 0 : i32
          %dma_start3A_454 = tpu.memref_slice %arg5[%dma_start3A_453, %multiple_of3A_440] : memref<16x1000000xf32, #tpu.memory_space<hbm>> -> memref<16x128xf32, #tpu.memory_space<hbm>>
          tpu.enqueue_dma source(%dma_start3A_454 : memref<16x128xf32, #tpu.memory_space<hbm>>) target(%dma_start3A_452 : memref<16x128xf32, #tpu.memory_space<vmem>>) target_semaphore(%dma_start3A_448 : memref<!tpu.dma_semaphore, #tpu.memory_space<semaphore_mem>>)
          %slice3A_455 = vector.extract_strided_slice %shift_right_logical3A_361 {offsets = [5], sizes = [1], strides = [1]} : vector<16xi32> to vector<1xi32>
          %squeeze3A_456 = vector.extract %slice3A_455[0] : i32 from vector<1xi32>
          %mul3A_457 = arith.constant 128 : i32
          %mul3A_458 = arith.muli %squeeze3A_456, %mul3A_457 : i32
          %multiple_of3A_459 = tpu.assume_multiple %mul3A_458, 128 : i32
          %dma_start3A_460 = arith.constant 80 : i32
          %dma_start3A_461 = arith.constant 0 : i32
          %dma_start3A_462 = tpu.memref_slice %arg10[%rem3A_338, %dma_start3A_460, %dma_start3A_461] : memref<3x256x128xf32, #tpu.memory_space<vmem>> -> memref<1x16x128xf32, #tpu.memory_space<vmem>>
          %dma_start3A_463 = tpu.memref_squeeze %dma_start3A_462 : memref<1x16x128xf32, #tpu.memory_space<vmem>> -> memref<16x128xf32, #tpu.memory_space<vmem>>
          %dma_start3A_464 = arith.constant 0 : i32
          %dma_start3A_465 = tpu.memref_slice %arg5[%dma_start3A_464, %multiple_of3A_459] : memref<16x1000000xf32, #tpu.memory_space<hbm>> -> memref<16x128xf32, #tpu.memory_space<hbm>>
          %dma_start3A_466 = tpu.memref_slice %arg13[%rem3A_338] : memref<3x!tpu.dma_semaphore, #tpu.memory_space<semaphore_mem>> -> memref<1x!tpu.dma_semaphore, #tpu.memory_space<semaphore_mem>>
          %dma_start3A_467 = tpu.memref_squeeze %dma_start3A_466 : memref<1x!tpu.dma_semaphore, #tpu.memory_space<semaphore_mem>> -> memref<!tpu.dma_semaphore, #tpu.memory_space<semaphore_mem>>
          %dma_start3A_468 = arith.constant 80 : i32
          %dma_start3A_469 = arith.constant 0 : i32
          %dma_start3A_470 = tpu.memref_slice %arg10[%rem3A_338, %dma_start3A_468, %dma_start3A_469] : memref<3x256x128xf32, #tpu.memory_space<vmem>> -> memref<1x16x128xf32, #tpu.memory_space<vmem>>
          %dma_start3A_471 = tpu.memref_squeeze %dma_start3A_470 : memref<1x16x128xf32, #tpu.memory_space<vmem>> -> memref<16x128xf32, #tpu.memory_space<vmem>>
          %dma_start3A_472 = arith.constant 0 : i32
          %dma_start3A_473 = tpu.memref_slice %arg5[%dma_start3A_472, %multiple_of3A_459] : memref<16x1000000xf32, #tpu.memory_space<hbm>> -> memref<16x128xf32, #tpu.memory_space<hbm>>
          tpu.enqueue_dma source(%dma_start3A_473 : memref<16x128xf32, #tpu.memory_space<hbm>>) target(%dma_start3A_471 : memref<16x128xf32, #tpu.memory_space<vmem>>) target_semaphore(%dma_start3A_467 : memref<!tpu.dma_semaphore, #tpu.memory_space<semaphore_mem>>)
          %slice3A_474 = vector.extract_strided_slice %shift_right_logical3A_361 {offsets = [6], sizes = [1], strides = [1]} : vector<16xi32> to vector<1xi32>
          %squeeze3A_475 = vector.extract %slice3A_474[0] : i32 from vector<1xi32>
          %mul3A_476 = arith.constant 128 : i32
          %mul3A_477 = arith.muli %squeeze3A_475, %mul3A_476 : i32
          %multiple_of3A_478 = tpu.assume_multiple %mul3A_477, 128 : i32
          %dma_start3A_479 = arith.constant 96 : i32
          %dma_start3A_480 = arith.constant 0 : i32
          %dma_start3A_481 = tpu.memref_slice %arg10[%rem3A_338, %dma_start3A_479, %dma_start3A_480] : memref<3x256x128xf32, #tpu.memory_space<vmem>> -> memref<1x16x128xf32, #tpu.memory_space<vmem>>
          %dma_start3A_482 = tpu.memref_squeeze %dma_start3A_481 : memref<1x16x128xf32, #tpu.memory_space<vmem>> -> memref<16x128xf32, #tpu.memory_space<vmem>>
          %dma_start3A_483 = arith.constant 0 : i32
          %dma_start3A_484 = tpu.memref_slice %arg5[%dma_start3A_483, %multiple_of3A_478] : memref<16x1000000xf32, #tpu.memory_space<hbm>> -> memref<16x128xf32, #tpu.memory_space<hbm>>
          %dma_start3A_485 = tpu.memref_slice %arg13[%rem3A_338] : memref<3x!tpu.dma_semaphore, #tpu.memory_space<semaphore_mem>> -> memref<1x!tpu.dma_semaphore, #tpu.memory_space<semaphore_mem>>
          %dma_start3A_486 = tpu.memref_squeeze %dma_start3A_485 : memref<1x!tpu.dma_semaphore, #tpu.memory_space<semaphore_mem>> -> memref<!tpu.dma_semaphore, #tpu.memory_space<semaphore_mem>>
          %dma_start3A_487 = arith.constant 96 : i32
          %dma_start3A_488 = arith.constant 0 : i32
          %dma_start3A_489 = tpu.memref_slice %arg10[%rem3A_338, %dma_start3A_487, %dma_start3A_488] : memref<3x256x128xf32, #tpu.memory_space<vmem>> -> memref<1x16x128xf32, #tpu.memory_space<vmem>>
          %dma_start3A_490 = tpu.memref_squeeze %dma_start3A_489 : memref<1x16x128xf32, #tpu.memory_space<vmem>> -> memref<16x128xf32, #tpu.memory_space<vmem>>
          %dma_start3A_491 = arith.constant 0 : i32
          %dma_start3A_492 = tpu.memref_slice %arg5[%dma_start3A_491, %multiple_of3A_478] : memref<16x1000000xf32, #tpu.memory_space<hbm>> -> memref<16x128xf32, #tpu.memory_space<hbm>>
          tpu.enqueue_dma source(%dma_start3A_492 : memref<16x128xf32, #tpu.memory_space<hbm>>) target(%dma_start3A_490 : memref<16x128xf32, #tpu.memory_space<vmem>>) target_semaphore(%dma_start3A_486 : memref<!tpu.dma_semaphore, #tpu.memory_space<semaphore_mem>>)
          %slice3A_493 = vector.extract_strided_slice %shift_right_logical3A_361 {offsets = [7], sizes = [1], strides = [1]} : vector<16xi32> to vector<1xi32>
          %squeeze3A_494 = vector.extract %slice3A_493[0] : i32 from vector<1xi32>
          %mul3A_495 = arith.constant 128 : i32
          %mul3A_496 = arith.muli %squeeze3A_494, %mul3A_495 : i32
          %multiple_of3A_497 = tpu.assume_multiple %mul3A_496, 128 : i32
          %dma_start3A_498 = arith.constant 112 : i32
          %dma_start3A_499 = arith.constant 0 : i32
          %dma_start3A_500 = tpu.memref_slice %arg10[%rem3A_338, %dma_start3A_498, %dma_start3A_499] : memref<3x256x128xf32, #tpu.memory_space<vmem>> -> memref<1x16x128xf32, #tpu.memory_space<vmem>>
          %dma_start3A_501 = tpu.memref_squeeze %dma_start3A_500 : memref<1x16x128xf32, #tpu.memory_space<vmem>> -> memref<16x128xf32, #tpu.memory_space<vmem>>
          %dma_start3A_502 = arith.constant 0 : i32
          %dma_start3A_503 = tpu.memref_slice %arg5[%dma_start3A_502, %multiple_of3A_497] : memref<16x1000000xf32, #tpu.memory_space<hbm>> -> memref<16x128xf32, #tpu.memory_space<hbm>>
          %dma_start3A_504 = tpu.memref_slice %arg13[%rem3A_338] : memref<3x!tpu.dma_semaphore, #tpu.memory_space<semaphore_mem>> -> memref<1x!tpu.dma_semaphore, #tpu.memory_space<semaphore_mem>>
          %dma_start3A_505 = tpu.memref_squeeze %dma_start3A_504 : memref<1x!tpu.dma_semaphore, #tpu.memory_space<semaphore_mem>> -> memref<!tpu.dma_semaphore, #tpu.memory_space<semaphore_mem>>
          %dma_start3A_506 = arith.constant 112 : i32
          %dma_start3A_507 = arith.constant 0 : i32
          %dma_start3A_508 = tpu.memref_slice %arg10[%rem3A_338, %dma_start3A_506, %dma_start3A_507] : memref<3x256x128xf32, #tpu.memory_space<vmem>> -> memref<1x16x128xf32, #tpu.memory_space<vmem>>
          %dma_start3A_509 = tpu.memref_squeeze %dma_start3A_508 : memref<1x16x128xf32, #tpu.memory_space<vmem>> -> memref<16x128xf32, #tpu.memory_space<vmem>>
          %dma_start3A_510 = arith.constant 0 : i32
          %dma_start3A_511 = tpu.memref_slice %arg5[%dma_start3A_510, %multiple_of3A_497] : memref<16x1000000xf32, #tpu.memory_space<hbm>> -> memref<16x128xf32, #tpu.memory_space<hbm>>
          tpu.enqueue_dma source(%dma_start3A_511 : memref<16x128xf32, #tpu.memory_space<hbm>>) target(%dma_start3A_509 : memref<16x128xf32, #tpu.memory_space<vmem>>) target_semaphore(%dma_start3A_505 : memref<!tpu.dma_semaphore, #tpu.memory_space<semaphore_mem>>)
          %slice3A_512 = vector.extract_strided_slice %shift_right_logical3A_361 {offsets = [8], sizes = [1], strides = [1]} : vector<16xi32> to vector<1xi32>
          %squeeze3A_513 = vector.extract %slice3A_512[0] : i32 from vector<1xi32>
          %mul3A_514 = arith.constant 128 : i32
          %mul3A_515 = arith.muli %squeeze3A_513, %mul3A_514 : i32
          %multiple_of3A_516 = tpu.assume_multiple %mul3A_515, 128 : i32
          %dma_start3A_517 = arith.constant 128 : i32
          %dma_start3A_518 = arith.constant 0 : i32
          %dma_start3A_519 = tpu.memref_slice %arg10[%rem3A_338, %dma_start3A_517, %dma_start3A_518] : memref<3x256x128xf32, #tpu.memory_space<vmem>> -> memref<1x16x128xf32, #tpu.memory_space<vmem>>
          %dma_start3A_520 = tpu.memref_squeeze %dma_start3A_519 : memref<1x16x128xf32, #tpu.memory_space<vmem>> -> memref<16x128xf32, #tpu.memory_space<vmem>>
          %dma_start3A_521 = arith.constant 0 : i32
          %dma_start3A_522 = tpu.memref_slice %arg5[%dma_start3A_521, %multiple_of3A_516] : memref<16x1000000xf32, #tpu.memory_space<hbm>> -> memref<16x128xf32, #tpu.memory_space<hbm>>
          %dma_start3A_523 = tpu.memref_slice %arg13[%rem3A_338] : memref<3x!tpu.dma_semaphore, #tpu.memory_space<semaphore_mem>> -> memref<1x!tpu.dma_semaphore, #tpu.memory_space<semaphore_mem>>
          %dma_start3A_524 = tpu.memref_squeeze %dma_start3A_523 : memref<1x!tpu.dma_semaphore, #tpu.memory_space<semaphore_mem>> -> memref<!tpu.dma_semaphore, #tpu.memory_space<semaphore_mem>>
          %dma_start3A_525 = arith.constant 128 : i32
          %dma_start3A_526 = arith.constant 0 : i32
          %dma_start3A_527 = tpu.memref_slice %arg10[%rem3A_338, %dma_start3A_525, %dma_start3A_526] : memref<3x256x128xf32, #tpu.memory_space<vmem>> -> memref<1x16x128xf32, #tpu.memory_space<vmem>>
          %dma_start3A_528 = tpu.memref_squeeze %dma_start3A_527 : memref<1x16x128xf32, #tpu.memory_space<vmem>> -> memref<16x128xf32, #tpu.memory_space<vmem>>
          %dma_start3A_529 = arith.constant 0 : i32
          %dma_start3A_530 = tpu.memref_slice %arg5[%dma_start3A_529, %multiple_of3A_516] : memref<16x1000000xf32, #tpu.memory_space<hbm>> -> memref<16x128xf32, #tpu.memory_space<hbm>>
          tpu.enqueue_dma source(%dma_start3A_530 : memref<16x128xf32, #tpu.memory_space<hbm>>) target(%dma_start3A_528 : memref<16x128xf32, #tpu.memory_space<vmem>>) target_semaphore(%dma_start3A_524 : memref<!tpu.dma_semaphore, #tpu.memory_space<semaphore_mem>>)
          %slice3A_531 = vector.extract_strided_slice %shift_right_logical3A_361 {offsets = [9], sizes = [1], strides = [1]} : vector<16xi32> to vector<1xi32>
          %squeeze3A_532 = vector.extract %slice3A_531[0] : i32 from vector<1xi32>
          %mul3A_533 = arith.constant 128 : i32
          %mul3A_534 = arith.muli %squeeze3A_532, %mul3A_533 : i32
          %multiple_of3A_535 = tpu.assume_multiple %mul3A_534, 128 : i32
          %dma_start3A_536 = arith.constant 144 : i32
          %dma_start3A_537 = arith.constant 0 : i32
          %dma_start3A_538 = tpu.memref_slice %arg10[%rem3A_338, %dma_start3A_536, %dma_start3A_537] : memref<3x256x128xf32, #tpu.memory_space<vmem>> -> memref<1x16x128xf32, #tpu.memory_space<vmem>>
          %dma_start3A_539 = tpu.memref_squeeze %dma_start3A_538 : memref<1x16x128xf32, #tpu.memory_space<vmem>> -> memref<16x128xf32, #tpu.memory_space<vmem>>
          %dma_start3A_540 = arith.constant 0 : i32
          %dma_start3A_541 = tpu.memref_slice %arg5[%dma_start3A_540, %multiple_of3A_535] : memref<16x1000000xf32, #tpu.memory_space<hbm>> -> memref<16x128xf32, #tpu.memory_space<hbm>>
          %dma_start3A_542 = tpu.memref_slice %arg13[%rem3A_338] : memref<3x!tpu.dma_semaphore, #tpu.memory_space<semaphore_mem>> -> memref<1x!tpu.dma_semaphore, #tpu.memory_space<semaphore_mem>>
          %dma_start3A_543 = tpu.memref_squeeze %dma_start3A_542 : memref<1x!tpu.dma_semaphore, #tpu.memory_space<semaphore_mem>> -> memref<!tpu.dma_semaphore, #tpu.memory_space<semaphore_mem>>
          %dma_start3A_544 = arith.constant 144 : i32
          %dma_start3A_545 = arith.constant 0 : i32
          %dma_start3A_546 = tpu.memref_slice %arg10[%rem3A_338, %dma_start3A_544, %dma_start3A_545] : memref<3x256x128xf32, #tpu.memory_space<vmem>> -> memref<1x16x128xf32, #tpu.memory_space<vmem>>
          %dma_start3A_547 = tpu.memref_squeeze %dma_start3A_546 : memref<1x16x128xf32, #tpu.memory_space<vmem>> -> memref<16x128xf32, #tpu.memory_space<vmem>>
          %dma_start3A_548 = arith.constant 0 : i32
          %dma_start3A_549 = tpu.memref_slice %arg5[%dma_start3A_548, %multiple_of3A_535] : memref<16x1000000xf32, #tpu.memory_space<hbm>> -> memref<16x128xf32, #tpu.memory_space<hbm>>
          tpu.enqueue_dma source(%dma_start3A_549 : memref<16x128xf32, #tpu.memory_space<hbm>>) target(%dma_start3A_547 : memref<16x128xf32, #tpu.memory_space<vmem>>) target_semaphore(%dma_start3A_543 : memref<!tpu.dma_semaphore, #tpu.memory_space<semaphore_mem>>)
          %slice3A_550 = vector.extract_strided_slice %shift_right_logical3A_361 {offsets = [10], sizes = [1], strides = [1]} : vector<16xi32> to vector<1xi32>
          %squeeze3A_551 = vector.extract %slice3A_550[0] : i32 from vector<1xi32>
          %mul3A_552 = arith.constant 128 : i32
          %mul3A_553 = arith.muli %squeeze3A_551, %mul3A_552 : i32
          %multiple_of3A_554 = tpu.assume_multiple %mul3A_553, 128 : i32
          %dma_start3A_555 = arith.constant 160 : i32
          %dma_start3A_556 = arith.constant 0 : i32
          %dma_start3A_557 = tpu.memref_slice %arg10[%rem3A_338, %dma_start3A_555, %dma_start3A_556] : memref<3x256x128xf32, #tpu.memory_space<vmem>> -> memref<1x16x128xf32, #tpu.memory_space<vmem>>
          %dma_start3A_558 = tpu.memref_squeeze %dma_start3A_557 : memref<1x16x128xf32, #tpu.memory_space<vmem>> -> memref<16x128xf32, #tpu.memory_space<vmem>>
          %dma_start3A_559 = arith.constant 0 : i32
          %dma_start3A_560 = tpu.memref_slice %arg5[%dma_start3A_559, %multiple_of3A_554] : memref<16x1000000xf32, #tpu.memory_space<hbm>> -> memref<16x128xf32, #tpu.memory_space<hbm>>
          %dma_start3A_561 = tpu.memref_slice %arg13[%rem3A_338] : memref<3x!tpu.dma_semaphore, #tpu.memory_space<semaphore_mem>> -> memref<1x!tpu.dma_semaphore, #tpu.memory_space<semaphore_mem>>
          %dma_start3A_562 = tpu.memref_squeeze %dma_start3A_561 : memref<1x!tpu.dma_semaphore, #tpu.memory_space<semaphore_mem>> -> memref<!tpu.dma_semaphore, #tpu.memory_space<semaphore_mem>>
          %dma_start3A_563 = arith.constant 160 : i32
          %dma_start3A_564 = arith.constant 0 : i32
          %dma_start3A_565 = tpu.memref_slice %arg10[%rem3A_338, %dma_start3A_563, %dma_start3A_564] : memref<3x256x128xf32, #tpu.memory_space<vmem>> -> memref<1x16x128xf32, #tpu.memory_space<vmem>>
          %dma_start3A_566 = tpu.memref_squeeze %dma_start3A_565 : memref<1x16x128xf32, #tpu.memory_space<vmem>> -> memref<16x128xf32, #tpu.memory_space<vmem>>
          %dma_start3A_567 = arith.constant 0 : i32
          %dma_start3A_568 = tpu.memref_slice %arg5[%dma_start3A_567, %multiple_of3A_554] : memref<16x1000000xf32, #tpu.memory_space<hbm>> -> memref<16x128xf32, #tpu.memory_space<hbm>>
          tpu.enqueue_dma source(%dma_start3A_568 : memref<16x128xf32, #tpu.memory_space<hbm>>) target(%dma_start3A_566 : memref<16x128xf32, #tpu.memory_space<vmem>>) target_semaphore(%dma_start3A_562 : memref<!tpu.dma_semaphore, #tpu.memory_space<semaphore_mem>>)
          %slice3A_569 = vector.extract_strided_slice %shift_right_logical3A_361 {offsets = [11], sizes = [1], strides = [1]} : vector<16xi32> to vector<1xi32>
          %squeeze3A_570 = vector.extract %slice3A_569[0] : i32 from vector<1xi32>
          %mul3A_571 = arith.constant 128 : i32
          %mul3A_572 = arith.muli %squeeze3A_570, %mul3A_571 : i32
          %multiple_of3A_573 = tpu.assume_multiple %mul3A_572, 128 : i32
          %dma_start3A_574 = arith.constant 176 : i32
          %dma_start3A_575 = arith.constant 0 : i32
          %dma_start3A_576 = tpu.memref_slice %arg10[%rem3A_338, %dma_start3A_574, %dma_start3A_575] : memref<3x256x128xf32, #tpu.memory_space<vmem>> -> memref<1x16x128xf32, #tpu.memory_space<vmem>>
          %dma_start3A_577 = tpu.memref_squeeze %dma_start3A_576 : memref<1x16x128xf32, #tpu.memory_space<vmem>> -> memref<16x128xf32, #tpu.memory_space<vmem>>
          %dma_start3A_578 = arith.constant 0 : i32
          %dma_start3A_579 = tpu.memref_slice %arg5[%dma_start3A_578, %multiple_of3A_573] : memref<16x1000000xf32, #tpu.memory_space<hbm>> -> memref<16x128xf32, #tpu.memory_space<hbm>>
          %dma_start3A_580 = tpu.memref_slice %arg13[%rem3A_338] : memref<3x!tpu.dma_semaphore, #tpu.memory_space<semaphore_mem>> -> memref<1x!tpu.dma_semaphore, #tpu.memory_space<semaphore_mem>>
          %dma_start3A_581 = tpu.memref_squeeze %dma_start3A_580 : memref<1x!tpu.dma_semaphore, #tpu.memory_space<semaphore_mem>> -> memref<!tpu.dma_semaphore, #tpu.memory_space<semaphore_mem>>
          %dma_start3A_582 = arith.constant 176 : i32
          %dma_start3A_583 = arith.constant 0 : i32
          %dma_start3A_584 = tpu.memref_slice %arg10[%rem3A_338, %dma_start3A_582, %dma_start3A_583] : memref<3x256x128xf32, #tpu.memory_space<vmem>> -> memref<1x16x128xf32, #tpu.memory_space<vmem>>
          %dma_start3A_585 = tpu.memref_squeeze %dma_start3A_584 : memref<1x16x128xf32, #tpu.memory_space<vmem>> -> memref<16x128xf32, #tpu.memory_space<vmem>>
          %dma_start3A_586 = arith.constant 0 : i32
          %dma_start3A_587 = tpu.memref_slice %arg5[%dma_start3A_586, %multiple_of3A_573] : memref<16x1000000xf32, #tpu.memory_space<hbm>> -> memref<16x128xf32, #tpu.memory_space<hbm>>
          tpu.enqueue_dma source(%dma_start3A_587 : memref<16x128xf32, #tpu.memory_space<hbm>>) target(%dma_start3A_585 : memref<16x128xf32, #tpu.memory_space<vmem>>) target_semaphore(%dma_start3A_581 : memref<!tpu.dma_semaphore, #tpu.memory_space<semaphore_mem>>)
          %slice3A_588 = vector.extract_strided_slice %shift_right_logical3A_361 {offsets = [12], sizes = [1], strides = [1]} : vector<16xi32> to vector<1xi32>
          %squeeze3A_589 = vector.extract %slice3A_588[0] : i32 from vector<1xi32>
          %mul3A_590 = arith.constant 128 : i32
          %mul3A_591 = arith.muli %squeeze3A_589, %mul3A_590 : i32
          %multiple_of3A_592 = tpu.assume_multiple %mul3A_591, 128 : i32
          %dma_start3A_593 = arith.constant 192 : i32
          %dma_start3A_594 = arith.constant 0 : i32
          %dma_start3A_595 = tpu.memref_slice %arg10[%rem3A_338, %dma_start3A_593, %dma_start3A_594] : memref<3x256x128xf32, #tpu.memory_space<vmem>> -> memref<1x16x128xf32, #tpu.memory_space<vmem>>
          %dma_start3A_596 = tpu.memref_squeeze %dma_start3A_595 : memref<1x16x128xf32, #tpu.memory_space<vmem>> -> memref<16x128xf32, #tpu.memory_space<vmem>>
          %dma_start3A_597 = arith.constant 0 : i32
          %dma_start3A_598 = tpu.memref_slice %arg5[%dma_start3A_597, %multiple_of3A_592] : memref<16x1000000xf32, #tpu.memory_space<hbm>> -> memref<16x128xf32, #tpu.memory_space<hbm>>
          %dma_start3A_599 = tpu.memref_slice %arg13[%rem3A_338] : memref<3x!tpu.dma_semaphore, #tpu.memory_space<semaphore_mem>> -> memref<1x!tpu.dma_semaphore, #tpu.memory_space<semaphore_mem>>
          %dma_start3A_600 = tpu.memref_squeeze %dma_start3A_599 : memref<1x!tpu.dma_semaphore, #tpu.memory_space<semaphore_mem>> -> memref<!tpu.dma_semaphore, #tpu.memory_space<semaphore_mem>>
          %dma_start3A_601 = arith.constant 192 : i32
          %dma_start3A_602 = arith.constant 0 : i32
          %dma_start3A_603 = tpu.memref_slice %arg10[%rem3A_338, %dma_start3A_601, %dma_start3A_602] : memref<3x256x128xf32, #tpu.memory_space<vmem>> -> memref<1x16x128xf32, #tpu.memory_space<vmem>>
          %dma_start3A_604 = tpu.memref_squeeze %dma_start3A_603 : memref<1x16x128xf32, #tpu.memory_space<vmem>> -> memref<16x128xf32, #tpu.memory_space<vmem>>
          %dma_start3A_605 = arith.constant 0 : i32
          %dma_start3A_606 = tpu.memref_slice %arg5[%dma_start3A_605, %multiple_of3A_592] : memref<16x1000000xf32, #tpu.memory_space<hbm>> -> memref<16x128xf32, #tpu.memory_space<hbm>>
          tpu.enqueue_dma source(%dma_start3A_606 : memref<16x128xf32, #tpu.memory_space<hbm>>) target(%dma_start3A_604 : memref<16x128xf32, #tpu.memory_space<vmem>>) target_semaphore(%dma_start3A_600 : memref<!tpu.dma_semaphore, #tpu.memory_space<semaphore_mem>>)
          %slice3A_607 = vector.extract_strided_slice %shift_right_logical3A_361 {offsets = [13], sizes = [1], strides = [1]} : vector<16xi32> to vector<1xi32>
          %squeeze3A_608 = vector.extract %slice3A_607[0] : i32 from vector<1xi32>
          %mul3A_609 = arith.constant 128 : i32
          %mul3A_610 = arith.muli %squeeze3A_608, %mul3A_609 : i32
          %multiple_of3A_611 = tpu.assume_multiple %mul3A_610, 128 : i32
          %dma_start3A_612 = arith.constant 208 : i32
          %dma_start3A_613 = arith.constant 0 : i32
          %dma_start3A_614 = tpu.memref_slice %arg10[%rem3A_338, %dma_start3A_612, %dma_start3A_613] : memref<3x256x128xf32, #tpu.memory_space<vmem>> -> memref<1x16x128xf32, #tpu.memory_space<vmem>>
          %dma_start3A_615 = tpu.memref_squeeze %dma_start3A_614 : memref<1x16x128xf32, #tpu.memory_space<vmem>> -> memref<16x128xf32, #tpu.memory_space<vmem>>
          %dma_start3A_616 = arith.constant 0 : i32
          %dma_start3A_617 = tpu.memref_slice %arg5[%dma_start3A_616, %multiple_of3A_611] : memref<16x1000000xf32, #tpu.memory_space<hbm>> -> memref<16x128xf32, #tpu.memory_space<hbm>>
          %dma_start3A_618 = tpu.memref_slice %arg13[%rem3A_338] : memref<3x!tpu.dma_semaphore, #tpu.memory_space<semaphore_mem>> -> memref<1x!tpu.dma_semaphore, #tpu.memory_space<semaphore_mem>>
          %dma_start3A_619 = tpu.memref_squeeze %dma_start3A_618 : memref<1x!tpu.dma_semaphore, #tpu.memory_space<semaphore_mem>> -> memref<!tpu.dma_semaphore, #tpu.memory_space<semaphore_mem>>
          %dma_start3A_620 = arith.constant 208 : i32
          %dma_start3A_621 = arith.constant 0 : i32
          %dma_start3A_622 = tpu.memref_slice %arg10[%rem3A_338, %dma_start3A_620, %dma_start3A_621] : memref<3x256x128xf32, #tpu.memory_space<vmem>> -> memref<1x16x128xf32, #tpu.memory_space<vmem>>
          %dma_start3A_623 = tpu.memref_squeeze %dma_start3A_622 : memref<1x16x128xf32, #tpu.memory_space<vmem>> -> memref<16x128xf32, #tpu.memory_space<vmem>>
          %dma_start3A_624 = arith.constant 0 : i32
          %dma_start3A_625 = tpu.memref_slice %arg5[%dma_start3A_624, %multiple_of3A_611] : memref<16x1000000xf32, #tpu.memory_space<hbm>> -> memref<16x128xf32, #tpu.memory_space<hbm>>
          tpu.enqueue_dma source(%dma_start3A_625 : memref<16x128xf32, #tpu.memory_space<hbm>>) target(%dma_start3A_623 : memref<16x128xf32, #tpu.memory_space<vmem>>) target_semaphore(%dma_start3A_619 : memref<!tpu.dma_semaphore, #tpu.memory_space<semaphore_mem>>)
          %slice3A_626 = vector.extract_strided_slice %shift_right_logical3A_361 {offsets = [14], sizes = [1], strides = [1]} : vector<16xi32> to vector<1xi32>
          %squeeze3A_627 = vector.extract %slice3A_626[0] : i32 from vector<1xi32>
          %mul3A_628 = arith.constant 128 : i32
          %mul3A_629 = arith.muli %squeeze3A_627, %mul3A_628 : i32
          %multiple_of3A_630 = tpu.assume_multiple %mul3A_629, 128 : i32
          %dma_start3A_631 = arith.constant 224 : i32
          %dma_start3A_632 = arith.constant 0 : i32
          %dma_start3A_633 = tpu.memref_slice %arg10[%rem3A_338, %dma_start3A_631, %dma_start3A_632] : memref<3x256x128xf32, #tpu.memory_space<vmem>> -> memref<1x16x128xf32, #tpu.memory_space<vmem>>
          %dma_start3A_634 = tpu.memref_squeeze %dma_start3A_633 : memref<1x16x128xf32, #tpu.memory_space<vmem>> -> memref<16x128xf32, #tpu.memory_space<vmem>>
          %dma_start3A_635 = arith.constant 0 : i32
          %dma_start3A_636 = tpu.memref_slice %arg5[%dma_start3A_635, %multiple_of3A_630] : memref<16x1000000xf32, #tpu.memory_space<hbm>> -> memref<16x128xf32, #tpu.memory_space<hbm>>
          %dma_start3A_637 = tpu.memref_slice %arg13[%rem3A_338] : memref<3x!tpu.dma_semaphore, #tpu.memory_space<semaphore_mem>> -> memref<1x!tpu.dma_semaphore, #tpu.memory_space<semaphore_mem>>
          %dma_start3A_638 = tpu.memref_squeeze %dma_start3A_637 : memref<1x!tpu.dma_semaphore, #tpu.memory_space<semaphore_mem>> -> memref<!tpu.dma_semaphore, #tpu.memory_space<semaphore_mem>>
          %dma_start3A_639 = arith.constant 224 : i32
          %dma_start3A_640 = arith.constant 0 : i32
          %dma_start3A_641 = tpu.memref_slice %arg10[%rem3A_338, %dma_start3A_639, %dma_start3A_640] : memref<3x256x128xf32, #tpu.memory_space<vmem>> -> memref<1x16x128xf32, #tpu.memory_space<vmem>>
          %dma_start3A_642 = tpu.memref_squeeze %dma_start3A_641 : memref<1x16x128xf32, #tpu.memory_space<vmem>> -> memref<16x128xf32, #tpu.memory_space<vmem>>
          %dma_start3A_643 = arith.constant 0 : i32
          %dma_start3A_644 = tpu.memref_slice %arg5[%dma_start3A_643, %multiple_of3A_630] : memref<16x1000000xf32, #tpu.memory_space<hbm>> -> memref<16x128xf32, #tpu.memory_space<hbm>>
          tpu.enqueue_dma source(%dma_start3A_644 : memref<16x128xf32, #tpu.memory_space<hbm>>) target(%dma_start3A_642 : memref<16x128xf32, #tpu.memory_space<vmem>>) target_semaphore(%dma_start3A_638 : memref<!tpu.dma_semaphore, #tpu.memory_space<semaphore_mem>>)
          %slice3A_645 = vector.extract_strided_slice %shift_right_logical3A_361 {offsets = [15], sizes = [1], strides = [1]} : vector<16xi32> to vector<1xi32>
          %squeeze3A_646 = vector.extract %slice3A_645[0] : i32 from vector<1xi32>
          %mul3A_647 = arith.constant 128 : i32
          %mul3A_648 = arith.muli %squeeze3A_646, %mul3A_647 : i32
          %multiple_of3A_649 = tpu.assume_multiple %mul3A_648, 128 : i32
          %dma_start3A_650 = arith.constant 240 : i32
          %dma_start3A_651 = arith.constant 0 : i32
          %dma_start3A_652 = tpu.memref_slice %arg10[%rem3A_338, %dma_start3A_650, %dma_start3A_651] : memref<3x256x128xf32, #tpu.memory_space<vmem>> -> memref<1x16x128xf32, #tpu.memory_space<vmem>>
          %dma_start3A_653 = tpu.memref_squeeze %dma_start3A_652 : memref<1x16x128xf32, #tpu.memory_space<vmem>> -> memref<16x128xf32, #tpu.memory_space<vmem>>
          %dma_start3A_654 = arith.constant 0 : i32
          %dma_start3A_655 = tpu.memref_slice %arg5[%dma_start3A_654, %multiple_of3A_649] : memref<16x1000000xf32, #tpu.memory_space<hbm>> -> memref<16x128xf32, #tpu.memory_space<hbm>>
          %dma_start3A_656 = tpu.memref_slice %arg13[%rem3A_338] : memref<3x!tpu.dma_semaphore, #tpu.memory_space<semaphore_mem>> -> memref<1x!tpu.dma_semaphore, #tpu.memory_space<semaphore_mem>>
          %dma_start3A_657 = tpu.memref_squeeze %dma_start3A_656 : memref<1x!tpu.dma_semaphore, #tpu.memory_space<semaphore_mem>> -> memref<!tpu.dma_semaphore, #tpu.memory_space<semaphore_mem>>
          %dma_start3A_658 = arith.constant 240 : i32
          %dma_start3A_659 = arith.constant 0 : i32
          %dma_start3A_660 = tpu.memref_slice %arg10[%rem3A_338, %dma_start3A_658, %dma_start3A_659] : memref<3x256x128xf32, #tpu.memory_space<vmem>> -> memref<1x16x128xf32, #tpu.memory_space<vmem>>
          %dma_start3A_661 = tpu.memref_squeeze %dma_start3A_660 : memref<1x16x128xf32, #tpu.memory_space<vmem>> -> memref<16x128xf32, #tpu.memory_space<vmem>>
          %dma_start3A_662 = arith.constant 0 : i32
          %dma_start3A_663 = tpu.memref_slice %arg5[%dma_start3A_662, %multiple_of3A_649] : memref<16x1000000xf32, #tpu.memory_space<hbm>> -> memref<16x128xf32, #tpu.memory_space<hbm>>
          tpu.enqueue_dma source(%dma_start3A_663 : memref<16x128xf32, #tpu.memory_space<hbm>>) target(%dma_start3A_661 : memref<16x128xf32, #tpu.memory_space<vmem>>) target_semaphore(%dma_start3A_657 : memref<!tpu.dma_semaphore, #tpu.memory_space<semaphore_mem>>)
        } else {
        }
      } else {
      }
      %dma_wait3A = arith.constant 0 : i32
      %dma_wait3A_61 = arith.constant 0 : i32
      %dma_wait3A_62 = tpu.memref_slice %arg10[%rem3A_54, %dma_wait3A, %dma_wait3A_61] : memref<3x256x128xf32, #tpu.memory_space<vmem>> -> memref<1x16x128xf32, #tpu.memory_space<vmem>>
      %dma_wait3A_63 = tpu.memref_squeeze %dma_wait3A_62 : memref<1x16x128xf32, #tpu.memory_space<vmem>> -> memref<16x128xf32, #tpu.memory_space<vmem>>
      %dma_wait3A_64 = arith.constant 0 : i32
      %dma_wait3A_65 = arith.constant 0 : i32
      %dma_wait3A_66 = tpu.memref_slice %arg4[%dma_wait3A_64, %dma_wait3A_65] : memref<16x1000000xf32, #tpu.memory_space<hbm>> -> memref<16x128xf32, #tpu.memory_space<hbm>>
      %dma_wait3A_67 = tpu.memref_slice %arg13[%rem3A_54] : memref<3x!tpu.dma_semaphore, #tpu.memory_space<semaphore_mem>> -> memref<1x!tpu.dma_semaphore, #tpu.memory_space<semaphore_mem>>
      %dma_wait3A_68 = tpu.memref_squeeze %dma_wait3A_67 : memref<1x!tpu.dma_semaphore, #tpu.memory_space<semaphore_mem>> -> memref<!tpu.dma_semaphore, #tpu.memory_space<semaphore_mem>>
      %dma_wait3A_69 = arith.constant 0 : i32
      %dma_wait3A_70 = arith.constant 0 : i32
      %dma_wait3A_71 = tpu.memref_slice %arg10[%rem3A_54, %dma_wait3A_69, %dma_wait3A_70] : memref<3x256x128xf32, #tpu.memory_space<vmem>> -> memref<1x16x128xf32, #tpu.memory_space<vmem>>
      %dma_wait3A_72 = tpu.memref_squeeze %dma_wait3A_71 : memref<1x16x128xf32, #tpu.memory_space<vmem>> -> memref<16x128xf32, #tpu.memory_space<vmem>>
      %dma_wait3A_73 = arith.constant 0 : i32
      %dma_wait3A_74 = arith.constant 0 : i32
      %dma_wait3A_75 = tpu.memref_slice %arg4[%dma_wait3A_73, %dma_wait3A_74] : memref<16x1000000xf32, #tpu.memory_space<hbm>> -> memref<16x128xf32, #tpu.memory_space<hbm>>
      tpu.wait_dma2 semaphore(%dma_wait3A_68 : memref<!tpu.dma_semaphore, #tpu.memory_space<semaphore_mem>>) src(%dma_wait3A_75 : memref<16x128xf32, #tpu.memory_space<hbm>>) dst(%dma_wait3A_72 : memref<16x128xf32, #tpu.memory_space<vmem>>)
      %dma_wait3A_76 = arith.constant 0 : i32
      %dma_wait3A_77 = arith.constant 0 : i32
      %dma_wait3A_78 = tpu.memref_slice %arg10[%rem3A_54, %dma_wait3A_76, %dma_wait3A_77] : memref<3x256x128xf32, #tpu.memory_space<vmem>> -> memref<1x16x128xf32, #tpu.memory_space<vmem>>
      %dma_wait3A_79 = tpu.memref_squeeze %dma_wait3A_78 : memref<1x16x128xf32, #tpu.memory_space<vmem>> -> memref<16x128xf32, #tpu.memory_space<vmem>>
      %dma_wait3A_80 = arith.constant 0 : i32
      %dma_wait3A_81 = arith.constant 0 : i32
      %dma_wait3A_82 = tpu.memref_slice %arg4[%dma_wait3A_80, %dma_wait3A_81] : memref<16x1000000xf32, #tpu.memory_space<hbm>> -> memref<16x128xf32, #tpu.memory_space<hbm>>
      %dma_wait3A_83 = tpu.memref_slice %arg13[%rem3A_54] : memref<3x!tpu.dma_semaphore, #tpu.memory_space<semaphore_mem>> -> memref<1x!tpu.dma_semaphore, #tpu.memory_space<semaphore_mem>>
      %dma_wait3A_84 = tpu.memref_squeeze %dma_wait3A_83 : memref<1x!tpu.dma_semaphore, #tpu.memory_space<semaphore_mem>> -> memref<!tpu.dma_semaphore, #tpu.memory_space<semaphore_mem>>
      %dma_wait3A_85 = arith.constant 0 : i32
      %dma_wait3A_86 = arith.constant 0 : i32
      %dma_wait3A_87 = tpu.memref_slice %arg10[%rem3A_54, %dma_wait3A_85, %dma_wait3A_86] : memref<3x256x128xf32, #tpu.memory_space<vmem>> -> memref<1x16x128xf32, #tpu.memory_space<vmem>>
      %dma_wait3A_88 = tpu.memref_squeeze %dma_wait3A_87 : memref<1x16x128xf32, #tpu.memory_space<vmem>> -> memref<16x128xf32, #tpu.memory_space<vmem>>
      %dma_wait3A_89 = arith.constant 0 : i32
      %dma_wait3A_90 = arith.constant 0 : i32
      %dma_wait3A_91 = tpu.memref_slice %arg4[%dma_wait3A_89, %dma_wait3A_90] : memref<16x1000000xf32, #tpu.memory_space<hbm>> -> memref<16x128xf32, #tpu.memory_space<hbm>>
      tpu.wait_dma2 semaphore(%dma_wait3A_84 : memref<!tpu.dma_semaphore, #tpu.memory_space<semaphore_mem>>) src(%dma_wait3A_91 : memref<16x128xf32, #tpu.memory_space<hbm>>) dst(%dma_wait3A_88 : memref<16x128xf32, #tpu.memory_space<vmem>>)
      %dma_wait3A_92 = arith.constant 0 : i32
      %dma_wait3A_93 = arith.constant 0 : i32
      %dma_wait3A_94 = tpu.memref_slice %arg10[%rem3A_54, %dma_wait3A_92, %dma_wait3A_93] : memref<3x256x128xf32, #tpu.memory_space<vmem>> -> memref<1x16x128xf32, #tpu.memory_space<vmem>>
      %dma_wait3A_95 = tpu.memref_squeeze %dma_wait3A_94 : memref<1x16x128xf32, #tpu.memory_space<vmem>> -> memref<16x128xf32, #tpu.memory_space<vmem>>
      %dma_wait3A_96 = arith.constant 0 : i32
      %dma_wait3A_97 = arith.constant 0 : i32
      %dma_wait3A_98 = tpu.memref_slice %arg4[%dma_wait3A_96, %dma_wait3A_97] : memref<16x1000000xf32, #tpu.memory_space<hbm>> -> memref<16x128xf32, #tpu.memory_space<hbm>>
      %dma_wait3A_99 = tpu.memref_slice %arg13[%rem3A_54] : memref<3x!tpu.dma_semaphore, #tpu.memory_space<semaphore_mem>> -> memref<1x!tpu.dma_semaphore, #tpu.memory_space<semaphore_mem>>
      %dma_wait3A_100 = tpu.memref_squeeze %dma_wait3A_99 : memref<1x!tpu.dma_semaphore, #tpu.memory_space<semaphore_mem>> -> memref<!tpu.dma_semaphore, #tpu.memory_space<semaphore_mem>>
      %dma_wait3A_101 = arith.constant 0 : i32
      %dma_wait3A_102 = arith.constant 0 : i32
      %dma_wait3A_103 = tpu.memref_slice %arg10[%rem3A_54, %dma_wait3A_101, %dma_wait3A_102] : memref<3x256x128xf32, #tpu.memory_space<vmem>> -> memref<1x16x128xf32, #tpu.memory_space<vmem>>
      %dma_wait3A_104 = tpu.memref_squeeze %dma_wait3A_103 : memref<1x16x128xf32, #tpu.memory_space<vmem>> -> memref<16x128xf32, #tpu.memory_space<vmem>>
      %dma_wait3A_105 = arith.constant 0 : i32
      %dma_wait3A_106 = arith.constant 0 : i32
      %dma_wait3A_107 = tpu.memref_slice %arg4[%dma_wait3A_105, %dma_wait3A_106] : memref<16x1000000xf32, #tpu.memory_space<hbm>> -> memref<16x128xf32, #tpu.memory_space<hbm>>
      tpu.wait_dma2 semaphore(%dma_wait3A_100 : memref<!tpu.dma_semaphore, #tpu.memory_space<semaphore_mem>>) src(%dma_wait3A_107 : memref<16x128xf32, #tpu.memory_space<hbm>>) dst(%dma_wait3A_104 : memref<16x128xf32, #tpu.memory_space<vmem>>)
      %dma_wait3A_108 = arith.constant 0 : i32
      %dma_wait3A_109 = arith.constant 0 : i32
      %dma_wait3A_110 = tpu.memref_slice %arg10[%rem3A_54, %dma_wait3A_108, %dma_wait3A_109] : memref<3x256x128xf32, #tpu.memory_space<vmem>> -> memref<1x16x128xf32, #tpu.memory_space<vmem>>
      %dma_wait3A_111 = tpu.memref_squeeze %dma_wait3A_110 : memref<1x16x128xf32, #tpu.memory_space<vmem>> -> memref<16x128xf32, #tpu.memory_space<vmem>>
      %dma_wait3A_112 = arith.constant 0 : i32
      %dma_wait3A_113 = arith.constant 0 : i32
      %dma_wait3A_114 = tpu.memref_slice %arg4[%dma_wait3A_112, %dma_wait3A_113] : memref<16x1000000xf32, #tpu.memory_space<hbm>> -> memref<16x128xf32, #tpu.memory_space<hbm>>
      %dma_wait3A_115 = tpu.memref_slice %arg13[%rem3A_54] : memref<3x!tpu.dma_semaphore, #tpu.memory_space<semaphore_mem>> -> memref<1x!tpu.dma_semaphore, #tpu.memory_space<semaphore_mem>>
      %dma_wait3A_116 = tpu.memref_squeeze %dma_wait3A_115 : memref<1x!tpu.dma_semaphore, #tpu.memory_space<semaphore_mem>> -> memref<!tpu.dma_semaphore, #tpu.memory_space<semaphore_mem>>
      %dma_wait3A_117 = arith.constant 0 : i32
      %dma_wait3A_118 = arith.constant 0 : i32
      %dma_wait3A_119 = tpu.memref_slice %arg10[%rem3A_54, %dma_wait3A_117, %dma_wait3A_118] : memref<3x256x128xf32, #tpu.memory_space<vmem>> -> memref<1x16x128xf32, #tpu.memory_space<vmem>>
      %dma_wait3A_120 = tpu.memref_squeeze %dma_wait3A_119 : memref<1x16x128xf32, #tpu.memory_space<vmem>> -> memref<16x128xf32, #tpu.memory_space<vmem>>
      %dma_wait3A_121 = arith.constant 0 : i32
      %dma_wait3A_122 = arith.constant 0 : i32
      %dma_wait3A_123 = tpu.memref_slice %arg4[%dma_wait3A_121, %dma_wait3A_122] : memref<16x1000000xf32, #tpu.memory_space<hbm>> -> memref<16x128xf32, #tpu.memory_space<hbm>>
      tpu.wait_dma2 semaphore(%dma_wait3A_116 : memref<!tpu.dma_semaphore, #tpu.memory_space<semaphore_mem>>) src(%dma_wait3A_123 : memref<16x128xf32, #tpu.memory_space<hbm>>) dst(%dma_wait3A_120 : memref<16x128xf32, #tpu.memory_space<vmem>>)
      %dma_wait3A_124 = arith.constant 0 : i32
      %dma_wait3A_125 = arith.constant 0 : i32
      %dma_wait3A_126 = tpu.memref_slice %arg10[%rem3A_54, %dma_wait3A_124, %dma_wait3A_125] : memref<3x256x128xf32, #tpu.memory_space<vmem>> -> memref<1x16x128xf32, #tpu.memory_space<vmem>>
      %dma_wait3A_127 = tpu.memref_squeeze %dma_wait3A_126 : memref<1x16x128xf32, #tpu.memory_space<vmem>> -> memref<16x128xf32, #tpu.memory_space<vmem>>
      %dma_wait3A_128 = arith.constant 0 : i32
      %dma_wait3A_129 = arith.constant 0 : i32
      %dma_wait3A_130 = tpu.memref_slice %arg4[%dma_wait3A_128, %dma_wait3A_129] : memref<16x1000000xf32, #tpu.memory_space<hbm>> -> memref<16x128xf32, #tpu.memory_space<hbm>>
      %dma_wait3A_131 = tpu.memref_slice %arg13[%rem3A_54] : memref<3x!tpu.dma_semaphore, #tpu.memory_space<semaphore_mem>> -> memref<1x!tpu.dma_semaphore, #tpu.memory_space<semaphore_mem>>
      %dma_wait3A_132 = tpu.memref_squeeze %dma_wait3A_131 : memref<1x!tpu.dma_semaphore, #tpu.memory_space<semaphore_mem>> -> memref<!tpu.dma_semaphore, #tpu.memory_space<semaphore_mem>>
      %dma_wait3A_133 = arith.constant 0 : i32
      %dma_wait3A_134 = arith.constant 0 : i32
      %dma_wait3A_135 = tpu.memref_slice %arg10[%rem3A_54, %dma_wait3A_133, %dma_wait3A_134] : memref<3x256x128xf32, #tpu.memory_space<vmem>> -> memref<1x16x128xf32, #tpu.memory_space<vmem>>
      %dma_wait3A_136 = tpu.memref_squeeze %dma_wait3A_135 : memref<1x16x128xf32, #tpu.memory_space<vmem>> -> memref<16x128xf32, #tpu.memory_space<vmem>>
      %dma_wait3A_137 = arith.constant 0 : i32
      %dma_wait3A_138 = arith.constant 0 : i32
      %dma_wait3A_139 = tpu.memref_slice %arg4[%dma_wait3A_137, %dma_wait3A_138] : memref<16x1000000xf32, #tpu.memory_space<hbm>> -> memref<16x128xf32, #tpu.memory_space<hbm>>
      tpu.wait_dma2 semaphore(%dma_wait3A_132 : memref<!tpu.dma_semaphore, #tpu.memory_space<semaphore_mem>>) src(%dma_wait3A_139 : memref<16x128xf32, #tpu.memory_space<hbm>>) dst(%dma_wait3A_136 : memref<16x128xf32, #tpu.memory_space<vmem>>)
      %dma_wait3A_140 = arith.constant 0 : i32
      %dma_wait3A_141 = arith.constant 0 : i32
      %dma_wait3A_142 = tpu.memref_slice %arg10[%rem3A_54, %dma_wait3A_140, %dma_wait3A_141] : memref<3x256x128xf32, #tpu.memory_space<vmem>> -> memref<1x16x128xf32, #tpu.memory_space<vmem>>
      %dma_wait3A_143 = tpu.memref_squeeze %dma_wait3A_142 : memref<1x16x128xf32, #tpu.memory_space<vmem>> -> memref<16x128xf32, #tpu.memory_space<vmem>>
      %dma_wait3A_144 = arith.constant 0 : i32
      %dma_wait3A_145 = arith.constant 0 : i32
      %dma_wait3A_146 = tpu.memref_slice %arg4[%dma_wait3A_144, %dma_wait3A_145] : memref<16x1000000xf32, #tpu.memory_space<hbm>> -> memref<16x128xf32, #tpu.memory_space<hbm>>
      %dma_wait3A_147 = tpu.memref_slice %arg13[%rem3A_54] : memref<3x!tpu.dma_semaphore, #tpu.memory_space<semaphore_mem>> -> memref<1x!tpu.dma_semaphore, #tpu.memory_space<semaphore_mem>>
      %dma_wait3A_148 = tpu.memref_squeeze %dma_wait3A_147 : memref<1x!tpu.dma_semaphore, #tpu.memory_space<semaphore_mem>> -> memref<!tpu.dma_semaphore, #tpu.memory_space<semaphore_mem>>
      %dma_wait3A_149 = arith.constant 0 : i32
      %dma_wait3A_150 = arith.constant 0 : i32
      %dma_wait3A_151 = tpu.memref_slice %arg10[%rem3A_54, %dma_wait3A_149, %dma_wait3A_150] : memref<3x256x128xf32, #tpu.memory_space<vmem>> -> memref<1x16x128xf32, #tpu.memory_space<vmem>>
      %dma_wait3A_152 = tpu.memref_squeeze %dma_wait3A_151 : memref<1x16x128xf32, #tpu.memory_space<vmem>> -> memref<16x128xf32, #tpu.memory_space<vmem>>
      %dma_wait3A_153 = arith.constant 0 : i32
      %dma_wait3A_154 = arith.constant 0 : i32
      %dma_wait3A_155 = tpu.memref_slice %arg4[%dma_wait3A_153, %dma_wait3A_154] : memref<16x1000000xf32, #tpu.memory_space<hbm>> -> memref<16x128xf32, #tpu.memory_space<hbm>>
      tpu.wait_dma2 semaphore(%dma_wait3A_148 : memref<!tpu.dma_semaphore, #tpu.memory_space<semaphore_mem>>) src(%dma_wait3A_155 : memref<16x128xf32, #tpu.memory_space<hbm>>) dst(%dma_wait3A_152 : memref<16x128xf32, #tpu.memory_space<vmem>>)
      %dma_wait3A_156 = arith.constant 0 : i32
      %dma_wait3A_157 = arith.constant 0 : i32
      %dma_wait3A_158 = tpu.memref_slice %arg10[%rem3A_54, %dma_wait3A_156, %dma_wait3A_157] : memref<3x256x128xf32, #tpu.memory_space<vmem>> -> memref<1x16x128xf32, #tpu.memory_space<vmem>>
      %dma_wait3A_159 = tpu.memref_squeeze %dma_wait3A_158 : memref<1x16x128xf32, #tpu.memory_space<vmem>> -> memref<16x128xf32, #tpu.memory_space<vmem>>
      %dma_wait3A_160 = arith.constant 0 : i32
      %dma_wait3A_161 = arith.constant 0 : i32
      %dma_wait3A_162 = tpu.memref_slice %arg4[%dma_wait3A_160, %dma_wait3A_161] : memref<16x1000000xf32, #tpu.memory_space<hbm>> -> memref<16x128xf32, #tpu.memory_space<hbm>>
      %dma_wait3A_163 = tpu.memref_slice %arg13[%rem3A_54] : memref<3x!tpu.dma_semaphore, #tpu.memory_space<semaphore_mem>> -> memref<1x!tpu.dma_semaphore, #tpu.memory_space<semaphore_mem>>
      %dma_wait3A_164 = tpu.memref_squeeze %dma_wait3A_163 : memref<1x!tpu.dma_semaphore, #tpu.memory_space<semaphore_mem>> -> memref<!tpu.dma_semaphore, #tpu.memory_space<semaphore_mem>>
      %dma_wait3A_165 = arith.constant 0 : i32
      %dma_wait3A_166 = arith.constant 0 : i32
      %dma_wait3A_167 = tpu.memref_slice %arg10[%rem3A_54, %dma_wait3A_165, %dma_wait3A_166] : memref<3x256x128xf32, #tpu.memory_space<vmem>> -> memref<1x16x128xf32, #tpu.memory_space<vmem>>
      %dma_wait3A_168 = tpu.memref_squeeze %dma_wait3A_167 : memref<1x16x128xf32, #tpu.memory_space<vmem>> -> memref<16x128xf32, #tpu.memory_space<vmem>>
      %dma_wait3A_169 = arith.constant 0 : i32
      %dma_wait3A_170 = arith.constant 0 : i32
      %dma_wait3A_171 = tpu.memref_slice %arg4[%dma_wait3A_169, %dma_wait3A_170] : memref<16x1000000xf32, #tpu.memory_space<hbm>> -> memref<16x128xf32, #tpu.memory_space<hbm>>
      tpu.wait_dma2 semaphore(%dma_wait3A_164 : memref<!tpu.dma_semaphore, #tpu.memory_space<semaphore_mem>>) src(%dma_wait3A_171 : memref<16x128xf32, #tpu.memory_space<hbm>>) dst(%dma_wait3A_168 : memref<16x128xf32, #tpu.memory_space<vmem>>)
      %dma_wait3A_172 = arith.constant 0 : i32
      %dma_wait3A_173 = arith.constant 0 : i32
      %dma_wait3A_174 = tpu.memref_slice %arg10[%rem3A_54, %dma_wait3A_172, %dma_wait3A_173] : memref<3x256x128xf32, #tpu.memory_space<vmem>> -> memref<1x16x128xf32, #tpu.memory_space<vmem>>
      %dma_wait3A_175 = tpu.memref_squeeze %dma_wait3A_174 : memref<1x16x128xf32, #tpu.memory_space<vmem>> -> memref<16x128xf32, #tpu.memory_space<vmem>>
      %dma_wait3A_176 = arith.constant 0 : i32
      %dma_wait3A_177 = arith.constant 0 : i32
      %dma_wait3A_178 = tpu.memref_slice %arg4[%dma_wait3A_176, %dma_wait3A_177] : memref<16x1000000xf32, #tpu.memory_space<hbm>> -> memref<16x128xf32, #tpu.memory_space<hbm>>
      %dma_wait3A_179 = tpu.memref_slice %arg13[%rem3A_54] : memref<3x!tpu.dma_semaphore, #tpu.memory_space<semaphore_mem>> -> memref<1x!tpu.dma_semaphore, #tpu.memory_space<semaphore_mem>>
      %dma_wait3A_180 = tpu.memref_squeeze %dma_wait3A_179 : memref<1x!tpu.dma_semaphore, #tpu.memory_space<semaphore_mem>> -> memref<!tpu.dma_semaphore, #tpu.memory_space<semaphore_mem>>
      %dma_wait3A_181 = arith.constant 0 : i32
      %dma_wait3A_182 = arith.constant 0 : i32
      %dma_wait3A_183 = tpu.memref_slice %arg10[%rem3A_54, %dma_wait3A_181, %dma_wait3A_182] : memref<3x256x128xf32, #tpu.memory_space<vmem>> -> memref<1x16x128xf32, #tpu.memory_space<vmem>>
      %dma_wait3A_184 = tpu.memref_squeeze %dma_wait3A_183 : memref<1x16x128xf32, #tpu.memory_space<vmem>> -> memref<16x128xf32, #tpu.memory_space<vmem>>
      %dma_wait3A_185 = arith.constant 0 : i32
      %dma_wait3A_186 = arith.constant 0 : i32
      %dma_wait3A_187 = tpu.memref_slice %arg4[%dma_wait3A_185, %dma_wait3A_186] : memref<16x1000000xf32, #tpu.memory_space<hbm>> -> memref<16x128xf32, #tpu.memory_space<hbm>>
      tpu.wait_dma2 semaphore(%dma_wait3A_180 : memref<!tpu.dma_semaphore, #tpu.memory_space<semaphore_mem>>) src(%dma_wait3A_187 : memref<16x128xf32, #tpu.memory_space<hbm>>) dst(%dma_wait3A_184 : memref<16x128xf32, #tpu.memory_space<vmem>>)
      %dma_wait3A_188 = arith.constant 0 : i32
      %dma_wait3A_189 = arith.constant 0 : i32
      %dma_wait3A_190 = tpu.memref_slice %arg10[%rem3A_54, %dma_wait3A_188, %dma_wait3A_189] : memref<3x256x128xf32, #tpu.memory_space<vmem>> -> memref<1x16x128xf32, #tpu.memory_space<vmem>>
      %dma_wait3A_191 = tpu.memref_squeeze %dma_wait3A_190 : memref<1x16x128xf32, #tpu.memory_space<vmem>> -> memref<16x128xf32, #tpu.memory_space<vmem>>
      %dma_wait3A_192 = arith.constant 0 : i32
      %dma_wait3A_193 = arith.constant 0 : i32
      %dma_wait3A_194 = tpu.memref_slice %arg4[%dma_wait3A_192, %dma_wait3A_193] : memref<16x1000000xf32, #tpu.memory_space<hbm>> -> memref<16x128xf32, #tpu.memory_space<hbm>>
      %dma_wait3A_195 = tpu.memref_slice %arg13[%rem3A_54] : memref<3x!tpu.dma_semaphore, #tpu.memory_space<semaphore_mem>> -> memref<1x!tpu.dma_semaphore, #tpu.memory_space<semaphore_mem>>
      %dma_wait3A_196 = tpu.memref_squeeze %dma_wait3A_195 : memref<1x!tpu.dma_semaphore, #tpu.memory_space<semaphore_mem>> -> memref<!tpu.dma_semaphore, #tpu.memory_space<semaphore_mem>>
      %dma_wait3A_197 = arith.constant 0 : i32
      %dma_wait3A_198 = arith.constant 0 : i32
      %dma_wait3A_199 = tpu.memref_slice %arg10[%rem3A_54, %dma_wait3A_197, %dma_wait3A_198] : memref<3x256x128xf32, #tpu.memory_space<vmem>> -> memref<1x16x128xf32, #tpu.memory_space<vmem>>
      %dma_wait3A_200 = tpu.memref_squeeze %dma_wait3A_199 : memref<1x16x128xf32, #tpu.memory_space<vmem>> -> memref<16x128xf32, #tpu.memory_space<vmem>>
      %dma_wait3A_201 = arith.constant 0 : i32
      %dma_wait3A_202 = arith.constant 0 : i32
      %dma_wait3A_203 = tpu.memref_slice %arg4[%dma_wait3A_201, %dma_wait3A_202] : memref<16x1000000xf32, #tpu.memory_space<hbm>> -> memref<16x128xf32, #tpu.memory_space<hbm>>
      tpu.wait_dma2 semaphore(%dma_wait3A_196 : memref<!tpu.dma_semaphore, #tpu.memory_space<semaphore_mem>>) src(%dma_wait3A_203 : memref<16x128xf32, #tpu.memory_space<hbm>>) dst(%dma_wait3A_200 : memref<16x128xf32, #tpu.memory_space<vmem>>)
      %dma_wait3A_204 = arith.constant 0 : i32
      %dma_wait3A_205 = arith.constant 0 : i32
      %dma_wait3A_206 = tpu.memref_slice %arg10[%rem3A_54, %dma_wait3A_204, %dma_wait3A_205] : memref<3x256x128xf32, #tpu.memory_space<vmem>> -> memref<1x16x128xf32, #tpu.memory_space<vmem>>
      %dma_wait3A_207 = tpu.memref_squeeze %dma_wait3A_206 : memref<1x16x128xf32, #tpu.memory_space<vmem>> -> memref<16x128xf32, #tpu.memory_space<vmem>>
      %dma_wait3A_208 = arith.constant 0 : i32
      %dma_wait3A_209 = arith.constant 0 : i32
      %dma_wait3A_210 = tpu.memref_slice %arg4[%dma_wait3A_208, %dma_wait3A_209] : memref<16x1000000xf32, #tpu.memory_space<hbm>> -> memref<16x128xf32, #tpu.memory_space<hbm>>
      %dma_wait3A_211 = tpu.memref_slice %arg13[%rem3A_54] : memref<3x!tpu.dma_semaphore, #tpu.memory_space<semaphore_mem>> -> memref<1x!tpu.dma_semaphore, #tpu.memory_space<semaphore_mem>>
      %dma_wait3A_212 = tpu.memref_squeeze %dma_wait3A_211 : memref<1x!tpu.dma_semaphore, #tpu.memory_space<semaphore_mem>> -> memref<!tpu.dma_semaphore, #tpu.memory_space<semaphore_mem>>
      %dma_wait3A_213 = arith.constant 0 : i32
      %dma_wait3A_214 = arith.constant 0 : i32
      %dma_wait3A_215 = tpu.memref_slice %arg10[%rem3A_54, %dma_wait3A_213, %dma_wait3A_214] : memref<3x256x128xf32, #tpu.memory_space<vmem>> -> memref<1x16x128xf32, #tpu.memory_space<vmem>>
      %dma_wait3A_216 = tpu.memref_squeeze %dma_wait3A_215 : memref<1x16x128xf32, #tpu.memory_space<vmem>> -> memref<16x128xf32, #tpu.memory_space<vmem>>
      %dma_wait3A_217 = arith.constant 0 : i32
      %dma_wait3A_218 = arith.constant 0 : i32
      %dma_wait3A_219 = tpu.memref_slice %arg4[%dma_wait3A_217, %dma_wait3A_218] : memref<16x1000000xf32, #tpu.memory_space<hbm>> -> memref<16x128xf32, #tpu.memory_space<hbm>>
      tpu.wait_dma2 semaphore(%dma_wait3A_212 : memref<!tpu.dma_semaphore, #tpu.memory_space<semaphore_mem>>) src(%dma_wait3A_219 : memref<16x128xf32, #tpu.memory_space<hbm>>) dst(%dma_wait3A_216 : memref<16x128xf32, #tpu.memory_space<vmem>>)
      %dma_wait3A_220 = arith.constant 0 : i32
      %dma_wait3A_221 = arith.constant 0 : i32
      %dma_wait3A_222 = tpu.memref_slice %arg10[%rem3A_54, %dma_wait3A_220, %dma_wait3A_221] : memref<3x256x128xf32, #tpu.memory_space<vmem>> -> memref<1x16x128xf32, #tpu.memory_space<vmem>>
      %dma_wait3A_223 = tpu.memref_squeeze %dma_wait3A_222 : memref<1x16x128xf32, #tpu.memory_space<vmem>> -> memref<16x128xf32, #tpu.memory_space<vmem>>
      %dma_wait3A_224 = arith.constant 0 : i32
      %dma_wait3A_225 = arith.constant 0 : i32
      %dma_wait3A_226 = tpu.memref_slice %arg4[%dma_wait3A_224, %dma_wait3A_225] : memref<16x1000000xf32, #tpu.memory_space<hbm>> -> memref<16x128xf32, #tpu.memory_space<hbm>>
      %dma_wait3A_227 = tpu.memref_slice %arg13[%rem3A_54] : memref<3x!tpu.dma_semaphore, #tpu.memory_space<semaphore_mem>> -> memref<1x!tpu.dma_semaphore, #tpu.memory_space<semaphore_mem>>
      %dma_wait3A_228 = tpu.memref_squeeze %dma_wait3A_227 : memref<1x!tpu.dma_semaphore, #tpu.memory_space<semaphore_mem>> -> memref<!tpu.dma_semaphore, #tpu.memory_space<semaphore_mem>>
      %dma_wait3A_229 = arith.constant 0 : i32
      %dma_wait3A_230 = arith.constant 0 : i32
      %dma_wait3A_231 = tpu.memref_slice %arg10[%rem3A_54, %dma_wait3A_229, %dma_wait3A_230] : memref<3x256x128xf32, #tpu.memory_space<vmem>> -> memref<1x16x128xf32, #tpu.memory_space<vmem>>
      %dma_wait3A_232 = tpu.memref_squeeze %dma_wait3A_231 : memref<1x16x128xf32, #tpu.memory_space<vmem>> -> memref<16x128xf32, #tpu.memory_space<vmem>>
      %dma_wait3A_233 = arith.constant 0 : i32
      %dma_wait3A_234 = arith.constant 0 : i32
      %dma_wait3A_235 = tpu.memref_slice %arg4[%dma_wait3A_233, %dma_wait3A_234] : memref<16x1000000xf32, #tpu.memory_space<hbm>> -> memref<16x128xf32, #tpu.memory_space<hbm>>
      tpu.wait_dma2 semaphore(%dma_wait3A_228 : memref<!tpu.dma_semaphore, #tpu.memory_space<semaphore_mem>>) src(%dma_wait3A_235 : memref<16x128xf32, #tpu.memory_space<hbm>>) dst(%dma_wait3A_232 : memref<16x128xf32, #tpu.memory_space<vmem>>)
      %dma_wait3A_236 = arith.constant 0 : i32
      %dma_wait3A_237 = arith.constant 0 : i32
      %dma_wait3A_238 = tpu.memref_slice %arg10[%rem3A_54, %dma_wait3A_236, %dma_wait3A_237] : memref<3x256x128xf32, #tpu.memory_space<vmem>> -> memref<1x16x128xf32, #tpu.memory_space<vmem>>
      %dma_wait3A_239 = tpu.memref_squeeze %dma_wait3A_238 : memref<1x16x128xf32, #tpu.memory_space<vmem>> -> memref<16x128xf32, #tpu.memory_space<vmem>>
      %dma_wait3A_240 = arith.constant 0 : i32
      %dma_wait3A_241 = arith.constant 0 : i32
      %dma_wait3A_242 = tpu.memref_slice %arg4[%dma_wait3A_240, %dma_wait3A_241] : memref<16x1000000xf32, #tpu.memory_space<hbm>> -> memref<16x128xf32, #tpu.memory_space<hbm>>
      %dma_wait3A_243 = tpu.memref_slice %arg13[%rem3A_54] : memref<3x!tpu.dma_semaphore, #tpu.memory_space<semaphore_mem>> -> memref<1x!tpu.dma_semaphore, #tpu.memory_space<semaphore_mem>>
      %dma_wait3A_244 = tpu.memref_squeeze %dma_wait3A_243 : memref<1x!tpu.dma_semaphore, #tpu.memory_space<semaphore_mem>> -> memref<!tpu.dma_semaphore, #tpu.memory_space<semaphore_mem>>
      %dma_wait3A_245 = arith.constant 0 : i32
      %dma_wait3A_246 = arith.constant 0 : i32
      %dma_wait3A_247 = tpu.memref_slice %arg10[%rem3A_54, %dma_wait3A_245, %dma_wait3A_246] : memref<3x256x128xf32, #tpu.memory_space<vmem>> -> memref<1x16x128xf32, #tpu.memory_space<vmem>>
      %dma_wait3A_248 = tpu.memref_squeeze %dma_wait3A_247 : memref<1x16x128xf32, #tpu.memory_space<vmem>> -> memref<16x128xf32, #tpu.memory_space<vmem>>
      %dma_wait3A_249 = arith.constant 0 : i32
      %dma_wait3A_250 = arith.constant 0 : i32
      %dma_wait3A_251 = tpu.memref_slice %arg4[%dma_wait3A_249, %dma_wait3A_250] : memref<16x1000000xf32, #tpu.memory_space<hbm>> -> memref<16x128xf32, #tpu.memory_space<hbm>>
      tpu.wait_dma2 semaphore(%dma_wait3A_244 : memref<!tpu.dma_semaphore, #tpu.memory_space<semaphore_mem>>) src(%dma_wait3A_251 : memref<16x128xf32, #tpu.memory_space<hbm>>) dst(%dma_wait3A_248 : memref<16x128xf32, #tpu.memory_space<vmem>>)
      %dma_wait3A_252 = arith.constant 0 : i32
      %dma_wait3A_253 = arith.constant 0 : i32
      %dma_wait3A_254 = tpu.memref_slice %arg10[%rem3A_54, %dma_wait3A_252, %dma_wait3A_253] : memref<3x256x128xf32, #tpu.memory_space<vmem>> -> memref<1x16x128xf32, #tpu.memory_space<vmem>>
      %dma_wait3A_255 = tpu.memref_squeeze %dma_wait3A_254 : memref<1x16x128xf32, #tpu.memory_space<vmem>> -> memref<16x128xf32, #tpu.memory_space<vmem>>
      %dma_wait3A_256 = arith.constant 0 : i32
      %dma_wait3A_257 = arith.constant 0 : i32
      %dma_wait3A_258 = tpu.memref_slice %arg4[%dma_wait3A_256, %dma_wait3A_257] : memref<16x1000000xf32, #tpu.memory_space<hbm>> -> memref<16x128xf32, #tpu.memory_space<hbm>>
      %dma_wait3A_259 = tpu.memref_slice %arg13[%rem3A_54] : memref<3x!tpu.dma_semaphore, #tpu.memory_space<semaphore_mem>> -> memref<1x!tpu.dma_semaphore, #tpu.memory_space<semaphore_mem>>
      %dma_wait3A_260 = tpu.memref_squeeze %dma_wait3A_259 : memref<1x!tpu.dma_semaphore, #tpu.memory_space<semaphore_mem>> -> memref<!tpu.dma_semaphore, #tpu.memory_space<semaphore_mem>>
      %dma_wait3A_261 = arith.constant 0 : i32
      %dma_wait3A_262 = arith.constant 0 : i32
      %dma_wait3A_263 = tpu.memref_slice %arg10[%rem3A_54, %dma_wait3A_261, %dma_wait3A_262] : memref<3x256x128xf32, #tpu.memory_space<vmem>> -> memref<1x16x128xf32, #tpu.memory_space<vmem>>
      %dma_wait3A_264 = tpu.memref_squeeze %dma_wait3A_263 : memref<1x16x128xf32, #tpu.memory_space<vmem>> -> memref<16x128xf32, #tpu.memory_space<vmem>>
      %dma_wait3A_265 = arith.constant 0 : i32
      %dma_wait3A_266 = arith.constant 0 : i32
      %dma_wait3A_267 = tpu.memref_slice %arg4[%dma_wait3A_265, %dma_wait3A_266] : memref<16x1000000xf32, #tpu.memory_space<hbm>> -> memref<16x128xf32, #tpu.memory_space<hbm>>
      tpu.wait_dma2 semaphore(%dma_wait3A_260 : memref<!tpu.dma_semaphore, #tpu.memory_space<semaphore_mem>>) src(%dma_wait3A_267 : memref<16x128xf32, #tpu.memory_space<hbm>>) dst(%dma_wait3A_264 : memref<16x128xf32, #tpu.memory_space<vmem>>)
      %dma_wait3A_268 = arith.constant 0 : i32
      %dma_wait3A_269 = arith.constant 0 : i32
      %dma_wait3A_270 = tpu.memref_slice %arg10[%rem3A_54, %dma_wait3A_268, %dma_wait3A_269] : memref<3x256x128xf32, #tpu.memory_space<vmem>> -> memref<1x16x128xf32, #tpu.memory_space<vmem>>
      %dma_wait3A_271 = tpu.memref_squeeze %dma_wait3A_270 : memref<1x16x128xf32, #tpu.memory_space<vmem>> -> memref<16x128xf32, #tpu.memory_space<vmem>>
      %dma_wait3A_272 = arith.constant 0 : i32
      %dma_wait3A_273 = arith.constant 0 : i32
      %dma_wait3A_274 = tpu.memref_slice %arg4[%dma_wait3A_272, %dma_wait3A_273] : memref<16x1000000xf32, #tpu.memory_space<hbm>> -> memref<16x128xf32, #tpu.memory_space<hbm>>
      %dma_wait3A_275 = tpu.memref_slice %arg13[%rem3A_54] : memref<3x!tpu.dma_semaphore, #tpu.memory_space<semaphore_mem>> -> memref<1x!tpu.dma_semaphore, #tpu.memory_space<semaphore_mem>>
      %dma_wait3A_276 = tpu.memref_squeeze %dma_wait3A_275 : memref<1x!tpu.dma_semaphore, #tpu.memory_space<semaphore_mem>> -> memref<!tpu.dma_semaphore, #tpu.memory_space<semaphore_mem>>
      %dma_wait3A_277 = arith.constant 0 : i32
      %dma_wait3A_278 = arith.constant 0 : i32
      %dma_wait3A_279 = tpu.memref_slice %arg10[%rem3A_54, %dma_wait3A_277, %dma_wait3A_278] : memref<3x256x128xf32, #tpu.memory_space<vmem>> -> memref<1x16x128xf32, #tpu.memory_space<vmem>>
      %dma_wait3A_280 = tpu.memref_squeeze %dma_wait3A_279 : memref<1x16x128xf32, #tpu.memory_space<vmem>> -> memref<16x128xf32, #tpu.memory_space<vmem>>
      %dma_wait3A_281 = arith.constant 0 : i32
      %dma_wait3A_282 = arith.constant 0 : i32
      %dma_wait3A_283 = tpu.memref_slice %arg4[%dma_wait3A_281, %dma_wait3A_282] : memref<16x1000000xf32, #tpu.memory_space<hbm>> -> memref<16x128xf32, #tpu.memory_space<hbm>>
      tpu.wait_dma2 semaphore(%dma_wait3A_276 : memref<!tpu.dma_semaphore, #tpu.memory_space<semaphore_mem>>) src(%dma_wait3A_283 : memref<16x128xf32, #tpu.memory_space<hbm>>) dst(%dma_wait3A_280 : memref<16x128xf32, #tpu.memory_space<vmem>>)
      %dma_wait3A_284 = arith.constant 0 : i32
      %dma_wait3A_285 = arith.constant 0 : i32
      %dma_wait3A_286 = tpu.memref_slice %arg10[%rem3A_54, %dma_wait3A_284, %dma_wait3A_285] : memref<3x256x128xf32, #tpu.memory_space<vmem>> -> memref<1x16x128xf32, #tpu.memory_space<vmem>>
      %dma_wait3A_287 = tpu.memref_squeeze %dma_wait3A_286 : memref<1x16x128xf32, #tpu.memory_space<vmem>> -> memref<16x128xf32, #tpu.memory_space<vmem>>
      %dma_wait3A_288 = arith.constant 0 : i32
      %dma_wait3A_289 = arith.constant 0 : i32
      %dma_wait3A_290 = tpu.memref_slice %arg4[%dma_wait3A_288, %dma_wait3A_289] : memref<16x1000000xf32, #tpu.memory_space<hbm>> -> memref<16x128xf32, #tpu.memory_space<hbm>>
      %dma_wait3A_291 = tpu.memref_slice %arg13[%rem3A_54] : memref<3x!tpu.dma_semaphore, #tpu.memory_space<semaphore_mem>> -> memref<1x!tpu.dma_semaphore, #tpu.memory_space<semaphore_mem>>
      %dma_wait3A_292 = tpu.memref_squeeze %dma_wait3A_291 : memref<1x!tpu.dma_semaphore, #tpu.memory_space<semaphore_mem>> -> memref<!tpu.dma_semaphore, #tpu.memory_space<semaphore_mem>>
      %dma_wait3A_293 = arith.constant 0 : i32
      %dma_wait3A_294 = arith.constant 0 : i32
      %dma_wait3A_295 = tpu.memref_slice %arg10[%rem3A_54, %dma_wait3A_293, %dma_wait3A_294] : memref<3x256x128xf32, #tpu.memory_space<vmem>> -> memref<1x16x128xf32, #tpu.memory_space<vmem>>
      %dma_wait3A_296 = tpu.memref_squeeze %dma_wait3A_295 : memref<1x16x128xf32, #tpu.memory_space<vmem>> -> memref<16x128xf32, #tpu.memory_space<vmem>>
      %dma_wait3A_297 = arith.constant 0 : i32
      %dma_wait3A_298 = arith.constant 0 : i32
      %dma_wait3A_299 = tpu.memref_slice %arg4[%dma_wait3A_297, %dma_wait3A_298] : memref<16x1000000xf32, #tpu.memory_space<hbm>> -> memref<16x128xf32, #tpu.memory_space<hbm>>
      tpu.wait_dma2 semaphore(%dma_wait3A_292 : memref<!tpu.dma_semaphore, #tpu.memory_space<semaphore_mem>>) src(%dma_wait3A_299 : memref<16x128xf32, #tpu.memory_space<hbm>>) dst(%dma_wait3A_296 : memref<16x128xf32, #tpu.memory_space<vmem>>)
      %dma_wait3A_300 = arith.constant 0 : i32
      %dma_wait3A_301 = arith.constant 0 : i32
      %dma_wait3A_302 = tpu.memref_slice %arg10[%rem3A_54, %dma_wait3A_300, %dma_wait3A_301] : memref<3x256x128xf32, #tpu.memory_space<vmem>> -> memref<1x16x128xf32, #tpu.memory_space<vmem>>
      %dma_wait3A_303 = tpu.memref_squeeze %dma_wait3A_302 : memref<1x16x128xf32, #tpu.memory_space<vmem>> -> memref<16x128xf32, #tpu.memory_space<vmem>>
      %dma_wait3A_304 = arith.constant 0 : i32
      %dma_wait3A_305 = arith.constant 0 : i32
      %dma_wait3A_306 = tpu.memref_slice %arg4[%dma_wait3A_304, %dma_wait3A_305] : memref<16x1000000xf32, #tpu.memory_space<hbm>> -> memref<16x128xf32, #tpu.memory_space<hbm>>
      %dma_wait3A_307 = tpu.memref_slice %arg13[%rem3A_54] : memref<3x!tpu.dma_semaphore, #tpu.memory_space<semaphore_mem>> -> memref<1x!tpu.dma_semaphore, #tpu.memory_space<semaphore_mem>>
      %dma_wait3A_308 = tpu.memref_squeeze %dma_wait3A_307 : memref<1x!tpu.dma_semaphore, #tpu.memory_space<semaphore_mem>> -> memref<!tpu.dma_semaphore, #tpu.memory_space<semaphore_mem>>
      %dma_wait3A_309 = arith.constant 0 : i32
      %dma_wait3A_310 = arith.constant 0 : i32
      %dma_wait3A_311 = tpu.memref_slice %arg10[%rem3A_54, %dma_wait3A_309, %dma_wait3A_310] : memref<3x256x128xf32, #tpu.memory_space<vmem>> -> memref<1x16x128xf32, #tpu.memory_space<vmem>>
      %dma_wait3A_312 = tpu.memref_squeeze %dma_wait3A_311 : memref<1x16x128xf32, #tpu.memory_space<vmem>> -> memref<16x128xf32, #tpu.memory_space<vmem>>
      %dma_wait3A_313 = arith.constant 0 : i32
      %dma_wait3A_314 = arith.constant 0 : i32
      %dma_wait3A_315 = tpu.memref_slice %arg4[%dma_wait3A_313, %dma_wait3A_314] : memref<16x1000000xf32, #tpu.memory_space<hbm>> -> memref<16x128xf32, #tpu.memory_space<hbm>>
      tpu.wait_dma2 semaphore(%dma_wait3A_308 : memref<!tpu.dma_semaphore, #tpu.memory_space<semaphore_mem>>) src(%dma_wait3A_315 : memref<16x128xf32, #tpu.memory_space<hbm>>) dst(%dma_wait3A_312 : memref<16x128xf32, #tpu.memory_space<vmem>>)
      %shift_right_logical3A_316 = arith.constant 1 : i32
      %shift_right_logical3A_317 = arith.shrui %scan3A_52, %shift_right_logical3A_316 : i32
      %rem3A_318 = arith.constant 2 : i32
      %rem3A_319 = arith.remsi %scan3A_52, %rem3A_318 : i32
      %eq3A_320 = arith.constant 0 : i32
      %eq3A_321 = arith.cmpi eq, %rem3A_319, %eq3A_320 : i32
      %broadcast_in_dim3A_322 = arith.constant 0 : i32
      %broadcast_in_dim3A_323 = vector.broadcast %broadcast_in_dim3A_322 : i32 to vector<16xi32>
      %add3A_324 = vector.broadcast %rem3A_54 : i32 to vector<16xi32>
      %add3A_325 = arith.addi %broadcast_in_dim3A_323, %add3A_324 : vector<16xi32>
      %convert_element_type3A_326 = arith.extui %eq3A_321 : i1 to i32
      %cond3A_327 = arith.constant 0 : i32
      %cond3A_328 = arith.cmpi ne, %convert_element_type3A_326, %cond3A_327 : i32
      scf.if %cond3A_328 {
        %mul3A_333 = arith.constant 16 : i32
        %mul3A_334 = arith.muli %shift_right_logical3A_317, %mul3A_333 : i32
        %get3A_335 = arith.index_cast %mul3A_334 : i32 to index
        %get3A_336 = tpu.vector_load %arg8[%get3A_335] {strides = array<i32>} : memref<512xi32, #tpu.memory_space<vmem>>, vector<16xi32>,
        %and3A = arith.constant 127 : i32
        %and3A_337 = vector.broadcast %and3A : i32 to vector<16xi32>
        %and3A_338 = arith.andi %get3A_336, %and3A_337 : vector<16xi32>
        %add3A_339 = arith.constant 0 : i32
        %add3A_340 = vector.broadcast %add3A_339 : i32 to vector<16xi32>
        %add3A_341 = arith.addi %mul3A_13, %add3A_340 : vector<16xi32>
        %gather3A = tpu.vector_load_idx %arg10[%add3A_325, %add3A_341, %and3A_338] : memref<3x256x128xf32, #tpu.memory_space<vmem>>[vector<16xi32>, vector<16xi32>, vector<16xi32>], vector<16xf32>,
        %slice3A_342 = vector.extract_strided_slice %get3A_3 {offsets = [0], sizes = [1], strides = [1]} : vector<16xf32> to vector<1xf32>
        %squeeze3A_343 = vector.extract %slice3A_342[0] : f32 from vector<1xf32>
        %mul3A_344 = vector.broadcast %squeeze3A_343 : f32 to vector<16xf32>
        %mul3A_345 = arith.mulf %gather3A, %mul3A_344 : vector<16xf32>
        %add3A_346 = arith.addf %add3A_10, %mul3A_345 : vector<16xf32>
        %add3A_347 = arith.constant 1 : i32
        %add3A_348 = vector.broadcast %add3A_347 : i32 to vector<16xi32>
        %add3A_349 = arith.addi %mul3A_13, %add3A_348 : vector<16xi32>
        %gather3A_350 = tpu.vector_load_idx %arg10[%add3A_325, %add3A_349, %and3A_338] : memref<3x256x128xf32, #tpu.memory_space<vmem>>[vector<16xi32>, vector<16xi32>, vector<16xi32>], vector<16xf32>,
        %slice3A_351 = vector.extract_strided_slice %get3A_3 {offsets = [1], sizes = [1], strides = [1]} : vector<16xf32> to vector<1xf32>
        %squeeze3A_352 = vector.extract %slice3A_351[0] : f32 from vector<1xf32>
        %mul3A_353 = vector.broadcast %squeeze3A_352 : f32 to vector<16xf32>
        %mul3A_354 = arith.mulf %gather3A_350, %mul3A_353 : vector<16xf32>
        %add3A_355 = arith.addf %add3A_346, %mul3A_354 : vector<16xf32>
        %add3A_356 = arith.constant 2 : i32
        %add3A_357 = vector.broadcast %add3A_356 : i32 to vector<16xi32>
        %add3A_358 = arith.addi %mul3A_13, %add3A_357 : vector<16xi32>
        %gather3A_359 = tpu.vector_load_idx %arg10[%add3A_325, %add3A_358, %and3A_338] : memref<3x256x128xf32, #tpu.memory_space<vmem>>[vector<16xi32>, vector<16xi32>, vector<16xi32>], vector<16xf32>,
        %slice3A_360 = vector.extract_strided_slice %get3A_3 {offsets = [2], sizes = [1], strides = [1]} : vector<16xf32> to vector<1xf32>
        %squeeze3A_361 = vector.extract %slice3A_360[0] : f32 from vector<1xf32>
        %mul3A_362 = vector.broadcast %squeeze3A_361 : f32 to vector<16xf32>
        %mul3A_363 = arith.mulf %gather3A_359, %mul3A_362 : vector<16xf32>
        %add3A_364 = arith.addf %add3A_355, %mul3A_363 : vector<16xf32>
        %add3A_365 = arith.constant 3 : i32
        %add3A_366 = vector.broadcast %add3A_365 : i32 to vector<16xi32>
        %add3A_367 = arith.addi %mul3A_13, %add3A_366 : vector<16xi32>
        %gather3A_368 = tpu.vector_load_idx %arg10[%add3A_325, %add3A_367, %and3A_338] : memref<3x256x128xf32, #tpu.memory_space<vmem>>[vector<16xi32>, vector<16xi32>, vector<16xi32>], vector<16xf32>,
        %slice3A_369 = vector.extract_strided_slice %get3A_3 {offsets = [3], sizes = [1], strides = [1]} : vector<16xf32> to vector<1xf32>
        %squeeze3A_370 = vector.extract %slice3A_369[0] : f32 from vector<1xf32>
        %mul3A_371 = vector.broadcast %squeeze3A_370 : f32 to vector<16xf32>
        %mul3A_372 = arith.mulf %gather3A_368, %mul3A_371 : vector<16xf32>
        %add3A_373 = arith.addf %add3A_364, %mul3A_372 : vector<16xf32>
        %add3A_374 = arith.constant 4 : i32
        %add3A_375 = vector.broadcast %add3A_374 : i32 to vector<16xi32>
        %add3A_376 = arith.addi %mul3A_13, %add3A_375 : vector<16xi32>
        %gather3A_377 = tpu.vector_load_idx %arg10[%add3A_325, %add3A_376, %and3A_338] : memref<3x256x128xf32, #tpu.memory_space<vmem>>[vector<16xi32>, vector<16xi32>, vector<16xi32>], vector<16xf32>,
        %slice3A_378 = vector.extract_strided_slice %get3A_3 {offsets = [4], sizes = [1], strides = [1]} : vector<16xf32> to vector<1xf32>
        %squeeze3A_379 = vector.extract %slice3A_378[0] : f32 from vector<1xf32>
        %mul3A_380 = vector.broadcast %squeeze3A_379 : f32 to vector<16xf32>
        %mul3A_381 = arith.mulf %gather3A_377, %mul3A_380 : vector<16xf32>
        %add3A_382 = arith.addf %add3A_373, %mul3A_381 : vector<16xf32>
        %add3A_383 = arith.constant 5 : i32
        %add3A_384 = vector.broadcast %add3A_383 : i32 to vector<16xi32>
        %add3A_385 = arith.addi %mul3A_13, %add3A_384 : vector<16xi32>
        %gather3A_386 = tpu.vector_load_idx %arg10[%add3A_325, %add3A_385, %and3A_338] : memref<3x256x128xf32, #tpu.memory_space<vmem>>[vector<16xi32>, vector<16xi32>, vector<16xi32>], vector<16xf32>,
        %slice3A_387 = vector.extract_strided_slice %get3A_3 {offsets = [5], sizes = [1], strides = [1]} : vector<16xf32> to vector<1xf32>
        %squeeze3A_388 = vector.extract %slice3A_387[0] : f32 from vector<1xf32>
        %mul3A_389 = vector.broadcast %squeeze3A_388 : f32 to vector<16xf32>
        %mul3A_390 = arith.mulf %gather3A_386, %mul3A_389 : vector<16xf32>
        %add3A_391 = arith.addf %add3A_382, %mul3A_390 : vector<16xf32>
        %add3A_392 = arith.constant 6 : i32
        %add3A_393 = vector.broadcast %add3A_392 : i32 to vector<16xi32>
        %add3A_394 = arith.addi %mul3A_13, %add3A_393 : vector<16xi32>
        %gather3A_395 = tpu.vector_load_idx %arg10[%add3A_325, %add3A_394, %and3A_338] : memref<3x256x128xf32, #tpu.memory_space<vmem>>[vector<16xi32>, vector<16xi32>, vector<16xi32>], vector<16xf32>,
        %slice3A_396 = vector.extract_strided_slice %get3A_3 {offsets = [6], sizes = [1], strides = [1]} : vector<16xf32> to vector<1xf32>
        %squeeze3A_397 = vector.extract %slice3A_396[0] : f32 from vector<1xf32>
        %mul3A_398 = vector.broadcast %squeeze3A_397 : f32 to vector<16xf32>
        %mul3A_399 = arith.mulf %gather3A_395, %mul3A_398 : vector<16xf32>
        %add3A_400 = arith.addf %add3A_391, %mul3A_399 : vector<16xf32>
        %add3A_401 = arith.constant 7 : i32
        %add3A_402 = vector.broadcast %add3A_401 : i32 to vector<16xi32>
        %add3A_403 = arith.addi %mul3A_13, %add3A_402 : vector<16xi32>
        %gather3A_404 = tpu.vector_load_idx %arg10[%add3A_325, %add3A_403, %and3A_338] : memref<3x256x128xf32, #tpu.memory_space<vmem>>[vector<16xi32>, vector<16xi32>, vector<16xi32>], vector<16xf32>,
        %slice3A_405 = vector.extract_strided_slice %get3A_3 {offsets = [7], sizes = [1], strides = [1]} : vector<16xf32> to vector<1xf32>
        %squeeze3A_406 = vector.extract %slice3A_405[0] : f32 from vector<1xf32>
        %mul3A_407 = vector.broadcast %squeeze3A_406 : f32 to vector<16xf32>
        %mul3A_408 = arith.mulf %gather3A_404, %mul3A_407 : vector<16xf32>
        %add3A_409 = arith.addf %add3A_400, %mul3A_408 : vector<16xf32>
        %add3A_410 = arith.constant 8 : i32
        %add3A_411 = vector.broadcast %add3A_410 : i32 to vector<16xi32>
        %add3A_412 = arith.addi %mul3A_13, %add3A_411 : vector<16xi32>
        %gather3A_413 = tpu.vector_load_idx %arg10[%add3A_325, %add3A_412, %and3A_338] : memref<3x256x128xf32, #tpu.memory_space<vmem>>[vector<16xi32>, vector<16xi32>, vector<16xi32>], vector<16xf32>,
        %slice3A_414 = vector.extract_strided_slice %get3A_3 {offsets = [8], sizes = [1], strides = [1]} : vector<16xf32> to vector<1xf32>
        %squeeze3A_415 = vector.extract %slice3A_414[0] : f32 from vector<1xf32>
        %mul3A_416 = vector.broadcast %squeeze3A_415 : f32 to vector<16xf32>
        %mul3A_417 = arith.mulf %gather3A_413, %mul3A_416 : vector<16xf32>
        %add3A_418 = arith.addf %add3A_409, %mul3A_417 : vector<16xf32>
        %add3A_419 = arith.constant 9 : i32
        %add3A_420 = vector.broadcast %add3A_419 : i32 to vector<16xi32>
        %add3A_421 = arith.addi %mul3A_13, %add3A_420 : vector<16xi32>
        %gather3A_422 = tpu.vector_load_idx %arg10[%add3A_325, %add3A_421, %and3A_338] : memref<3x256x128xf32, #tpu.memory_space<vmem>>[vector<16xi32>, vector<16xi32>, vector<16xi32>], vector<16xf32>,
        %slice3A_423 = vector.extract_strided_slice %get3A_3 {offsets = [9], sizes = [1], strides = [1]} : vector<16xf32> to vector<1xf32>
        %squeeze3A_424 = vector.extract %slice3A_423[0] : f32 from vector<1xf32>
        %mul3A_425 = vector.broadcast %squeeze3A_424 : f32 to vector<16xf32>
        %mul3A_426 = arith.mulf %gather3A_422, %mul3A_425 : vector<16xf32>
        %add3A_427 = arith.addf %add3A_418, %mul3A_426 : vector<16xf32>
        %add3A_428 = arith.constant 10 : i32
        %add3A_429 = vector.broadcast %add3A_428 : i32 to vector<16xi32>
        %add3A_430 = arith.addi %mul3A_13, %add3A_429 : vector<16xi32>
        %gather3A_431 = tpu.vector_load_idx %arg10[%add3A_325, %add3A_430, %and3A_338] : memref<3x256x128xf32, #tpu.memory_space<vmem>>[vector<16xi32>, vector<16xi32>, vector<16xi32>], vector<16xf32>,
        %slice3A_432 = vector.extract_strided_slice %get3A_3 {offsets = [10], sizes = [1], strides = [1]} : vector<16xf32> to vector<1xf32>
        %squeeze3A_433 = vector.extract %slice3A_432[0] : f32 from vector<1xf32>
        %mul3A_434 = vector.broadcast %squeeze3A_433 : f32 to vector<16xf32>
        %mul3A_435 = arith.mulf %gather3A_431, %mul3A_434 : vector<16xf32>
        %add3A_436 = arith.addf %add3A_427, %mul3A_435 : vector<16xf32>
        %add3A_437 = arith.constant 11 : i32
        %add3A_438 = vector.broadcast %add3A_437 : i32 to vector<16xi32>
        %add3A_439 = arith.addi %mul3A_13, %add3A_438 : vector<16xi32>
        %gather3A_440 = tpu.vector_load_idx %arg10[%add3A_325, %add3A_439, %and3A_338] : memref<3x256x128xf32, #tpu.memory_space<vmem>>[vector<16xi32>, vector<16xi32>, vector<16xi32>], vector<16xf32>,
        %slice3A_441 = vector.extract_strided_slice %get3A_3 {offsets = [11], sizes = [1], strides = [1]} : vector<16xf32> to vector<1xf32>
        %squeeze3A_442 = vector.extract %slice3A_441[0] : f32 from vector<1xf32>
        %mul3A_443 = vector.broadcast %squeeze3A_442 : f32 to vector<16xf32>
        %mul3A_444 = arith.mulf %gather3A_440, %mul3A_443 : vector<16xf32>
        %add3A_445 = arith.addf %add3A_436, %mul3A_444 : vector<16xf32>
        %add3A_446 = arith.constant 12 : i32
        %add3A_447 = vector.broadcast %add3A_446 : i32 to vector<16xi32>
        %add3A_448 = arith.addi %mul3A_13, %add3A_447 : vector<16xi32>
        %gather3A_449 = tpu.vector_load_idx %arg10[%add3A_325, %add3A_448, %and3A_338] : memref<3x256x128xf32, #tpu.memory_space<vmem>>[vector<16xi32>, vector<16xi32>, vector<16xi32>], vector<16xf32>,
        %slice3A_450 = vector.extract_strided_slice %get3A_3 {offsets = [12], sizes = [1], strides = [1]} : vector<16xf32> to vector<1xf32>
        %squeeze3A_451 = vector.extract %slice3A_450[0] : f32 from vector<1xf32>
        %mul3A_452 = vector.broadcast %squeeze3A_451 : f32 to vector<16xf32>
        %mul3A_453 = arith.mulf %gather3A_449, %mul3A_452 : vector<16xf32>
        %add3A_454 = arith.addf %add3A_445, %mul3A_453 : vector<16xf32>
        %add3A_455 = arith.constant 13 : i32
        %add3A_456 = vector.broadcast %add3A_455 : i32 to vector<16xi32>
        %add3A_457 = arith.addi %mul3A_13, %add3A_456 : vector<16xi32>
        %gather3A_458 = tpu.vector_load_idx %arg10[%add3A_325, %add3A_457, %and3A_338] : memref<3x256x128xf32, #tpu.memory_space<vmem>>[vector<16xi32>, vector<16xi32>, vector<16xi32>], vector<16xf32>,
        %slice3A_459 = vector.extract_strided_slice %get3A_3 {offsets = [13], sizes = [1], strides = [1]} : vector<16xf32> to vector<1xf32>
        %squeeze3A_460 = vector.extract %slice3A_459[0] : f32 from vector<1xf32>
        %mul3A_461 = vector.broadcast %squeeze3A_460 : f32 to vector<16xf32>
        %mul3A_462 = arith.mulf %gather3A_458, %mul3A_461 : vector<16xf32>
        %add3A_463 = arith.addf %add3A_454, %mul3A_462 : vector<16xf32>
        %add3A_464 = arith.constant 14 : i32
        %add3A_465 = vector.broadcast %add3A_464 : i32 to vector<16xi32>
        %add3A_466 = arith.addi %mul3A_13, %add3A_465 : vector<16xi32>
        %gather3A_467 = tpu.vector_load_idx %arg10[%add3A_325, %add3A_466, %and3A_338] : memref<3x256x128xf32, #tpu.memory_space<vmem>>[vector<16xi32>, vector<16xi32>, vector<16xi32>], vector<16xf32>,
        %slice3A_468 = vector.extract_strided_slice %get3A_3 {offsets = [14], sizes = [1], strides = [1]} : vector<16xf32> to vector<1xf32>
        %squeeze3A_469 = vector.extract %slice3A_468[0] : f32 from vector<1xf32>
        %mul3A_470 = vector.broadcast %squeeze3A_469 : f32 to vector<16xf32>
        %mul3A_471 = arith.mulf %gather3A_467, %mul3A_470 : vector<16xf32>
        %add3A_472 = arith.addf %add3A_463, %mul3A_471 : vector<16xf32>
        %add3A_473 = arith.constant 15 : i32
        %add3A_474 = vector.broadcast %add3A_473 : i32 to vector<16xi32>
        %add3A_475 = arith.addi %mul3A_13, %add3A_474 : vector<16xi32>
        %gather3A_476 = tpu.vector_load_idx %arg10[%add3A_325, %add3A_475, %and3A_338] : memref<3x256x128xf32, #tpu.memory_space<vmem>>[vector<16xi32>, vector<16xi32>, vector<16xi32>], vector<16xf32>,
        %slice3A_477 = vector.extract_strided_slice %get3A_3 {offsets = [15], sizes = [1], strides = [1]} : vector<16xf32> to vector<1xf32>
        %squeeze3A_478 = vector.extract %slice3A_477[0] : f32 from vector<1xf32>
        %mul3A_479 = vector.broadcast %squeeze3A_478 : f32 to vector<16xf32>
        %mul3A_480 = arith.mulf %gather3A_476, %mul3A_479 : vector<16xf32>
        %add3A_481 = arith.addf %add3A_472, %mul3A_480 : vector<16xf32>
        %mul3A_482 = arith.constant 16 : i32
        %mul3A_483 = arith.muli %shift_right_logical3A_317, %mul3A_482 : i32
        %swap3A = arith.index_cast %mul3A_483 : i32 to index
        %swap3A_484 = tpu.vector_load %arg11[%swap3A] {strides = array<i32>} : memref<512xf32, #tpu.memory_space<vmem>>, vector<16xf32>,
        tpu.vector_store %arg11[%swap3A], %add3A_481 {strides = array<i32>} : memref<512xf32, #tpu.memory_space<vmem>>, vector<16xf32>,
      } else {
      }
      %not3A = arith.constant true
      %not3A_329 = arith.xori %eq3A_321, %not3A : i1
      %convert_element_type3A_330 = arith.extui %not3A_329 : i1 to i32
      %cond3A_331 = arith.constant 0 : i32
      %cond3A_332 = arith.cmpi ne, %convert_element_type3A_330, %cond3A_331 : i32
      scf.if %cond3A_332 {
        %mul3A_333 = arith.constant 16 : i32
        %mul3A_334 = arith.muli %shift_right_logical3A_317, %mul3A_333 : i32
        %get3A_335 = arith.index_cast %mul3A_334 : i32 to index
        %get3A_336 = tpu.vector_load %arg9[%get3A_335] {strides = array<i32>} : memref<512xi32, #tpu.memory_space<vmem>>, vector<16xi32>,
        %and3A = arith.constant 127 : i32
        %and3A_337 = vector.broadcast %and3A : i32 to vector<16xi32>
        %and3A_338 = arith.andi %get3A_336, %and3A_337 : vector<16xi32>
        %mul3A_339 = arith.constant 16 : i32
        %mul3A_340 = arith.muli %shift_right_logical3A_317, %mul3A_339 : i32
        %get3A_341 = arith.index_cast %mul3A_340 : i32 to index
        %get3A_342 = tpu.vector_load %arg11[%get3A_341] {strides = array<i32>} : memref<512xf32, #tpu.memory_space<vmem>>, vector<16xf32>,
        %add3A_343 = arith.constant 0 : i32
        %add3A_344 = vector.broadcast %add3A_343 : i32 to vector<16xi32>
        %add3A_345 = arith.addi %mul3A_13, %add3A_344 : vector<16xi32>
        %gather3A = tpu.vector_load_idx %arg10[%add3A_325, %add3A_345, %and3A_338] : memref<3x256x128xf32, #tpu.memory_space<vmem>>[vector<16xi32>, vector<16xi32>, vector<16xi32>], vector<16xf32>,
        %slice3A_346 = vector.extract_strided_slice %get3A_5 {offsets = [0], sizes = [1], strides = [1]} : vector<16xf32> to vector<1xf32>
        %squeeze3A_347 = vector.extract %slice3A_346[0] : f32 from vector<1xf32>
        %mul3A_348 = vector.broadcast %squeeze3A_347 : f32 to vector<16xf32>
        %mul3A_349 = arith.mulf %gather3A, %mul3A_348 : vector<16xf32>
        %add3A_350 = arith.addf %get3A_342, %mul3A_349 : vector<16xf32>
        %add3A_351 = arith.constant 1 : i32
        %add3A_352 = vector.broadcast %add3A_351 : i32 to vector<16xi32>
        %add3A_353 = arith.addi %mul3A_13, %add3A_352 : vector<16xi32>
        %gather3A_354 = tpu.vector_load_idx %arg10[%add3A_325, %add3A_353, %and3A_338] : memref<3x256x128xf32, #tpu.memory_space<vmem>>[vector<16xi32>, vector<16xi32>, vector<16xi32>], vector<16xf32>,
        %slice3A_355 = vector.extract_strided_slice %get3A_5 {offsets = [1], sizes = [1], strides = [1]} : vector<16xf32> to vector<1xf32>
        %squeeze3A_356 = vector.extract %slice3A_355[0] : f32 from vector<1xf32>
        %mul3A_357 = vector.broadcast %squeeze3A_356 : f32 to vector<16xf32>
        %mul3A_358 = arith.mulf %gather3A_354, %mul3A_357 : vector<16xf32>
        %add3A_359 = arith.addf %add3A_350, %mul3A_358 : vector<16xf32>
        %add3A_360 = arith.constant 2 : i32
        %add3A_361 = vector.broadcast %add3A_360 : i32 to vector<16xi32>
        %add3A_362 = arith.addi %mul3A_13, %add3A_361 : vector<16xi32>
        %gather3A_363 = tpu.vector_load_idx %arg10[%add3A_325, %add3A_362, %and3A_338] : memref<3x256x128xf32, #tpu.memory_space<vmem>>[vector<16xi32>, vector<16xi32>, vector<16xi32>], vector<16xf32>,
        %slice3A_364 = vector.extract_strided_slice %get3A_5 {offsets = [2], sizes = [1], strides = [1]} : vector<16xf32> to vector<1xf32>
        %squeeze3A_365 = vector.extract %slice3A_364[0] : f32 from vector<1xf32>
        %mul3A_366 = vector.broadcast %squeeze3A_365 : f32 to vector<16xf32>
        %mul3A_367 = arith.mulf %gather3A_363, %mul3A_366 : vector<16xf32>
        %add3A_368 = arith.addf %add3A_359, %mul3A_367 : vector<16xf32>
        %add3A_369 = arith.constant 3 : i32
        %add3A_370 = vector.broadcast %add3A_369 : i32 to vector<16xi32>
        %add3A_371 = arith.addi %mul3A_13, %add3A_370 : vector<16xi32>
        %gather3A_372 = tpu.vector_load_idx %arg10[%add3A_325, %add3A_371, %and3A_338] : memref<3x256x128xf32, #tpu.memory_space<vmem>>[vector<16xi32>, vector<16xi32>, vector<16xi32>], vector<16xf32>,
        %slice3A_373 = vector.extract_strided_slice %get3A_5 {offsets = [3], sizes = [1], strides = [1]} : vector<16xf32> to vector<1xf32>
        %squeeze3A_374 = vector.extract %slice3A_373[0] : f32 from vector<1xf32>
        %mul3A_375 = vector.broadcast %squeeze3A_374 : f32 to vector<16xf32>
        %mul3A_376 = arith.mulf %gather3A_372, %mul3A_375 : vector<16xf32>
        %add3A_377 = arith.addf %add3A_368, %mul3A_376 : vector<16xf32>
        %add3A_378 = arith.constant 4 : i32
        %add3A_379 = vector.broadcast %add3A_378 : i32 to vector<16xi32>
        %add3A_380 = arith.addi %mul3A_13, %add3A_379 : vector<16xi32>
        %gather3A_381 = tpu.vector_load_idx %arg10[%add3A_325, %add3A_380, %and3A_338] : memref<3x256x128xf32, #tpu.memory_space<vmem>>[vector<16xi32>, vector<16xi32>, vector<16xi32>], vector<16xf32>,
        %slice3A_382 = vector.extract_strided_slice %get3A_5 {offsets = [4], sizes = [1], strides = [1]} : vector<16xf32> to vector<1xf32>
        %squeeze3A_383 = vector.extract %slice3A_382[0] : f32 from vector<1xf32>
        %mul3A_384 = vector.broadcast %squeeze3A_383 : f32 to vector<16xf32>
        %mul3A_385 = arith.mulf %gather3A_381, %mul3A_384 : vector<16xf32>
        %add3A_386 = arith.addf %add3A_377, %mul3A_385 : vector<16xf32>
        %add3A_387 = arith.constant 5 : i32
        %add3A_388 = vector.broadcast %add3A_387 : i32 to vector<16xi32>
        %add3A_389 = arith.addi %mul3A_13, %add3A_388 : vector<16xi32>
        %gather3A_390 = tpu.vector_load_idx %arg10[%add3A_325, %add3A_389, %and3A_338] : memref<3x256x128xf32, #tpu.memory_space<vmem>>[vector<16xi32>, vector<16xi32>, vector<16xi32>], vector<16xf32>,
        %slice3A_391 = vector.extract_strided_slice %get3A_5 {offsets = [5], sizes = [1], strides = [1]} : vector<16xf32> to vector<1xf32>
        %squeeze3A_392 = vector.extract %slice3A_391[0] : f32 from vector<1xf32>
        %mul3A_393 = vector.broadcast %squeeze3A_392 : f32 to vector<16xf32>
        %mul3A_394 = arith.mulf %gather3A_390, %mul3A_393 : vector<16xf32>
        %add3A_395 = arith.addf %add3A_386, %mul3A_394 : vector<16xf32>
        %add3A_396 = arith.constant 6 : i32
        %add3A_397 = vector.broadcast %add3A_396 : i32 to vector<16xi32>
        %add3A_398 = arith.addi %mul3A_13, %add3A_397 : vector<16xi32>
        %gather3A_399 = tpu.vector_load_idx %arg10[%add3A_325, %add3A_398, %and3A_338] : memref<3x256x128xf32, #tpu.memory_space<vmem>>[vector<16xi32>, vector<16xi32>, vector<16xi32>], vector<16xf32>,
        %slice3A_400 = vector.extract_strided_slice %get3A_5 {offsets = [6], sizes = [1], strides = [1]} : vector<16xf32> to vector<1xf32>
        %squeeze3A_401 = vector.extract %slice3A_400[0] : f32 from vector<1xf32>
        %mul3A_402 = vector.broadcast %squeeze3A_401 : f32 to vector<16xf32>
        %mul3A_403 = arith.mulf %gather3A_399, %mul3A_402 : vector<16xf32>
        %add3A_404 = arith.addf %add3A_395, %mul3A_403 : vector<16xf32>
        %add3A_405 = arith.constant 7 : i32
        %add3A_406 = vector.broadcast %add3A_405 : i32 to vector<16xi32>
        %add3A_407 = arith.addi %mul3A_13, %add3A_406 : vector<16xi32>
        %gather3A_408 = tpu.vector_load_idx %arg10[%add3A_325, %add3A_407, %and3A_338] : memref<3x256x128xf32, #tpu.memory_space<vmem>>[vector<16xi32>, vector<16xi32>, vector<16xi32>], vector<16xf32>,
        %slice3A_409 = vector.extract_strided_slice %get3A_5 {offsets = [7], sizes = [1], strides = [1]} : vector<16xf32> to vector<1xf32>
        %squeeze3A_410 = vector.extract %slice3A_409[0] : f32 from vector<1xf32>
        %mul3A_411 = vector.broadcast %squeeze3A_410 : f32 to vector<16xf32>
        %mul3A_412 = arith.mulf %gather3A_408, %mul3A_411 : vector<16xf32>
        %add3A_413 = arith.addf %add3A_404, %mul3A_412 : vector<16xf32>
        %add3A_414 = arith.constant 8 : i32
        %add3A_415 = vector.broadcast %add3A_414 : i32 to vector<16xi32>
        %add3A_416 = arith.addi %mul3A_13, %add3A_415 : vector<16xi32>
        %gather3A_417 = tpu.vector_load_idx %arg10[%add3A_325, %add3A_416, %and3A_338] : memref<3x256x128xf32, #tpu.memory_space<vmem>>[vector<16xi32>, vector<16xi32>, vector<16xi32>], vector<16xf32>,
        %slice3A_418 = vector.extract_strided_slice %get3A_5 {offsets = [8], sizes = [1], strides = [1]} : vector<16xf32> to vector<1xf32>
        %squeeze3A_419 = vector.extract %slice3A_418[0] : f32 from vector<1xf32>
        %mul3A_420 = vector.broadcast %squeeze3A_419 : f32 to vector<16xf32>
        %mul3A_421 = arith.mulf %gather3A_417, %mul3A_420 : vector<16xf32>
        %add3A_422 = arith.addf %add3A_413, %mul3A_421 : vector<16xf32>
        %add3A_423 = arith.constant 9 : i32
        %add3A_424 = vector.broadcast %add3A_423 : i32 to vector<16xi32>
        %add3A_425 = arith.addi %mul3A_13, %add3A_424 : vector<16xi32>
        %gather3A_426 = tpu.vector_load_idx %arg10[%add3A_325, %add3A_425, %and3A_338] : memref<3x256x128xf32, #tpu.memory_space<vmem>>[vector<16xi32>, vector<16xi32>, vector<16xi32>], vector<16xf32>,
        %slice3A_427 = vector.extract_strided_slice %get3A_5 {offsets = [9], sizes = [1], strides = [1]} : vector<16xf32> to vector<1xf32>
        %squeeze3A_428 = vector.extract %slice3A_427[0] : f32 from vector<1xf32>
        %mul3A_429 = vector.broadcast %squeeze3A_428 : f32 to vector<16xf32>
        %mul3A_430 = arith.mulf %gather3A_426, %mul3A_429 : vector<16xf32>
        %add3A_431 = arith.addf %add3A_422, %mul3A_430 : vector<16xf32>
        %add3A_432 = arith.constant 10 : i32
        %add3A_433 = vector.broadcast %add3A_432 : i32 to vector<16xi32>
        %add3A_434 = arith.addi %mul3A_13, %add3A_433 : vector<16xi32>
        %gather3A_435 = tpu.vector_load_idx %arg10[%add3A_325, %add3A_434, %and3A_338] : memref<3x256x128xf32, #tpu.memory_space<vmem>>[vector<16xi32>, vector<16xi32>, vector<16xi32>], vector<16xf32>,
        %slice3A_436 = vector.extract_strided_slice %get3A_5 {offsets = [10], sizes = [1], strides = [1]} : vector<16xf32> to vector<1xf32>
        %squeeze3A_437 = vector.extract %slice3A_436[0] : f32 from vector<1xf32>
        %mul3A_438 = vector.broadcast %squeeze3A_437 : f32 to vector<16xf32>
        %mul3A_439 = arith.mulf %gather3A_435, %mul3A_438 : vector<16xf32>
        %add3A_440 = arith.addf %add3A_431, %mul3A_439 : vector<16xf32>
        %add3A_441 = arith.constant 11 : i32
        %add3A_442 = vector.broadcast %add3A_441 : i32 to vector<16xi32>
        %add3A_443 = arith.addi %mul3A_13, %add3A_442 : vector<16xi32>
        %gather3A_444 = tpu.vector_load_idx %arg10[%add3A_325, %add3A_443, %and3A_338] : memref<3x256x128xf32, #tpu.memory_space<vmem>>[vector<16xi32>, vector<16xi32>, vector<16xi32>], vector<16xf32>,
        %slice3A_445 = vector.extract_strided_slice %get3A_5 {offsets = [11], sizes = [1], strides = [1]} : vector<16xf32> to vector<1xf32>
        %squeeze3A_446 = vector.extract %slice3A_445[0] : f32 from vector<1xf32>
        %mul3A_447 = vector.broadcast %squeeze3A_446 : f32 to vector<16xf32>
        %mul3A_448 = arith.mulf %gather3A_444, %mul3A_447 : vector<16xf32>
        %add3A_449 = arith.addf %add3A_440, %mul3A_448 : vector<16xf32>
        %add3A_450 = arith.constant 12 : i32
        %add3A_451 = vector.broadcast %add3A_450 : i32 to vector<16xi32>
        %add3A_452 = arith.addi %mul3A_13, %add3A_451 : vector<16xi32>
        %gather3A_453 = tpu.vector_load_idx %arg10[%add3A_325, %add3A_452, %and3A_338] : memref<3x256x128xf32, #tpu.memory_space<vmem>>[vector<16xi32>, vector<16xi32>, vector<16xi32>], vector<16xf32>,
        %slice3A_454 = vector.extract_strided_slice %get3A_5 {offsets = [12], sizes = [1], strides = [1]} : vector<16xf32> to vector<1xf32>
        %squeeze3A_455 = vector.extract %slice3A_454[0] : f32 from vector<1xf32>
        %mul3A_456 = vector.broadcast %squeeze3A_455 : f32 to vector<16xf32>
        %mul3A_457 = arith.mulf %gather3A_453, %mul3A_456 : vector<16xf32>
        %add3A_458 = arith.addf %add3A_449, %mul3A_457 : vector<16xf32>
        %add3A_459 = arith.constant 13 : i32
        %add3A_460 = vector.broadcast %add3A_459 : i32 to vector<16xi32>
        %add3A_461 = arith.addi %mul3A_13, %add3A_460 : vector<16xi32>
        %gather3A_462 = tpu.vector_load_idx %arg10[%add3A_325, %add3A_461, %and3A_338] : memref<3x256x128xf32, #tpu.memory_space<vmem>>[vector<16xi32>, vector<16xi32>, vector<16xi32>], vector<16xf32>,
        %slice3A_463 = vector.extract_strided_slice %get3A_5 {offsets = [13], sizes = [1], strides = [1]} : vector<16xf32> to vector<1xf32>
        %squeeze3A_464 = vector.extract %slice3A_463[0] : f32 from vector<1xf32>
        %mul3A_465 = vector.broadcast %squeeze3A_464 : f32 to vector<16xf32>
        %mul3A_466 = arith.mulf %gather3A_462, %mul3A_465 : vector<16xf32>
        %add3A_467 = arith.addf %add3A_458, %mul3A_466 : vector<16xf32>
        %add3A_468 = arith.constant 14 : i32
        %add3A_469 = vector.broadcast %add3A_468 : i32 to vector<16xi32>
        %add3A_470 = arith.addi %mul3A_13, %add3A_469 : vector<16xi32>
        %gather3A_471 = tpu.vector_load_idx %arg10[%add3A_325, %add3A_470, %and3A_338] : memref<3x256x128xf32, #tpu.memory_space<vmem>>[vector<16xi32>, vector<16xi32>, vector<16xi32>], vector<16xf32>,
        %slice3A_472 = vector.extract_strided_slice %get3A_5 {offsets = [14], sizes = [1], strides = [1]} : vector<16xf32> to vector<1xf32>
        %squeeze3A_473 = vector.extract %slice3A_472[0] : f32 from vector<1xf32>
        %mul3A_474 = vector.broadcast %squeeze3A_473 : f32 to vector<16xf32>
        %mul3A_475 = arith.mulf %gather3A_471, %mul3A_474 : vector<16xf32>
        %add3A_476 = arith.addf %add3A_467, %mul3A_475 : vector<16xf32>
        %add3A_477 = arith.constant 15 : i32
        %add3A_478 = vector.broadcast %add3A_477 : i32 to vector<16xi32>
        %add3A_479 = arith.addi %mul3A_13, %add3A_478 : vector<16xi32>
        %gather3A_480 = tpu.vector_load_idx %arg10[%add3A_325, %add3A_479, %and3A_338] : memref<3x256x128xf32, #tpu.memory_space<vmem>>[vector<16xi32>, vector<16xi32>, vector<16xi32>], vector<16xf32>,
        %slice3A_481 = vector.extract_strided_slice %get3A_5 {offsets = [15], sizes = [1], strides = [1]} : vector<16xf32> to vector<1xf32>
        %squeeze3A_482 = vector.extract %slice3A_481[0] : f32 from vector<1xf32>
        %mul3A_483 = vector.broadcast %squeeze3A_482 : f32 to vector<16xf32>
        %mul3A_484 = arith.mulf %gather3A_480, %mul3A_483 : vector<16xf32>
        %add3A_485 = arith.addf %add3A_476, %mul3A_484 : vector<16xf32>
        %mul3A_486 = arith.constant 16 : i32
        %mul3A_487 = arith.muli %shift_right_logical3A_317, %mul3A_486 : i32
        %swap3A = arith.index_cast %mul3A_487 : i32 to index
        %swap3A_488 = tpu.vector_load %arg11[%swap3A] {strides = array<i32>} : memref<512xf32, #tpu.memory_space<vmem>>, vector<16xf32>,
        tpu.vector_store %arg11[%swap3A], %add3A_485 {strides = array<i32>} : memref<512xf32, #tpu.memory_space<vmem>>, vector<16xf32>,
      } else {
      }
    }
    %scan3A_51 = arith.constant 64 : i32
    "tpu.region"() ({
      %run_scoped3A = tpu.sem_alloc : memref<!tpu.dma_semaphore, #tpu.memory_space<semaphore_mem>>
      %dma_start3A = tpu.memref_slice %arg7[%mul3A_2] : memref<16384xf32, #tpu.memory_space<hbm>> -> memref<512xf32, #tpu.memory_space<hbm>>
      %dma_start3A_52 = tpu.memref_slice %arg7[%mul3A_2] : memref<16384xf32, #tpu.memory_space<hbm>> -> memref<512xf32, #tpu.memory_space<hbm>>
      tpu.enqueue_dma source(%arg11 : memref<512xf32, #tpu.memory_space<vmem>>) target(%dma_start3A_52 : memref<512xf32, #tpu.memory_space<hbm>>) target_semaphore(%run_scoped3A : memref<!tpu.dma_semaphore, #tpu.memory_space<semaphore_mem>>)
      %dma_wait3A = tpu.memref_slice %arg7[%mul3A_2] : memref<16384xf32, #tpu.memory_space<hbm>> -> memref<512xf32, #tpu.memory_space<hbm>>
      %dma_wait3A_53 = tpu.memref_slice %arg7[%mul3A_2] : memref<16384xf32, #tpu.memory_space<hbm>> -> memref<512xf32, #tpu.memory_space<hbm>>
      tpu.wait_dma2 semaphore(%run_scoped3A : memref<!tpu.dma_semaphore, #tpu.memory_space<semaphore_mem>>) src(%arg11 : memref<512xf32, #tpu.memory_space<vmem>>) dst(%dma_wait3A_53 : memref<512xf32, #tpu.memory_space<hbm>>)
      tpu.yield
    }) : () -> ()
    return
  }
}

</mosaic_0001>

<sc_bundles>
// kernel: _ncf.3.cloned.1.call-start
scs
__scs_entry_jumppad:
0x0: {  	(pc) =	sbr.rel $0x88, $3  }
0x1: {  	(tag) =	ssettag $0x0;
	lr =	simm.s32 $0x1  }
0x2: {  	[smem:$0x3F9C] =	sst lr;
	_ =	strace $0xD0000000  }
0x3: {  	_ = 	snop  }
0x4: {  	_ = 	snop  }
0x5: {  	_ = 	snop  }
0x6: {  	_ = 	snop  }
0x7: {  	_ = 	snop  }
__scs_overlays_trampoline_lowered:
0x8: {  	[smem:$0x3FAB] =	sst s0  }
0x9: {  	[smem:$0x3FAC] =	sst s1  }
0xa: {  	[smem:$0x3FAD] =	sst s2  }
0xb: {  	[smem:$0x3FAE] =	sst s3  }
0xc: {  	[smem:$0x3FAF] =	sst s4  }
0xd: {  	[smem:$0x3FB0] =	sst s5  }
0xe: {  	[smem:$0x3FB1] =	sst s6  }
0xf: {  	[smem:$0x3FB2] =	sst s7  }
0x10: {  	[smem:$0x3FB3] =	sst s8  }
0x11: {  	[smem:$0x3FB4] =	sst s9;
	s0 =	simm.s32 @!p0 $0x0  }
0x12: {  	s1 =	sld [smem:$0x3F9A];
	s0 =	simm.s32 @p0 $0x1  }
0x13: {  	[smem:$0x3FB5] =	sst s0;
	s0 =	simm.s32 @!p1 $0x0  }
0x14: {  	s2 =	sld [smem:$0x3F99];
	s0 =	simm.s32 @p1 $0x1  }
0x15: {  	[smem:$0x3FB6] =	sst s0;
	s0 =	simm.s32 @!p2 $0x0  }
0x16: {  	s3 =	sld [smem:$0x3FDB];
	s0 =	simm.s32 @p2 $0x1  }
0x17: {  	s4 =	simm.s32 $0x1BF5;
	[smem:$0x3FB8] =	sst s0  }
0x18: {  	s0 =	sld [smem:$0x3F9B];
	_ =	swait.ge [sflag:s4], $0x0  }
0x19: {  	s7 =	sld [smem:$0x3F9C]  }
0x1a: {  	s8 =	sadd.s32 $0xFFFFE003, lr  }
0x1b: {  	s9 =	sadd.s32 $0xFFFFFEF7, lr;
	s5 =	simm.s32 $0xFFFFFFFF;
	p2 =	slt.u32 s8, $0xFFFFF086  }
0x1c: {  	p1 =	slt.u32 s9, $0xF7A;
	s5 =	simm.s32 @!p2 $0x0  }
0x1d: {  	s5 =	simm.s32 @p1 $0x1;
	p0 =	seq.s32 s7, s2  }
0x1e: {  	s7 =	smul.u32 @!p0 $0xF7A, s2;
	p2 =	seq.s32 @!p0 s5, $0x0  }
0x1f: {  	s9 =	smul.u32 $0xF7A, s1;
	s8 =	simm.s32 @!p0 $0x1BF5;
	p2 =	por !p2, p0  }
0x20: {  	[sflag:s8] =	ssyncset.s32 @!p0 $0xFFFFF086;
	s6 =	sadd.s32 @!p0 s3, s7;
	s7 =	simm.s32 @!p0 $0x108  }
0x21: {  	s3 =	sadd.s32 s3, s9;
	s6 =	sadd.s32 @!p0 $0x88, s6;
	s7 =	simm.s32 @p2 $0x1082  }
0x22: {  	[simem:s7], [sflag:s8] =	dma.local @!p0 [hbm:s6], $0xF7A  }
0x23: {  	s9 =	sor.u32 $0xD0000000, s2;
	s6 =	simm.s32 $0x108;
	_ =	swait.ge @!p0 [sflag:s8], $0x0  }
0x24: {  	s3 =	sadd.s32 $0x88, s3;
	s6 =	simm.s32 @!p1 $0x1082;
	[sflag:s4] =	ssyncset.s32 $0xFFFFF086  }
0x25: {  	[simem:s6], [sflag:s4] =	dma.local [hbm:s3], $0xF7A  }
0x26: {  	[smem:$0x3F9C] =	sst s1;
	(tag) =	ssettag s2;
	_ =	strace s9  }
0x27: {  	s1 =	sld [smem:$0x3FAC]  }
0x28: {  	s2 =	sld [smem:$0x3FAD]  }
0x29: {  	s4 =	sld [smem:$0x3FAF]  }
0x2a: {  	p0 =	seq.s32 s5, $0x0;
	s5 =	sld [smem:$0x3FB0]  }
0x2b: {  	s6 =	sld [smem:$0x3FB1]  }
0x2c: {  	s7 =	sld [smem:$0x3FB2]  }
0x2d: {  	s3 =	simm.s32 $0x108;
	s8 =	sld [smem:$0x3FB3]  }
0x2e: {  	s3 =	simm.s32 @!p0 $0x1082;
	s9 =	sld [smem:$0x3FB4]  }
0x2f: {  	lr =	sadd.s32 s0, s3;
	s0 =	sld [smem:$0x3FAB]  }
0x30: {  	s3 =	sld [smem:$0x3FAE]  }
0x31: {  	[smem:$0x3FB7] =	sst s10  }
0x32: {  	s10 =	sld [smem:$0x3FB5];
	_ =	sdelay $0x3  }
0x33: {  	p0 =	seq.s32 s10, $0x1;
	s10 =	sld [smem:$0x3FB7];
	_ =	sdelay $0x3  }
0x34: {  	[smem:$0x3FB7] =	sst s10  }
0x35: {  	s10 =	sld [smem:$0x3FB6];
	_ =	sdelay $0x3  }
0x36: {  	p1 =	seq.s32 s10, $0x1;
	s10 =	sld [smem:$0x3FB7];
	_ =	sdelay $0x3  }
0x37: {  	[smem:$0x3FB7] =	sst s10  }
0x38: {  	s10 =	sld [smem:$0x3FB8]  }
0x39: {  	_ = 	snop;
	(pc) =	sbr.ind lr, $3  }
0x3a: {  	_ = 	snop  }
0x3b: {  	_ = 	snop  }
0x3c: {  	p2 =	seq.s32 s10, $0x1;
	s10 =	sld [smem:$0x3FB7]  }
0x3d: {  	_ =	shalt  }
0x3e: {  	_ =	shalt  }
0x3f: {  	_ =	shalt  }
0x40: {  	_ =	shalt  }
0x41: {  	_ =	shalt  }
0x42: {  	_ =	shalt  }
0x43: {  	_ =	shalt  }
0x44: {  	_ =	shalt  }
0x45: {  	_ =	shalt  }
0x46: {  	_ =	shalt  }
0x47: {  	_ =	shalt  }
0x48: {  	_ =	shalt  }
0x49: {  	_ =	shalt  }
0x4a: {  	_ =	shalt  }
0x4b: {  	_ =	shalt  }
0x4c: {  	_ =	shalt  }
0x4d: {  	_ =	shalt  }
0x4e: {  	_ =	shalt  }
0x4f: {  	_ =	shalt  }
0x50: {  	_ =	shalt  }
0x51: {  	_ =	shalt  }
0x52: {  	_ =	shalt  }
0x53: {  	_ =	shalt  }
0x54: {  	_ =	shalt  }
0x55: {  	_ =	shalt  }
0x56: {  	_ =	shalt  }
0x57: {  	_ =	shalt  }
0x58: {  	_ =	shalt  }
0x59: {  	_ =	shalt  }
0x5a: {  	_ =	shalt  }
0x5b: {  	_ =	shalt  }
0x5c: {  	_ =	shalt  }
0x5d: {  	_ =	shalt  }
0x5e: {  	_ =	shalt  }
0x5f: {  	_ =	shalt  }
0x60: {  	_ =	shalt  }
0x61: {  	_ =	shalt  }
0x62: {  	_ =	shalt  }
0x63: {  	_ =	shalt  }
0x64: {  	_ =	shalt  }
0x65: {  	_ =	shalt  }
0x66: {  	_ =	shalt  }
0x67: {  	_ =	shalt  }
0x68: {  	_ =	shalt  }
0x69: {  	_ =	shalt  }
0x6a: {  	_ =	shalt  }
0x6b: {  	_ =	shalt  }
0x6c: {  	_ =	shalt  }
0x6d: {  	_ =	shalt  }
0x6e: {  	_ =	shalt  }
0x6f: {  	_ =	shalt  }
0x70: {  	_ =	shalt  }
0x71: {  	_ =	shalt  }
0x72: {  	_ =	shalt  }
0x73: {  	_ =	shalt  }
0x74: {  	_ =	shalt  }
0x75: {  	_ =	shalt  }
0x76: {  	_ =	shalt  }
0x77: {  	_ =	shalt  }
0x78: {  	_ =	shalt  }
0x79: {  	_ =	shalt  }
0x7a: {  	_ =	shalt  }
0x7b: {  	_ =	shalt  }
0x7c: {  	_ =	shalt  }
0x7d: {  	_ =	shalt  }
0x7e: {  	_ =	shalt  }
0x7f: {  	_ =	shalt  }
0x80: {  	_ =	shalt  }
0x81: {  	_ =	shalt  }
0x82: {  	_ =	shalt  }
0x83: {  	_ =	shalt  }
0x84: {  	_ =	shalt  }
0x85: {  	_ =	shalt  }
0x86: {  	_ =	shalt  }
0x87: {  	_ =	shalt  }
.Lfunc_end0:
.L_simem_size_0:
called_computation_lowered:
.L_overlay_start_0:
0x88: {  	s2 =	sld [smem:$0x3FD9]  }
0x89: {  	s3 =	sld [smem:$0x3FFE];
	_ =	sdelay $0x1  }
0x8a: {  	s1 =	srdreg.scid  }
0x8b: {  	s0 =	sand.u32 $0x1, s1  }
0x8c: {  	s18 =	sshll.u32 s0, $0xA;
	s2 =	sadd.s32 s3, s2  }
0x8d: {  	s2 =	sadd.s32 s2, s18  }
0x8e: {  	[smem:$0x3FC3] =	sst s2  }
0x8f: {  	_ = 	snop  }
0x90: {  	s2 =	sld [smem:$0x3FC9]  }
0x91: {  	s19 =	sld [smem:$0x3FC8]  }
0x92: {  	s4 =	sld [smem:$0x3FC7]  }
0x93: {  	s5 =	sld [smem:$0x3FC6]  }
0x94: {  	s6 =	sld [smem:$0x3FC5]  }
0x95: {  	s7 =	sld [smem:$0x3FD0];
	(tm) =	ssettm $0x1  }
0x96: {  	s8 =	sld [smem:$0x3FFB];
	_ =	sdelay $0x3  }
0x97: {  	_ =	strace s8  }
0x98: {  	s8 =	sld [smem:$0x3FFC];
	_ =	sdelay $0x3  }
0x99: {  	_ =	strace s8  }
0x9a: {  	s8 =	sld [smem:$0x3FFD];
	_ =	sdelay $0x3  }
0x9b: {  	_ =	strace s8  }
0x9c: {  	_ =	strace $0x8FFFFFFF  }
0x9d: {  	s20 =	sld [smem:$0x3FDB];
	_ =	sdelay $0x1  }
0x9e: {  	s9 =	simm.s32 $_scs_section_size  }
0x9f: {  	s10 =	simm.s32 $_size__tile_overlayer_lowered;
	s11 =	simm.s32 $_tile_overlayer_lowered  }
0xa0: {  	s23 =	simm.s32 $0x1BFF;
	s22 =	sshll.u32 s11, $0x1;
	s8 =	sadd.s32 s9, s20  }
0xa1: {  	s12 =	simm.s32 $0x0;
	s21 =	sshll.u32 s10, $0x1;
	s10 =	sadd.s32 s22, s8  }
0xa2: {  	[timem:s12], [sflag:s23] =	dma.local [hbm:s10], s21  }
0xa3: {  	_ =	swait.ge [sflag:s23], s21  }
0xa4: {  	s9 =	ssub.s32 $0x0, s21;
	[sflag:s23] =	ssyncset.done $0x0  }
0xa5: {  	[sflag:s23] =	ssyncadd.s32 s9;
	_ =	sdelay $0x1  }
0xa6: {  	s24 =	simm.s32 $0x1B8B  }
0xa7: {  	_ =	swait.ge [sflag:s24], $0x1  }
0xa8: {  	[sflag:s24] =	ssyncset.done $0x0  }
0xa9: {  	s25 =	simm.s32 $0x1B8E;
	[sflag:s24] =	ssyncadd.s32 $0xFFFFFFFF  }
0xaa: {  	s26 =	simm.s32 $execute0_lowered;
	[smem:$0x3FD2] =	sst s25  }
0xab: {  	s9 =	sshll.u32 s26, $0x1;
	_ =	strace $0x80000046;
	[dreg:$0x1] =	wrdreg $0xFFFFFFFF  }
0xac: {  	s28 =	simm.s32 $_size_execute0_lowered;
	s8 =	sadd.s32 s8, s9;
	[dreg:$0x0] =	wrdreg $0x0  }
0xad: {  	s9 =	sshll.u32 s28, $0x1;
	[dreg:$0x2] =	wrdreg s8  }
0xae: {  	[dreg:$0x3] =	wrdreg s9  }
0xaf: {  	[dreg:$0x4] =	wrdreg $0xC0  }
0xb0: {  	_ =	task [dreg:s12], $0x5FFFF  }
0xb1: {  	[dreg:$0x1] =	wrdreg $0xFFFFFFFF  }
0xb2: {  	[dreg:$0x0] =	wrdreg $0x60  }
0xb3: {  	[dreg:$0x2] =	wrdreg s2  }
0xb4: {  	[dreg:$0x3] =	wrdreg s19  }
0xb5: {  	[dreg:$0x4] =	wrdreg s4  }
0xb6: {  	[dreg:$0x5] =	wrdreg s5  }
0xb7: {  	[dreg:$0x6] =	wrdreg s6  }
0xb8: {  	[dreg:$0x7] =	wrdreg s7  }
0xb9: {  	[dreg:$0x8] =	wrdreg $0x9  }
0xba: {  	_ =	task.clear_ibuf [dreg:s12], $0x9FFFF;
	_ =	strace $0x90000046  }
0xbb: {  	s29 =	simm.s32 $0x9;
	_ =	strace $0x80000048  }
0xbc: {  	_ =	swait.ge [sflag:s29], $0x1  }
0xbd: {  	[sflag:s29] =	ssyncadd.s32 $0xFFFFFFFF  }
0xbe: {  	_ =	strace $0x90000048  }
0xbf: {  	_ =	sfence  }
0xc0: {  	s30 =	sld [smem:$0x0];
	_ =	sdelay $0x2  }
0xc1: {  	s31 =	sshll.u32 s1, $0xD;
	s1 =	sshrl.u32 s1, $0x2  }
0xc2: {  	s3 =	sand.u32 $0x4000, s31;
	s1 =	sadd.s32 s1, s30  }
0xc3: {  	s0 =	sor.u32 s3, s0;
	s1 =	sshll.u32 s1, $0x11  }
0xc4: {  	s0 =	sor.u32 s1, s0  }
0xc5: {  	s0 =	sadd.s32 $0x8F2B, s0  }
0xc6: {  	[sflag:s0] =	ssyncadd.remote.s32 $0x1  }
0xc7: {  	_ =	sfence.sel $0xFFFF  }
0xc8: {  	[dreg:$0x0] =	wrdreg $0xFFFFFFFF;
	(pc) =	sbr.abs _section_cstart, $3  }
0xc9: {  	[dreg:$0x1] =	wrdreg $0xFFFFFFFF  }
0xca: {  	_ =	task.clear_ibuf [dreg:s12], $0x2FFFF;
	_ =	strace $0x9FFFFFFF  }
0xcb: {  	(tm) =	ssettm $0x7FFFFFFF  }
tec
execute0_lowered:
.L_overlay_start_1:
0x0: {  	(tag) =	ssettag $0x1  }
0x1: {  	s0 =	rddreg [dreg:$0x0]  }
0x2: {  	s3 =	rddreg [dreg:$0x1]  }
0x3: {  	s1 =	rddreg [dreg:$0x2]  }
0x4: {  	s2 =	rddreg [dreg:$0x3]  }
0x5: {  	s4 =	rddreg [dreg:$0x5];
	s6 =	srdreg.scid;
	s5 =	simm.s32 $0x0  }
0x6: {  	s9 =	stileid.u32;
	s13 =	simm.s32 $0x7A1400;
	s14 =	simm.s32 $0x400  }
0x7: {  	s15 =	simm.s32 $0xB400;
	s16 =	simm.s32 $0xBC00;
	s17 =	simm.s32 $0xC400  }
0x8: {  	v0 =	vlaneseq.u32;
	s18 =	simm.s32 $0xCC00;
	s19 =	simm.s32 $0xD400;
	s20 =	simm.s32 $0xDC00  }
0x9: {  	s21 =	simm.s32 $0xE400;
	s22 =	simm.s32 $0xEC00;
	s23 =	simm.s32 $0xF400;
	v0 =	vmul.u32 $0x800, v0  }
0xa: {  	s24 =	simm.s32 $0xFC00;
	s25 =	simm.s32 $0x18400;
	s26 =	simm.s32 $0x0  }
.Ltmp0:
0xb: {  	s6 =	sand.u32 $0x1, s6;
	[smem:$0x7FF] =	sst s5;
	v1 =	vor.u32 $0x80, v0;
	v2 =	vor.u32 $0x100, v0;
	v3 =	vor.u32 $0x180, v0;
	(pc) =	sbr.rel .LBB2_1-.Ltmp0, $4  }
0xc: {  	s9 =	sshll.u32 s9, $0x7;
	s7 =	ssub.s32 $0x2, s6;
	s6 =	sshll.u32 s6, $0x6;
	v4 =	vor.u32 $0x200, v0;
	v5 =	vor.u32 $0x280, v0;
	v6 =	vor.u32 $0x300, v0  }
0xd: {  	_ =	strace $0x80000047;
	s8 =	sshrl.u32 s7, $0x1;
	s31 =	sor.u32 s6, s9;
	v7 =	vor.u32 $0x380, v0;
	v8 =	vor.u32 $0x400, v0;
	v9 =	vor.u32 $0x480, v0  }
0xe: {  	v10 =	vor.u32 $0x500, v0;
	v11 =	vor.u32 $0x580, v0;
	v12 =	vor.u32 $0x600, v0;
	s10 =	ssub.s32 s7, s8;
	s6 =	sadd.s32 s0, s31;
	s7 =	sadd.s32 s3, s31  }
0xf: {  	v13 =	vor.u32 $0x680, v0;
	v14 =	vor.u32 $0x700, v0;
	v15 =	vor.u32 $0x780, v0;
	s8 =	sadd.s32 s4, s31;
	s9 =	smax.u32 s10, $0x1;
	s10 =	simm.s32 $0x4  }
.LBB2_8:
0x10: {  	s26 =	sadd.s32 $0x1, s26  }
0x11: {  	p0 =	sne.s32 s26, s9  }
.Ltmp1:
0x12: {  	_ = 	snop;
	(pc) =	sbr.rel @!p0 .LBB2_9-.Ltmp1, $4  }
0x13: {  	[hbm4b:s8+s5] =	stream.linear.scatter [tilespmem:s25], [sflag:$0x4], $0x200, $0x38;
	[tilespmem:$0x18680] =	vst v63  }
0x14: {  	_ =	swait.ge [sflag:s10], $0x200  }
0x15: {  	[sflag:s10] =	ssyncset.done $0x0  }
0x16: {  	[sflag:s10] =	ssyncadd.s32 $0xFFFFFE00  }
.LBB2_1:
0x17: {  	[tilespmem:s5], [sflag:$0x4] =	stream.linear.gather [hbm4b:s6+s5], $0x200, $0x38;
	[tilespmem:$0x18680] =	vst v63  }
0x18: {  	_ =	swait.ge [sflag:s10], $0x200  }
0x19: {  	[sflag:s10] =	ssyncset.done $0x0  }
0x1a: {  	s0 =	simm.s32 $0x200;
	[sflag:s10] =	ssyncadd.s32 $0xFFFFFE00  }
0x1b: {  	[tilespmem:s0], [sflag:$0x4] =	stream.linear.gather [hbm4b:s7+s5], $0x200, $0x38;
	[tilespmem:$0x18680] =	vst v63  }
0x1c: {  	_ =	swait.ge [sflag:s10], $0x200  }
0x1d: {  	[sflag:s10] =	ssyncset.done $0x0  }
0x1e: {  	[sflag:s10] =	ssyncadd.s32 $0xFFFFFE00  }
0x1f: {  	s3 =	simm.s32 $0x18600;
	s31 =	rddreg [dreg:$0x4]  }
0x20: {  	[tilespmem:s3], [sflag:$0x4] =	stream.linear.gather [hbm4b:s31+s5], $0x80, $0x38;
	[tilespmem:$0x18680] =	vst v63  }
0x21: {  	_ =	swait.ge [sflag:s10], $0x80  }
0x22: {  	[sflag:s10] =	ssyncset.done $0x0  }
0x23: {  	[sflag:s10] =	ssyncadd.s32 $0xFFFFFF80  }
0x24: {  	v16 =	vld [tilespmem:$0x0];
	_ =	sdelay $0x4  }
0x25: {  	v16 =	vshrl.u32 v16, $0x7  }
0x26: {  	v17 =	vshll.u32 v16, $0x7  }
0x27: {  	(v2sf) =	vpush v17, $0x0;
	_ =	sdelay $0x1  }
0x28: {  	(v2sf) =	vpush v17, $0x1;
	_ =	sdelay $0x1  }
0x29: {  	(v2sf) =	vpush v17, $0x2;
	_ =	sdelay $0x8  }
0x2a: {  	(v2sf) =	vpush v17, $0x3;
	_ =	sdelay $0x1  }
0x2b: {  	s3 =	spop (v2sf);
	(v2sf) =	vpush v17, $0x4;
	_ =	sdelay $0x1  }
0x2c: {  	s4 =	spop (v2sf);
	(v2sf) =	vpush v17, $0x5;
	_ =	sdelay $0x1  }
0x2d: {  	s12 =	spop (v2sf);
	(v2sf) =	vpush v17, $0x6;
	_ =	sdelay $0x1  }
0x2e: {  	v48 =	vld [tilespmem:$0x18600];
	s0 =	sand.u32 $0x1FFFFF80, s3  }
0x2f: {  	v32 =	vld [tilespmem:$0x18610];
	s0 =	sadd.s32 s1, s0;
	(v2sf) =	vpush v17, $0x7  }
0x30: {  	v16 =	vld [tilespmem:$0x18620];
	[tilespmem:s14], [sflag:$0x1] =	stream.strided.gather [hbm4b:s0+s14], $0x800, s13, s14, $0x38  }
0x31: {  	s0 =	sand.u32 $0x1FFFFF80, s4  }
0x32: {  	s11 =	simm.s32 $0xC00;
	s0 =	sadd.s32 s1, s0  }
0x33: {  	[tilespmem:s11], [sflag:$0x1] =	stream.strided.gather [hbm4b:s0+s14], $0x800, s13, s14, $0x38;
	[tilespmem:$0x18680] =	vst v63  }
0x34: {  	s0 =	sand.u32 $0x1FFFFF80, s12  }
0x35: {  	s31 =	simm.s32 $0x1400;
	s4 =	spop (v2sf);
	s0 =	sadd.s32 s1, s0  }
0x36: {  	[tilespmem:s31], [sflag:$0x1] =	stream.strided.gather [hbm4b:s0+s14], $0x800, s13, s14, $0x38;
	[tilespmem:$0x18680] =	vst v63  }
0x37: {  	s12 =	spop (v2sf);
	(v2sf) =	vpush v17, $0x8  }
0x38: {  	s0 =	sand.u32 $0x1FFFFF80, s4  }
0x39: {  	s11 =	simm.s32 $0x1C00;
	s0 =	sadd.s32 s1, s0;
	s4 =	spop (v2sf);
	(v2sf) =	vpush v17, $0x9  }
0x3a: {  	[tilespmem:s11], [sflag:$0x1] =	stream.strided.gather [hbm4b:s0+s14], $0x800, s13, s14, $0x38;
	[tilespmem:$0x18680] =	vst v63  }
0x3b: {  	s0 =	sand.u32 $0x1FFFFF80, s12;
	s12 =	spop (v2sf);
	(v2sf) =	vpush v17, $0xA  }
0x3c: {  	s31 =	simm.s32 $0x2400;
	s0 =	sadd.s32 s1, s0  }
0x3d: {  	[tilespmem:s31], [sflag:$0x1] =	stream.strided.gather [hbm4b:s0+s14], $0x800, s13, s14, $0x38;
	[tilespmem:$0x18680] =	vst v63  }
0x3e: {  	s0 =	sand.u32 $0x1FFFFF80, s4;
	s4 =	spop (v2sf);
	(v2sf) =	vpush v17, $0xB;
	_ =	sdelay $0x1  }
0x3f: {  	s11 =	simm.s32 $0x2C00;
	s0 =	sadd.s32 s1, s0  }
0x40: {  	[tilespmem:s11], [sflag:$0x1] =	stream.strided.gather [hbm4b:s0+s14], $0x800, s13, s14, $0x38;
	[tilespmem:$0x18680] =	vst v63  }
0x41: {  	s0 =	sand.u32 $0x1FFFFF80, s12  }
0x42: {  	s31 =	simm.s32 $0x3400;
	s0 =	sadd.s32 s1, s0  }
0x43: {  	[tilespmem:s31], [sflag:$0x1] =	stream.strided.gather [hbm4b:s0+s14], $0x800, s13, s14, $0x38;
	[tilespmem:$0x18680] =	vst v63  }
0x44: {  	s0 =	sand.u32 $0x1FFFFF80, s4  }
0x45: {  	s11 =	simm.s32 $0x3C00;
	s0 =	sadd.s32 s1, s0;
	s12 =	spop (v2sf);
	(v2sf) =	vpush v17, $0xC  }
0x46: {  	[tilespmem:s11], [sflag:$0x1] =	stream.strided.gather [hbm4b:s0+s14], $0x800, s13, s14, $0x38;
	[tilespmem:$0x18680] =	vst v63  }
0x47: {  	s4 =	spop (v2sf);
	(v2sf) =	vpush v17, $0xD  }
0x48: {  	s0 =	sand.u32 $0x1FFFFF80, s12  }
0x49: {  	s31 =	simm.s32 $0x4400;
	s0 =	sadd.s32 s1, s0;
	s12 =	spop (v2sf)  }
0x4a: {  	(v2sf) =	vpush v17, $0xE;
	[tilespmem:s31], [sflag:$0x1] =	stream.strided.gather [hbm4b:s0+s14], $0x800, s13, s14, $0x38;
	[tilespmem:$0x18680] =	vst v63  }
0x4b: {  	s0 =	sand.u32 $0x1FFFFF80, s4  }
0x4c: {  	s11 =	simm.s32 $0x4C00;
	s4 =	spop (v2sf);
	s0 =	sadd.s32 s1, s0  }
0x4d: {  	(v2sf) =	vpush v17, $0xF;
	[tilespmem:s11], [sflag:$0x1] =	stream.strided.gather [hbm4b:s0+s14], $0x800, s13, s14, $0x38;
	[tilespmem:$0x18680] =	vst v63  }
0x4e: {  	s0 =	sand.u32 $0x1FFFFF80, s12  }
0x4f: {  	s31 =	simm.s32 $0x5400;
	s0 =	sadd.s32 s1, s0  }
0x50: {  	[tilespmem:s31], [sflag:$0x1] =	stream.strided.gather [hbm4b:s0+s14], $0x800, s13, s14, $0x38;
	[tilespmem:$0x18680] =	vst v63  }
0x51: {  	s0 =	sand.u32 $0x1FFFFF80, s4  }
0x52: {  	s11 =	simm.s32 $0x5C00;
	s0 =	sadd.s32 s1, s0  }
0x53: {  	[tilespmem:s11], [sflag:$0x1] =	stream.strided.gather [hbm4b:s0+s14], $0x800, s13, s14, $0x38;
	[tilespmem:$0x18680] =	vst v63  }
0x54: {  	s12 =	spop (v2sf)  }
0x55: {  	s0 =	sand.u32 $0x1FFFFF80, s12  }
0x56: {  	s31 =	simm.s32 $0x6400;
	s4 =	spop (v2sf);
	s0 =	sadd.s32 s1, s0  }
0x57: {  	[tilespmem:s31], [sflag:$0x1] =	stream.strided.gather [hbm4b:s0+s14], $0x800, s13, s14, $0x38;
	[tilespmem:$0x18680] =	vst v63  }
0x58: {  	s0 =	sand.u32 $0x1FFFFF80, s4  }
0x59: {  	s11 =	simm.s32 $0x6C00;
	s12 =	spop (v2sf);
	s0 =	sadd.s32 s1, s0  }
0x5a: {  	[tilespmem:s11], [sflag:$0x1] =	stream.strided.gather [hbm4b:s0+s14], $0x800, s13, s14, $0x38;
	[tilespmem:$0x18680] =	vst v63  }
0x5b: {  	s0 =	sand.u32 $0x1FFFFF80, s12  }
0x5c: {  	s31 =	simm.s32 $0x7400;
	s4 =	spop (v2sf);
	s0 =	sadd.s32 s1, s0  }
0x5d: {  	[tilespmem:s31], [sflag:$0x1] =	stream.strided.gather [hbm4b:s0+s14], $0x800, s13, s14, $0x38;
	[tilespmem:$0x18680] =	vst v63  }
0x5e: {  	s0 =	sand.u32 $0x1FFFFF80, s4  }
0x5f: {  	s11 =	simm.s32 $0x7C00;
	s0 =	sadd.s32 s1, s0  }
0x60: {  	[tilespmem:s11], [sflag:$0x1] =	stream.strided.gather [hbm4b:s0+s14], $0x800, s13, s14, $0x38;
	[tilespmem:$0x18680] =	vst v63  }
0x61: {  	v17 =	vld [tilespmem:$0x200];
	_ =	sdelay $0x4  }
0x62: {  	v17 =	vshrl.u32 v17, $0x7  }
0x63: {  	v17 =	vshll.u32 v17, $0x7  }
0x64: {  	(v2sf) =	vpush v17, $0x0;
	_ =	sdelay $0x2  }
0x65: {  	(v2sf) =	vpush v17, $0x1  }
0x66: {  	(v2sf) =	vpush v17, $0x2;
	_ =	sdelay $0x2  }
0x67: {  	(v2sf) =	vpush v17, $0x3;
	_ =	sdelay $0x1  }
0x68: {  	(v2sf) =	vpush v17, $0x4;
	_ =	sdelay $0x5  }
0x69: {  	s12 =	spop (v2sf);
	(v2sf) =	vpush v17, $0x5;
	_ =	sdelay $0x2  }
0x6a: {  	s0 =	sand.u32 $0x1FFFFF80, s12;
	s4 =	spop (v2sf)  }
0x6b: {  	s31 =	simm.s32 $0x8400;
	s0 =	sadd.s32 s2, s0;
	s12 =	spop (v2sf)  }
0x6c: {  	(v2sf) =	vpush v17, $0x6;
	[tilespmem:s31], [sflag:$0x2] =	stream.strided.gather [hbm4b:s0+s14], $0x800, s13, s14, $0x38;
	[tilespmem:$0x18680] =	vst v63  }
0x6d: {  	s0 =	sand.u32 $0x1FFFFF80, s4  }
0x6e: {  	s11 =	simm.s32 $0x8C00;
	s4 =	spop (v2sf);
	(v2sf) =	vpush v17, $0x7;
	s0 =	sadd.s32 s2, s0  }
0x6f: {  	[tilespmem:s11], [sflag:$0x2] =	stream.strided.gather [hbm4b:s0+s14], $0x800, s13, s14, $0x38;
	[tilespmem:$0x18680] =	vst v63  }
0x70: {  	s0 =	sand.u32 $0x1FFFFF80, s12;
	s12 =	spop (v2sf);
	(v2sf) =	vpush v17, $0x8  }
0x71: {  	s31 =	simm.s32 $0x9400;
	s0 =	sadd.s32 s2, s0  }
0x72: {  	[tilespmem:s31], [sflag:$0x2] =	stream.strided.gather [hbm4b:s0+s14], $0x800, s13, s14, $0x38;
	[tilespmem:$0x18680] =	vst v63  }
0x73: {  	s0 =	sand.u32 $0x1FFFFF80, s4  }
0x74: {  	s11 =	simm.s32 $0x9C00;
	s0 =	sadd.s32 s2, s0  }
0x75: {  	[tilespmem:s11], [sflag:$0x2] =	stream.strided.gather [hbm4b:s0+s14], $0x800, s13, s14, $0x38;
	[tilespmem:$0x18680] =	vst v63  }
0x76: {  	s3 =	spop (v2sf);
	(v2sf) =	vpush v17, $0x9  }
0x77: {  	s0 =	sand.u32 $0x1FFFFF80, s12  }
0x78: {  	s31 =	simm.s32 $0xA400;
	s0 =	sadd.s32 s2, s0;
	(v2sf) =	vpush v17, $0xA  }
0x79: {  	[tilespmem:s31], [sflag:$0x2] =	stream.strided.gather [hbm4b:s0+s14], $0x800, s13, s14, $0x38;
	[tilespmem:$0x18680] =	vst v63  }
0x7a: {  	s0 =	sand.u32 $0x1FFFFF80, s3  }
0x7b: {  	s4 =	simm.s32 $0xAC00;
	s0 =	sadd.s32 s2, s0;
	s11 =	spop (v2sf)  }
0x7c: {  	(v2sf) =	vpush v17, $0xB;
	[tilespmem:s4], [sflag:$0x2] =	stream.strided.gather [hbm4b:s0+s14], $0x800, s13, s14, $0x38;
	[tilespmem:$0x18680] =	vst v63  }
0x7d: {  	s12 =	spop (v2sf);
	(v2sf) =	vpush v17, $0xC  }
0x7e: {  	s0 =	sand.u32 $0x1FFFFF80, s11  }
0x7f: {  	s0 =	sadd.s32 s2, s0;
	s31 =	spop (v2sf);
	(v2sf) =	vpush v17, $0xD  }
0x80: {  	[tilespmem:s15], [sflag:$0x2] =	stream.strided.gather [hbm4b:s0+s14], $0x800, s13, s14, $0x38;
	[tilespmem:$0x18680] =	vst v63  }
0x81: {  	s0 =	sand.u32 $0x1FFFFF80, s12  }
0x82: {  	s0 =	sadd.s32 s2, s0  }
0x83: {  	[tilespmem:s16], [sflag:$0x2] =	stream.strided.gather [hbm4b:s0+s14], $0x800, s13, s14, $0x38;
	[tilespmem:$0x18680] =	vst v63  }
0x84: {  	s0 =	sand.u32 $0x1FFFFF80, s31  }
0x85: {  	s0 =	sadd.s32 s2, s0;
	s3 =	spop (v2sf);
	(v2sf) =	vpush v17, $0xE  }
0x86: {  	[tilespmem:s17], [sflag:$0x2] =	stream.strided.gather [hbm4b:s0+s14], $0x800, s13, s14, $0x38;
	[tilespmem:$0x18680] =	vst v63  }
0x87: {  	s4 =	spop (v2sf);
	(v2sf) =	vpush v17, $0xF  }
0x88: {  	s0 =	sand.u32 $0x1FFFFF80, s3  }
0x89: {  	s0 =	sadd.s32 s2, s0  }
0x8a: {  	v18 =	vbroadcast v32, $0x1;
	[tilespmem:s18], [sflag:$0x2] =	stream.strided.gather [hbm4b:s0+s14], $0x800, s13, s14, $0x38;
	[tilespmem:$0x18680] =	vst v63  }
0x8b: {  	v19 =	vbroadcast v32, $0x2;
	v20 =	vbroadcast v32, $0x3;
	s0 =	sand.u32 $0x1FFFFF80, s4;
	s4 =	spop (v2sf)  }
0x8c: {  	v21 =	vbroadcast v32, $0x4;
	v22 =	vbroadcast v32, $0x5;
	s0 =	sadd.s32 s2, s0;
	s11 =	sand.u32 $0x1FFFFF80, s4;
	s12 =	spop (v2sf)  }
0x8d: {  	v23 =	vbroadcast v32, $0x6;
	v24 =	vbroadcast v32, $0x7;
	[tilespmem:s19], [sflag:$0x2] =	stream.strided.gather [hbm4b:s0+s14], $0x800, s13, s14, $0x38;
	[tilespmem:$0x18680] =	vst v63  }
0x8e: {  	v25 =	vbroadcast v32, $0x8;
	v26 =	vbroadcast v32, $0x9;
	s0 =	sadd.s32 s2, s11;
	s31 =	sand.u32 $0x1FFFFF80, s12;
	s3 =	spop (v2sf)  }
0x8f: {  	v27 =	vbroadcast v32, $0xA;
	v28 =	vbroadcast v32, $0xB;
	[tilespmem:s20], [sflag:$0x2] =	stream.strided.gather [hbm4b:s0+s14], $0x800, s13, s14, $0x38;
	[tilespmem:$0x18680] =	vst v63  }
0x90: {  	v29 =	vbroadcast v32, $0xC;
	v30 =	vbroadcast v32, $0xD;
	s4 =	sand.u32 $0x1FFFFF80, s3;
	s0 =	sadd.s32 s2, s31  }
0x91: {  	v31 =	vbroadcast v32, $0xE;
	v33 =	vbroadcast v48, $0x0;
	[tilespmem:s21], [sflag:$0x2] =	stream.strided.gather [hbm4b:s0+s14], $0x800, s13, s14, $0x38;
	[tilespmem:$0x18680] =	vst v63  }
0x92: {  	v34 =	vbroadcast v48, $0x1;
	v35 =	vbroadcast v48, $0x2;
	s0 =	sadd.s32 s2, s4  }
0x93: {  	v36 =	vbroadcast v48, $0x3;
	v37 =	vbroadcast v48, $0x4;
	[tilespmem:s22], [sflag:$0x2] =	stream.strided.gather [hbm4b:s0+s14], $0x800, s13, s14, $0x38;
	[tilespmem:$0x18680] =	vst v63  }
0x94: {  	v38 =	vbroadcast v48, $0x5;
	v39 =	vbroadcast v48, $0x6;
	s11 =	spop (v2sf)  }
0x95: {  	v40 =	vbroadcast v48, $0x7;
	v41 =	vbroadcast v48, $0x8;
	s12 =	sand.u32 $0x1FFFFF80, s11  }
.Ltmp2:
0x96: {  	v42 =	vbroadcast v48, $0x9;
	v43 =	vbroadcast v48, $0xA;
	s31 =	spop (v2sf);
	s0 =	sadd.s32 s2, s12;
	(pc) =	sbr.rel .LBB2_2-.Ltmp2, $4  }
0x97: {  	v44 =	vbroadcast v48, $0xB;
	v45 =	vbroadcast v48, $0xC;
	v16 =	vadd.f32 $0.0e+00, v16;
	[tilespmem:s23], [sflag:$0x2] =	stream.strided.gather [hbm4b:s0+s14], $0x800, s13, s14, $0x38;
	[tilespmem:$0x18680] =	vst v63  }
0x98: {  	s28 =	simm.s32 $0x40;
	v46 =	vbroadcast v48, $0xD;
	v47 =	vbroadcast v48, $0xE;
	s0 =	sand.u32 $0x1FFFFF80, s31  }
0x99: {  	s29 =	simm.s32 $0x0;
	s30 =	simm.s32 $0x0;
	v48 =	vbroadcast v48, $0xF;
	v16 =	vbroadcast v16, $0x0;
	s0 =	sadd.s32 s2, s0  }
0x9a: {  	v17 =	vbroadcast v32, $0x0;
	v32 =	vbroadcast v32, $0xF;
	[tilespmem:s24], [sflag:$0x2] =	stream.strided.gather [hbm4b:s0+s14], $0x800, s13, s14, $0x38;
	[tilespmem:$0x18680] =	vst v63  }
.LBB2_6:
0x9b: {  	v50 =	vld [tilespmem:s31+$0x200];
	_ =	sdelay $0x4  }
0x9c: {  	v50 =	vand.u32 $0x7F, v50  }
0x9d: {  	v49 =	vor.u32 v49, v50  }
0x9e: {  	v50 =	vor.u32 v0, v49;
	_ =	sdelay $0x1  }
0x9f: {  	v51 =	vor.u32 v1, v49;
	_ =	sdelay $0x1  }
0xa0: {  	v52 =	vor.u32 v2, v49  }
0xa1: {  	v50 =	vld.idx.msk [tilespmem:v50+s14+$0x0], $0xffff  }
0xa2: {  	v53 =	vld [tilespmem:s31+$0x18400];
	v54 =	vor.u32 v3, v49  }
0xa3: {  	v51 =	vld.idx.msk [tilespmem:v51+s14+$0x0], $0xffff  }
0xa4: {  	v55 =	vor.u32 v4, v49  }
0xa5: {  	v52 =	vld.idx.msk [tilespmem:v52+s14+$0x0], $0xffff  }
0xa6: {  	v56 =	vor.u32 v5, v49;
	v50 =	vmul.f32 v50, v17  }
0xa7: {  	v54 =	vld.idx.msk [tilespmem:v54+s14+$0x0], $0xffff  }
0xa8: {  	v62 =	vor.u32 v6, v49;
	v51 =	vmul.f32 v51, v18;
	v50 =	vadd.f32 v50, v53  }
0xa9: {  	v55 =	vld.idx.msk [tilespmem:v55+s14+$0x0], $0xffff  }
0xaa: {  	v60 =	vor.u32 v7, v49;
	v63 =	vmul.f32 v52, v19;
	v50 =	vadd.f32 v51, v50  }
0xab: {  	v56 =	vld.idx.msk [tilespmem:v56+s14+$0x0], $0xffff  }
0xac: {  	v61 =	vmul.f32 v54, v20;
	v54 =	vor.u32 v8, v49;
	v50 =	vadd.f32 v63, v50  }
0xad: {  	v53 =	vld.idx.msk [tilespmem:v62+s14+$0x0], $0xffff  }
0xae: {  	v62 =	vmul.f32 v55, v21;
	v63 =	vor.u32 v9, v49;
	v50 =	vadd.f32 v61, v50  }
0xaf: {  	v52 =	vld.idx.msk [tilespmem:v60+s14+$0x0], $0xffff  }
0xb0: {  	v60 =	vmul.f32 v56, v22;
	v61 =	vor.u32 v10, v49;
	v50 =	vadd.f32 v62, v50  }
0xb1: {  	v54 =	vld.idx.msk [tilespmem:v54+s14+$0x0], $0xffff  }
0xb2: {  	v62 =	vmul.f32 v53, v23;
	v53 =	vor.u32 v11, v49;
	v50 =	vadd.f32 v60, v50  }
0xb3: {  	v55 =	vld.idx.msk [tilespmem:v63+s14+$0x0], $0xffff  }
0xb4: {  	v63 =	vmul.f32 v52, v24;
	v60 =	vor.u32 v12, v49;
	v50 =	vadd.f32 v62, v50  }
0xb5: {  	v56 =	vld.idx.msk [tilespmem:v61+s14+$0x0], $0xffff  }
0xb6: {  	v61 =	vmul.f32 v54, v25;
	v62 =	vor.u32 v13, v49;
	v50 =	vadd.f32 v63, v50  }
0xb7: {  	v53 =	vld.idx.msk [tilespmem:v53+s14+$0x0], $0xffff  }
0xb8: {  	v57 =	vor.u32 v14, v49;
	v63 =	vmul.f32 v55, v26;
	v50 =	vadd.f32 v61, v50  }
0xb9: {  	v52 =	vld.idx.msk [tilespmem:v60+s14+$0x0], $0xffff  }
0xba: {  	v49 =	vor.u32 v15, v49;
	v58 =	vmul.f32 v56, v27;
	v50 =	vadd.f32 v63, v50  }
0xbb: {  	v54 =	vld.idx.msk [tilespmem:v62+s14+$0x0], $0xffff  }
0xbc: {  	v59 =	vmul.f32 v53, v28;
	v50 =	vadd.f32 v58, v50  }
0xbd: {  	v60 =	vld.idx.msk [tilespmem:v57+s14+$0x0], $0xffff  }
0xbe: {  	v61 =	vmul.f32 v52, v29;
	v50 =	vadd.f32 v59, v50  }
0xbf: {  	v49 =	vld.idx.msk [tilespmem:v49+s14+$0x0], $0xffff  }
0xc0: {  	v62 =	vmul.f32 v54, v30;
	v50 =	vadd.f32 v61, v50;
	_ =	sdelay $0x1  }
0xc1: {  	v63 =	vmul.f32 v60, v31;
	v50 =	vadd.f32 v62, v50;
	_ =	sdelay $0x1  }
0xc2: {  	v49 =	vmul.f32 v49, v32;
	v50 =	vadd.f32 v63, v50;
	_ =	sdelay $0x1  }
0xc3: {  	v49 =	vadd.f32 v49, v50;
	_ =	sdelay $0x1  }
0xc4: {  	[tilespmem:s31+$0x18400] =	vst v49  }
.LBB2_7:
0xc5: {  	s30 =	sadd.s32 $0x1, s30  }
0xc6: {  	p0 =	sne.s32 s30, $0x40  }
.Ltmp3:
0xc7: {  	_ = 	snop;
	(pc) =	sbr.rel @!p0 .LBB2_8-.Ltmp3, $2  }
0xc8: {  	_ =	sdelay $0x2  }
0xc9: {  	s29 =	sadd.s32 $0x8, s29;
	s28 =	sadd.s32 $0x20, s28  }
.LBB2_2:
0xca: {  	p0 =	sgt.u32 s30, $0x3D  }
.Ltmp4:
0xcb: {  	_ = 	snop;
	(pc) =	sbr.rel @p0 .LBB2_4-.Ltmp4, $1  }
0xcc: {  	_ =	sdelay $0x3  }
0xcd: {  	s0 =	sand.u32 $0x1, s30  }
0xce: {  	s12 =	sand.u32 $0xFC0, s28;
	s4 =	simm.s32 $0x200;
	p0 =	seq.s32 s0, $0x1  }
0xcf: {  	s0 =	sshrl.u32 s12, $0x2;
	s4 =	simm.s32 @!p0 $0x0  }
0xd0: {  	s0 =	sadd.s32 s0, s4  }
0xd1: {  	v49 =	vld [tilespmem:s0+$0x0];
	_ =	sdelay $0x4  }
0xd2: {  	v49 =	vshrl.u32 v49, $0x7  }
0xd3: {  	v49 =	vshll.u32 v49, $0x7  }
0xd4: {  	(v2sf) =	vpush v49, $0x0;
	_ =	sdelay $0x3  }
0xd5: {  	(v2sf) =	vpush v49, $0x1;
	_ =	sdelay $0x2  }
0xd6: {  	s31 =	sadd.s32 $0x2, s30  }
0xd7: {  	s3 =	smul.u32 $0xAB, s31;
	(v2sf) =	vpush v49, $0x2;
	_ =	sdelay $0x1  }
0xd8: {  	s4 =	sshrl.u32 s3, $0x9;
	(v2sf) =	vpush v49, $0x3  }
0xd9: {  	s4 =	sand.u32 $0x7F, s4  }
0xda: {  	s4 =	smul.u32 $0x3, s4;
	_ =	sdelay $0x1  }
0xdb: {  	s0 =	ssub.s32 s31, s4  }
0xdc: {  	s31 =	smov.u32 s1;
	s4 =	sand.u32 $0xFF, s0;
	s3 =	spop (v2sf);
	(v2sf) =	vpush v49, $0x4  }
0xdd: {  	s31 =	smov.u32 @p0 s2;
	s0 =	sshll.u32 s4, $0xF;
	s3 =	sand.u32 $0x1FFFFF80, s3  }
0xde: {  	s4 =	sadd.s32 $0x1, s4;
	s11 =	sor.u32 $0x400, s0;
	s3 =	sadd.s32 s31, s3  }
0xdf: {  	[tilespmem:s11], [sflag:s4] =	stream.strided.gather [hbm4b:s3+s14], $0x800, s13, s14, $0x38;
	[tilespmem:$0x18680] =	vst v63  }
0xe0: {  	s11 =	spop (v2sf);
	(v2sf) =	vpush v49, $0x5;
	_ =	sdelay $0x2  }
0xe1: {  	s3 =	sand.u32 $0x1FFFFF80, s11;
	(v2sf) =	vpush v49, $0x6  }
0xe2: {  	s12 =	sor.u32 $0xC00, s0;
	s11 =	spop (v2sf);
	s3 =	sadd.s32 s31, s3  }
0xe3: {  	[tilespmem:s12], [sflag:s4] =	stream.strided.gather [hbm4b:s3+s14], $0x800, s13, s14, $0x38;
	[tilespmem:$0x18680] =	vst v63  }
0xe4: {  	s3 =	sand.u32 $0x1FFFFF80, s11;
	s11 =	spop (v2sf);
	(v2sf) =	vpush v49, $0x7;
	_ =	sdelay $0x2  }
0xe5: {  	s12 =	sor.u32 $0x1400, s0;
	s3 =	sadd.s32 s31, s3  }
0xe6: {  	[tilespmem:s12], [sflag:s4] =	stream.strided.gather [hbm4b:s3+s14], $0x800, s13, s14, $0x38;
	[tilespmem:$0x18680] =	vst v63  }
0xe7: {  	s3 =	sand.u32 $0x1FFFFF80, s11;
	s11 =	spop (v2sf);
	(v2sf) =	vpush v49, $0x8  }
0xe8: {  	s12 =	sor.u32 $0x1C00, s0;
	s3 =	sadd.s32 s31, s3  }
0xe9: {  	[tilespmem:s12], [sflag:s4] =	stream.strided.gather [hbm4b:s3+s14], $0x800, s13, s14, $0x38;
	[tilespmem:$0x18680] =	vst v63  }
0xea: {  	s3 =	sand.u32 $0x1FFFFF80, s11  }
0xeb: {  	s12 =	sor.u32 $0x2400, s0;
	s3 =	sadd.s32 s31, s3;
	s11 =	spop (v2sf);
	(v2sf) =	vpush v49, $0x9  }
0xec: {  	[tilespmem:s12], [sflag:s4] =	stream.strided.gather [hbm4b:s3+s14], $0x800, s13, s14, $0x38;
	[tilespmem:$0x18680] =	vst v63  }
0xed: {  	s3 =	sand.u32 $0x1FFFFF80, s11  }
0xee: {  	s12 =	sor.u32 $0x2C00, s0;
	s11 =	spop (v2sf);
	s3 =	sadd.s32 s31, s3  }
0xef: {  	(v2sf) =	vpush v49, $0xA;
	[tilespmem:s12], [sflag:s4] =	stream.strided.gather [hbm4b:s3+s14], $0x800, s13, s14, $0x38;
	[tilespmem:$0x18680] =	vst v63  }
0xf0: {  	s3 =	sand.u32 $0x1FFFFF80, s11  }
0xf1: {  	(v2sf) =	vpush v49, $0xB;
	s12 =	sor.u32 $0x3400, s0;
	s11 =	spop (v2sf);
	s3 =	sadd.s32 s31, s3  }
0xf2: {  	[tilespmem:s12], [sflag:s4] =	stream.strided.gather [hbm4b:s3+s14], $0x800, s13, s14, $0x38;
	[tilespmem:$0x18680] =	vst v63  }
0xf3: {  	s3 =	sand.u32 $0x1FFFFF80, s11  }
0xf4: {  	(v2sf) =	vpush v49, $0xC;
	s12 =	sor.u32 $0x3C00, s0;
	s3 =	sadd.s32 s31, s3  }
0xf5: {  	[tilespmem:s12], [sflag:s4] =	stream.strided.gather [hbm4b:s3+s14], $0x800, s13, s14, $0x38;
	[tilespmem:$0x18680] =	vst v63  }
0xf6: {  	s11 =	spop (v2sf)  }
0xf7: {  	s3 =	sand.u32 $0x1FFFFF80, s11  }
0xf8: {  	s12 =	sor.u32 $0x4400, s0;
	s3 =	sadd.s32 s31, s3  }
0xf9: {  	(v2sf) =	vpush v49, $0xD;
	[tilespmem:s12], [sflag:s4] =	stream.strided.gather [hbm4b:s3+s14], $0x800, s13, s14, $0x38;
	[tilespmem:$0x18680] =	vst v63  }
0xfa: {  	s11 =	spop (v2sf)  }
0xfb: {  	(v2sf) =	vpush v49, $0xE;
	s3 =	sand.u32 $0x1FFFFF80, s11  }
0xfc: {  	s12 =	sor.u32 $0x4C00, s0;
	s3 =	sadd.s32 s31, s3  }
0xfd: {  	[tilespmem:s12], [sflag:s4] =	stream.strided.gather [hbm4b:s3+s14], $0x800, s13, s14, $0x38;
	[tilespmem:$0x18680] =	vst v63  }
0xfe: {  	s12 =	spop (v2sf)  }
0xff: {  	s3 =	sand.u32 $0x1FFFFF80, s12  }
0x100: {  	(v2sf) =	vpush v49, $0xF;
	s11 =	spop (v2sf);
	s12 =	sor.u32 $0x5400, s0;
	s3 =	sadd.s32 s31, s3  }
0x101: {  	[tilespmem:s12], [sflag:s4] =	stream.strided.gather [hbm4b:s3+s14], $0x800, s13, s14, $0x38;
	[tilespmem:$0x18680] =	vst v63  }
0x102: {  	s3 =	sand.u32 $0x1FFFFF80, s11  }
0x103: {  	s11 =	spop (v2sf);
	s12 =	sor.u32 $0x5C00, s0;
	s3 =	sadd.s32 s31, s3  }
0x104: {  	[tilespmem:s12], [sflag:s4] =	stream.strided.gather [hbm4b:s3+s14], $0x800, s13, s14, $0x38;
	[tilespmem:$0x18680] =	vst v63  }
0x105: {  	s3 =	sand.u32 $0x1FFFFF80, s11  }
0x106: {  	s12 =	sor.u32 $0x6400, s0;
	s3 =	sadd.s32 s31, s3  }
0x107: {  	[tilespmem:s12], [sflag:s4] =	stream.strided.gather [hbm4b:s3+s14], $0x800, s13, s14, $0x38;
	[tilespmem:$0x18680] =	vst v63  }
0x108: {  	s11 =	spop (v2sf)  }
0x109: {  	s3 =	sand.u32 $0x1FFFFF80, s11  }
0x10a: {  	s12 =	sor.u32 $0x6C00, s0;
	s3 =	sadd.s32 s31, s3;
	s11 =	spop (v2sf)  }
0x10b: {  	[tilespmem:s12], [sflag:s4] =	stream.strided.gather [hbm4b:s3+s14], $0x800, s13, s14, $0x38;
	[tilespmem:$0x18680] =	vst v63  }
0x10c: {  	s11 =	sand.u32 $0x1FFFFF80, s11  }
0x10d: {  	s12 =	sor.u32 $0x7400, s0;
	s3 =	sadd.s32 s31, s11  }
0x10e: {  	[tilespmem:s12], [sflag:s4] =	stream.strided.gather [hbm4b:s3+s14], $0x800, s13, s14, $0x38;
	[tilespmem:$0x18680] =	vst v63  }
0x10f: {  	s12 =	spop (v2sf)  }
0x110: {  	s3 =	sand.u32 $0x1FFFFF80, s12  }
0x111: {  	s0 =	sor.u32 $0x7C00, s0;
	s3 =	sadd.s32 s31, s3  }
0x112: {  	[tilespmem:s0], [sflag:s4] =	stream.strided.gather [hbm4b:s3+s14], $0x800, s13, s14, $0x38;
	[tilespmem:$0x18680] =	vst v63  }
.LBB2_4:
0x113: {  	s0 =	smul.u32 $0xAB, s30;
	_ =	sdelay $0x1  }
0x114: {  	s0 =	sshrl.u32 s0, $0x9  }
0x115: {  	s0 =	sand.u32 $0x7F, s0  }
0x116: {  	s0 =	smul.u32 $0x3, s0;
	_ =	sdelay $0x1  }
0x117: {  	s0 =	ssub.s32 s30, s0  }
0x118: {  	s0 =	sand.u32 $0xFF, s0  }
0x119: {  	s3 =	sadd.s32 $0x1, s0  }
0x11a: {  	_ =	swait.ge [sflag:s3], $0x800  }
0x11b: {  	[sflag:s3] =	ssyncset.done $0x0  }
0x11c: {  	[sflag:s3] =	ssyncadd.s32 $0xFFFFF800  }
0x11d: {  	_ =	swait.ge [sflag:s3], $0x800  }
0x11e: {  	[sflag:s3] =	ssyncset.done $0x0  }
0x11f: {  	[sflag:s3] =	ssyncadd.s32 $0xFFFFF800  }
0x120: {  	_ =	swait.ge [sflag:s3], $0x800  }
0x121: {  	[sflag:s3] =	ssyncset.done $0x0  }
0x122: {  	[sflag:s3] =	ssyncadd.s32 $0xFFFFF800  }
0x123: {  	_ =	swait.ge [sflag:s3], $0x800  }
0x124: {  	[sflag:s3] =	ssyncset.done $0x0  }
0x125: {  	[sflag:s3] =	ssyncadd.s32 $0xFFFFF800  }
0x126: {  	_ =	swait.ge [sflag:s3], $0x800  }
0x127: {  	[sflag:s3] =	ssyncset.done $0x0  }
0x128: {  	[sflag:s3] =	ssyncadd.s32 $0xFFFFF800  }
0x129: {  	_ =	swait.ge [sflag:s3], $0x800  }
0x12a: {  	[sflag:s3] =	ssyncset.done $0x0  }
0x12b: {  	[sflag:s3] =	ssyncadd.s32 $0xFFFFF800  }
0x12c: {  	_ =	swait.ge [sflag:s3], $0x800  }
0x12d: {  	[sflag:s3] =	ssyncset.done $0x0  }
0x12e: {  	[sflag:s3] =	ssyncadd.s32 $0xFFFFF800  }
0x12f: {  	_ =	swait.ge [sflag:s3], $0x800  }
0x130: {  	[sflag:s3] =	ssyncset.done $0x0  }
0x131: {  	[sflag:s3] =	ssyncadd.s32 $0xFFFFF800  }
0x132: {  	_ =	swait.ge [sflag:s3], $0x800  }
0x133: {  	[sflag:s3] =	ssyncset.done $0x0  }
0x134: {  	[sflag:s3] =	ssyncadd.s32 $0xFFFFF800  }
0x135: {  	_ =	swait.ge [sflag:s3], $0x800  }
0x136: {  	[sflag:s3] =	ssyncset.done $0x0  }
0x137: {  	[sflag:s3] =	ssyncadd.s32 $0xFFFFF800  }
0x138: {  	_ =	swait.ge [sflag:s3], $0x800  }
0x139: {  	[sflag:s3] =	ssyncset.done $0x0  }
0x13a: {  	[sflag:s3] =	ssyncadd.s32 $0xFFFFF800  }
0x13b: {  	_ =	swait.ge [sflag:s3], $0x800  }
0x13c: {  	[sflag:s3] =	ssyncset.done $0x0  }
0x13d: {  	[sflag:s3] =	ssyncadd.s32 $0xFFFFF800  }
0x13e: {  	_ =	swait.ge [sflag:s3], $0x800  }
0x13f: {  	[sflag:s3] =	ssyncset.done $0x0  }
0x140: {  	[sflag:s3] =	ssyncadd.s32 $0xFFFFF800  }
0x141: {  	_ =	swait.ge [sflag:s3], $0x800  }
0x142: {  	[sflag:s3] =	ssyncset.done $0x0  }
0x143: {  	s4 =	sand.u32 $0x1, s30;
	[sflag:s3] =	ssyncadd.s32 $0xFFFFF800  }
0x144: {  	p0 =	seq.s32 s4, $0x1;
	_ =	swait.ge [sflag:s3], $0x800  }
.Ltmp5:
0x145: {  	[sflag:s3] =	ssyncset.done $0x0;
	(pc) =	sbr.rel @p0 .LBB2_6-.Ltmp5, $4  }
0x146: {  	[sflag:s3] =	ssyncadd.s32 $0xFFFFF800  }
0x147: {  	_ =	swait.ge [sflag:s3], $0x800  }
0x148: {  	v49 =	vmov s0;
	[sflag:s3] =	ssyncset.done $0x0  }
0x149: {  	s31 =	sand.u32 $0x7FFFFFF0, s29;
	v49 =	vshll.u32 v49, $0xF;
	[sflag:s3] =	ssyncadd.s32 $0xFFFFF800  }
0x14a: {  	v50 =	vld [tilespmem:s31+$0x0];
	_ =	sdelay $0x4  }
0x14b: {  	v50 =	vand.u32 $0x7F, v50  }
0x14c: {  	v49 =	vor.u32 v49, v50  }
0x14d: {  	v50 =	vor.u32 v0, v49;
	_ =	sdelay $0x1  }
0x14e: {  	v51 =	vor.u32 v1, v49;
	_ =	sdelay $0x1  }
0x14f: {  	v52 =	vor.u32 v2, v49  }
0x150: {  	v50 =	vld.idx.msk [tilespmem:v50+s14+$0x0], $0xffff  }
0x151: {  	v53 =	vor.u32 v3, v49  }
0x152: {  	v51 =	vld.idx.msk [tilespmem:v51+s14+$0x0], $0xffff  }
0x153: {  	v54 =	vor.u32 v4, v49  }
0x154: {  	v52 =	vld.idx.msk [tilespmem:v52+s14+$0x0], $0xffff  }
0x155: {  	v55 =	vor.u32 v5, v49;
	v50 =	vmul.f32 v50, v33  }
0x156: {  	v53 =	vld.idx.msk [tilespmem:v53+s14+$0x0], $0xffff  }
0x157: {  	v56 =	vor.u32 v6, v49;
	v51 =	vmul.f32 v51, v34;
	v50 =	vadd.f32 v50, v16  }
0x158: {  	v54 =	vld.idx.msk [tilespmem:v54+s14+$0x0], $0xffff  }
0x159: {  	v61 =	vor.u32 v7, v49;
	v60 =	vmul.f32 v52, v35;
	v50 =	vadd.f32 v51, v50  }
0x15a: {  	v55 =	vld.idx.msk [tilespmem:v55+s14+$0x0], $0xffff  }
0x15b: {  	v63 =	vor.u32 v8, v49;
	v62 =	vmul.f32 v53, v36;
	v50 =	vadd.f32 v60, v50  }
0x15c: {  	v56 =	vld.idx.msk [tilespmem:v56+s14+$0x0], $0xffff  }
0x15d: {  	v59 =	vmul.f32 v54, v37;
	v60 =	vor.u32 v9, v49;
	v50 =	vadd.f32 v62, v50  }
0x15e: {  	v52 =	vld.idx.msk [tilespmem:v61+s14+$0x0], $0xffff  }
0x15f: {  	v61 =	vmul.f32 v55, v38;
	v62 =	vor.u32 v10, v49;
	v50 =	vadd.f32 v59, v50  }
0x160: {  	v53 =	vld.idx.msk [tilespmem:v63+s14+$0x0], $0xffff  }
0x161: {  	v63 =	vmul.f32 v56, v39;
	v56 =	vor.u32 v11, v49;
	v50 =	vadd.f32 v61, v50  }
0x162: {  	v54 =	vld.idx.msk [tilespmem:v60+s14+$0x0], $0xffff  }
0x163: {  	v60 =	vmul.f32 v52, v40;
	v61 =	vor.u32 v12, v49;
	v50 =	vadd.f32 v63, v50  }
0x164: {  	v55 =	vld.idx.msk [tilespmem:v62+s14+$0x0], $0xffff  }
0x165: {  	v62 =	vmul.f32 v53, v41;
	v63 =	vor.u32 v13, v49;
	v50 =	vadd.f32 v60, v50  }
0x166: {  	v56 =	vld.idx.msk [tilespmem:v56+s14+$0x0], $0xffff  }
0x167: {  	v58 =	vor.u32 v14, v49;
	v57 =	vmul.f32 v54, v42;
	v50 =	vadd.f32 v62, v50  }
0x168: {  	v52 =	vld.idx.msk [tilespmem:v61+s14+$0x0], $0xffff  }
0x169: {  	v49 =	vor.u32 v15, v49;
	v59 =	vmul.f32 v55, v43;
	v50 =	vadd.f32 v57, v50  }
0x16a: {  	v53 =	vld.idx.msk [tilespmem:v63+s14+$0x0], $0xffff  }
0x16b: {  	v60 =	vmul.f32 v56, v44;
	v50 =	vadd.f32 v59, v50  }
0x16c: {  	v54 =	vld.idx.msk [tilespmem:v58+s14+$0x0], $0xffff  }
0x16d: {  	v61 =	vmul.f32 v52, v45;
	v50 =	vadd.f32 v60, v50  }
0x16e: {  	v49 =	vld.idx.msk [tilespmem:v49+s14+$0x0], $0xffff  }
0x16f: {  	v62 =	vmul.f32 v53, v46;
	v50 =	vadd.f32 v61, v50;
	_ =	sdelay $0x1  }
0x170: {  	v63 =	vmul.f32 v54, v47;
	v50 =	vadd.f32 v62, v50;
	_ =	sdelay $0x1  }
.Ltmp6:
0x171: {  	v49 =	vmul.f32 v49, v48;
	v50 =	vadd.f32 v63, v50;
	(pc) =	sbr.rel .LBB2_7-.Ltmp6, $3  }
0x172: {  	_ = 	snop  }
0x173: {  	v49 =	vadd.f32 v49, v50;
	_ =	sdelay $0x1  }
0x174: {  	[tilespmem:s31+$0x18400] =	vst v49  }
.LBB2_9:
0x175: {  	_ =	sfence.sel $0x180000  }
0x176: {  	[bflag:$0x0] =	sbarrier.arrive $0xFFFF  }
0x177: {  	_ =	strace $0x90000047  }
0x178: {  	s0 =	stileid.u32;
	[bflag:$0x2] =	sbarrier.arrive $0xFFFF  }
0x179: {  	p0 =	sne.s32 s0, $0x0;
	s0 =	rddreg [dreg:$0x6]  }
0x17a: {  	s0 =	sadd.s32 @!p0 $0x100000, s0  }
0x17b: {  	[sflag:s0] =	ssyncadd.tile.s32 @!p0 $0x1;
	_ =	shalt  }
.Lfunc_end2:
_tile_overlayer_lowered:
.L_overlay_start_2:
0x17c: {  	(tag) =	ssettag $0x2  }
0x17d: {  	s0 =	rddreg [dreg:$0x0];
	s2 =	stileid.u32  }
0x17e: {  	s1 =	rddreg [dreg:$0x1];
	p0 =	sne.s32 s2, $0x0  }
0x17f: {  	s3 =	rddreg [dreg:$0x2];
	[bflag:$0x3] =	sbarrier.arrive $0xFFFF;
	s2 =	simm.s32 @!p0 $0x1C04  }
0x180: {  	[timem:s3], [sflag:s2] =	dma.local @!p0 [hbm:s0], s1  }
0x181: {  	s0 =	simm.s32 @!p0 $0x4  }
0x182: {  	_ =	swait.ge @!p0 [sflag:s0], s1  }
0x183: {  	s1 =	ssub.s32 @!p0 $0x0, s1;
	[sflag:s0] =	ssyncset.done @!p0 $0x0  }
0x184: {  	[sflag:s0] =	ssyncadd.s32 @!p0 s1  }
0x185: {  	[bflag:$0x3] =	sbarrier.arrive $0xFFFF  }
0x186: {  	_ =	shalt  }

</sc_bundles>
